<compile_context>
chip_gen: v7x
topology: tpu7x:2x2x1
jax: 0.10.2.dev20260603
libtpu: 0.0.44.dev20260713+nightly
codegen_flags: <defaults>
</compile_context>

<pallas_src>
import functools

import jax
import jax.numpy as jnp
from jax import lax
from jax.experimental import pallas as pl
from jax.experimental.pallas import tpu as pltpu
from jax.experimental.pallas import tpu_sc as plsc

B = 16
N = 1024
G = 512
QROWS = 128
QCELLS = QROWS * G
CHUNK_ROWS = 16
CHUNK_WORDS = CHUNK_ROWS * G * 3
NCHUNKS = QROWS // CHUNK_ROWS
CSTR = 8
INV_G = 1.0 / G
CORR = 0.633

_mesh = plsc.VectorSubcoreMesh(
    core_axis_name="c", subcore_axis_name="s", num_cores=2, num_subcores=16)


@functools.partial(
    pl.kernel,
    out_type=jax.ShapeDtypeStruct((B * 3 * G * G,), jnp.float32),
    mesh=_mesh,
    scratch_types=[
        pltpu.VMEM((2 * N,), jnp.float32),
        pltpu.VMEM((N,), jnp.float32),
        pltpu.VMEM((N,), jnp.float32),
        pltpu.VMEM((N * CSTR + 16,), jnp.int32),
        pltpu.VMEM((QCELLS,), jnp.int32),
        pltpu.VMEM((CHUNK_ROWS * G,), jnp.float32),
        pltpu.VMEM((CHUNK_ROWS * G,), jnp.float32),
        pltpu.VMEM((CHUNK_ROWS * G,), jnp.float32),
        pltpu.VMEM((CHUNK_ROWS * G,), jnp.float32),
        pltpu.VMEM((CHUNK_ROWS * G,), jnp.float32),
        pltpu.VMEM((CHUNK_ROWS * G,), jnp.float32),
        pltpu.VMEM((G,), jnp.float32),
        pltpu.SemaphoreType.DMA,
        pltpu.SemaphoreType.DMA,
    ],
    compiler_params=pltpu.CompilerParams(needs_layout_passes=False),
)
def _sc_kernel(batch_ref, out_ref, loc_v, xs, ys, cells, P,
               c0a, c1a, c2a, c0b, c1b, c2b, colb, sem0, sem1):
    wid = lax.axis_index("s") * 2 + lax.axis_index("c")
    b = wid // 2
    half = wid % 2
    iota = lax.iota(jnp.int32, 16)
    z16 = jnp.zeros((16,), jnp.float32)
    c16 = jnp.full((16,), CORR, jnp.float32)
    neg1 = jnp.full((16,), -1, jnp.int32)
    lane_lt4 = iota < 4

    pltpu.sync_copy(batch_ref.at[pl.ds(b * 2 * N, 2 * N)], loc_v)

    def build(i, _):
        base = i * 16
        ev = plsc.load_gather(loc_v, [iota * 2 + base * 2])
        ov = plsc.load_gather(loc_v, [iota * 2 + base * 2 + 1])
        xs[pl.ds(base, 16)] = ev
        ys[pl.ds(base, 16)] = ov
        ix = (ev * G).astype(jnp.int32)
        iy = (ov * G).astype(jnp.int32)
        ixm = (ix - 1) & (G - 1)
        iym = (iy - 1) & (G - 1)
        pos = (iota + base) * CSTR
        plsc.store_scatter(cells, [pos], ixm * G + iym)
        plsc.store_scatter(cells, [pos + 1], ixm * G + iy)
        plsc.store_scatter(cells, [pos + 2], ix * G + iym)
        plsc.store_scatter(cells, [pos + 3], ix * G + iy)
        return _
    lax.fori_loop(0, N // 16, build, None)

    def cb(i, _):
        colb[pl.ds(i * 16, 16)] = (iota + i * 16).astype(jnp.float32) * INV_G
        return _
    lax.fori_loop(0, G // 16, cb, None)

    planes = ((c0a, c1a, c2a), (c0b, c1b, c2b))
    sems = (sem0, sem1)
    pending = {0: [], 1: []}

    for t in range(2):
        q = half * 2 + t
        qlo = q * QCELLS

        def ms(i, _):
            for u in range(8):
                P[pl.ds(i * 128 + u * 16, 16)] = neg1
            return _
        lax.fori_loop(0, QCELLS // 128, ms, None)

        def kstep(i, _):
            for u in range(2):
                k = i * 2 + u
                cv = cells[pl.ds(k * CSTR, 16)]
                local = cv - qlo
                m = lane_lt4 & (local >= 0) & (local < QCELLS)
                safe = jnp.where(m, local, 0)
                plsc.store_scatter(
                    P, [safe], jnp.full((16,), k, jnp.int32), mask=m)
            return _
        lax.fori_loop(0, N // 2, kstep, None)

        for ch in range(NCHUNKS):
            row0 = q * QROWS + ch * CHUNK_ROWS
            pp = ch & 1
            for h in pending[pp]:
                h.wait()
            pending[pp] = []
            c0, c1, c2 = planes[pp]

            @plsc.parallel_loop(0, CHUNK_ROWS * G, step=16, unroll=4)
            def dense(i, c0=c0, c1=c1, c2=c2, ch=ch, row0=row0):
                p = P[pl.ds(ch * CHUNK_ROWS * G + i, 16)]
                m = p >= 0
                pc = jnp.where(m, p, 0)
                gx = plsc.load_gather(xs, [pc])
                gy = plsc.load_gather(ys, [pc])
                cbv = colb[pl.ds(i & (G - 1), 16)]
                rowv = jnp.full(
                    (16,), (row0 + (i >> 9)).astype(jnp.float32) * INV_G)
                sl = pl.ds(i, 16)
                c0[sl] = jnp.where(m, z16, c16)
                c1[sl] = jnp.where(m, gx, cbv)
                c2[sl] = jnp.where(m, gy, rowv)

            for c, buf in ((0, c0), (1, c1), (2, c2)):
                off = ((b * 3 + c) * G + row0) * G
                pltpu.sync_copy(buf, out_ref.at[pl.ds(off, CHUNK_ROWS * G)])

    for pp in (0, 1):
        for h in pending[pp]:
            h.wait()


def kernel(batch):
    out = _sc_kernel(batch.reshape(B * N * 2))
    return jnp.transpose(out.reshape(B, 3, G, G), (0, 2, 3, 1))

# --- scband reference (transcript-rebuilt; emitter-appended) ---
"""Pipeline reference for scband-continuous-location-map-xx-62139586839055 (READ-ONLY COPY).

The authoritative reference and input builder live on the scoring server;
editing this copy changes nothing except your own understanding.
"""

import jax, jax.numpy as jnp
import numpy as np

MIN_LOC = np.array([0.0, 0.0], dtype=np.float32)
MAX_LOC = np.array([1.0, 1.0], dtype=np.float32)
BINS = np.array([512, 512], dtype=np.int32)
WINDOW = [2, 2]
LOC_DELTA = (MAX_LOC - MIN_LOC) / BINS.astype(np.float32)
# NB: original code uses window[0] for BOTH loop axes (kept faithful)
OFFS = np.array([[x, y] for x in range(int(-WINDOW[0] / 2), int(WINDOW[0] / 2))
                 for y in range(int(-WINDOW[0] / 2), int(WINDOW[0] / 2))], dtype=np.int32)


def _loc_map_base():
    grids = np.meshgrid(*[np.arange(mn, mx, d) for mn, mx, d in zip(MIN_LOC, MAX_LOC, LOC_DELTA)])
    m = np.asarray(grids, dtype=np.float32)          # [2, 512, 512]
    m = m.reshape(*m.shape, 1)                       # [2, 512, 512, 1]
    m = np.transpose(m, (3, 1, 2, 0))                # [1, 512, 512, 2]
    return jnp.asarray(m)


LOC_BASE = _loc_map_base()
CORR_BASE = jnp.full((1, int(BINS[0]), int(BINS[1]), 1), 0.633, dtype=jnp.float32)
LOC_DELTA_J = jnp.asarray(LOC_DELTA)
OFFS_J = jnp.asarray(OFFS)


def _map_from_list(loc_list):
    def step(carry, loc):
        loc_repr, corr_repr = carry
        index = (loc / LOC_DELTA_J).astype(jnp.int32)      # [2], trunc like tf.cast
        cells = index[None, :] + OFFS_J                    # [K, 2]
        ix = cells[:, 0]
        iy = cells[:, 1]
        loc_repr = loc_repr.at[0, ix, iy, 0].set(loc[0])
        loc_repr = loc_repr.at[0, ix, iy, 1].set(loc[1])
        corr_repr = corr_repr.at[0, ix, iy, 0].set(0.0)
        return (loc_repr, corr_repr), None

    (loc_repr, corr_repr), _ = jax.lax.scan(step, (LOC_BASE, CORR_BASE), loc_list)
    return jnp.concatenate([corr_repr, loc_repr], axis=-1)  # [1, 512, 512, 3]


def setup_inputs(seed: int = 0) -> dict:
    key = jax.random.key(seed)
    batch = jax.random.uniform(key, (16, 1024, 2), dtype=jnp.float32)  # in [0,1) -> valid bins
    return {"batch": batch}


def reference(batch):
    outs = [_map_from_list(batch[i]) for i in range(batch.shape[0])]
    return jnp.concatenate(outs, axis=0)  # [16, 512, 512, 3]

if __name__ == "__main__":
    import jax
    _d = setup_inputs()
    print(jax.jit(kernel)(*tuple(_d.values())))

</pallas_src>

<mosaic_0001>
#map = affine_map<(d0, d1) -> (0)>
module attributes {stable_mosaic.version = 14 : i64} {
  func.func @_sc_kernel(%arg0: i32, %arg1: i32, %arg2: memref<32768xf32, #tpu.memory_space<hbm>>, %arg3: memref<12582912xf32, #tpu.memory_space<hbm>>, %arg4: memref<2048xf32, #tpu.memory_space<vmem>>, %arg5: memref<1024xf32, #tpu.memory_space<vmem>>, %arg6: memref<1024xf32, #tpu.memory_space<vmem>>, %arg7: memref<8208xi32, #tpu.memory_space<vmem>>, %arg8: memref<65536xi32, #tpu.memory_space<vmem>>, %arg9: memref<8192xf32, #tpu.memory_space<vmem>>, %arg10: memref<8192xf32, #tpu.memory_space<vmem>>, %arg11: memref<8192xf32, #tpu.memory_space<vmem>>, %arg12: memref<8192xf32, #tpu.memory_space<vmem>>, %arg13: memref<8192xf32, #tpu.memory_space<vmem>>, %arg14: memref<8192xf32, #tpu.memory_space<vmem>>, %arg15: memref<512xf32, #tpu.memory_space<vmem>>, %arg16: memref<!tpu.dma_semaphore, #tpu.memory_space<semaphore_mem>>, %arg17: memref<!tpu.dma_semaphore, #tpu.memory_space<semaphore_mem>>) attributes {dimension_semantics = [#tpu.dimension_semantics<core_parallel>, #tpu.dimension_semantics<subcore_parallel>], iteration_bounds = array<i64: 2, 16>, scalar_prefetch = 0 : i64, scratch_operands = 14 : i64, tpu.core_type = #tpu.core_type<sc_vector_subcore>, window_params = [{transform_indices = #map}, {transform_indices = #map}]} {
    %mul3A = arith.constant 2 : i32
    %mul3A_0 = arith.muli %arg1, %mul3A : i32
    %add3A = arith.addi %mul3A_0, %arg0 : i32
    %jit3A = arith.constant 2 : i32
    %div3A = arith.divsi %add3A, %jit3A : i32
    %sign3A = arith.constant 0 : i32
    %sign3A_1 = arith.cmpi sgt, %add3A, %sign3A : i32
    %sign3A_2 = arith.extui %sign3A_1 : i1 to i32
    %sign3A_3 = arith.constant 0 : i32
    %sign3A_4 = arith.cmpi slt, %add3A, %sign3A_3 : i32
    %sign3A_5 = arith.extui %sign3A_4 : i1 to i32
    %sign3A_6 = arith.subi %sign3A_2, %sign3A_5 : i32
    %sign3A_7 = arith.constant 0 : i32
    %sign3A_8 = arith.cmpi sgt, %jit3A, %sign3A_7 : i32
    %sign3A_9 = arith.extui %sign3A_8 : i1 to i32
    %sign3A_10 = arith.constant 0 : i32
    %sign3A_11 = arith.cmpi slt, %jit3A, %sign3A_10 : i32
    %sign3A_12 = arith.extui %sign3A_11 : i1 to i32
    %sign3A_13 = arith.subi %sign3A_9, %sign3A_12 : i32
    %ne3A = arith.cmpi ne, %sign3A_6, %sign3A_13 : i32
    %rem3A = arith.remsi %add3A, %jit3A : i32
    %ne3A_14 = arith.constant 0 : i32
    %ne3A_15 = arith.cmpi ne, %rem3A, %ne3A_14 : i32
    %and3A = arith.andi %ne3A, %ne3A_15 : i1
    %sub3A = arith.constant 1 : i32
    %sub3A_16 = arith.subi %div3A, %sub3A : i32
    %select_n3A = arith.select %and3A, %sub3A_16, %div3A : i32
    %jit3A_17 = arith.constant 2 : i32
    %eq3A = arith.constant 0 : i32
    %eq3A_18 = arith.cmpi eq, %jit3A_17, %eq3A : i32
    %jit3A_19 = arith.constant 1 : i32
    %select_n3A_20 = arith.select %eq3A_18, %jit3A_19, %jit3A_17 : i32
    %rem3A_21 = arith.remsi %add3A, %select_n3A_20 : i32
    %ne3A_22 = arith.constant 0 : i32
    %ne3A_23 = arith.cmpi ne, %rem3A_21, %ne3A_22 : i32
    %lt3A = arith.constant 0 : i32
    %lt3A_24 = arith.cmpi slt, %rem3A_21, %lt3A : i32
    %lt3A_25 = arith.constant 0 : i32
    %lt3A_26 = arith.cmpi slt, %select_n3A_20, %lt3A_25 : i32
    %ne3A_27 = arith.xori %lt3A_24, %lt3A_26 : i1
    %and3A_28 = arith.andi %ne3A_27, %ne3A_23 : i1
    %add3A_29 = arith.addi %rem3A_21, %select_n3A_20 : i32
    %select_n3A_30 = arith.select %and3A_28, %add3A_29, %rem3A_21 : i32
    %iota3A = tpu.iota {dimensions = array<i32: 0>} : vector<16xi32>
    %broadcast_in_dim3A = arith.constant 0.000000e+00 : f32
    %broadcast_in_dim3A_31 = vector.broadcast %broadcast_in_dim3A : f32 to vector<16xf32>
    %broadcast_in_dim3A_32 = arith.constant 6.330000e-01 : f32
    %broadcast_in_dim3A_33 = vector.broadcast %broadcast_in_dim3A_32 : f32 to vector<16xf32>
    %broadcast_in_dim3A_34 = arith.constant -1 : i32
    %broadcast_in_dim3A_35 = vector.broadcast %broadcast_in_dim3A_34 : i32 to vector<16xi32>
    %lt3A_36 = arith.constant 4 : i32
    %lt3A_37 = vector.broadcast %lt3A_36 : i32 to vector<16xi32>
    %lt3A_38 = arith.cmpi slt, %iota3A, %lt3A_37 : vector<16xi32>
    %mul3A_39 = arith.constant 2 : i32
    %mul3A_40 = arith.muli %select_n3A, %mul3A_39 : i32
    %mul3A_41 = arith.constant 1024 : i32
    %mul3A_42 = arith.muli %mul3A_40, %mul3A_41 : i32
    "tpu.region"() ({
      %run_scoped3A = tpu.sem_alloc : memref<!tpu.dma_semaphore, #tpu.memory_space<semaphore_mem>>
      %dma_start3A = tpu.memref_slice %arg2[%mul3A_42] : memref<32768xf32, #tpu.memory_space<hbm>> -> memref<2048xf32, #tpu.memory_space<hbm>>
      %dma_start3A_627 = tpu.memref_slice %arg2[%mul3A_42] : memref<32768xf32, #tpu.memory_space<hbm>> -> memref<2048xf32, #tpu.memory_space<hbm>>
      tpu.enqueue_dma source(%dma_start3A_627 : memref<2048xf32, #tpu.memory_space<hbm>>) target(%arg4 : memref<2048xf32, #tpu.memory_space<vmem>>) target_semaphore(%run_scoped3A : memref<!tpu.dma_semaphore, #tpu.memory_space<semaphore_mem>>)
      %dma_wait3A = tpu.memref_slice %arg2[%mul3A_42] : memref<32768xf32, #tpu.memory_space<hbm>> -> memref<2048xf32, #tpu.memory_space<hbm>>
      %dma_wait3A_628 = tpu.memref_slice %arg2[%mul3A_42] : memref<32768xf32, #tpu.memory_space<hbm>> -> memref<2048xf32, #tpu.memory_space<hbm>>
      tpu.wait_dma2 semaphore(%run_scoped3A : memref<!tpu.dma_semaphore, #tpu.memory_space<semaphore_mem>>) src(%dma_wait3A_628 : memref<2048xf32, #tpu.memory_space<hbm>>) dst(%arg4 : memref<2048xf32, #tpu.memory_space<vmem>>)
      tpu.yield
    }) : () -> ()
    %scan3A = arith.constant 0 : i32
    %scan3A_43 = arith.constant 64 : i32
    %scan3A_44 = arith.addi %scan3A, %scan3A_43 : i32
    %scan3A_45 = arith.constant 1 : i32
    scf.for %scan3A_627 = %scan3A to %scan3A_44 step %scan3A_45  : i32 {
      %mul3A_628 = arith.constant 16 : i32
      %mul3A_629 = arith.muli %scan3A_627, %mul3A_628 : i32
      %mul3A_630 = arith.constant 2 : i32
      %mul3A_631 = vector.broadcast %mul3A_630 : i32 to vector<16xi32>
      %mul3A_632 = arith.muli %iota3A, %mul3A_631 : vector<16xi32>
      %mul3A_633 = arith.constant 2 : i32
      %mul3A_634 = arith.muli %mul3A_629, %mul3A_633 : i32
      %add3A_635 = vector.broadcast %mul3A_634 : i32 to vector<16xi32>
      %add3A_636 = arith.addi %mul3A_632, %add3A_635 : vector<16xi32>
      %gather3A = tpu.vector_load_idx %arg4[%add3A_636] : memref<2048xf32, #tpu.memory_space<vmem>>[vector<16xi32>], vector<16xf32>,
      %mul3A_637 = arith.constant 2 : i32
      %mul3A_638 = vector.broadcast %mul3A_637 : i32 to vector<16xi32>
      %mul3A_639 = arith.muli %iota3A, %mul3A_638 : vector<16xi32>
      %mul3A_640 = arith.constant 2 : i32
      %mul3A_641 = arith.muli %mul3A_629, %mul3A_640 : i32
      %add3A_642 = vector.broadcast %mul3A_641 : i32 to vector<16xi32>
      %add3A_643 = arith.addi %mul3A_639, %add3A_642 : vector<16xi32>
      %add3A_644 = arith.constant 1 : i32
      %add3A_645 = vector.broadcast %add3A_644 : i32 to vector<16xi32>
      %add3A_646 = arith.addi %add3A_643, %add3A_645 : vector<16xi32>
      %gather3A_647 = tpu.vector_load_idx %arg4[%add3A_646] : memref<2048xf32, #tpu.memory_space<vmem>>[vector<16xi32>], vector<16xf32>,
      %swap3A = arith.index_cast %mul3A_629 : i32 to index
      %swap3A_648 = tpu.vector_load %arg5[%swap3A] {strides = array<i32>} : memref<1024xf32, #tpu.memory_space<vmem>>, vector<16xf32>,
      tpu.vector_store %arg5[%swap3A], %gather3A {strides = array<i32>} : memref<1024xf32, #tpu.memory_space<vmem>>, vector<16xf32>,
      %swap3A_649 = arith.index_cast %mul3A_629 : i32 to index
      %swap3A_650 = tpu.vector_load %arg6[%swap3A_649] {strides = array<i32>} : memref<1024xf32, #tpu.memory_space<vmem>>, vector<16xf32>,
      tpu.vector_store %arg6[%swap3A_649], %gather3A_647 {strides = array<i32>} : memref<1024xf32, #tpu.memory_space<vmem>>, vector<16xf32>,
      %mul3A_651 = arith.constant 5.120000e+02 : f32
      %mul3A_652 = vector.broadcast %mul3A_651 : f32 to vector<16xf32>
      %mul3A_653 = arith.mulf %gather3A, %mul3A_652 : vector<16xf32>
      %convert_element_type3A = arith.fptosi %mul3A_653 : vector<16xf32> to vector<16xi32>
      %mul3A_654 = arith.constant 5.120000e+02 : f32
      %mul3A_655 = vector.broadcast %mul3A_654 : f32 to vector<16xf32>
      %mul3A_656 = arith.mulf %gather3A_647, %mul3A_655 : vector<16xf32>
      %convert_element_type3A_657 = arith.fptosi %mul3A_656 : vector<16xf32> to vector<16xi32>
      %sub3A_658 = arith.constant 1 : i32
      %sub3A_659 = vector.broadcast %sub3A_658 : i32 to vector<16xi32>
      %sub3A_660 = arith.subi %convert_element_type3A, %sub3A_659 : vector<16xi32>
      %and3A_661 = arith.constant 511 : i32
      %and3A_662 = vector.broadcast %and3A_661 : i32 to vector<16xi32>
      %and3A_663 = arith.andi %sub3A_660, %and3A_662 : vector<16xi32>
      %sub3A_664 = arith.constant 1 : i32
      %sub3A_665 = vector.broadcast %sub3A_664 : i32 to vector<16xi32>
      %sub3A_666 = arith.subi %convert_element_type3A_657, %sub3A_665 : vector<16xi32>
      %and3A_667 = arith.constant 511 : i32
      %and3A_668 = vector.broadcast %and3A_667 : i32 to vector<16xi32>
      %and3A_669 = arith.andi %sub3A_666, %and3A_668 : vector<16xi32>
      %add3A_670 = vector.broadcast %mul3A_629 : i32 to vector<16xi32>
      %add3A_671 = arith.addi %iota3A, %add3A_670 : vector<16xi32>
      %mul3A_672 = arith.constant 8 : i32
      %mul3A_673 = vector.broadcast %mul3A_672 : i32 to vector<16xi32>
      %mul3A_674 = arith.muli %add3A_671, %mul3A_673 : vector<16xi32>
      %mul3A_675 = arith.constant 512 : i32
      %mul3A_676 = vector.broadcast %mul3A_675 : i32 to vector<16xi32>
      %mul3A_677 = arith.muli %and3A_663, %mul3A_676 : vector<16xi32>
      %add3A_678 = arith.addi %mul3A_677, %and3A_669 : vector<16xi32>
      tpu.vector_store_idx %arg7[%mul3A_674], %add3A_678 : memref<8208xi32, #tpu.memory_space<vmem>>[vector<16xi32>], vector<16xi32>,
      %add3A_679 = arith.constant 1 : i32
      %add3A_680 = vector.broadcast %add3A_679 : i32 to vector<16xi32>
      %add3A_681 = arith.addi %mul3A_674, %add3A_680 : vector<16xi32>
      %mul3A_682 = arith.constant 512 : i32
      %mul3A_683 = vector.broadcast %mul3A_682 : i32 to vector<16xi32>
      %mul3A_684 = arith.muli %and3A_663, %mul3A_683 : vector<16xi32>
      %add3A_685 = arith.addi %mul3A_684, %convert_element_type3A_657 : vector<16xi32>
      tpu.vector_store_idx %arg7[%add3A_681], %add3A_685 : memref<8208xi32, #tpu.memory_space<vmem>>[vector<16xi32>], vector<16xi32>,
      %add3A_686 = arith.constant 2 : i32
      %add3A_687 = vector.broadcast %add3A_686 : i32 to vector<16xi32>
      %add3A_688 = arith.addi %mul3A_674, %add3A_687 : vector<16xi32>
      %mul3A_689 = arith.constant 512 : i32
      %mul3A_690 = vector.broadcast %mul3A_689 : i32 to vector<16xi32>
      %mul3A_691 = arith.muli %convert_element_type3A, %mul3A_690 : vector<16xi32>
      %add3A_692 = arith.addi %mul3A_691, %and3A_669 : vector<16xi32>
      tpu.vector_store_idx %arg7[%add3A_688], %add3A_692 : memref<8208xi32, #tpu.memory_space<vmem>>[vector<16xi32>], vector<16xi32>,
      %add3A_693 = arith.constant 3 : i32
      %add3A_694 = vector.broadcast %add3A_693 : i32 to vector<16xi32>
      %add3A_695 = arith.addi %mul3A_674, %add3A_694 : vector<16xi32>
      %mul3A_696 = arith.constant 512 : i32
      %mul3A_697 = vector.broadcast %mul3A_696 : i32 to vector<16xi32>
      %mul3A_698 = arith.muli %convert_element_type3A, %mul3A_697 : vector<16xi32>
      %add3A_699 = arith.addi %mul3A_698, %convert_element_type3A_657 : vector<16xi32>
      tpu.vector_store_idx %arg7[%add3A_695], %add3A_699 : memref<8208xi32, #tpu.memory_space<vmem>>[vector<16xi32>], vector<16xi32>,
    }
    %scan3A_46 = arith.constant 64 : i32
    %scan3A_47 = arith.constant 0 : i32
    %scan3A_48 = arith.constant 32 : i32
    %scan3A_49 = arith.addi %scan3A_47, %scan3A_48 : i32
    %scan3A_50 = arith.constant 1 : i32
    scf.for %scan3A_627 = %scan3A_47 to %scan3A_49 step %scan3A_50  : i32 {
      %mul3A_628 = arith.constant 16 : i32
      %mul3A_629 = arith.muli %scan3A_627, %mul3A_628 : i32
      %add3A_630 = vector.broadcast %mul3A_629 : i32 to vector<16xi32>
      %add3A_631 = arith.addi %iota3A, %add3A_630 : vector<16xi32>
      %convert_element_type3A = arith.sitofp %add3A_631 : vector<16xi32> to vector<16xf32>
      %mul3A_632 = arith.constant 0.001953125 : f32
      %mul3A_633 = vector.broadcast %mul3A_632 : f32 to vector<16xf32>
      %mul3A_634 = arith.mulf %convert_element_type3A, %mul3A_633 : vector<16xf32>
      %mul3A_635 = arith.constant 16 : i32
      %mul3A_636 = arith.muli %scan3A_627, %mul3A_635 : i32
      %swap3A = arith.index_cast %mul3A_636 : i32 to index
      %swap3A_637 = tpu.vector_load %arg15[%swap3A] {strides = array<i32>} : memref<512xf32, #tpu.memory_space<vmem>>, vector<16xf32>,
      tpu.vector_store %arg15[%swap3A], %mul3A_634 {strides = array<i32>} : memref<512xf32, #tpu.memory_space<vmem>>, vector<16xf32>,
    }
    %scan3A_51 = arith.constant 32 : i32
    %mul3A_52 = arith.constant 2 : i32
    %mul3A_53 = arith.muli %select_n3A_30, %mul3A_52 : i32
    %add3A_54 = arith.constant 0 : i32
    %add3A_55 = arith.addi %mul3A_53, %add3A_54 : i32
    %mul3A_56 = arith.constant 65536 : i32
    %mul3A_57 = arith.muli %add3A_55, %mul3A_56 : i32
    %scan3A_58 = arith.constant 0 : i32
    %scan3A_59 = arith.constant 512 : i32
    %scan3A_60 = arith.addi %scan3A_58, %scan3A_59 : i32
    %scan3A_61 = arith.constant 1 : i32
    scf.for %scan3A_627 = %scan3A_58 to %scan3A_60 step %scan3A_61  : i32 {
      %mul3A_628 = arith.constant 128 : i32
      %mul3A_629 = arith.muli %scan3A_627, %mul3A_628 : i32
      %add3A_630 = arith.constant 0 : i32
      %add3A_631 = arith.addi %mul3A_629, %add3A_630 : i32
      %swap3A = arith.index_cast %add3A_631 : i32 to index
      %swap3A_632 = tpu.vector_load %arg8[%swap3A] {strides = array<i32>} : memref<65536xi32, #tpu.memory_space<vmem>>, vector<16xi32>,
      tpu.vector_store %arg8[%swap3A], %broadcast_in_dim3A_35 {strides = array<i32>} : memref<65536xi32, #tpu.memory_space<vmem>>, vector<16xi32>,
      %mul3A_633 = arith.constant 128 : i32
      %mul3A_634 = arith.muli %scan3A_627, %mul3A_633 : i32
      %add3A_635 = arith.constant 16 : i32
      %add3A_636 = arith.addi %mul3A_634, %add3A_635 : i32
      %swap3A_637 = arith.index_cast %add3A_636 : i32 to index
      %swap3A_638 = tpu.vector_load %arg8[%swap3A_637] {strides = array<i32>} : memref<65536xi32, #tpu.memory_space<vmem>>, vector<16xi32>,
      tpu.vector_store %arg8[%swap3A_637], %broadcast_in_dim3A_35 {strides = array<i32>} : memref<65536xi32, #tpu.memory_space<vmem>>, vector<16xi32>,
      %mul3A_639 = arith.constant 128 : i32
      %mul3A_640 = arith.muli %scan3A_627, %mul3A_639 : i32
      %add3A_641 = arith.constant 32 : i32
      %add3A_642 = arith.addi %mul3A_640, %add3A_641 : i32
      %swap3A_643 = arith.index_cast %add3A_642 : i32 to index
      %swap3A_644 = tpu.vector_load %arg8[%swap3A_643] {strides = array<i32>} : memref<65536xi32, #tpu.memory_space<vmem>>, vector<16xi32>,
      tpu.vector_store %arg8[%swap3A_643], %broadcast_in_dim3A_35 {strides = array<i32>} : memref<65536xi32, #tpu.memory_space<vmem>>, vector<16xi32>,
      %mul3A_645 = arith.constant 128 : i32
      %mul3A_646 = arith.muli %scan3A_627, %mul3A_645 : i32
      %add3A_647 = arith.constant 48 : i32
      %add3A_648 = arith.addi %mul3A_646, %add3A_647 : i32
      %swap3A_649 = arith.index_cast %add3A_648 : i32 to index
      %swap3A_650 = tpu.vector_load %arg8[%swap3A_649] {strides = array<i32>} : memref<65536xi32, #tpu.memory_space<vmem>>, vector<16xi32>,
      tpu.vector_store %arg8[%swap3A_649], %broadcast_in_dim3A_35 {strides = array<i32>} : memref<65536xi32, #tpu.memory_space<vmem>>, vector<16xi32>,
      %mul3A_651 = arith.constant 128 : i32
      %mul3A_652 = arith.muli %scan3A_627, %mul3A_651 : i32
      %add3A_653 = arith.constant 64 : i32
      %add3A_654 = arith.addi %mul3A_652, %add3A_653 : i32
      %swap3A_655 = arith.index_cast %add3A_654 : i32 to index
      %swap3A_656 = tpu.vector_load %arg8[%swap3A_655] {strides = array<i32>} : memref<65536xi32, #tpu.memory_space<vmem>>, vector<16xi32>,
      tpu.vector_store %arg8[%swap3A_655], %broadcast_in_dim3A_35 {strides = array<i32>} : memref<65536xi32, #tpu.memory_space<vmem>>, vector<16xi32>,
      %mul3A_657 = arith.constant 128 : i32
      %mul3A_658 = arith.muli %scan3A_627, %mul3A_657 : i32
      %add3A_659 = arith.constant 80 : i32
      %add3A_660 = arith.addi %mul3A_658, %add3A_659 : i32
      %swap3A_661 = arith.index_cast %add3A_660 : i32 to index
      %swap3A_662 = tpu.vector_load %arg8[%swap3A_661] {strides = array<i32>} : memref<65536xi32, #tpu.memory_space<vmem>>, vector<16xi32>,
      tpu.vector_store %arg8[%swap3A_661], %broadcast_in_dim3A_35 {strides = array<i32>} : memref<65536xi32, #tpu.memory_space<vmem>>, vector<16xi32>,
      %mul3A_663 = arith.constant 128 : i32
      %mul3A_664 = arith.muli %scan3A_627, %mul3A_663 : i32
      %add3A_665 = arith.constant 96 : i32
      %add3A_666 = arith.addi %mul3A_664, %add3A_665 : i32
      %swap3A_667 = arith.index_cast %add3A_666 : i32 to index
      %swap3A_668 = tpu.vector_load %arg8[%swap3A_667] {strides = array<i32>} : memref<65536xi32, #tpu.memory_space<vmem>>, vector<16xi32>,
      tpu.vector_store %arg8[%swap3A_667], %broadcast_in_dim3A_35 {strides = array<i32>} : memref<65536xi32, #tpu.memory_space<vmem>>, vector<16xi32>,
      %mul3A_669 = arith.constant 128 : i32
      %mul3A_670 = arith.muli %scan3A_627, %mul3A_669 : i32
      %add3A_671 = arith.constant 112 : i32
      %add3A_672 = arith.addi %mul3A_670, %add3A_671 : i32
      %swap3A_673 = arith.index_cast %add3A_672 : i32 to index
      %swap3A_674 = tpu.vector_load %arg8[%swap3A_673] {strides = array<i32>} : memref<65536xi32, #tpu.memory_space<vmem>>, vector<16xi32>,
      tpu.vector_store %arg8[%swap3A_673], %broadcast_in_dim3A_35 {strides = array<i32>} : memref<65536xi32, #tpu.memory_space<vmem>>, vector<16xi32>,
    }
    %scan3A_62 = arith.constant 512 : i32
    %scan3A_63 = arith.constant 0 : i32
    %scan3A_64 = arith.constant 512 : i32
    %scan3A_65 = arith.addi %scan3A_63, %scan3A_64 : i32
    %scan3A_66 = arith.constant 1 : i32
    scf.for %scan3A_627 = %scan3A_63 to %scan3A_65 step %scan3A_66  : i32 {
      %mul3A_628 = arith.constant 2 : i32
      %mul3A_629 = arith.muli %scan3A_627, %mul3A_628 : i32
      %add3A_630 = arith.constant 0 : i32
      %add3A_631 = arith.addi %mul3A_629, %add3A_630 : i32
      %mul3A_632 = arith.constant 8 : i32
      %mul3A_633 = arith.muli %add3A_631, %mul3A_632 : i32
      %get3A = arith.index_cast %mul3A_633 : i32 to index
      %get3A_634 = tpu.vector_load %arg7[%get3A] {strides = array<i32>} : memref<8208xi32, #tpu.memory_space<vmem>>, vector<16xi32>,
      %sub3A_635 = vector.broadcast %mul3A_57 : i32 to vector<16xi32>
      %sub3A_636 = arith.subi %get3A_634, %sub3A_635 : vector<16xi32>
      %ge3A = arith.constant 0 : i32
      %ge3A_637 = vector.broadcast %ge3A : i32 to vector<16xi32>
      %ge3A_638 = arith.cmpi sge, %sub3A_636, %ge3A_637 : vector<16xi32>
      %and3A_639 = arith.andi %lt3A_38, %ge3A_638 : vector<16xi1>
      %lt3A_640 = arith.constant 65536 : i32
      %lt3A_641 = vector.broadcast %lt3A_640 : i32 to vector<16xi32>
      %lt3A_642 = arith.cmpi slt, %sub3A_636, %lt3A_641 : vector<16xi32>
      %and3A_643 = arith.andi %and3A_639, %lt3A_642 : vector<16xi1>
      %jit3A_644 = arith.constant 0 : i32
      %broadcast_in_dim3A_645 = vector.broadcast %jit3A_644 : i32 to vector<16xi32>
      %select_n3A_646 = arith.select %and3A_643, %sub3A_636, %broadcast_in_dim3A_645 : vector<16xi1>, vector<16xi32>
      %broadcast_in_dim3A_647 = vector.broadcast %add3A_631 : i32 to vector<16xi32>
      tpu.vector_store_idx %arg8[%select_n3A_646], %broadcast_in_dim3A_647 masked %and3A_643 : memref<65536xi32, #tpu.memory_space<vmem>>[vector<16xi32>], vector<16xi32>, vector<16xi1>
      %mul3A_648 = arith.constant 2 : i32
      %mul3A_649 = arith.muli %scan3A_627, %mul3A_648 : i32
      %add3A_650 = arith.constant 1 : i32
      %add3A_651 = arith.addi %mul3A_649, %add3A_650 : i32
      %mul3A_652 = arith.constant 8 : i32
      %mul3A_653 = arith.muli %add3A_651, %mul3A_652 : i32
      %get3A_654 = arith.index_cast %mul3A_653 : i32 to index
      %get3A_655 = tpu.vector_load %arg7[%get3A_654] {strides = array<i32>} : memref<8208xi32, #tpu.memory_space<vmem>>, vector<16xi32>,
      %sub3A_656 = vector.broadcast %mul3A_57 : i32 to vector<16xi32>
      %sub3A_657 = arith.subi %get3A_655, %sub3A_656 : vector<16xi32>
      %ge3A_658 = arith.constant 0 : i32
      %ge3A_659 = vector.broadcast %ge3A_658 : i32 to vector<16xi32>
      %ge3A_660 = arith.cmpi sge, %sub3A_657, %ge3A_659 : vector<16xi32>
      %and3A_661 = arith.andi %lt3A_38, %ge3A_660 : vector<16xi1>
      %lt3A_662 = arith.constant 65536 : i32
      %lt3A_663 = vector.broadcast %lt3A_662 : i32 to vector<16xi32>
      %lt3A_664 = arith.cmpi slt, %sub3A_657, %lt3A_663 : vector<16xi32>
      %and3A_665 = arith.andi %and3A_661, %lt3A_664 : vector<16xi1>
      %jit3A_666 = arith.constant 0 : i32
      %broadcast_in_dim3A_667 = vector.broadcast %jit3A_666 : i32 to vector<16xi32>
      %select_n3A_668 = arith.select %and3A_665, %sub3A_657, %broadcast_in_dim3A_667 : vector<16xi1>, vector<16xi32>
      %broadcast_in_dim3A_669 = vector.broadcast %add3A_651 : i32 to vector<16xi32>
      tpu.vector_store_idx %arg8[%select_n3A_668], %broadcast_in_dim3A_669 masked %and3A_665 : memref<65536xi32, #tpu.memory_space<vmem>>[vector<16xi32>], vector<16xi32>, vector<16xi1>
    }
    %scan3A_67 = arith.constant 512 : i32
    %mul3A_68 = arith.constant 128 : i32
    %mul3A_69 = arith.muli %add3A_55, %mul3A_68 : i32
    %add3A_70 = arith.constant 0 : i32
    %add3A_71 = arith.addi %mul3A_69, %add3A_70 : i32
    %parallel_loop3A = arith.constant 0 : i32
    %parallel_loop3A_72 = arith.constant 8192 : i32
    %parallel_loop3A_73 = arith.constant 16 : i32
    scf.for %parallel_loop3A_627 = %parallel_loop3A to %parallel_loop3A_72 step %parallel_loop3A_73  : i32 {
      %parallel_loop3A_628 = arith.constant 0 : i32
      %parallel_loop3A_629 = arith.addi %parallel_loop3A_628, %parallel_loop3A_627 : i32
      %parallel_loop3A_630 = arith.index_cast %parallel_loop3A_629 : i32 to index
      %parallel_loop3A_631 = tpu.vector_load %arg8[%parallel_loop3A_630] {strides = array<i32>} : memref<65536xi32, #tpu.memory_space<vmem>>, vector<16xi32>,
      %parallel_loop3A_632 = arith.constant 0 : i32
      %parallel_loop3A_633 = vector.broadcast %parallel_loop3A_632 : i32 to vector<16xi32>
      %parallel_loop3A_634 = arith.cmpi sge, %parallel_loop3A_631, %parallel_loop3A_633 : vector<16xi32>
      %parallel_loop3A_635 = arith.constant 0 : i32
      %parallel_loop3A_636 = vector.broadcast %parallel_loop3A_635 : i32 to vector<16xi32>
      %parallel_loop3A_637 = arith.select %parallel_loop3A_634, %parallel_loop3A_631, %parallel_loop3A_636 : vector<16xi1>, vector<16xi32>
      %parallel_loop3A_638 = tpu.vector_load_idx %arg5[%parallel_loop3A_637] : memref<1024xf32, #tpu.memory_space<vmem>>[vector<16xi32>], vector<16xf32>,
      %parallel_loop3A_639 = tpu.vector_load_idx %arg6[%parallel_loop3A_637] : memref<1024xf32, #tpu.memory_space<vmem>>[vector<16xi32>], vector<16xf32>,
      %parallel_loop3A_640 = arith.constant 511 : i32
      %parallel_loop3A_641 = arith.andi %parallel_loop3A_627, %parallel_loop3A_640 : i32
      %parallel_loop3A_642 = arith.index_cast %parallel_loop3A_641 : i32 to index
      %parallel_loop3A_643 = tpu.vector_load %arg15[%parallel_loop3A_642] {strides = array<i32>} : memref<512xf32, #tpu.memory_space<vmem>>, vector<16xf32>,
      %parallel_loop3A_644 = arith.constant 9 : i32
      %parallel_loop3A_645 = arith.shrsi %parallel_loop3A_627, %parallel_loop3A_644 : i32
      %parallel_loop3A_646 = arith.addi %add3A_71, %parallel_loop3A_645 : i32
      %parallel_loop3A_647 = arith.sitofp %parallel_loop3A_646 : i32 to f32
      %parallel_loop3A_648 = arith.constant 0.001953125 : f32
      %parallel_loop3A_649 = arith.mulf %parallel_loop3A_647, %parallel_loop3A_648 : f32
      %parallel_loop3A_650 = vector.broadcast %parallel_loop3A_649 : f32 to vector<16xf32>
      %parallel_loop3A_651 = arith.select %parallel_loop3A_634, %broadcast_in_dim3A_31, %broadcast_in_dim3A_33 : vector<16xi1>, vector<16xf32>
      %parallel_loop3A_652 = arith.index_cast %parallel_loop3A_627 : i32 to index
      %parallel_loop3A_653 = tpu.vector_load %arg9[%parallel_loop3A_652] {strides = array<i32>} : memref<8192xf32, #tpu.memory_space<vmem>>, vector<16xf32>,
      tpu.vector_store %arg9[%parallel_loop3A_652], %parallel_loop3A_651 {strides = array<i32>} : memref<8192xf32, #tpu.memory_space<vmem>>, vector<16xf32>,
      %parallel_loop3A_654 = arith.select %parallel_loop3A_634, %parallel_loop3A_638, %parallel_loop3A_643 : vector<16xi1>, vector<16xf32>
      %parallel_loop3A_655 = arith.index_cast %parallel_loop3A_627 : i32 to index
      %parallel_loop3A_656 = tpu.vector_load %arg10[%parallel_loop3A_655] {strides = array<i32>} : memref<8192xf32, #tpu.memory_space<vmem>>, vector<16xf32>,
      tpu.vector_store %arg10[%parallel_loop3A_655], %parallel_loop3A_654 {strides = array<i32>} : memref<8192xf32, #tpu.memory_space<vmem>>, vector<16xf32>,
      %parallel_loop3A_657 = arith.select %parallel_loop3A_634, %parallel_loop3A_639, %parallel_loop3A_650 : vector<16xi1>, vector<16xf32>
      %parallel_loop3A_658 = arith.index_cast %parallel_loop3A_627 : i32 to index
      %parallel_loop3A_659 = tpu.vector_load %arg11[%parallel_loop3A_658] {strides = array<i32>} : memref<8192xf32, #tpu.memory_space<vmem>>, vector<16xf32>,
      tpu.vector_store %arg11[%parallel_loop3A_658], %parallel_loop3A_657 {strides = array<i32>} : memref<8192xf32, #tpu.memory_space<vmem>>, vector<16xf32>,
    } {sc.loop_unroll_factor = 4 : i64, sc.parallel_access}
    %mul3A_74 = arith.constant 3 : i32
    %mul3A_75 = arith.muli %select_n3A, %mul3A_74 : i32
    %add3A_76 = arith.constant 0 : i32
    %add3A_77 = arith.addi %mul3A_75, %add3A_76 : i32
    %mul3A_78 = arith.constant 512 : i32
    %mul3A_79 = arith.muli %add3A_77, %mul3A_78 : i32
    %add3A_80 = arith.addi %mul3A_79, %add3A_71 : i32
    %mul3A_81 = arith.constant 512 : i32
    %mul3A_82 = arith.muli %add3A_80, %mul3A_81 : i32
    "tpu.region"() ({
      %run_scoped3A = tpu.sem_alloc : memref<!tpu.dma_semaphore, #tpu.memory_space<semaphore_mem>>
      %dma_start3A = tpu.memref_slice %arg3[%mul3A_82] : memref<12582912xf32, #tpu.memory_space<hbm>> -> memref<8192xf32, #tpu.memory_space<hbm>>
      %dma_start3A_627 = tpu.memref_slice %arg3[%mul3A_82] : memref<12582912xf32, #tpu.memory_space<hbm>> -> memref<8192xf32, #tpu.memory_space<hbm>>
      tpu.enqueue_dma source(%arg9 : memref<8192xf32, #tpu.memory_space<vmem>>) target(%dma_start3A_627 : memref<8192xf32, #tpu.memory_space<hbm>>) target_semaphore(%run_scoped3A : memref<!tpu.dma_semaphore, #tpu.memory_space<semaphore_mem>>)
      %dma_wait3A = tpu.memref_slice %arg3[%mul3A_82] : memref<12582912xf32, #tpu.memory_space<hbm>> -> memref<8192xf32, #tpu.memory_space<hbm>>
      %dma_wait3A_628 = tpu.memref_slice %arg3[%mul3A_82] : memref<12582912xf32, #tpu.memory_space<hbm>> -> memref<8192xf32, #tpu.memory_space<hbm>>
      tpu.wait_dma2 semaphore(%run_scoped3A : memref<!tpu.dma_semaphore, #tpu.memory_space<semaphore_mem>>) src(%arg9 : memref<8192xf32, #tpu.memory_space<vmem>>) dst(%dma_wait3A_628 : memref<8192xf32, #tpu.memory_space<hbm>>)
      tpu.yield
    }) : () -> ()
    %mul3A_83 = arith.constant 3 : i32
    %mul3A_84 = arith.muli %select_n3A, %mul3A_83 : i32
    %add3A_85 = arith.constant 1 : i32
    %add3A_86 = arith.addi %mul3A_84, %add3A_85 : i32
    %mul3A_87 = arith.constant 512 : i32
    %mul3A_88 = arith.muli %add3A_86, %mul3A_87 : i32
    %add3A_89 = arith.addi %mul3A_88, %add3A_71 : i32
    %mul3A_90 = arith.constant 512 : i32
    %mul3A_91 = arith.muli %add3A_89, %mul3A_90 : i32
    "tpu.region"() ({
      %run_scoped3A = tpu.sem_alloc : memref<!tpu.dma_semaphore, #tpu.memory_space<semaphore_mem>>
      %dma_start3A = tpu.memref_slice %arg3[%mul3A_91] : memref<12582912xf32, #tpu.memory_space<hbm>> -> memref<8192xf32, #tpu.memory_space<hbm>>
      %dma_start3A_627 = tpu.memref_slice %arg3[%mul3A_91] : memref<12582912xf32, #tpu.memory_space<hbm>> -> memref<8192xf32, #tpu.memory_space<hbm>>
      tpu.enqueue_dma source(%arg10 : memref<8192xf32, #tpu.memory_space<vmem>>) target(%dma_start3A_627 : memref<8192xf32, #tpu.memory_space<hbm>>) target_semaphore(%run_scoped3A : memref<!tpu.dma_semaphore, #tpu.memory_space<semaphore_mem>>)
      %dma_wait3A = tpu.memref_slice %arg3[%mul3A_91] : memref<12582912xf32, #tpu.memory_space<hbm>> -> memref<8192xf32, #tpu.memory_space<hbm>>
      %dma_wait3A_628 = tpu.memref_slice %arg3[%mul3A_91] : memref<12582912xf32, #tpu.memory_space<hbm>> -> memref<8192xf32, #tpu.memory_space<hbm>>
      tpu.wait_dma2 semaphore(%run_scoped3A : memref<!tpu.dma_semaphore, #tpu.memory_space<semaphore_mem>>) src(%arg10 : memref<8192xf32, #tpu.memory_space<vmem>>) dst(%dma_wait3A_628 : memref<8192xf32, #tpu.memory_space<hbm>>)
      tpu.yield
    }) : () -> ()
    %mul3A_92 = arith.constant 3 : i32
    %mul3A_93 = arith.muli %select_n3A, %mul3A_92 : i32
    %add3A_94 = arith.constant 2 : i32
    %add3A_95 = arith.addi %mul3A_93, %add3A_94 : i32
    %mul3A_96 = arith.constant 512 : i32
    %mul3A_97 = arith.muli %add3A_95, %mul3A_96 : i32
    %add3A_98 = arith.addi %mul3A_97, %add3A_71 : i32
    %mul3A_99 = arith.constant 512 : i32
    %mul3A_100 = arith.muli %add3A_98, %mul3A_99 : i32
    "tpu.region"() ({
      %run_scoped3A = tpu.sem_alloc : memref<!tpu.dma_semaphore, #tpu.memory_space<semaphore_mem>>
      %dma_start3A = tpu.memref_slice %arg3[%mul3A_100] : memref<12582912xf32, #tpu.memory_space<hbm>> -> memref<8192xf32, #tpu.memory_space<hbm>>
      %dma_start3A_627 = tpu.memref_slice %arg3[%mul3A_100] : memref<12582912xf32, #tpu.memory_space<hbm>> -> memref<8192xf32, #tpu.memory_space<hbm>>
      tpu.enqueue_dma source(%arg11 : memref<8192xf32, #tpu.memory_space<vmem>>) target(%dma_start3A_627 : memref<8192xf32, #tpu.memory_space<hbm>>) target_semaphore(%run_scoped3A : memref<!tpu.dma_semaphore, #tpu.memory_space<semaphore_mem>>)
      %dma_wait3A = tpu.memref_slice %arg3[%mul3A_100] : memref<12582912xf32, #tpu.memory_space<hbm>> -> memref<8192xf32, #tpu.memory_space<hbm>>
      %dma_wait3A_628 = tpu.memref_slice %arg3[%mul3A_100] : memref<12582912xf32, #tpu.memory_space<hbm>> -> memref<8192xf32, #tpu.memory_space<hbm>>
      tpu.wait_dma2 semaphore(%run_scoped3A : memref<!tpu.dma_semaphore, #tpu.memory_space<semaphore_mem>>) src(%arg11 : memref<8192xf32, #tpu.memory_space<vmem>>) dst(%dma_wait3A_628 : memref<8192xf32, #tpu.memory_space<hbm>>)
      tpu.yield
    }) : () -> ()
    %mul3A_101 = arith.constant 128 : i32
    %mul3A_102 = arith.muli %add3A_55, %mul3A_101 : i32
    %add3A_103 = arith.constant 16 : i32
    %add3A_104 = arith.addi %mul3A_102, %add3A_103 : i32
    %parallel_loop3A_105 = arith.constant 0 : i32
    %parallel_loop3A_106 = arith.constant 8192 : i32
    %parallel_loop3A_107 = arith.constant 16 : i32
    scf.for %parallel_loop3A_627 = %parallel_loop3A_105 to %parallel_loop3A_106 step %parallel_loop3A_107  : i32 {
      %parallel_loop3A_628 = arith.constant 8192 : i32
      %parallel_loop3A_629 = arith.addi %parallel_loop3A_628, %parallel_loop3A_627 : i32
      %parallel_loop3A_630 = arith.index_cast %parallel_loop3A_629 : i32 to index
      %parallel_loop3A_631 = tpu.vector_load %arg8[%parallel_loop3A_630] {strides = array<i32>} : memref<65536xi32, #tpu.memory_space<vmem>>, vector<16xi32>,
      %parallel_loop3A_632 = arith.constant 0 : i32
      %parallel_loop3A_633 = vector.broadcast %parallel_loop3A_632 : i32 to vector<16xi32>
      %parallel_loop3A_634 = arith.cmpi sge, %parallel_loop3A_631, %parallel_loop3A_633 : vector<16xi32>
      %parallel_loop3A_635 = arith.constant 0 : i32
      %parallel_loop3A_636 = vector.broadcast %parallel_loop3A_635 : i32 to vector<16xi32>
      %parallel_loop3A_637 = arith.select %parallel_loop3A_634, %parallel_loop3A_631, %parallel_loop3A_636 : vector<16xi1>, vector<16xi32>
      %parallel_loop3A_638 = tpu.vector_load_idx %arg5[%parallel_loop3A_637] : memref<1024xf32, #tpu.memory_space<vmem>>[vector<16xi32>], vector<16xf32>,
      %parallel_loop3A_639 = tpu.vector_load_idx %arg6[%parallel_loop3A_637] : memref<1024xf32, #tpu.memory_space<vmem>>[vector<16xi32>], vector<16xf32>,
      %parallel_loop3A_640 = arith.constant 511 : i32
      %parallel_loop3A_641 = arith.andi %parallel_loop3A_627, %parallel_loop3A_640 : i32
      %parallel_loop3A_642 = arith.index_cast %parallel_loop3A_641 : i32 to index
      %parallel_loop3A_643 = tpu.vector_load %arg15[%parallel_loop3A_642] {strides = array<i32>} : memref<512xf32, #tpu.memory_space<vmem>>, vector<16xf32>,
      %parallel_loop3A_644 = arith.constant 9 : i32
      %parallel_loop3A_645 = arith.shrsi %parallel_loop3A_627, %parallel_loop3A_644 : i32
      %parallel_loop3A_646 = arith.addi %add3A_104, %parallel_loop3A_645 : i32
      %parallel_loop3A_647 = arith.sitofp %parallel_loop3A_646 : i32 to f32
      %parallel_loop3A_648 = arith.constant 0.001953125 : f32
      %parallel_loop3A_649 = arith.mulf %parallel_loop3A_647, %parallel_loop3A_648 : f32
      %parallel_loop3A_650 = vector.broadcast %parallel_loop3A_649 : f32 to vector<16xf32>
      %parallel_loop3A_651 = arith.select %parallel_loop3A_634, %broadcast_in_dim3A_31, %broadcast_in_dim3A_33 : vector<16xi1>, vector<16xf32>
      %parallel_loop3A_652 = arith.index_cast %parallel_loop3A_627 : i32 to index
      %parallel_loop3A_653 = tpu.vector_load %arg12[%parallel_loop3A_652] {strides = array<i32>} : memref<8192xf32, #tpu.memory_space<vmem>>, vector<16xf32>,
      tpu.vector_store %arg12[%parallel_loop3A_652], %parallel_loop3A_651 {strides = array<i32>} : memref<8192xf32, #tpu.memory_space<vmem>>, vector<16xf32>,
      %parallel_loop3A_654 = arith.select %parallel_loop3A_634, %parallel_loop3A_638, %parallel_loop3A_643 : vector<16xi1>, vector<16xf32>
      %parallel_loop3A_655 = arith.index_cast %parallel_loop3A_627 : i32 to index
      %parallel_loop3A_656 = tpu.vector_load %arg13[%parallel_loop3A_655] {strides = array<i32>} : memref<8192xf32, #tpu.memory_space<vmem>>, vector<16xf32>,
      tpu.vector_store %arg13[%parallel_loop3A_655], %parallel_loop3A_654 {strides = array<i32>} : memref<8192xf32, #tpu.memory_space<vmem>>, vector<16xf32>,
      %parallel_loop3A_657 = arith.select %parallel_loop3A_634, %parallel_loop3A_639, %parallel_loop3A_650 : vector<16xi1>, vector<16xf32>
      %parallel_loop3A_658 = arith.index_cast %parallel_loop3A_627 : i32 to index
      %parallel_loop3A_659 = tpu.vector_load %arg14[%parallel_loop3A_658] {strides = array<i32>} : memref<8192xf32, #tpu.memory_space<vmem>>, vector<16xf32>,
      tpu.vector_store %arg14[%parallel_loop3A_658], %parallel_loop3A_657 {strides = array<i32>} : memref<8192xf32, #tpu.memory_space<vmem>>, vector<16xf32>,
    } {sc.loop_unroll_factor = 4 : i64, sc.parallel_access}
    %mul3A_108 = arith.constant 3 : i32
    %mul3A_109 = arith.muli %select_n3A, %mul3A_108 : i32
    %add3A_110 = arith.constant 0 : i32
    %add3A_111 = arith.addi %mul3A_109, %add3A_110 : i32
    %mul3A_112 = arith.constant 512 : i32
    %mul3A_113 = arith.muli %add3A_111, %mul3A_112 : i32
    %add3A_114 = arith.addi %mul3A_113, %add3A_104 : i32
    %mul3A_115 = arith.constant 512 : i32
    %mul3A_116 = arith.muli %add3A_114, %mul3A_115 : i32
    "tpu.region"() ({
      %run_scoped3A = tpu.sem_alloc : memref<!tpu.dma_semaphore, #tpu.memory_space<semaphore_mem>>
      %dma_start3A = tpu.memref_slice %arg3[%mul3A_116] : memref<12582912xf32, #tpu.memory_space<hbm>> -> memref<8192xf32, #tpu.memory_space<hbm>>
      %dma_start3A_627 = tpu.memref_slice %arg3[%mul3A_116] : memref<12582912xf32, #tpu.memory_space<hbm>> -> memref<8192xf32, #tpu.memory_space<hbm>>
      tpu.enqueue_dma source(%arg12 : memref<8192xf32, #tpu.memory_space<vmem>>) target(%dma_start3A_627 : memref<8192xf32, #tpu.memory_space<hbm>>) target_semaphore(%run_scoped3A : memref<!tpu.dma_semaphore, #tpu.memory_space<semaphore_mem>>)
      %dma_wait3A = tpu.memref_slice %arg3[%mul3A_116] : memref<12582912xf32, #tpu.memory_space<hbm>> -> memref<8192xf32, #tpu.memory_space<hbm>>
      %dma_wait3A_628 = tpu.memref_slice %arg3[%mul3A_116] : memref<12582912xf32, #tpu.memory_space<hbm>> -> memref<8192xf32, #tpu.memory_space<hbm>>
      tpu.wait_dma2 semaphore(%run_scoped3A : memref<!tpu.dma_semaphore, #tpu.memory_space<semaphore_mem>>) src(%arg12 : memref<8192xf32, #tpu.memory_space<vmem>>) dst(%dma_wait3A_628 : memref<8192xf32, #tpu.memory_space<hbm>>)
      tpu.yield
    }) : () -> ()
    %mul3A_117 = arith.constant 3 : i32
    %mul3A_118 = arith.muli %select_n3A, %mul3A_117 : i32
    %add3A_119 = arith.constant 1 : i32
    %add3A_120 = arith.addi %mul3A_118, %add3A_119 : i32
    %mul3A_121 = arith.constant 512 : i32
    %mul3A_122 = arith.muli %add3A_120, %mul3A_121 : i32
    %add3A_123 = arith.addi %mul3A_122, %add3A_104 : i32
    %mul3A_124 = arith.constant 512 : i32
    %mul3A_125 = arith.muli %add3A_123, %mul3A_124 : i32
    "tpu.region"() ({
      %run_scoped3A = tpu.sem_alloc : memref<!tpu.dma_semaphore, #tpu.memory_space<semaphore_mem>>
      %dma_start3A = tpu.memref_slice %arg3[%mul3A_125] : memref<12582912xf32, #tpu.memory_space<hbm>> -> memref<8192xf32, #tpu.memory_space<hbm>>
      %dma_start3A_627 = tpu.memref_slice %arg3[%mul3A_125] : memref<12582912xf32, #tpu.memory_space<hbm>> -> memref<8192xf32, #tpu.memory_space<hbm>>
      tpu.enqueue_dma source(%arg13 : memref<8192xf32, #tpu.memory_space<vmem>>) target(%dma_start3A_627 : memref<8192xf32, #tpu.memory_space<hbm>>) target_semaphore(%run_scoped3A : memref<!tpu.dma_semaphore, #tpu.memory_space<semaphore_mem>>)
      %dma_wait3A = tpu.memref_slice %arg3[%mul3A_125] : memref<12582912xf32, #tpu.memory_space<hbm>> -> memref<8192xf32, #tpu.memory_space<hbm>>
      %dma_wait3A_628 = tpu.memref_slice %arg3[%mul3A_125] : memref<12582912xf32, #tpu.memory_space<hbm>> -> memref<8192xf32, #tpu.memory_space<hbm>>
      tpu.wait_dma2 semaphore(%run_scoped3A : memref<!tpu.dma_semaphore, #tpu.memory_space<semaphore_mem>>) src(%arg13 : memref<8192xf32, #tpu.memory_space<vmem>>) dst(%dma_wait3A_628 : memref<8192xf32, #tpu.memory_space<hbm>>)
      tpu.yield
    }) : () -> ()
    %mul3A_126 = arith.constant 3 : i32
    %mul3A_127 = arith.muli %select_n3A, %mul3A_126 : i32
    %add3A_128 = arith.constant 2 : i32
    %add3A_129 = arith.addi %mul3A_127, %add3A_128 : i32
    %mul3A_130 = arith.constant 512 : i32
    %mul3A_131 = arith.muli %add3A_129, %mul3A_130 : i32
    %add3A_132 = arith.addi %mul3A_131, %add3A_104 : i32
    %mul3A_133 = arith.constant 512 : i32
    %mul3A_134 = arith.muli %add3A_132, %mul3A_133 : i32
    "tpu.region"() ({
      %run_scoped3A = tpu.sem_alloc : memref<!tpu.dma_semaphore, #tpu.memory_space<semaphore_mem>>
      %dma_start3A = tpu.memref_slice %arg3[%mul3A_134] : memref<12582912xf32, #tpu.memory_space<hbm>> -> memref<8192xf32, #tpu.memory_space<hbm>>
      %dma_start3A_627 = tpu.memref_slice %arg3[%mul3A_134] : memref<12582912xf32, #tpu.memory_space<hbm>> -> memref<8192xf32, #tpu.memory_space<hbm>>
      tpu.enqueue_dma source(%arg14 : memref<8192xf32, #tpu.memory_space<vmem>>) target(%dma_start3A_627 : memref<8192xf32, #tpu.memory_space<hbm>>) target_semaphore(%run_scoped3A : memref<!tpu.dma_semaphore, #tpu.memory_space<semaphore_mem>>)
      %dma_wait3A = tpu.memref_slice %arg3[%mul3A_134] : memref<12582912xf32, #tpu.memory_space<hbm>> -> memref<8192xf32, #tpu.memory_space<hbm>>
      %dma_wait3A_628 = tpu.memref_slice %arg3[%mul3A_134] : memref<12582912xf32, #tpu.memory_space<hbm>> -> memref<8192xf32, #tpu.memory_space<hbm>>
      tpu.wait_dma2 semaphore(%run_scoped3A : memref<!tpu.dma_semaphore, #tpu.memory_space<semaphore_mem>>) src(%arg14 : memref<8192xf32, #tpu.memory_space<vmem>>) dst(%dma_wait3A_628 : memref<8192xf32, #tpu.memory_space<hbm>>)
      tpu.yield
    }) : () -> ()
    %mul3A_135 = arith.constant 128 : i32
    %mul3A_136 = arith.muli %add3A_55, %mul3A_135 : i32
    %add3A_137 = arith.constant 32 : i32
    %add3A_138 = arith.addi %mul3A_136, %add3A_137 : i32
    %parallel_loop3A_139 = arith.constant 0 : i32
    %parallel_loop3A_140 = arith.constant 8192 : i32
    %parallel_loop3A_141 = arith.constant 16 : i32
    scf.for %parallel_loop3A_627 = %parallel_loop3A_139 to %parallel_loop3A_140 step %parallel_loop3A_141  : i32 {
      %parallel_loop3A_628 = arith.constant 16384 : i32
      %parallel_loop3A_629 = arith.addi %parallel_loop3A_628, %parallel_loop3A_627 : i32
      %parallel_loop3A_630 = arith.index_cast %parallel_loop3A_629 : i32 to index
      %parallel_loop3A_631 = tpu.vector_load %arg8[%parallel_loop3A_630] {strides = array<i32>} : memref<65536xi32, #tpu.memory_space<vmem>>, vector<16xi32>,
      %parallel_loop3A_632 = arith.constant 0 : i32
      %parallel_loop3A_633 = vector.broadcast %parallel_loop3A_632 : i32 to vector<16xi32>
      %parallel_loop3A_634 = arith.cmpi sge, %parallel_loop3A_631, %parallel_loop3A_633 : vector<16xi32>
      %parallel_loop3A_635 = arith.constant 0 : i32
      %parallel_loop3A_636 = vector.broadcast %parallel_loop3A_635 : i32 to vector<16xi32>
      %parallel_loop3A_637 = arith.select %parallel_loop3A_634, %parallel_loop3A_631, %parallel_loop3A_636 : vector<16xi1>, vector<16xi32>
      %parallel_loop3A_638 = tpu.vector_load_idx %arg5[%parallel_loop3A_637] : memref<1024xf32, #tpu.memory_space<vmem>>[vector<16xi32>], vector<16xf32>,
      %parallel_loop3A_639 = tpu.vector_load_idx %arg6[%parallel_loop3A_637] : memref<1024xf32, #tpu.memory_space<vmem>>[vector<16xi32>], vector<16xf32>,
      %parallel_loop3A_640 = arith.constant 511 : i32
      %parallel_loop3A_641 = arith.andi %parallel_loop3A_627, %parallel_loop3A_640 : i32
      %parallel_loop3A_642 = arith.index_cast %parallel_loop3A_641 : i32 to index
      %parallel_loop3A_643 = tpu.vector_load %arg15[%parallel_loop3A_642] {strides = array<i32>} : memref<512xf32, #tpu.memory_space<vmem>>, vector<16xf32>,
      %parallel_loop3A_644 = arith.constant 9 : i32
      %parallel_loop3A_645 = arith.shrsi %parallel_loop3A_627, %parallel_loop3A_644 : i32
      %parallel_loop3A_646 = arith.addi %add3A_138, %parallel_loop3A_645 : i32
      %parallel_loop3A_647 = arith.sitofp %parallel_loop3A_646 : i32 to f32
      %parallel_loop3A_648 = arith.constant 0.001953125 : f32
      %parallel_loop3A_649 = arith.mulf %parallel_loop3A_647, %parallel_loop3A_648 : f32
      %parallel_loop3A_650 = vector.broadcast %parallel_loop3A_649 : f32 to vector<16xf32>
      %parallel_loop3A_651 = arith.select %parallel_loop3A_634, %broadcast_in_dim3A_31, %broadcast_in_dim3A_33 : vector<16xi1>, vector<16xf32>
      %parallel_loop3A_652 = arith.index_cast %parallel_loop3A_627 : i32 to index
      %parallel_loop3A_653 = tpu.vector_load %arg9[%parallel_loop3A_652] {strides = array<i32>} : memref<8192xf32, #tpu.memory_space<vmem>>, vector<16xf32>,
      tpu.vector_store %arg9[%parallel_loop3A_652], %parallel_loop3A_651 {strides = array<i32>} : memref<8192xf32, #tpu.memory_space<vmem>>, vector<16xf32>,
      %parallel_loop3A_654 = arith.select %parallel_loop3A_634, %parallel_loop3A_638, %parallel_loop3A_643 : vector<16xi1>, vector<16xf32>
      %parallel_loop3A_655 = arith.index_cast %parallel_loop3A_627 : i32 to index
      %parallel_loop3A_656 = tpu.vector_load %arg10[%parallel_loop3A_655] {strides = array<i32>} : memref<8192xf32, #tpu.memory_space<vmem>>, vector<16xf32>,
      tpu.vector_store %arg10[%parallel_loop3A_655], %parallel_loop3A_654 {strides = array<i32>} : memref<8192xf32, #tpu.memory_space<vmem>>, vector<16xf32>,
      %parallel_loop3A_657 = arith.select %parallel_loop3A_634, %parallel_loop3A_639, %parallel_loop3A_650 : vector<16xi1>, vector<16xf32>
      %parallel_loop3A_658 = arith.index_cast %parallel_loop3A_627 : i32 to index
      %parallel_loop3A_659 = tpu.vector_load %arg11[%parallel_loop3A_658] {strides = array<i32>} : memref<8192xf32, #tpu.memory_space<vmem>>, vector<16xf32>,
      tpu.vector_store %arg11[%parallel_loop3A_658], %parallel_loop3A_657 {strides = array<i32>} : memref<8192xf32, #tpu.memory_space<vmem>>, vector<16xf32>,
    } {sc.loop_unroll_factor = 4 : i64, sc.parallel_access}
    %mul3A_142 = arith.constant 3 : i32
    %mul3A_143 = arith.muli %select_n3A, %mul3A_142 : i32
    %add3A_144 = arith.constant 0 : i32
    %add3A_145 = arith.addi %mul3A_143, %add3A_144 : i32
    %mul3A_146 = arith.constant 512 : i32
    %mul3A_147 = arith.muli %add3A_145, %mul3A_146 : i32
    %add3A_148 = arith.addi %mul3A_147, %add3A_138 : i32
    %mul3A_149 = arith.constant 512 : i32
    %mul3A_150 = arith.muli %add3A_148, %mul3A_149 : i32
    "tpu.region"() ({
      %run_scoped3A = tpu.sem_alloc : memref<!tpu.dma_semaphore, #tpu.memory_space<semaphore_mem>>
      %dma_start3A = tpu.memref_slice %arg3[%mul3A_150] : memref<12582912xf32, #tpu.memory_space<hbm>> -> memref<8192xf32, #tpu.memory_space<hbm>>
      %dma_start3A_627 = tpu.memref_slice %arg3[%mul3A_150] : memref<12582912xf32, #tpu.memory_space<hbm>> -> memref<8192xf32, #tpu.memory_space<hbm>>
      tpu.enqueue_dma source(%arg9 : memref<8192xf32, #tpu.memory_space<vmem>>) target(%dma_start3A_627 : memref<8192xf32, #tpu.memory_space<hbm>>) target_semaphore(%run_scoped3A : memref<!tpu.dma_semaphore, #tpu.memory_space<semaphore_mem>>)
      %dma_wait3A = tpu.memref_slice %arg3[%mul3A_150] : memref<12582912xf32, #tpu.memory_space<hbm>> -> memref<8192xf32, #tpu.memory_space<hbm>>
      %dma_wait3A_628 = tpu.memref_slice %arg3[%mul3A_150] : memref<12582912xf32, #tpu.memory_space<hbm>> -> memref<8192xf32, #tpu.memory_space<hbm>>
      tpu.wait_dma2 semaphore(%run_scoped3A : memref<!tpu.dma_semaphore, #tpu.memory_space<semaphore_mem>>) src(%arg9 : memref<8192xf32, #tpu.memory_space<vmem>>) dst(%dma_wait3A_628 : memref<8192xf32, #tpu.memory_space<hbm>>)
      tpu.yield
    }) : () -> ()
    %mul3A_151 = arith.constant 3 : i32
    %mul3A_152 = arith.muli %select_n3A, %mul3A_151 : i32
    %add3A_153 = arith.constant 1 : i32
    %add3A_154 = arith.addi %mul3A_152, %add3A_153 : i32
    %mul3A_155 = arith.constant 512 : i32
    %mul3A_156 = arith.muli %add3A_154, %mul3A_155 : i32
    %add3A_157 = arith.addi %mul3A_156, %add3A_138 : i32
    %mul3A_158 = arith.constant 512 : i32
    %mul3A_159 = arith.muli %add3A_157, %mul3A_158 : i32
    "tpu.region"() ({
      %run_scoped3A = tpu.sem_alloc : memref<!tpu.dma_semaphore, #tpu.memory_space<semaphore_mem>>
      %dma_start3A = tpu.memref_slice %arg3[%mul3A_159] : memref<12582912xf32, #tpu.memory_space<hbm>> -> memref<8192xf32, #tpu.memory_space<hbm>>
      %dma_start3A_627 = tpu.memref_slice %arg3[%mul3A_159] : memref<12582912xf32, #tpu.memory_space<hbm>> -> memref<8192xf32, #tpu.memory_space<hbm>>
      tpu.enqueue_dma source(%arg10 : memref<8192xf32, #tpu.memory_space<vmem>>) target(%dma_start3A_627 : memref<8192xf32, #tpu.memory_space<hbm>>) target_semaphore(%run_scoped3A : memref<!tpu.dma_semaphore, #tpu.memory_space<semaphore_mem>>)
      %dma_wait3A = tpu.memref_slice %arg3[%mul3A_159] : memref<12582912xf32, #tpu.memory_space<hbm>> -> memref<8192xf32, #tpu.memory_space<hbm>>
      %dma_wait3A_628 = tpu.memref_slice %arg3[%mul3A_159] : memref<12582912xf32, #tpu.memory_space<hbm>> -> memref<8192xf32, #tpu.memory_space<hbm>>
      tpu.wait_dma2 semaphore(%run_scoped3A : memref<!tpu.dma_semaphore, #tpu.memory_space<semaphore_mem>>) src(%arg10 : memref<8192xf32, #tpu.memory_space<vmem>>) dst(%dma_wait3A_628 : memref<8192xf32, #tpu.memory_space<hbm>>)
      tpu.yield
    }) : () -> ()
    %mul3A_160 = arith.constant 3 : i32
    %mul3A_161 = arith.muli %select_n3A, %mul3A_160 : i32
    %add3A_162 = arith.constant 2 : i32
    %add3A_163 = arith.addi %mul3A_161, %add3A_162 : i32
    %mul3A_164 = arith.constant 512 : i32
    %mul3A_165 = arith.muli %add3A_163, %mul3A_164 : i32
    %add3A_166 = arith.addi %mul3A_165, %add3A_138 : i32
    %mul3A_167 = arith.constant 512 : i32
    %mul3A_168 = arith.muli %add3A_166, %mul3A_167 : i32
    "tpu.region"() ({
      %run_scoped3A = tpu.sem_alloc : memref<!tpu.dma_semaphore, #tpu.memory_space<semaphore_mem>>
      %dma_start3A = tpu.memref_slice %arg3[%mul3A_168] : memref<12582912xf32, #tpu.memory_space<hbm>> -> memref<8192xf32, #tpu.memory_space<hbm>>
      %dma_start3A_627 = tpu.memref_slice %arg3[%mul3A_168] : memref<12582912xf32, #tpu.memory_space<hbm>> -> memref<8192xf32, #tpu.memory_space<hbm>>
      tpu.enqueue_dma source(%arg11 : memref<8192xf32, #tpu.memory_space<vmem>>) target(%dma_start3A_627 : memref<8192xf32, #tpu.memory_space<hbm>>) target_semaphore(%run_scoped3A : memref<!tpu.dma_semaphore, #tpu.memory_space<semaphore_mem>>)
      %dma_wait3A = tpu.memref_slice %arg3[%mul3A_168] : memref<12582912xf32, #tpu.memory_space<hbm>> -> memref<8192xf32, #tpu.memory_space<hbm>>
      %dma_wait3A_628 = tpu.memref_slice %arg3[%mul3A_168] : memref<12582912xf32, #tpu.memory_space<hbm>> -> memref<8192xf32, #tpu.memory_space<hbm>>
      tpu.wait_dma2 semaphore(%run_scoped3A : memref<!tpu.dma_semaphore, #tpu.memory_space<semaphore_mem>>) src(%arg11 : memref<8192xf32, #tpu.memory_space<vmem>>) dst(%dma_wait3A_628 : memref<8192xf32, #tpu.memory_space<hbm>>)
      tpu.yield
    }) : () -> ()
    %mul3A_169 = arith.constant 128 : i32
    %mul3A_170 = arith.muli %add3A_55, %mul3A_169 : i32
    %add3A_171 = arith.constant 48 : i32
    %add3A_172 = arith.addi %mul3A_170, %add3A_171 : i32
    %parallel_loop3A_173 = arith.constant 0 : i32
    %parallel_loop3A_174 = arith.constant 8192 : i32
    %parallel_loop3A_175 = arith.constant 16 : i32
    scf.for %parallel_loop3A_627 = %parallel_loop3A_173 to %parallel_loop3A_174 step %parallel_loop3A_175  : i32 {
      %parallel_loop3A_628 = arith.constant 24576 : i32
      %parallel_loop3A_629 = arith.addi %parallel_loop3A_628, %parallel_loop3A_627 : i32
      %parallel_loop3A_630 = arith.index_cast %parallel_loop3A_629 : i32 to index
      %parallel_loop3A_631 = tpu.vector_load %arg8[%parallel_loop3A_630] {strides = array<i32>} : memref<65536xi32, #tpu.memory_space<vmem>>, vector<16xi32>,
      %parallel_loop3A_632 = arith.constant 0 : i32
      %parallel_loop3A_633 = vector.broadcast %parallel_loop3A_632 : i32 to vector<16xi32>
      %parallel_loop3A_634 = arith.cmpi sge, %parallel_loop3A_631, %parallel_loop3A_633 : vector<16xi32>
      %parallel_loop3A_635 = arith.constant 0 : i32
      %parallel_loop3A_636 = vector.broadcast %parallel_loop3A_635 : i32 to vector<16xi32>
      %parallel_loop3A_637 = arith.select %parallel_loop3A_634, %parallel_loop3A_631, %parallel_loop3A_636 : vector<16xi1>, vector<16xi32>
      %parallel_loop3A_638 = tpu.vector_load_idx %arg5[%parallel_loop3A_637] : memref<1024xf32, #tpu.memory_space<vmem>>[vector<16xi32>], vector<16xf32>,
      %parallel_loop3A_639 = tpu.vector_load_idx %arg6[%parallel_loop3A_637] : memref<1024xf32, #tpu.memory_space<vmem>>[vector<16xi32>], vector<16xf32>,
      %parallel_loop3A_640 = arith.constant 511 : i32
      %parallel_loop3A_641 = arith.andi %parallel_loop3A_627, %parallel_loop3A_640 : i32
      %parallel_loop3A_642 = arith.index_cast %parallel_loop3A_641 : i32 to index
      %parallel_loop3A_643 = tpu.vector_load %arg15[%parallel_loop3A_642] {strides = array<i32>} : memref<512xf32, #tpu.memory_space<vmem>>, vector<16xf32>,
      %parallel_loop3A_644 = arith.constant 9 : i32
      %parallel_loop3A_645 = arith.shrsi %parallel_loop3A_627, %parallel_loop3A_644 : i32
      %parallel_loop3A_646 = arith.addi %add3A_172, %parallel_loop3A_645 : i32
      %parallel_loop3A_647 = arith.sitofp %parallel_loop3A_646 : i32 to f32
      %parallel_loop3A_648 = arith.constant 0.001953125 : f32
      %parallel_loop3A_649 = arith.mulf %parallel_loop3A_647, %parallel_loop3A_648 : f32
      %parallel_loop3A_650 = vector.broadcast %parallel_loop3A_649 : f32 to vector<16xf32>
      %parallel_loop3A_651 = arith.select %parallel_loop3A_634, %broadcast_in_dim3A_31, %broadcast_in_dim3A_33 : vector<16xi1>, vector<16xf32>
      %parallel_loop3A_652 = arith.index_cast %parallel_loop3A_627 : i32 to index
      %parallel_loop3A_653 = tpu.vector_load %arg12[%parallel_loop3A_652] {strides = array<i32>} : memref<8192xf32, #tpu.memory_space<vmem>>, vector<16xf32>,
      tpu.vector_store %arg12[%parallel_loop3A_652], %parallel_loop3A_651 {strides = array<i32>} : memref<8192xf32, #tpu.memory_space<vmem>>, vector<16xf32>,
      %parallel_loop3A_654 = arith.select %parallel_loop3A_634, %parallel_loop3A_638, %parallel_loop3A_643 : vector<16xi1>, vector<16xf32>
      %parallel_loop3A_655 = arith.index_cast %parallel_loop3A_627 : i32 to index
      %parallel_loop3A_656 = tpu.vector_load %arg13[%parallel_loop3A_655] {strides = array<i32>} : memref<8192xf32, #tpu.memory_space<vmem>>, vector<16xf32>,
      tpu.vector_store %arg13[%parallel_loop3A_655], %parallel_loop3A_654 {strides = array<i32>} : memref<8192xf32, #tpu.memory_space<vmem>>, vector<16xf32>,
      %parallel_loop3A_657 = arith.select %parallel_loop3A_634, %parallel_loop3A_639, %parallel_loop3A_650 : vector<16xi1>, vector<16xf32>
      %parallel_loop3A_658 = arith.index_cast %parallel_loop3A_627 : i32 to index
      %parallel_loop3A_659 = tpu.vector_load %arg14[%parallel_loop3A_658] {strides = array<i32>} : memref<8192xf32, #tpu.memory_space<vmem>>, vector<16xf32>,
      tpu.vector_store %arg14[%parallel_loop3A_658], %parallel_loop3A_657 {strides = array<i32>} : memref<8192xf32, #tpu.memory_space<vmem>>, vector<16xf32>,
    } {sc.loop_unroll_factor = 4 : i64, sc.parallel_access}
    %mul3A_176 = arith.constant 3 : i32
    %mul3A_177 = arith.muli %select_n3A, %mul3A_176 : i32
    %add3A_178 = arith.constant 0 : i32
    %add3A_179 = arith.addi %mul3A_177, %add3A_178 : i32
    %mul3A_180 = arith.constant 512 : i32
    %mul3A_181 = arith.muli %add3A_179, %mul3A_180 : i32
    %add3A_182 = arith.addi %mul3A_181, %add3A_172 : i32
    %mul3A_183 = arith.constant 512 : i32
    %mul3A_184 = arith.muli %add3A_182, %mul3A_183 : i32
    "tpu.region"() ({
      %run_scoped3A = tpu.sem_alloc : memref<!tpu.dma_semaphore, #tpu.memory_space<semaphore_mem>>
      %dma_start3A = tpu.memref_slice %arg3[%mul3A_184] : memref<12582912xf32, #tpu.memory_space<hbm>> -> memref<8192xf32, #tpu.memory_space<hbm>>
      %dma_start3A_627 = tpu.memref_slice %arg3[%mul3A_184] : memref<12582912xf32, #tpu.memory_space<hbm>> -> memref<8192xf32, #tpu.memory_space<hbm>>
      tpu.enqueue_dma source(%arg12 : memref<8192xf32, #tpu.memory_space<vmem>>) target(%dma_start3A_627 : memref<8192xf32, #tpu.memory_space<hbm>>) target_semaphore(%run_scoped3A : memref<!tpu.dma_semaphore, #tpu.memory_space<semaphore_mem>>)
      %dma_wait3A = tpu.memref_slice %arg3[%mul3A_184] : memref<12582912xf32, #tpu.memory_space<hbm>> -> memref<8192xf32, #tpu.memory_space<hbm>>
      %dma_wait3A_628 = tpu.memref_slice %arg3[%mul3A_184] : memref<12582912xf32, #tpu.memory_space<hbm>> -> memref<8192xf32, #tpu.memory_space<hbm>>
      tpu.wait_dma2 semaphore(%run_scoped3A : memref<!tpu.dma_semaphore, #tpu.memory_space<semaphore_mem>>) src(%arg12 : memref<8192xf32, #tpu.memory_space<vmem>>) dst(%dma_wait3A_628 : memref<8192xf32, #tpu.memory_space<hbm>>)
      tpu.yield
    }) : () -> ()
    %mul3A_185 = arith.constant 3 : i32
    %mul3A_186 = arith.muli %select_n3A, %mul3A_185 : i32
    %add3A_187 = arith.constant 1 : i32
    %add3A_188 = arith.addi %mul3A_186, %add3A_187 : i32
    %mul3A_189 = arith.constant 512 : i32
    %mul3A_190 = arith.muli %add3A_188, %mul3A_189 : i32
    %add3A_191 = arith.addi %mul3A_190, %add3A_172 : i32
    %mul3A_192 = arith.constant 512 : i32
    %mul3A_193 = arith.muli %add3A_191, %mul3A_192 : i32
    "tpu.region"() ({
      %run_scoped3A = tpu.sem_alloc : memref<!tpu.dma_semaphore, #tpu.memory_space<semaphore_mem>>
      %dma_start3A = tpu.memref_slice %arg3[%mul3A_193] : memref<12582912xf32, #tpu.memory_space<hbm>> -> memref<8192xf32, #tpu.memory_space<hbm>>
      %dma_start3A_627 = tpu.memref_slice %arg3[%mul3A_193] : memref<12582912xf32, #tpu.memory_space<hbm>> -> memref<8192xf32, #tpu.memory_space<hbm>>
      tpu.enqueue_dma source(%arg13 : memref<8192xf32, #tpu.memory_space<vmem>>) target(%dma_start3A_627 : memref<8192xf32, #tpu.memory_space<hbm>>) target_semaphore(%run_scoped3A : memref<!tpu.dma_semaphore, #tpu.memory_space<semaphore_mem>>)
      %dma_wait3A = tpu.memref_slice %arg3[%mul3A_193] : memref<12582912xf32, #tpu.memory_space<hbm>> -> memref<8192xf32, #tpu.memory_space<hbm>>
      %dma_wait3A_628 = tpu.memref_slice %arg3[%mul3A_193] : memref<12582912xf32, #tpu.memory_space<hbm>> -> memref<8192xf32, #tpu.memory_space<hbm>>
      tpu.wait_dma2 semaphore(%run_scoped3A : memref<!tpu.dma_semaphore, #tpu.memory_space<semaphore_mem>>) src(%arg13 : memref<8192xf32, #tpu.memory_space<vmem>>) dst(%dma_wait3A_628 : memref<8192xf32, #tpu.memory_space<hbm>>)
      tpu.yield
    }) : () -> ()
    %mul3A_194 = arith.constant 3 : i32
    %mul3A_195 = arith.muli %select_n3A, %mul3A_194 : i32
    %add3A_196 = arith.constant 2 : i32
    %add3A_197 = arith.addi %mul3A_195, %add3A_196 : i32
    %mul3A_198 = arith.constant 512 : i32
    %mul3A_199 = arith.muli %add3A_197, %mul3A_198 : i32
    %add3A_200 = arith.addi %mul3A_199, %add3A_172 : i32
    %mul3A_201 = arith.constant 512 : i32
    %mul3A_202 = arith.muli %add3A_200, %mul3A_201 : i32
    "tpu.region"() ({
      %run_scoped3A = tpu.sem_alloc : memref<!tpu.dma_semaphore, #tpu.memory_space<semaphore_mem>>
      %dma_start3A = tpu.memref_slice %arg3[%mul3A_202] : memref<12582912xf32, #tpu.memory_space<hbm>> -> memref<8192xf32, #tpu.memory_space<hbm>>
      %dma_start3A_627 = tpu.memref_slice %arg3[%mul3A_202] : memref<12582912xf32, #tpu.memory_space<hbm>> -> memref<8192xf32, #tpu.memory_space<hbm>>
      tpu.enqueue_dma source(%arg14 : memref<8192xf32, #tpu.memory_space<vmem>>) target(%dma_start3A_627 : memref<8192xf32, #tpu.memory_space<hbm>>) target_semaphore(%run_scoped3A : memref<!tpu.dma_semaphore, #tpu.memory_space<semaphore_mem>>)
      %dma_wait3A = tpu.memref_slice %arg3[%mul3A_202] : memref<12582912xf32, #tpu.memory_space<hbm>> -> memref<8192xf32, #tpu.memory_space<hbm>>
      %dma_wait3A_628 = tpu.memref_slice %arg3[%mul3A_202] : memref<12582912xf32, #tpu.memory_space<hbm>> -> memref<8192xf32, #tpu.memory_space<hbm>>
      tpu.wait_dma2 semaphore(%run_scoped3A : memref<!tpu.dma_semaphore, #tpu.memory_space<semaphore_mem>>) src(%arg14 : memref<8192xf32, #tpu.memory_space<vmem>>) dst(%dma_wait3A_628 : memref<8192xf32, #tpu.memory_space<hbm>>)
      tpu.yield
    }) : () -> ()
    %mul3A_203 = arith.constant 128 : i32
    %mul3A_204 = arith.muli %add3A_55, %mul3A_203 : i32
    %add3A_205 = arith.constant 64 : i32
    %add3A_206 = arith.addi %mul3A_204, %add3A_205 : i32
    %parallel_loop3A_207 = arith.constant 0 : i32
    %parallel_loop3A_208 = arith.constant 8192 : i32
    %parallel_loop3A_209 = arith.constant 16 : i32
    scf.for %parallel_loop3A_627 = %parallel_loop3A_207 to %parallel_loop3A_208 step %parallel_loop3A_209  : i32 {
      %parallel_loop3A_628 = arith.constant 32768 : i32
      %parallel_loop3A_629 = arith.addi %parallel_loop3A_628, %parallel_loop3A_627 : i32
      %parallel_loop3A_630 = arith.index_cast %parallel_loop3A_629 : i32 to index
      %parallel_loop3A_631 = tpu.vector_load %arg8[%parallel_loop3A_630] {strides = array<i32>} : memref<65536xi32, #tpu.memory_space<vmem>>, vector<16xi32>,
      %parallel_loop3A_632 = arith.constant 0 : i32
      %parallel_loop3A_633 = vector.broadcast %parallel_loop3A_632 : i32 to vector<16xi32>
      %parallel_loop3A_634 = arith.cmpi sge, %parallel_loop3A_631, %parallel_loop3A_633 : vector<16xi32>
      %parallel_loop3A_635 = arith.constant 0 : i32
      %parallel_loop3A_636 = vector.broadcast %parallel_loop3A_635 : i32 to vector<16xi32>
      %parallel_loop3A_637 = arith.select %parallel_loop3A_634, %parallel_loop3A_631, %parallel_loop3A_636 : vector<16xi1>, vector<16xi32>
      %parallel_loop3A_638 = tpu.vector_load_idx %arg5[%parallel_loop3A_637] : memref<1024xf32, #tpu.memory_space<vmem>>[vector<16xi32>], vector<16xf32>,
      %parallel_loop3A_639 = tpu.vector_load_idx %arg6[%parallel_loop3A_637] : memref<1024xf32, #tpu.memory_space<vmem>>[vector<16xi32>], vector<16xf32>,
      %parallel_loop3A_640 = arith.constant 511 : i32
      %parallel_loop3A_641 = arith.andi %parallel_loop3A_627, %parallel_loop3A_640 : i32
      %parallel_loop3A_642 = arith.index_cast %parallel_loop3A_641 : i32 to index
      %parallel_loop3A_643 = tpu.vector_load %arg15[%parallel_loop3A_642] {strides = array<i32>} : memref<512xf32, #tpu.memory_space<vmem>>, vector<16xf32>,
      %parallel_loop3A_644 = arith.constant 9 : i32
      %parallel_loop3A_645 = arith.shrsi %parallel_loop3A_627, %parallel_loop3A_644 : i32
      %parallel_loop3A_646 = arith.addi %add3A_206, %parallel_loop3A_645 : i32
      %parallel_loop3A_647 = arith.sitofp %parallel_loop3A_646 : i32 to f32
      %parallel_loop3A_648 = arith.constant 0.001953125 : f32
      %parallel_loop3A_649 = arith.mulf %parallel_loop3A_647, %parallel_loop3A_648 : f32
      %parallel_loop3A_650 = vector.broadcast %parallel_loop3A_649 : f32 to vector<16xf32>
      %parallel_loop3A_651 = arith.select %parallel_loop3A_634, %broadcast_in_dim3A_31, %broadcast_in_dim3A_33 : vector<16xi1>, vector<16xf32>
      %parallel_loop3A_652 = arith.index_cast %parallel_loop3A_627 : i32 to index
      %parallel_loop3A_653 = tpu.vector_load %arg9[%parallel_loop3A_652] {strides = array<i32>} : memref<8192xf32, #tpu.memory_space<vmem>>, vector<16xf32>,
      tpu.vector_store %arg9[%parallel_loop3A_652], %parallel_loop3A_651 {strides = array<i32>} : memref<8192xf32, #tpu.memory_space<vmem>>, vector<16xf32>,
      %parallel_loop3A_654 = arith.select %parallel_loop3A_634, %parallel_loop3A_638, %parallel_loop3A_643 : vector<16xi1>, vector<16xf32>
      %parallel_loop3A_655 = arith.index_cast %parallel_loop3A_627 : i32 to index
      %parallel_loop3A_656 = tpu.vector_load %arg10[%parallel_loop3A_655] {strides = array<i32>} : memref<8192xf32, #tpu.memory_space<vmem>>, vector<16xf32>,
      tpu.vector_store %arg10[%parallel_loop3A_655], %parallel_loop3A_654 {strides = array<i32>} : memref<8192xf32, #tpu.memory_space<vmem>>, vector<16xf32>,
      %parallel_loop3A_657 = arith.select %parallel_loop3A_634, %parallel_loop3A_639, %parallel_loop3A_650 : vector<16xi1>, vector<16xf32>
      %parallel_loop3A_658 = arith.index_cast %parallel_loop3A_627 : i32 to index
      %parallel_loop3A_659 = tpu.vector_load %arg11[%parallel_loop3A_658] {strides = array<i32>} : memref<8192xf32, #tpu.memory_space<vmem>>, vector<16xf32>,
      tpu.vector_store %arg11[%parallel_loop3A_658], %parallel_loop3A_657 {strides = array<i32>} : memref<8192xf32, #tpu.memory_space<vmem>>, vector<16xf32>,
    } {sc.loop_unroll_factor = 4 : i64, sc.parallel_access}
    %mul3A_210 = arith.constant 3 : i32
    %mul3A_211 = arith.muli %select_n3A, %mul3A_210 : i32
    %add3A_212 = arith.constant 0 : i32
    %add3A_213 = arith.addi %mul3A_211, %add3A_212 : i32
    %mul3A_214 = arith.constant 512 : i32
    %mul3A_215 = arith.muli %add3A_213, %mul3A_214 : i32
    %add3A_216 = arith.addi %mul3A_215, %add3A_206 : i32
    %mul3A_217 = arith.constant 512 : i32
    %mul3A_218 = arith.muli %add3A_216, %mul3A_217 : i32
    "tpu.region"() ({
      %run_scoped3A = tpu.sem_alloc : memref<!tpu.dma_semaphore, #tpu.memory_space<semaphore_mem>>
      %dma_start3A = tpu.memref_slice %arg3[%mul3A_218] : memref<12582912xf32, #tpu.memory_space<hbm>> -> memref<8192xf32, #tpu.memory_space<hbm>>
      %dma_start3A_627 = tpu.memref_slice %arg3[%mul3A_218] : memref<12582912xf32, #tpu.memory_space<hbm>> -> memref<8192xf32, #tpu.memory_space<hbm>>
      tpu.enqueue_dma source(%arg9 : memref<8192xf32, #tpu.memory_space<vmem>>) target(%dma_start3A_627 : memref<8192xf32, #tpu.memory_space<hbm>>) target_semaphore(%run_scoped3A : memref<!tpu.dma_semaphore, #tpu.memory_space<semaphore_mem>>)
      %dma_wait3A = tpu.memref_slice %arg3[%mul3A_218] : memref<12582912xf32, #tpu.memory_space<hbm>> -> memref<8192xf32, #tpu.memory_space<hbm>>
      %dma_wait3A_628 = tpu.memref_slice %arg3[%mul3A_218] : memref<12582912xf32, #tpu.memory_space<hbm>> -> memref<8192xf32, #tpu.memory_space<hbm>>
      tpu.wait_dma2 semaphore(%run_scoped3A : memref<!tpu.dma_semaphore, #tpu.memory_space<semaphore_mem>>) src(%arg9 : memref<8192xf32, #tpu.memory_space<vmem>>) dst(%dma_wait3A_628 : memref<8192xf32, #tpu.memory_space<hbm>>)
      tpu.yield
    }) : () -> ()
    %mul3A_219 = arith.constant 3 : i32
    %mul3A_220 = arith.muli %select_n3A, %mul3A_219 : i32
    %add3A_221 = arith.constant 1 : i32
    %add3A_222 = arith.addi %mul3A_220, %add3A_221 : i32
    %mul3A_223 = arith.constant 512 : i32
    %mul3A_224 = arith.muli %add3A_222, %mul3A_223 : i32
    %add3A_225 = arith.addi %mul3A_224, %add3A_206 : i32
    %mul3A_226 = arith.constant 512 : i32
    %mul3A_227 = arith.muli %add3A_225, %mul3A_226 : i32
    "tpu.region"() ({
      %run_scoped3A = tpu.sem_alloc : memref<!tpu.dma_semaphore, #tpu.memory_space<semaphore_mem>>
      %dma_start3A = tpu.memref_slice %arg3[%mul3A_227] : memref<12582912xf32, #tpu.memory_space<hbm>> -> memref<8192xf32, #tpu.memory_space<hbm>>
      %dma_start3A_627 = tpu.memref_slice %arg3[%mul3A_227] : memref<12582912xf32, #tpu.memory_space<hbm>> -> memref<8192xf32, #tpu.memory_space<hbm>>
      tpu.enqueue_dma source(%arg10 : memref<8192xf32, #tpu.memory_space<vmem>>) target(%dma_start3A_627 : memref<8192xf32, #tpu.memory_space<hbm>>) target_semaphore(%run_scoped3A : memref<!tpu.dma_semaphore, #tpu.memory_space<semaphore_mem>>)
      %dma_wait3A = tpu.memref_slice %arg3[%mul3A_227] : memref<12582912xf32, #tpu.memory_space<hbm>> -> memref<8192xf32, #tpu.memory_space<hbm>>
      %dma_wait3A_628 = tpu.memref_slice %arg3[%mul3A_227] : memref<12582912xf32, #tpu.memory_space<hbm>> -> memref<8192xf32, #tpu.memory_space<hbm>>
      tpu.wait_dma2 semaphore(%run_scoped3A : memref<!tpu.dma_semaphore, #tpu.memory_space<semaphore_mem>>) src(%arg10 : memref<8192xf32, #tpu.memory_space<vmem>>) dst(%dma_wait3A_628 : memref<8192xf32, #tpu.memory_space<hbm>>)
      tpu.yield
    }) : () -> ()
    %mul3A_228 = arith.constant 3 : i32
    %mul3A_229 = arith.muli %select_n3A, %mul3A_228 : i32
    %add3A_230 = arith.constant 2 : i32
    %add3A_231 = arith.addi %mul3A_229, %add3A_230 : i32
    %mul3A_232 = arith.constant 512 : i32
    %mul3A_233 = arith.muli %add3A_231, %mul3A_232 : i32
    %add3A_234 = arith.addi %mul3A_233, %add3A_206 : i32
    %mul3A_235 = arith.constant 512 : i32
    %mul3A_236 = arith.muli %add3A_234, %mul3A_235 : i32
    "tpu.region"() ({
      %run_scoped3A = tpu.sem_alloc : memref<!tpu.dma_semaphore, #tpu.memory_space<semaphore_mem>>
      %dma_start3A = tpu.memref_slice %arg3[%mul3A_236] : memref<12582912xf32, #tpu.memory_space<hbm>> -> memref<8192xf32, #tpu.memory_space<hbm>>
      %dma_start3A_627 = tpu.memref_slice %arg3[%mul3A_236] : memref<12582912xf32, #tpu.memory_space<hbm>> -> memref<8192xf32, #tpu.memory_space<hbm>>
      tpu.enqueue_dma source(%arg11 : memref<8192xf32, #tpu.memory_space<vmem>>) target(%dma_start3A_627 : memref<8192xf32, #tpu.memory_space<hbm>>) target_semaphore(%run_scoped3A : memref<!tpu.dma_semaphore, #tpu.memory_space<semaphore_mem>>)
      %dma_wait3A = tpu.memref_slice %arg3[%mul3A_236] : memref<12582912xf32, #tpu.memory_space<hbm>> -> memref<8192xf32, #tpu.memory_space<hbm>>
      %dma_wait3A_628 = tpu.memref_slice %arg3[%mul3A_236] : memref<12582912xf32, #tpu.memory_space<hbm>> -> memref<8192xf32, #tpu.memory_space<hbm>>
      tpu.wait_dma2 semaphore(%run_scoped3A : memref<!tpu.dma_semaphore, #tpu.memory_space<semaphore_mem>>) src(%arg11 : memref<8192xf32, #tpu.memory_space<vmem>>) dst(%dma_wait3A_628 : memref<8192xf32, #tpu.memory_space<hbm>>)
      tpu.yield
    }) : () -> ()
    %mul3A_237 = arith.constant 128 : i32
    %mul3A_238 = arith.muli %add3A_55, %mul3A_237 : i32
    %add3A_239 = arith.constant 80 : i32
    %add3A_240 = arith.addi %mul3A_238, %add3A_239 : i32
    %parallel_loop3A_241 = arith.constant 0 : i32
    %parallel_loop3A_242 = arith.constant 8192 : i32
    %parallel_loop3A_243 = arith.constant 16 : i32
    scf.for %parallel_loop3A_627 = %parallel_loop3A_241 to %parallel_loop3A_242 step %parallel_loop3A_243  : i32 {
      %parallel_loop3A_628 = arith.constant 40960 : i32
      %parallel_loop3A_629 = arith.addi %parallel_loop3A_628, %parallel_loop3A_627 : i32
      %parallel_loop3A_630 = arith.index_cast %parallel_loop3A_629 : i32 to index
      %parallel_loop3A_631 = tpu.vector_load %arg8[%parallel_loop3A_630] {strides = array<i32>} : memref<65536xi32, #tpu.memory_space<vmem>>, vector<16xi32>,
      %parallel_loop3A_632 = arith.constant 0 : i32
      %parallel_loop3A_633 = vector.broadcast %parallel_loop3A_632 : i32 to vector<16xi32>
      %parallel_loop3A_634 = arith.cmpi sge, %parallel_loop3A_631, %parallel_loop3A_633 : vector<16xi32>
      %parallel_loop3A_635 = arith.constant 0 : i32
      %parallel_loop3A_636 = vector.broadcast %parallel_loop3A_635 : i32 to vector<16xi32>
      %parallel_loop3A_637 = arith.select %parallel_loop3A_634, %parallel_loop3A_631, %parallel_loop3A_636 : vector<16xi1>, vector<16xi32>
      %parallel_loop3A_638 = tpu.vector_load_idx %arg5[%parallel_loop3A_637] : memref<1024xf32, #tpu.memory_space<vmem>>[vector<16xi32>], vector<16xf32>,
      %parallel_loop3A_639 = tpu.vector_load_idx %arg6[%parallel_loop3A_637] : memref<1024xf32, #tpu.memory_space<vmem>>[vector<16xi32>], vector<16xf32>,
      %parallel_loop3A_640 = arith.constant 511 : i32
      %parallel_loop3A_641 = arith.andi %parallel_loop3A_627, %parallel_loop3A_640 : i32
      %parallel_loop3A_642 = arith.index_cast %parallel_loop3A_641 : i32 to index
      %parallel_loop3A_643 = tpu.vector_load %arg15[%parallel_loop3A_642] {strides = array<i32>} : memref<512xf32, #tpu.memory_space<vmem>>, vector<16xf32>,
      %parallel_loop3A_644 = arith.constant 9 : i32
      %parallel_loop3A_645 = arith.shrsi %parallel_loop3A_627, %parallel_loop3A_644 : i32
      %parallel_loop3A_646 = arith.addi %add3A_240, %parallel_loop3A_645 : i32
      %parallel_loop3A_647 = arith.sitofp %parallel_loop3A_646 : i32 to f32
      %parallel_loop3A_648 = arith.constant 0.001953125 : f32
      %parallel_loop3A_649 = arith.mulf %parallel_loop3A_647, %parallel_loop3A_648 : f32
      %parallel_loop3A_650 = vector.broadcast %parallel_loop3A_649 : f32 to vector<16xf32>
      %parallel_loop3A_651 = arith.select %parallel_loop3A_634, %broadcast_in_dim3A_31, %broadcast_in_dim3A_33 : vector<16xi1>, vector<16xf32>
      %parallel_loop3A_652 = arith.index_cast %parallel_loop3A_627 : i32 to index
      %parallel_loop3A_653 = tpu.vector_load %arg12[%parallel_loop3A_652] {strides = array<i32>} : memref<8192xf32, #tpu.memory_space<vmem>>, vector<16xf32>,
      tpu.vector_store %arg12[%parallel_loop3A_652], %parallel_loop3A_651 {strides = array<i32>} : memref<8192xf32, #tpu.memory_space<vmem>>, vector<16xf32>,
      %parallel_loop3A_654 = arith.select %parallel_loop3A_634, %parallel_loop3A_638, %parallel_loop3A_643 : vector<16xi1>, vector<16xf32>
      %parallel_loop3A_655 = arith.index_cast %parallel_loop3A_627 : i32 to index
      %parallel_loop3A_656 = tpu.vector_load %arg13[%parallel_loop3A_655] {strides = array<i32>} : memref<8192xf32, #tpu.memory_space<vmem>>, vector<16xf32>,
      tpu.vector_store %arg13[%parallel_loop3A_655], %parallel_loop3A_654 {strides = array<i32>} : memref<8192xf32, #tpu.memory_space<vmem>>, vector<16xf32>,
      %parallel_loop3A_657 = arith.select %parallel_loop3A_634, %parallel_loop3A_639, %parallel_loop3A_650 : vector<16xi1>, vector<16xf32>
      %parallel_loop3A_658 = arith.index_cast %parallel_loop3A_627 : i32 to index
      %parallel_loop3A_659 = tpu.vector_load %arg14[%parallel_loop3A_658] {strides = array<i32>} : memref<8192xf32, #tpu.memory_space<vmem>>, vector<16xf32>,
      tpu.vector_store %arg14[%parallel_loop3A_658], %parallel_loop3A_657 {strides = array<i32>} : memref<8192xf32, #tpu.memory_space<vmem>>, vector<16xf32>,
    } {sc.loop_unroll_factor = 4 : i64, sc.parallel_access}
    %mul3A_244 = arith.constant 3 : i32
    %mul3A_245 = arith.muli %select_n3A, %mul3A_244 : i32
    %add3A_246 = arith.constant 0 : i32
    %add3A_247 = arith.addi %mul3A_245, %add3A_246 : i32
    %mul3A_248 = arith.constant 512 : i32
    %mul3A_249 = arith.muli %add3A_247, %mul3A_248 : i32
    %add3A_250 = arith.addi %mul3A_249, %add3A_240 : i32
    %mul3A_251 = arith.constant 512 : i32
    %mul3A_252 = arith.muli %add3A_250, %mul3A_251 : i32
    "tpu.region"() ({
      %run_scoped3A = tpu.sem_alloc : memref<!tpu.dma_semaphore, #tpu.memory_space<semaphore_mem>>
      %dma_start3A = tpu.memref_slice %arg3[%mul3A_252] : memref<12582912xf32, #tpu.memory_space<hbm>> -> memref<8192xf32, #tpu.memory_space<hbm>>
      %dma_start3A_627 = tpu.memref_slice %arg3[%mul3A_252] : memref<12582912xf32, #tpu.memory_space<hbm>> -> memref<8192xf32, #tpu.memory_space<hbm>>
      tpu.enqueue_dma source(%arg12 : memref<8192xf32, #tpu.memory_space<vmem>>) target(%dma_start3A_627 : memref<8192xf32, #tpu.memory_space<hbm>>) target_semaphore(%run_scoped3A : memref<!tpu.dma_semaphore, #tpu.memory_space<semaphore_mem>>)
      %dma_wait3A = tpu.memref_slice %arg3[%mul3A_252] : memref<12582912xf32, #tpu.memory_space<hbm>> -> memref<8192xf32, #tpu.memory_space<hbm>>
      %dma_wait3A_628 = tpu.memref_slice %arg3[%mul3A_252] : memref<12582912xf32, #tpu.memory_space<hbm>> -> memref<8192xf32, #tpu.memory_space<hbm>>
      tpu.wait_dma2 semaphore(%run_scoped3A : memref<!tpu.dma_semaphore, #tpu.memory_space<semaphore_mem>>) src(%arg12 : memref<8192xf32, #tpu.memory_space<vmem>>) dst(%dma_wait3A_628 : memref<8192xf32, #tpu.memory_space<hbm>>)
      tpu.yield
    }) : () -> ()
    %mul3A_253 = arith.constant 3 : i32
    %mul3A_254 = arith.muli %select_n3A, %mul3A_253 : i32
    %add3A_255 = arith.constant 1 : i32
    %add3A_256 = arith.addi %mul3A_254, %add3A_255 : i32
    %mul3A_257 = arith.constant 512 : i32
    %mul3A_258 = arith.muli %add3A_256, %mul3A_257 : i32
    %add3A_259 = arith.addi %mul3A_258, %add3A_240 : i32
    %mul3A_260 = arith.constant 512 : i32
    %mul3A_261 = arith.muli %add3A_259, %mul3A_260 : i32
    "tpu.region"() ({
      %run_scoped3A = tpu.sem_alloc : memref<!tpu.dma_semaphore, #tpu.memory_space<semaphore_mem>>
      %dma_start3A = tpu.memref_slice %arg3[%mul3A_261] : memref<12582912xf32, #tpu.memory_space<hbm>> -> memref<8192xf32, #tpu.memory_space<hbm>>
      %dma_start3A_627 = tpu.memref_slice %arg3[%mul3A_261] : memref<12582912xf32, #tpu.memory_space<hbm>> -> memref<8192xf32, #tpu.memory_space<hbm>>
      tpu.enqueue_dma source(%arg13 : memref<8192xf32, #tpu.memory_space<vmem>>) target(%dma_start3A_627 : memref<8192xf32, #tpu.memory_space<hbm>>) target_semaphore(%run_scoped3A : memref<!tpu.dma_semaphore, #tpu.memory_space<semaphore_mem>>)
      %dma_wait3A = tpu.memref_slice %arg3[%mul3A_261] : memref<12582912xf32, #tpu.memory_space<hbm>> -> memref<8192xf32, #tpu.memory_space<hbm>>
      %dma_wait3A_628 = tpu.memref_slice %arg3[%mul3A_261] : memref<12582912xf32, #tpu.memory_space<hbm>> -> memref<8192xf32, #tpu.memory_space<hbm>>
      tpu.wait_dma2 semaphore(%run_scoped3A : memref<!tpu.dma_semaphore, #tpu.memory_space<semaphore_mem>>) src(%arg13 : memref<8192xf32, #tpu.memory_space<vmem>>) dst(%dma_wait3A_628 : memref<8192xf32, #tpu.memory_space<hbm>>)
      tpu.yield
    }) : () -> ()
    %mul3A_262 = arith.constant 3 : i32
    %mul3A_263 = arith.muli %select_n3A, %mul3A_262 : i32
    %add3A_264 = arith.constant 2 : i32
    %add3A_265 = arith.addi %mul3A_263, %add3A_264 : i32
    %mul3A_266 = arith.constant 512 : i32
    %mul3A_267 = arith.muli %add3A_265, %mul3A_266 : i32
    %add3A_268 = arith.addi %mul3A_267, %add3A_240 : i32
    %mul3A_269 = arith.constant 512 : i32
    %mul3A_270 = arith.muli %add3A_268, %mul3A_269 : i32
    "tpu.region"() ({
      %run_scoped3A = tpu.sem_alloc : memref<!tpu.dma_semaphore, #tpu.memory_space<semaphore_mem>>
      %dma_start3A = tpu.memref_slice %arg3[%mul3A_270] : memref<12582912xf32, #tpu.memory_space<hbm>> -> memref<8192xf32, #tpu.memory_space<hbm>>
      %dma_start3A_627 = tpu.memref_slice %arg3[%mul3A_270] : memref<12582912xf32, #tpu.memory_space<hbm>> -> memref<8192xf32, #tpu.memory_space<hbm>>
      tpu.enqueue_dma source(%arg14 : memref<8192xf32, #tpu.memory_space<vmem>>) target(%dma_start3A_627 : memref<8192xf32, #tpu.memory_space<hbm>>) target_semaphore(%run_scoped3A : memref<!tpu.dma_semaphore, #tpu.memory_space<semaphore_mem>>)
      %dma_wait3A = tpu.memref_slice %arg3[%mul3A_270] : memref<12582912xf32, #tpu.memory_space<hbm>> -> memref<8192xf32, #tpu.memory_space<hbm>>
      %dma_wait3A_628 = tpu.memref_slice %arg3[%mul3A_270] : memref<12582912xf32, #tpu.memory_space<hbm>> -> memref<8192xf32, #tpu.memory_space<hbm>>
      tpu.wait_dma2 semaphore(%run_scoped3A : memref<!tpu.dma_semaphore, #tpu.memory_space<semaphore_mem>>) src(%arg14 : memref<8192xf32, #tpu.memory_space<vmem>>) dst(%dma_wait3A_628 : memref<8192xf32, #tpu.memory_space<hbm>>)
      tpu.yield
    }) : () -> ()
    %mul3A_271 = arith.constant 128 : i32
    %mul3A_272 = arith.muli %add3A_55, %mul3A_271 : i32
    %add3A_273 = arith.constant 96 : i32
    %add3A_274 = arith.addi %mul3A_272, %add3A_273 : i32
    %parallel_loop3A_275 = arith.constant 0 : i32
    %parallel_loop3A_276 = arith.constant 8192 : i32
    %parallel_loop3A_277 = arith.constant 16 : i32
    scf.for %parallel_loop3A_627 = %parallel_loop3A_275 to %parallel_loop3A_276 step %parallel_loop3A_277  : i32 {
      %parallel_loop3A_628 = arith.constant 49152 : i32
      %parallel_loop3A_629 = arith.addi %parallel_loop3A_628, %parallel_loop3A_627 : i32
      %parallel_loop3A_630 = arith.index_cast %parallel_loop3A_629 : i32 to index
      %parallel_loop3A_631 = tpu.vector_load %arg8[%parallel_loop3A_630] {strides = array<i32>} : memref<65536xi32, #tpu.memory_space<vmem>>, vector<16xi32>,
      %parallel_loop3A_632 = arith.constant 0 : i32
      %parallel_loop3A_633 = vector.broadcast %parallel_loop3A_632 : i32 to vector<16xi32>
      %parallel_loop3A_634 = arith.cmpi sge, %parallel_loop3A_631, %parallel_loop3A_633 : vector<16xi32>
      %parallel_loop3A_635 = arith.constant 0 : i32
      %parallel_loop3A_636 = vector.broadcast %parallel_loop3A_635 : i32 to vector<16xi32>
      %parallel_loop3A_637 = arith.select %parallel_loop3A_634, %parallel_loop3A_631, %parallel_loop3A_636 : vector<16xi1>, vector<16xi32>
      %parallel_loop3A_638 = tpu.vector_load_idx %arg5[%parallel_loop3A_637] : memref<1024xf32, #tpu.memory_space<vmem>>[vector<16xi32>], vector<16xf32>,
      %parallel_loop3A_639 = tpu.vector_load_idx %arg6[%parallel_loop3A_637] : memref<1024xf32, #tpu.memory_space<vmem>>[vector<16xi32>], vector<16xf32>,
      %parallel_loop3A_640 = arith.constant 511 : i32
      %parallel_loop3A_641 = arith.andi %parallel_loop3A_627, %parallel_loop3A_640 : i32
      %parallel_loop3A_642 = arith.index_cast %parallel_loop3A_641 : i32 to index
      %parallel_loop3A_643 = tpu.vector_load %arg15[%parallel_loop3A_642] {strides = array<i32>} : memref<512xf32, #tpu.memory_space<vmem>>, vector<16xf32>,
      %parallel_loop3A_644 = arith.constant 9 : i32
      %parallel_loop3A_645 = arith.shrsi %parallel_loop3A_627, %parallel_loop3A_644 : i32
      %parallel_loop3A_646 = arith.addi %add3A_274, %parallel_loop3A_645 : i32
      %parallel_loop3A_647 = arith.sitofp %parallel_loop3A_646 : i32 to f32
      %parallel_loop3A_648 = arith.constant 0.001953125 : f32
      %parallel_loop3A_649 = arith.mulf %parallel_loop3A_647, %parallel_loop3A_648 : f32
      %parallel_loop3A_650 = vector.broadcast %parallel_loop3A_649 : f32 to vector<16xf32>
      %parallel_loop3A_651 = arith.select %parallel_loop3A_634, %broadcast_in_dim3A_31, %broadcast_in_dim3A_33 : vector<16xi1>, vector<16xf32>
      %parallel_loop3A_652 = arith.index_cast %parallel_loop3A_627 : i32 to index
      %parallel_loop3A_653 = tpu.vector_load %arg9[%parallel_loop3A_652] {strides = array<i32>} : memref<8192xf32, #tpu.memory_space<vmem>>, vector<16xf32>,
      tpu.vector_store %arg9[%parallel_loop3A_652], %parallel_loop3A_651 {strides = array<i32>} : memref<8192xf32, #tpu.memory_space<vmem>>, vector<16xf32>,
      %parallel_loop3A_654 = arith.select %parallel_loop3A_634, %parallel_loop3A_638, %parallel_loop3A_643 : vector<16xi1>, vector<16xf32>
      %parallel_loop3A_655 = arith.index_cast %parallel_loop3A_627 : i32 to index
      %parallel_loop3A_656 = tpu.vector_load %arg10[%parallel_loop3A_655] {strides = array<i32>} : memref<8192xf32, #tpu.memory_space<vmem>>, vector<16xf32>,
      tpu.vector_store %arg10[%parallel_loop3A_655], %parallel_loop3A_654 {strides = array<i32>} : memref<8192xf32, #tpu.memory_space<vmem>>, vector<16xf32>,
      %parallel_loop3A_657 = arith.select %parallel_loop3A_634, %parallel_loop3A_639, %parallel_loop3A_650 : vector<16xi1>, vector<16xf32>
      %parallel_loop3A_658 = arith.index_cast %parallel_loop3A_627 : i32 to index
      %parallel_loop3A_659 = tpu.vector_load %arg11[%parallel_loop3A_658] {strides = array<i32>} : memref<8192xf32, #tpu.memory_space<vmem>>, vector<16xf32>,
      tpu.vector_store %arg11[%parallel_loop3A_658], %parallel_loop3A_657 {strides = array<i32>} : memref<8192xf32, #tpu.memory_space<vmem>>, vector<16xf32>,
    } {sc.loop_unroll_factor = 4 : i64, sc.parallel_access}
    %mul3A_278 = arith.constant 3 : i32
    %mul3A_279 = arith.muli %select_n3A, %mul3A_278 : i32
    %add3A_280 = arith.constant 0 : i32
    %add3A_281 = arith.addi %mul3A_279, %add3A_280 : i32
    %mul3A_282 = arith.constant 512 : i32
    %mul3A_283 = arith.muli %add3A_281, %mul3A_282 : i32
    %add3A_284 = arith.addi %mul3A_283, %add3A_274 : i32
    %mul3A_285 = arith.constant 512 : i32
    %mul3A_286 = arith.muli %add3A_284, %mul3A_285 : i32
    "tpu.region"() ({
      %run_scoped3A = tpu.sem_alloc : memref<!tpu.dma_semaphore, #tpu.memory_space<semaphore_mem>>
      %dma_start3A = tpu.memref_slice %arg3[%mul3A_286] : memref<12582912xf32, #tpu.memory_space<hbm>> -> memref<8192xf32, #tpu.memory_space<hbm>>
      %dma_start3A_627 = tpu.memref_slice %arg3[%mul3A_286] : memref<12582912xf32, #tpu.memory_space<hbm>> -> memref<8192xf32, #tpu.memory_space<hbm>>
      tpu.enqueue_dma source(%arg9 : memref<8192xf32, #tpu.memory_space<vmem>>) target(%dma_start3A_627 : memref<8192xf32, #tpu.memory_space<hbm>>) target_semaphore(%run_scoped3A : memref<!tpu.dma_semaphore, #tpu.memory_space<semaphore_mem>>)
      %dma_wait3A = tpu.memref_slice %arg3[%mul3A_286] : memref<12582912xf32, #tpu.memory_space<hbm>> -> memref<8192xf32, #tpu.memory_space<hbm>>
      %dma_wait3A_628 = tpu.memref_slice %arg3[%mul3A_286] : memref<12582912xf32, #tpu.memory_space<hbm>> -> memref<8192xf32, #tpu.memory_space<hbm>>
      tpu.wait_dma2 semaphore(%run_scoped3A : memref<!tpu.dma_semaphore, #tpu.memory_space<semaphore_mem>>) src(%arg9 : memref<8192xf32, #tpu.memory_space<vmem>>) dst(%dma_wait3A_628 : memref<8192xf32, #tpu.memory_space<hbm>>)
      tpu.yield
    }) : () -> ()
    %mul3A_287 = arith.constant 3 : i32
    %mul3A_288 = arith.muli %select_n3A, %mul3A_287 : i32
    %add3A_289 = arith.constant 1 : i32
    %add3A_290 = arith.addi %mul3A_288, %add3A_289 : i32
    %mul3A_291 = arith.constant 512 : i32
    %mul3A_292 = arith.muli %add3A_290, %mul3A_291 : i32
    %add3A_293 = arith.addi %mul3A_292, %add3A_274 : i32
    %mul3A_294 = arith.constant 512 : i32
    %mul3A_295 = arith.muli %add3A_293, %mul3A_294 : i32
    "tpu.region"() ({
      %run_scoped3A = tpu.sem_alloc : memref<!tpu.dma_semaphore, #tpu.memory_space<semaphore_mem>>
      %dma_start3A = tpu.memref_slice %arg3[%mul3A_295] : memref<12582912xf32, #tpu.memory_space<hbm>> -> memref<8192xf32, #tpu.memory_space<hbm>>
      %dma_start3A_627 = tpu.memref_slice %arg3[%mul3A_295] : memref<12582912xf32, #tpu.memory_space<hbm>> -> memref<8192xf32, #tpu.memory_space<hbm>>
      tpu.enqueue_dma source(%arg10 : memref<8192xf32, #tpu.memory_space<vmem>>) target(%dma_start3A_627 : memref<8192xf32, #tpu.memory_space<hbm>>) target_semaphore(%run_scoped3A : memref<!tpu.dma_semaphore, #tpu.memory_space<semaphore_mem>>)
      %dma_wait3A = tpu.memref_slice %arg3[%mul3A_295] : memref<12582912xf32, #tpu.memory_space<hbm>> -> memref<8192xf32, #tpu.memory_space<hbm>>
      %dma_wait3A_628 = tpu.memref_slice %arg3[%mul3A_295] : memref<12582912xf32, #tpu.memory_space<hbm>> -> memref<8192xf32, #tpu.memory_space<hbm>>
      tpu.wait_dma2 semaphore(%run_scoped3A : memref<!tpu.dma_semaphore, #tpu.memory_space<semaphore_mem>>) src(%arg10 : memref<8192xf32, #tpu.memory_space<vmem>>) dst(%dma_wait3A_628 : memref<8192xf32, #tpu.memory_space<hbm>>)
      tpu.yield
    }) : () -> ()
    %mul3A_296 = arith.constant 3 : i32
    %mul3A_297 = arith.muli %select_n3A, %mul3A_296 : i32
    %add3A_298 = arith.constant 2 : i32
    %add3A_299 = arith.addi %mul3A_297, %add3A_298 : i32
    %mul3A_300 = arith.constant 512 : i32
    %mul3A_301 = arith.muli %add3A_299, %mul3A_300 : i32
    %add3A_302 = arith.addi %mul3A_301, %add3A_274 : i32
    %mul3A_303 = arith.constant 512 : i32
    %mul3A_304 = arith.muli %add3A_302, %mul3A_303 : i32
    "tpu.region"() ({
      %run_scoped3A = tpu.sem_alloc : memref<!tpu.dma_semaphore, #tpu.memory_space<semaphore_mem>>
      %dma_start3A = tpu.memref_slice %arg3[%mul3A_304] : memref<12582912xf32, #tpu.memory_space<hbm>> -> memref<8192xf32, #tpu.memory_space<hbm>>
      %dma_start3A_627 = tpu.memref_slice %arg3[%mul3A_304] : memref<12582912xf32, #tpu.memory_space<hbm>> -> memref<8192xf32, #tpu.memory_space<hbm>>
      tpu.enqueue_dma source(%arg11 : memref<8192xf32, #tpu.memory_space<vmem>>) target(%dma_start3A_627 : memref<8192xf32, #tpu.memory_space<hbm>>) target_semaphore(%run_scoped3A : memref<!tpu.dma_semaphore, #tpu.memory_space<semaphore_mem>>)
      %dma_wait3A = tpu.memref_slice %arg3[%mul3A_304] : memref<12582912xf32, #tpu.memory_space<hbm>> -> memref<8192xf32, #tpu.memory_space<hbm>>
      %dma_wait3A_628 = tpu.memref_slice %arg3[%mul3A_304] : memref<12582912xf32, #tpu.memory_space<hbm>> -> memref<8192xf32, #tpu.memory_space<hbm>>
      tpu.wait_dma2 semaphore(%run_scoped3A : memref<!tpu.dma_semaphore, #tpu.memory_space<semaphore_mem>>) src(%arg11 : memref<8192xf32, #tpu.memory_space<vmem>>) dst(%dma_wait3A_628 : memref<8192xf32, #tpu.memory_space<hbm>>)
      tpu.yield
    }) : () -> ()
    %mul3A_305 = arith.constant 128 : i32
    %mul3A_306 = arith.muli %add3A_55, %mul3A_305 : i32
    %add3A_307 = arith.constant 112 : i32
    %add3A_308 = arith.addi %mul3A_306, %add3A_307 : i32
    %parallel_loop3A_309 = arith.constant 0 : i32
    %parallel_loop3A_310 = arith.constant 8192 : i32
    %parallel_loop3A_311 = arith.constant 16 : i32
    scf.for %parallel_loop3A_627 = %parallel_loop3A_309 to %parallel_loop3A_310 step %parallel_loop3A_311  : i32 {
      %parallel_loop3A_628 = arith.constant 57344 : i32
      %parallel_loop3A_629 = arith.addi %parallel_loop3A_628, %parallel_loop3A_627 : i32
      %parallel_loop3A_630 = arith.index_cast %parallel_loop3A_629 : i32 to index
      %parallel_loop3A_631 = tpu.vector_load %arg8[%parallel_loop3A_630] {strides = array<i32>} : memref<65536xi32, #tpu.memory_space<vmem>>, vector<16xi32>,
      %parallel_loop3A_632 = arith.constant 0 : i32
      %parallel_loop3A_633 = vector.broadcast %parallel_loop3A_632 : i32 to vector<16xi32>
      %parallel_loop3A_634 = arith.cmpi sge, %parallel_loop3A_631, %parallel_loop3A_633 : vector<16xi32>
      %parallel_loop3A_635 = arith.constant 0 : i32
      %parallel_loop3A_636 = vector.broadcast %parallel_loop3A_635 : i32 to vector<16xi32>
      %parallel_loop3A_637 = arith.select %parallel_loop3A_634, %parallel_loop3A_631, %parallel_loop3A_636 : vector<16xi1>, vector<16xi32>
      %parallel_loop3A_638 = tpu.vector_load_idx %arg5[%parallel_loop3A_637] : memref<1024xf32, #tpu.memory_space<vmem>>[vector<16xi32>], vector<16xf32>,
      %parallel_loop3A_639 = tpu.vector_load_idx %arg6[%parallel_loop3A_637] : memref<1024xf32, #tpu.memory_space<vmem>>[vector<16xi32>], vector<16xf32>,
      %parallel_loop3A_640 = arith.constant 511 : i32
      %parallel_loop3A_641 = arith.andi %parallel_loop3A_627, %parallel_loop3A_640 : i32
      %parallel_loop3A_642 = arith.index_cast %parallel_loop3A_641 : i32 to index
      %parallel_loop3A_643 = tpu.vector_load %arg15[%parallel_loop3A_642] {strides = array<i32>} : memref<512xf32, #tpu.memory_space<vmem>>, vector<16xf32>,
      %parallel_loop3A_644 = arith.constant 9 : i32
      %parallel_loop3A_645 = arith.shrsi %parallel_loop3A_627, %parallel_loop3A_644 : i32
      %parallel_loop3A_646 = arith.addi %add3A_308, %parallel_loop3A_645 : i32
      %parallel_loop3A_647 = arith.sitofp %parallel_loop3A_646 : i32 to f32
      %parallel_loop3A_648 = arith.constant 0.001953125 : f32
      %parallel_loop3A_649 = arith.mulf %parallel_loop3A_647, %parallel_loop3A_648 : f32
      %parallel_loop3A_650 = vector.broadcast %parallel_loop3A_649 : f32 to vector<16xf32>
      %parallel_loop3A_651 = arith.select %parallel_loop3A_634, %broadcast_in_dim3A_31, %broadcast_in_dim3A_33 : vector<16xi1>, vector<16xf32>
      %parallel_loop3A_652 = arith.index_cast %parallel_loop3A_627 : i32 to index
      %parallel_loop3A_653 = tpu.vector_load %arg12[%parallel_loop3A_652] {strides = array<i32>} : memref<8192xf32, #tpu.memory_space<vmem>>, vector<16xf32>,
      tpu.vector_store %arg12[%parallel_loop3A_652], %parallel_loop3A_651 {strides = array<i32>} : memref<8192xf32, #tpu.memory_space<vmem>>, vector<16xf32>,
      %parallel_loop3A_654 = arith.select %parallel_loop3A_634, %parallel_loop3A_638, %parallel_loop3A_643 : vector<16xi1>, vector<16xf32>
      %parallel_loop3A_655 = arith.index_cast %parallel_loop3A_627 : i32 to index
      %parallel_loop3A_656 = tpu.vector_load %arg13[%parallel_loop3A_655] {strides = array<i32>} : memref<8192xf32, #tpu.memory_space<vmem>>, vector<16xf32>,
      tpu.vector_store %arg13[%parallel_loop3A_655], %parallel_loop3A_654 {strides = array<i32>} : memref<8192xf32, #tpu.memory_space<vmem>>, vector<16xf32>,
      %parallel_loop3A_657 = arith.select %parallel_loop3A_634, %parallel_loop3A_639, %parallel_loop3A_650 : vector<16xi1>, vector<16xf32>
      %parallel_loop3A_658 = arith.index_cast %parallel_loop3A_627 : i32 to index
      %parallel_loop3A_659 = tpu.vector_load %arg14[%parallel_loop3A_658] {strides = array<i32>} : memref<8192xf32, #tpu.memory_space<vmem>>, vector<16xf32>,
      tpu.vector_store %arg14[%parallel_loop3A_658], %parallel_loop3A_657 {strides = array<i32>} : memref<8192xf32, #tpu.memory_space<vmem>>, vector<16xf32>,
    } {sc.loop_unroll_factor = 4 : i64, sc.parallel_access}
    %mul3A_312 = arith.constant 3 : i32
    %mul3A_313 = arith.muli %select_n3A, %mul3A_312 : i32
    %add3A_314 = arith.constant 0 : i32
    %add3A_315 = arith.addi %mul3A_313, %add3A_314 : i32
    %mul3A_316 = arith.constant 512 : i32
    %mul3A_317 = arith.muli %add3A_315, %mul3A_316 : i32
    %add3A_318 = arith.addi %mul3A_317, %add3A_308 : i32
    %mul3A_319 = arith.constant 512 : i32
    %mul3A_320 = arith.muli %add3A_318, %mul3A_319 : i32
    "tpu.region"() ({
      %run_scoped3A = tpu.sem_alloc : memref<!tpu.dma_semaphore, #tpu.memory_space<semaphore_mem>>
      %dma_start3A = tpu.memref_slice %arg3[%mul3A_320] : memref<12582912xf32, #tpu.memory_space<hbm>> -> memref<8192xf32, #tpu.memory_space<hbm>>
      %dma_start3A_627 = tpu.memref_slice %arg3[%mul3A_320] : memref<12582912xf32, #tpu.memory_space<hbm>> -> memref<8192xf32, #tpu.memory_space<hbm>>
      tpu.enqueue_dma source(%arg12 : memref<8192xf32, #tpu.memory_space<vmem>>) target(%dma_start3A_627 : memref<8192xf32, #tpu.memory_space<hbm>>) target_semaphore(%run_scoped3A : memref<!tpu.dma_semaphore, #tpu.memory_space<semaphore_mem>>)
      %dma_wait3A = tpu.memref_slice %arg3[%mul3A_320] : memref<12582912xf32, #tpu.memory_space<hbm>> -> memref<8192xf32, #tpu.memory_space<hbm>>
      %dma_wait3A_628 = tpu.memref_slice %arg3[%mul3A_320] : memref<12582912xf32, #tpu.memory_space<hbm>> -> memref<8192xf32, #tpu.memory_space<hbm>>
      tpu.wait_dma2 semaphore(%run_scoped3A : memref<!tpu.dma_semaphore, #tpu.memory_space<semaphore_mem>>) src(%arg12 : memref<8192xf32, #tpu.memory_space<vmem>>) dst(%dma_wait3A_628 : memref<8192xf32, #tpu.memory_space<hbm>>)
      tpu.yield
    }) : () -> ()
    %mul3A_321 = arith.constant 3 : i32
    %mul3A_322 = arith.muli %select_n3A, %mul3A_321 : i32
    %add3A_323 = arith.constant 1 : i32
    %add3A_324 = arith.addi %mul3A_322, %add3A_323 : i32
    %mul3A_325 = arith.constant 512 : i32
    %mul3A_326 = arith.muli %add3A_324, %mul3A_325 : i32
    %add3A_327 = arith.addi %mul3A_326, %add3A_308 : i32
    %mul3A_328 = arith.constant 512 : i32
    %mul3A_329 = arith.muli %add3A_327, %mul3A_328 : i32
    "tpu.region"() ({
      %run_scoped3A = tpu.sem_alloc : memref<!tpu.dma_semaphore, #tpu.memory_space<semaphore_mem>>
      %dma_start3A = tpu.memref_slice %arg3[%mul3A_329] : memref<12582912xf32, #tpu.memory_space<hbm>> -> memref<8192xf32, #tpu.memory_space<hbm>>
      %dma_start3A_627 = tpu.memref_slice %arg3[%mul3A_329] : memref<12582912xf32, #tpu.memory_space<hbm>> -> memref<8192xf32, #tpu.memory_space<hbm>>
      tpu.enqueue_dma source(%arg13 : memref<8192xf32, #tpu.memory_space<vmem>>) target(%dma_start3A_627 : memref<8192xf32, #tpu.memory_space<hbm>>) target_semaphore(%run_scoped3A : memref<!tpu.dma_semaphore, #tpu.memory_space<semaphore_mem>>)
      %dma_wait3A = tpu.memref_slice %arg3[%mul3A_329] : memref<12582912xf32, #tpu.memory_space<hbm>> -> memref<8192xf32, #tpu.memory_space<hbm>>
      %dma_wait3A_628 = tpu.memref_slice %arg3[%mul3A_329] : memref<12582912xf32, #tpu.memory_space<hbm>> -> memref<8192xf32, #tpu.memory_space<hbm>>
      tpu.wait_dma2 semaphore(%run_scoped3A : memref<!tpu.dma_semaphore, #tpu.memory_space<semaphore_mem>>) src(%arg13 : memref<8192xf32, #tpu.memory_space<vmem>>) dst(%dma_wait3A_628 : memref<8192xf32, #tpu.memory_space<hbm>>)
      tpu.yield
    }) : () -> ()
    %mul3A_330 = arith.constant 3 : i32
    %mul3A_331 = arith.muli %select_n3A, %mul3A_330 : i32
    %add3A_332 = arith.constant 2 : i32
    %add3A_333 = arith.addi %mul3A_331, %add3A_332 : i32
    %mul3A_334 = arith.constant 512 : i32
    %mul3A_335 = arith.muli %add3A_333, %mul3A_334 : i32
    %add3A_336 = arith.addi %mul3A_335, %add3A_308 : i32
    %mul3A_337 = arith.constant 512 : i32
    %mul3A_338 = arith.muli %add3A_336, %mul3A_337 : i32
    "tpu.region"() ({
      %run_scoped3A = tpu.sem_alloc : memref<!tpu.dma_semaphore, #tpu.memory_space<semaphore_mem>>
      %dma_start3A = tpu.memref_slice %arg3[%mul3A_338] : memref<12582912xf32, #tpu.memory_space<hbm>> -> memref<8192xf32, #tpu.memory_space<hbm>>
      %dma_start3A_627 = tpu.memref_slice %arg3[%mul3A_338] : memref<12582912xf32, #tpu.memory_space<hbm>> -> memref<8192xf32, #tpu.memory_space<hbm>>
      tpu.enqueue_dma source(%arg14 : memref<8192xf32, #tpu.memory_space<vmem>>) target(%dma_start3A_627 : memref<8192xf32, #tpu.memory_space<hbm>>) target_semaphore(%run_scoped3A : memref<!tpu.dma_semaphore, #tpu.memory_space<semaphore_mem>>)
      %dma_wait3A = tpu.memref_slice %arg3[%mul3A_338] : memref<12582912xf32, #tpu.memory_space<hbm>> -> memref<8192xf32, #tpu.memory_space<hbm>>
      %dma_wait3A_628 = tpu.memref_slice %arg3[%mul3A_338] : memref<12582912xf32, #tpu.memory_space<hbm>> -> memref<8192xf32, #tpu.memory_space<hbm>>
      tpu.wait_dma2 semaphore(%run_scoped3A : memref<!tpu.dma_semaphore, #tpu.memory_space<semaphore_mem>>) src(%arg14 : memref<8192xf32, #tpu.memory_space<vmem>>) dst(%dma_wait3A_628 : memref<8192xf32, #tpu.memory_space<hbm>>)
      tpu.yield
    }) : () -> ()
    %mul3A_339 = arith.constant 2 : i32
    %mul3A_340 = arith.muli %select_n3A_30, %mul3A_339 : i32
    %add3A_341 = arith.constant 1 : i32
    %add3A_342 = arith.addi %mul3A_340, %add3A_341 : i32
    %mul3A_343 = arith.constant 65536 : i32
    %mul3A_344 = arith.muli %add3A_342, %mul3A_343 : i32
    %scan3A_345 = arith.constant 0 : i32
    %scan3A_346 = arith.constant 512 : i32
    %scan3A_347 = arith.addi %scan3A_345, %scan3A_346 : i32
    %scan3A_348 = arith.constant 1 : i32
    scf.for %scan3A_627 = %scan3A_345 to %scan3A_347 step %scan3A_348  : i32 {
      %mul3A_628 = arith.constant 128 : i32
      %mul3A_629 = arith.muli %scan3A_627, %mul3A_628 : i32
      %add3A_630 = arith.constant 0 : i32
      %add3A_631 = arith.addi %mul3A_629, %add3A_630 : i32
      %swap3A = arith.index_cast %add3A_631 : i32 to index
      %swap3A_632 = tpu.vector_load %arg8[%swap3A] {strides = array<i32>} : memref<65536xi32, #tpu.memory_space<vmem>>, vector<16xi32>,
      tpu.vector_store %arg8[%swap3A], %broadcast_in_dim3A_35 {strides = array<i32>} : memref<65536xi32, #tpu.memory_space<vmem>>, vector<16xi32>,
      %mul3A_633 = arith.constant 128 : i32
      %mul3A_634 = arith.muli %scan3A_627, %mul3A_633 : i32
      %add3A_635 = arith.constant 16 : i32
      %add3A_636 = arith.addi %mul3A_634, %add3A_635 : i32
      %swap3A_637 = arith.index_cast %add3A_636 : i32 to index
      %swap3A_638 = tpu.vector_load %arg8[%swap3A_637] {strides = array<i32>} : memref<65536xi32, #tpu.memory_space<vmem>>, vector<16xi32>,
      tpu.vector_store %arg8[%swap3A_637], %broadcast_in_dim3A_35 {strides = array<i32>} : memref<65536xi32, #tpu.memory_space<vmem>>, vector<16xi32>,
      %mul3A_639 = arith.constant 128 : i32
      %mul3A_640 = arith.muli %scan3A_627, %mul3A_639 : i32
      %add3A_641 = arith.constant 32 : i32
      %add3A_642 = arith.addi %mul3A_640, %add3A_641 : i32
      %swap3A_643 = arith.index_cast %add3A_642 : i32 to index
      %swap3A_644 = tpu.vector_load %arg8[%swap3A_643] {strides = array<i32>} : memref<65536xi32, #tpu.memory_space<vmem>>, vector<16xi32>,
      tpu.vector_store %arg8[%swap3A_643], %broadcast_in_dim3A_35 {strides = array<i32>} : memref<65536xi32, #tpu.memory_space<vmem>>, vector<16xi32>,
      %mul3A_645 = arith.constant 128 : i32
      %mul3A_646 = arith.muli %scan3A_627, %mul3A_645 : i32
      %add3A_647 = arith.constant 48 : i32
      %add3A_648 = arith.addi %mul3A_646, %add3A_647 : i32
      %swap3A_649 = arith.index_cast %add3A_648 : i32 to index
      %swap3A_650 = tpu.vector_load %arg8[%swap3A_649] {strides = array<i32>} : memref<65536xi32, #tpu.memory_space<vmem>>, vector<16xi32>,
      tpu.vector_store %arg8[%swap3A_649], %broadcast_in_dim3A_35 {strides = array<i32>} : memref<65536xi32, #tpu.memory_space<vmem>>, vector<16xi32>,
      %mul3A_651 = arith.constant 128 : i32
      %mul3A_652 = arith.muli %scan3A_627, %mul3A_651 : i32
      %add3A_653 = arith.constant 64 : i32
      %add3A_654 = arith.addi %mul3A_652, %add3A_653 : i32
      %swap3A_655 = arith.index_cast %add3A_654 : i32 to index
      %swap3A_656 = tpu.vector_load %arg8[%swap3A_655] {strides = array<i32>} : memref<65536xi32, #tpu.memory_space<vmem>>, vector<16xi32>,
      tpu.vector_store %arg8[%swap3A_655], %broadcast_in_dim3A_35 {strides = array<i32>} : memref<65536xi32, #tpu.memory_space<vmem>>, vector<16xi32>,
      %mul3A_657 = arith.constant 128 : i32
      %mul3A_658 = arith.muli %scan3A_627, %mul3A_657 : i32
      %add3A_659 = arith.constant 80 : i32
      %add3A_660 = arith.addi %mul3A_658, %add3A_659 : i32
      %swap3A_661 = arith.index_cast %add3A_660 : i32 to index
      %swap3A_662 = tpu.vector_load %arg8[%swap3A_661] {strides = array<i32>} : memref<65536xi32, #tpu.memory_space<vmem>>, vector<16xi32>,
      tpu.vector_store %arg8[%swap3A_661], %broadcast_in_dim3A_35 {strides = array<i32>} : memref<65536xi32, #tpu.memory_space<vmem>>, vector<16xi32>,
      %mul3A_663 = arith.constant 128 : i32
      %mul3A_664 = arith.muli %scan3A_627, %mul3A_663 : i32
      %add3A_665 = arith.constant 96 : i32
      %add3A_666 = arith.addi %mul3A_664, %add3A_665 : i32
      %swap3A_667 = arith.index_cast %add3A_666 : i32 to index
      %swap3A_668 = tpu.vector_load %arg8[%swap3A_667] {strides = array<i32>} : memref<65536xi32, #tpu.memory_space<vmem>>, vector<16xi32>,
      tpu.vector_store %arg8[%swap3A_667], %broadcast_in_dim3A_35 {strides = array<i32>} : memref<65536xi32, #tpu.memory_space<vmem>>, vector<16xi32>,
      %mul3A_669 = arith.constant 128 : i32
      %mul3A_670 = arith.muli %scan3A_627, %mul3A_669 : i32
      %add3A_671 = arith.constant 112 : i32
      %add3A_672 = arith.addi %mul3A_670, %add3A_671 : i32
      %swap3A_673 = arith.index_cast %add3A_672 : i32 to index
      %swap3A_674 = tpu.vector_load %arg8[%swap3A_673] {strides = array<i32>} : memref<65536xi32, #tpu.memory_space<vmem>>, vector<16xi32>,
      tpu.vector_store %arg8[%swap3A_673], %broadcast_in_dim3A_35 {strides = array<i32>} : memref<65536xi32, #tpu.memory_space<vmem>>, vector<16xi32>,
    }
    %scan3A_349 = arith.constant 512 : i32
    %scan3A_350 = arith.constant 0 : i32
    %scan3A_351 = arith.constant 512 : i32
    %scan3A_352 = arith.addi %scan3A_350, %scan3A_351 : i32
    %scan3A_353 = arith.constant 1 : i32
    scf.for %scan3A_627 = %scan3A_350 to %scan3A_352 step %scan3A_353  : i32 {
      %mul3A_628 = arith.constant 2 : i32
      %mul3A_629 = arith.muli %scan3A_627, %mul3A_628 : i32
      %add3A_630 = arith.constant 0 : i32
      %add3A_631 = arith.addi %mul3A_629, %add3A_630 : i32
      %mul3A_632 = arith.constant 8 : i32
      %mul3A_633 = arith.muli %add3A_631, %mul3A_632 : i32
      %get3A = arith.index_cast %mul3A_633 : i32 to index
      %get3A_634 = tpu.vector_load %arg7[%get3A] {strides = array<i32>} : memref<8208xi32, #tpu.memory_space<vmem>>, vector<16xi32>,
      %sub3A_635 = vector.broadcast %mul3A_344 : i32 to vector<16xi32>
      %sub3A_636 = arith.subi %get3A_634, %sub3A_635 : vector<16xi32>
      %ge3A = arith.constant 0 : i32
      %ge3A_637 = vector.broadcast %ge3A : i32 to vector<16xi32>
      %ge3A_638 = arith.cmpi sge, %sub3A_636, %ge3A_637 : vector<16xi32>
      %and3A_639 = arith.andi %lt3A_38, %ge3A_638 : vector<16xi1>
      %lt3A_640 = arith.constant 65536 : i32
      %lt3A_641 = vector.broadcast %lt3A_640 : i32 to vector<16xi32>
      %lt3A_642 = arith.cmpi slt, %sub3A_636, %lt3A_641 : vector<16xi32>
      %and3A_643 = arith.andi %and3A_639, %lt3A_642 : vector<16xi1>
      %jit3A_644 = arith.constant 0 : i32
      %broadcast_in_dim3A_645 = vector.broadcast %jit3A_644 : i32 to vector<16xi32>
      %select_n3A_646 = arith.select %and3A_643, %sub3A_636, %broadcast_in_dim3A_645 : vector<16xi1>, vector<16xi32>
      %broadcast_in_dim3A_647 = vector.broadcast %add3A_631 : i32 to vector<16xi32>
      tpu.vector_store_idx %arg8[%select_n3A_646], %broadcast_in_dim3A_647 masked %and3A_643 : memref<65536xi32, #tpu.memory_space<vmem>>[vector<16xi32>], vector<16xi32>, vector<16xi1>
      %mul3A_648 = arith.constant 2 : i32
      %mul3A_649 = arith.muli %scan3A_627, %mul3A_648 : i32
      %add3A_650 = arith.constant 1 : i32
      %add3A_651 = arith.addi %mul3A_649, %add3A_650 : i32
      %mul3A_652 = arith.constant 8 : i32
      %mul3A_653 = arith.muli %add3A_651, %mul3A_652 : i32
      %get3A_654 = arith.index_cast %mul3A_653 : i32 to index
      %get3A_655 = tpu.vector_load %arg7[%get3A_654] {strides = array<i32>} : memref<8208xi32, #tpu.memory_space<vmem>>, vector<16xi32>,
      %sub3A_656 = vector.broadcast %mul3A_344 : i32 to vector<16xi32>
      %sub3A_657 = arith.subi %get3A_655, %sub3A_656 : vector<16xi32>
      %ge3A_658 = arith.constant 0 : i32
      %ge3A_659 = vector.broadcast %ge3A_658 : i32 to vector<16xi32>
      %ge3A_660 = arith.cmpi sge, %sub3A_657, %ge3A_659 : vector<16xi32>
      %and3A_661 = arith.andi %lt3A_38, %ge3A_660 : vector<16xi1>
      %lt3A_662 = arith.constant 65536 : i32
      %lt3A_663 = vector.broadcast %lt3A_662 : i32 to vector<16xi32>
      %lt3A_664 = arith.cmpi slt, %sub3A_657, %lt3A_663 : vector<16xi32>
      %and3A_665 = arith.andi %and3A_661, %lt3A_664 : vector<16xi1>
      %jit3A_666 = arith.constant 0 : i32
      %broadcast_in_dim3A_667 = vector.broadcast %jit3A_666 : i32 to vector<16xi32>
      %select_n3A_668 = arith.select %and3A_665, %sub3A_657, %broadcast_in_dim3A_667 : vector<16xi1>, vector<16xi32>
      %broadcast_in_dim3A_669 = vector.broadcast %add3A_651 : i32 to vector<16xi32>
      tpu.vector_store_idx %arg8[%select_n3A_668], %broadcast_in_dim3A_669 masked %and3A_665 : memref<65536xi32, #tpu.memory_space<vmem>>[vector<16xi32>], vector<16xi32>, vector<16xi1>
    }
    %scan3A_354 = arith.constant 512 : i32
    %mul3A_355 = arith.constant 128 : i32
    %mul3A_356 = arith.muli %add3A_342, %mul3A_355 : i32
    %add3A_357 = arith.constant 0 : i32
    %add3A_358 = arith.addi %mul3A_356, %add3A_357 : i32
    %parallel_loop3A_359 = arith.constant 0 : i32
    %parallel_loop3A_360 = arith.constant 8192 : i32
    %parallel_loop3A_361 = arith.constant 16 : i32
    scf.for %parallel_loop3A_627 = %parallel_loop3A_359 to %parallel_loop3A_360 step %parallel_loop3A_361  : i32 {
      %parallel_loop3A_628 = arith.constant 0 : i32
      %parallel_loop3A_629 = arith.addi %parallel_loop3A_628, %parallel_loop3A_627 : i32
      %parallel_loop3A_630 = arith.index_cast %parallel_loop3A_629 : i32 to index
      %parallel_loop3A_631 = tpu.vector_load %arg8[%parallel_loop3A_630] {strides = array<i32>} : memref<65536xi32, #tpu.memory_space<vmem>>, vector<16xi32>,
      %parallel_loop3A_632 = arith.constant 0 : i32
      %parallel_loop3A_633 = vector.broadcast %parallel_loop3A_632 : i32 to vector<16xi32>
      %parallel_loop3A_634 = arith.cmpi sge, %parallel_loop3A_631, %parallel_loop3A_633 : vector<16xi32>
      %parallel_loop3A_635 = arith.constant 0 : i32
      %parallel_loop3A_636 = vector.broadcast %parallel_loop3A_635 : i32 to vector<16xi32>
      %parallel_loop3A_637 = arith.select %parallel_loop3A_634, %parallel_loop3A_631, %parallel_loop3A_636 : vector<16xi1>, vector<16xi32>
      %parallel_loop3A_638 = tpu.vector_load_idx %arg5[%parallel_loop3A_637] : memref<1024xf32, #tpu.memory_space<vmem>>[vector<16xi32>], vector<16xf32>,
      %parallel_loop3A_639 = tpu.vector_load_idx %arg6[%parallel_loop3A_637] : memref<1024xf32, #tpu.memory_space<vmem>>[vector<16xi32>], vector<16xf32>,
      %parallel_loop3A_640 = arith.constant 511 : i32
      %parallel_loop3A_641 = arith.andi %parallel_loop3A_627, %parallel_loop3A_640 : i32
      %parallel_loop3A_642 = arith.index_cast %parallel_loop3A_641 : i32 to index
      %parallel_loop3A_643 = tpu.vector_load %arg15[%parallel_loop3A_642] {strides = array<i32>} : memref<512xf32, #tpu.memory_space<vmem>>, vector<16xf32>,
      %parallel_loop3A_644 = arith.constant 9 : i32
      %parallel_loop3A_645 = arith.shrsi %parallel_loop3A_627, %parallel_loop3A_644 : i32
      %parallel_loop3A_646 = arith.addi %add3A_358, %parallel_loop3A_645 : i32
      %parallel_loop3A_647 = arith.sitofp %parallel_loop3A_646 : i32 to f32
      %parallel_loop3A_648 = arith.constant 0.001953125 : f32
      %parallel_loop3A_649 = arith.mulf %parallel_loop3A_647, %parallel_loop3A_648 : f32
      %parallel_loop3A_650 = vector.broadcast %parallel_loop3A_649 : f32 to vector<16xf32>
      %parallel_loop3A_651 = arith.select %parallel_loop3A_634, %broadcast_in_dim3A_31, %broadcast_in_dim3A_33 : vector<16xi1>, vector<16xf32>
      %parallel_loop3A_652 = arith.index_cast %parallel_loop3A_627 : i32 to index
      %parallel_loop3A_653 = tpu.vector_load %arg9[%parallel_loop3A_652] {strides = array<i32>} : memref<8192xf32, #tpu.memory_space<vmem>>, vector<16xf32>,
      tpu.vector_store %arg9[%parallel_loop3A_652], %parallel_loop3A_651 {strides = array<i32>} : memref<8192xf32, #tpu.memory_space<vmem>>, vector<16xf32>,
      %parallel_loop3A_654 = arith.select %parallel_loop3A_634, %parallel_loop3A_638, %parallel_loop3A_643 : vector<16xi1>, vector<16xf32>
      %parallel_loop3A_655 = arith.index_cast %parallel_loop3A_627 : i32 to index
      %parallel_loop3A_656 = tpu.vector_load %arg10[%parallel_loop3A_655] {strides = array<i32>} : memref<8192xf32, #tpu.memory_space<vmem>>, vector<16xf32>,
      tpu.vector_store %arg10[%parallel_loop3A_655], %parallel_loop3A_654 {strides = array<i32>} : memref<8192xf32, #tpu.memory_space<vmem>>, vector<16xf32>,
      %parallel_loop3A_657 = arith.select %parallel_loop3A_634, %parallel_loop3A_639, %parallel_loop3A_650 : vector<16xi1>, vector<16xf32>
      %parallel_loop3A_658 = arith.index_cast %parallel_loop3A_627 : i32 to index
      %parallel_loop3A_659 = tpu.vector_load %arg11[%parallel_loop3A_658] {strides = array<i32>} : memref<8192xf32, #tpu.memory_space<vmem>>, vector<16xf32>,
      tpu.vector_store %arg11[%parallel_loop3A_658], %parallel_loop3A_657 {strides = array<i32>} : memref<8192xf32, #tpu.memory_space<vmem>>, vector<16xf32>,
    } {sc.loop_unroll_factor = 4 : i64, sc.parallel_access}
    %mul3A_362 = arith.constant 3 : i32
    %mul3A_363 = arith.muli %select_n3A, %mul3A_362 : i32
    %add3A_364 = arith.constant 0 : i32
    %add3A_365 = arith.addi %mul3A_363, %add3A_364 : i32
    %mul3A_366 = arith.constant 512 : i32
    %mul3A_367 = arith.muli %add3A_365, %mul3A_366 : i32
    %add3A_368 = arith.addi %mul3A_367, %add3A_358 : i32
    %mul3A_369 = arith.constant 512 : i32
    %mul3A_370 = arith.muli %add3A_368, %mul3A_369 : i32
    "tpu.region"() ({
      %run_scoped3A = tpu.sem_alloc : memref<!tpu.dma_semaphore, #tpu.memory_space<semaphore_mem>>
      %dma_start3A = tpu.memref_slice %arg3[%mul3A_370] : memref<12582912xf32, #tpu.memory_space<hbm>> -> memref<8192xf32, #tpu.memory_space<hbm>>
      %dma_start3A_627 = tpu.memref_slice %arg3[%mul3A_370] : memref<12582912xf32, #tpu.memory_space<hbm>> -> memref<8192xf32, #tpu.memory_space<hbm>>
      tpu.enqueue_dma source(%arg9 : memref<8192xf32, #tpu.memory_space<vmem>>) target(%dma_start3A_627 : memref<8192xf32, #tpu.memory_space<hbm>>) target_semaphore(%run_scoped3A : memref<!tpu.dma_semaphore, #tpu.memory_space<semaphore_mem>>)
      %dma_wait3A = tpu.memref_slice %arg3[%mul3A_370] : memref<12582912xf32, #tpu.memory_space<hbm>> -> memref<8192xf32, #tpu.memory_space<hbm>>
      %dma_wait3A_628 = tpu.memref_slice %arg3[%mul3A_370] : memref<12582912xf32, #tpu.memory_space<hbm>> -> memref<8192xf32, #tpu.memory_space<hbm>>
      tpu.wait_dma2 semaphore(%run_scoped3A : memref<!tpu.dma_semaphore, #tpu.memory_space<semaphore_mem>>) src(%arg9 : memref<8192xf32, #tpu.memory_space<vmem>>) dst(%dma_wait3A_628 : memref<8192xf32, #tpu.memory_space<hbm>>)
      tpu.yield
    }) : () -> ()
    %mul3A_371 = arith.constant 3 : i32
    %mul3A_372 = arith.muli %select_n3A, %mul3A_371 : i32
    %add3A_373 = arith.constant 1 : i32
    %add3A_374 = arith.addi %mul3A_372, %add3A_373 : i32
    %mul3A_375 = arith.constant 512 : i32
    %mul3A_376 = arith.muli %add3A_374, %mul3A_375 : i32
    %add3A_377 = arith.addi %mul3A_376, %add3A_358 : i32
    %mul3A_378 = arith.constant 512 : i32
    %mul3A_379 = arith.muli %add3A_377, %mul3A_378 : i32
    "tpu.region"() ({
      %run_scoped3A = tpu.sem_alloc : memref<!tpu.dma_semaphore, #tpu.memory_space<semaphore_mem>>
      %dma_start3A = tpu.memref_slice %arg3[%mul3A_379] : memref<12582912xf32, #tpu.memory_space<hbm>> -> memref<8192xf32, #tpu.memory_space<hbm>>
      %dma_start3A_627 = tpu.memref_slice %arg3[%mul3A_379] : memref<12582912xf32, #tpu.memory_space<hbm>> -> memref<8192xf32, #tpu.memory_space<hbm>>
      tpu.enqueue_dma source(%arg10 : memref<8192xf32, #tpu.memory_space<vmem>>) target(%dma_start3A_627 : memref<8192xf32, #tpu.memory_space<hbm>>) target_semaphore(%run_scoped3A : memref<!tpu.dma_semaphore, #tpu.memory_space<semaphore_mem>>)
      %dma_wait3A = tpu.memref_slice %arg3[%mul3A_379] : memref<12582912xf32, #tpu.memory_space<hbm>> -> memref<8192xf32, #tpu.memory_space<hbm>>
      %dma_wait3A_628 = tpu.memref_slice %arg3[%mul3A_379] : memref<12582912xf32, #tpu.memory_space<hbm>> -> memref<8192xf32, #tpu.memory_space<hbm>>
      tpu.wait_dma2 semaphore(%run_scoped3A : memref<!tpu.dma_semaphore, #tpu.memory_space<semaphore_mem>>) src(%arg10 : memref<8192xf32, #tpu.memory_space<vmem>>) dst(%dma_wait3A_628 : memref<8192xf32, #tpu.memory_space<hbm>>)
      tpu.yield
    }) : () -> ()
    %mul3A_380 = arith.constant 3 : i32
    %mul3A_381 = arith.muli %select_n3A, %mul3A_380 : i32
    %add3A_382 = arith.constant 2 : i32
    %add3A_383 = arith.addi %mul3A_381, %add3A_382 : i32
    %mul3A_384 = arith.constant 512 : i32
    %mul3A_385 = arith.muli %add3A_383, %mul3A_384 : i32
    %add3A_386 = arith.addi %mul3A_385, %add3A_358 : i32
    %mul3A_387 = arith.constant 512 : i32
    %mul3A_388 = arith.muli %add3A_386, %mul3A_387 : i32
    "tpu.region"() ({
      %run_scoped3A = tpu.sem_alloc : memref<!tpu.dma_semaphore, #tpu.memory_space<semaphore_mem>>
      %dma_start3A = tpu.memref_slice %arg3[%mul3A_388] : memref<12582912xf32, #tpu.memory_space<hbm>> -> memref<8192xf32, #tpu.memory_space<hbm>>
      %dma_start3A_627 = tpu.memref_slice %arg3[%mul3A_388] : memref<12582912xf32, #tpu.memory_space<hbm>> -> memref<8192xf32, #tpu.memory_space<hbm>>
      tpu.enqueue_dma source(%arg11 : memref<8192xf32, #tpu.memory_space<vmem>>) target(%dma_start3A_627 : memref<8192xf32, #tpu.memory_space<hbm>>) target_semaphore(%run_scoped3A : memref<!tpu.dma_semaphore, #tpu.memory_space<semaphore_mem>>)
      %dma_wait3A = tpu.memref_slice %arg3[%mul3A_388] : memref<12582912xf32, #tpu.memory_space<hbm>> -> memref<8192xf32, #tpu.memory_space<hbm>>
      %dma_wait3A_628 = tpu.memref_slice %arg3[%mul3A_388] : memref<12582912xf32, #tpu.memory_space<hbm>> -> memref<8192xf32, #tpu.memory_space<hbm>>
      tpu.wait_dma2 semaphore(%run_scoped3A : memref<!tpu.dma_semaphore, #tpu.memory_space<semaphore_mem>>) src(%arg11 : memref<8192xf32, #tpu.memory_space<vmem>>) dst(%dma_wait3A_628 : memref<8192xf32, #tpu.memory_space<hbm>>)
      tpu.yield
    }) : () -> ()
    %mul3A_389 = arith.constant 128 : i32
    %mul3A_390 = arith.muli %add3A_342, %mul3A_389 : i32
    %add3A_391 = arith.constant 16 : i32
    %add3A_392 = arith.addi %mul3A_390, %add3A_391 : i32
    %parallel_loop3A_393 = arith.constant 0 : i32
    %parallel_loop3A_394 = arith.constant 8192 : i32
    %parallel_loop3A_395 = arith.constant 16 : i32
    scf.for %parallel_loop3A_627 = %parallel_loop3A_393 to %parallel_loop3A_394 step %parallel_loop3A_395  : i32 {
      %parallel_loop3A_628 = arith.constant 8192 : i32
      %parallel_loop3A_629 = arith.addi %parallel_loop3A_628, %parallel_loop3A_627 : i32
      %parallel_loop3A_630 = arith.index_cast %parallel_loop3A_629 : i32 to index
      %parallel_loop3A_631 = tpu.vector_load %arg8[%parallel_loop3A_630] {strides = array<i32>} : memref<65536xi32, #tpu.memory_space<vmem>>, vector<16xi32>,
      %parallel_loop3A_632 = arith.constant 0 : i32
      %parallel_loop3A_633 = vector.broadcast %parallel_loop3A_632 : i32 to vector<16xi32>
      %parallel_loop3A_634 = arith.cmpi sge, %parallel_loop3A_631, %parallel_loop3A_633 : vector<16xi32>
      %parallel_loop3A_635 = arith.constant 0 : i32
      %parallel_loop3A_636 = vector.broadcast %parallel_loop3A_635 : i32 to vector<16xi32>
      %parallel_loop3A_637 = arith.select %parallel_loop3A_634, %parallel_loop3A_631, %parallel_loop3A_636 : vector<16xi1>, vector<16xi32>
      %parallel_loop3A_638 = tpu.vector_load_idx %arg5[%parallel_loop3A_637] : memref<1024xf32, #tpu.memory_space<vmem>>[vector<16xi32>], vector<16xf32>,
      %parallel_loop3A_639 = tpu.vector_load_idx %arg6[%parallel_loop3A_637] : memref<1024xf32, #tpu.memory_space<vmem>>[vector<16xi32>], vector<16xf32>,
      %parallel_loop3A_640 = arith.constant 511 : i32
      %parallel_loop3A_641 = arith.andi %parallel_loop3A_627, %parallel_loop3A_640 : i32
      %parallel_loop3A_642 = arith.index_cast %parallel_loop3A_641 : i32 to index
      %parallel_loop3A_643 = tpu.vector_load %arg15[%parallel_loop3A_642] {strides = array<i32>} : memref<512xf32, #tpu.memory_space<vmem>>, vector<16xf32>,
      %parallel_loop3A_644 = arith.constant 9 : i32
      %parallel_loop3A_645 = arith.shrsi %parallel_loop3A_627, %parallel_loop3A_644 : i32
      %parallel_loop3A_646 = arith.addi %add3A_392, %parallel_loop3A_645 : i32
      %parallel_loop3A_647 = arith.sitofp %parallel_loop3A_646 : i32 to f32
      %parallel_loop3A_648 = arith.constant 0.001953125 : f32
      %parallel_loop3A_649 = arith.mulf %parallel_loop3A_647, %parallel_loop3A_648 : f32
      %parallel_loop3A_650 = vector.broadcast %parallel_loop3A_649 : f32 to vector<16xf32>
      %parallel_loop3A_651 = arith.select %parallel_loop3A_634, %broadcast_in_dim3A_31, %broadcast_in_dim3A_33 : vector<16xi1>, vector<16xf32>
      %parallel_loop3A_652 = arith.index_cast %parallel_loop3A_627 : i32 to index
      %parallel_loop3A_653 = tpu.vector_load %arg12[%parallel_loop3A_652] {strides = array<i32>} : memref<8192xf32, #tpu.memory_space<vmem>>, vector<16xf32>,
      tpu.vector_store %arg12[%parallel_loop3A_652], %parallel_loop3A_651 {strides = array<i32>} : memref<8192xf32, #tpu.memory_space<vmem>>, vector<16xf32>,
      %parallel_loop3A_654 = arith.select %parallel_loop3A_634, %parallel_loop3A_638, %parallel_loop3A_643 : vector<16xi1>, vector<16xf32>
      %parallel_loop3A_655 = arith.index_cast %parallel_loop3A_627 : i32 to index
      %parallel_loop3A_656 = tpu.vector_load %arg13[%parallel_loop3A_655] {strides = array<i32>} : memref<8192xf32, #tpu.memory_space<vmem>>, vector<16xf32>,
      tpu.vector_store %arg13[%parallel_loop3A_655], %parallel_loop3A_654 {strides = array<i32>} : memref<8192xf32, #tpu.memory_space<vmem>>, vector<16xf32>,
      %parallel_loop3A_657 = arith.select %parallel_loop3A_634, %parallel_loop3A_639, %parallel_loop3A_650 : vector<16xi1>, vector<16xf32>
      %parallel_loop3A_658 = arith.index_cast %parallel_loop3A_627 : i32 to index
      %parallel_loop3A_659 = tpu.vector_load %arg14[%parallel_loop3A_658] {strides = array<i32>} : memref<8192xf32, #tpu.memory_space<vmem>>, vector<16xf32>,
      tpu.vector_store %arg14[%parallel_loop3A_658], %parallel_loop3A_657 {strides = array<i32>} : memref<8192xf32, #tpu.memory_space<vmem>>, vector<16xf32>,
    } {sc.loop_unroll_factor = 4 : i64, sc.parallel_access}
    %mul3A_396 = arith.constant 3 : i32
    %mul3A_397 = arith.muli %select_n3A, %mul3A_396 : i32
    %add3A_398 = arith.constant 0 : i32
    %add3A_399 = arith.addi %mul3A_397, %add3A_398 : i32
    %mul3A_400 = arith.constant 512 : i32
    %mul3A_401 = arith.muli %add3A_399, %mul3A_400 : i32
    %add3A_402 = arith.addi %mul3A_401, %add3A_392 : i32
    %mul3A_403 = arith.constant 512 : i32
    %mul3A_404 = arith.muli %add3A_402, %mul3A_403 : i32
    "tpu.region"() ({
      %run_scoped3A = tpu.sem_alloc : memref<!tpu.dma_semaphore, #tpu.memory_space<semaphore_mem>>
      %dma_start3A = tpu.memref_slice %arg3[%mul3A_404] : memref<12582912xf32, #tpu.memory_space<hbm>> -> memref<8192xf32, #tpu.memory_space<hbm>>
      %dma_start3A_627 = tpu.memref_slice %arg3[%mul3A_404] : memref<12582912xf32, #tpu.memory_space<hbm>> -> memref<8192xf32, #tpu.memory_space<hbm>>
      tpu.enqueue_dma source(%arg12 : memref<8192xf32, #tpu.memory_space<vmem>>) target(%dma_start3A_627 : memref<8192xf32, #tpu.memory_space<hbm>>) target_semaphore(%run_scoped3A : memref<!tpu.dma_semaphore, #tpu.memory_space<semaphore_mem>>)
      %dma_wait3A = tpu.memref_slice %arg3[%mul3A_404] : memref<12582912xf32, #tpu.memory_space<hbm>> -> memref<8192xf32, #tpu.memory_space<hbm>>
      %dma_wait3A_628 = tpu.memref_slice %arg3[%mul3A_404] : memref<12582912xf32, #tpu.memory_space<hbm>> -> memref<8192xf32, #tpu.memory_space<hbm>>
      tpu.wait_dma2 semaphore(%run_scoped3A : memref<!tpu.dma_semaphore, #tpu.memory_space<semaphore_mem>>) src(%arg12 : memref<8192xf32, #tpu.memory_space<vmem>>) dst(%dma_wait3A_628 : memref<8192xf32, #tpu.memory_space<hbm>>)
      tpu.yield
    }) : () -> ()
    %mul3A_405 = arith.constant 3 : i32
    %mul3A_406 = arith.muli %select_n3A, %mul3A_405 : i32
    %add3A_407 = arith.constant 1 : i32
    %add3A_408 = arith.addi %mul3A_406, %add3A_407 : i32
    %mul3A_409 = arith.constant 512 : i32
    %mul3A_410 = arith.muli %add3A_408, %mul3A_409 : i32
    %add3A_411 = arith.addi %mul3A_410, %add3A_392 : i32
    %mul3A_412 = arith.constant 512 : i32
    %mul3A_413 = arith.muli %add3A_411, %mul3A_412 : i32
    "tpu.region"() ({
      %run_scoped3A = tpu.sem_alloc : memref<!tpu.dma_semaphore, #tpu.memory_space<semaphore_mem>>
      %dma_start3A = tpu.memref_slice %arg3[%mul3A_413] : memref<12582912xf32, #tpu.memory_space<hbm>> -> memref<8192xf32, #tpu.memory_space<hbm>>
      %dma_start3A_627 = tpu.memref_slice %arg3[%mul3A_413] : memref<12582912xf32, #tpu.memory_space<hbm>> -> memref<8192xf32, #tpu.memory_space<hbm>>
      tpu.enqueue_dma source(%arg13 : memref<8192xf32, #tpu.memory_space<vmem>>) target(%dma_start3A_627 : memref<8192xf32, #tpu.memory_space<hbm>>) target_semaphore(%run_scoped3A : memref<!tpu.dma_semaphore, #tpu.memory_space<semaphore_mem>>)
      %dma_wait3A = tpu.memref_slice %arg3[%mul3A_413] : memref<12582912xf32, #tpu.memory_space<hbm>> -> memref<8192xf32, #tpu.memory_space<hbm>>
      %dma_wait3A_628 = tpu.memref_slice %arg3[%mul3A_413] : memref<12582912xf32, #tpu.memory_space<hbm>> -> memref<8192xf32, #tpu.memory_space<hbm>>
      tpu.wait_dma2 semaphore(%run_scoped3A : memref<!tpu.dma_semaphore, #tpu.memory_space<semaphore_mem>>) src(%arg13 : memref<8192xf32, #tpu.memory_space<vmem>>) dst(%dma_wait3A_628 : memref<8192xf32, #tpu.memory_space<hbm>>)
      tpu.yield
    }) : () -> ()
    %mul3A_414 = arith.constant 3 : i32
    %mul3A_415 = arith.muli %select_n3A, %mul3A_414 : i32
    %add3A_416 = arith.constant 2 : i32
    %add3A_417 = arith.addi %mul3A_415, %add3A_416 : i32
    %mul3A_418 = arith.constant 512 : i32
    %mul3A_419 = arith.muli %add3A_417, %mul3A_418 : i32
    %add3A_420 = arith.addi %mul3A_419, %add3A_392 : i32
    %mul3A_421 = arith.constant 512 : i32
    %mul3A_422 = arith.muli %add3A_420, %mul3A_421 : i32
    "tpu.region"() ({
      %run_scoped3A = tpu.sem_alloc : memref<!tpu.dma_semaphore, #tpu.memory_space<semaphore_mem>>
      %dma_start3A = tpu.memref_slice %arg3[%mul3A_422] : memref<12582912xf32, #tpu.memory_space<hbm>> -> memref<8192xf32, #tpu.memory_space<hbm>>
      %dma_start3A_627 = tpu.memref_slice %arg3[%mul3A_422] : memref<12582912xf32, #tpu.memory_space<hbm>> -> memref<8192xf32, #tpu.memory_space<hbm>>
      tpu.enqueue_dma source(%arg14 : memref<8192xf32, #tpu.memory_space<vmem>>) target(%dma_start3A_627 : memref<8192xf32, #tpu.memory_space<hbm>>) target_semaphore(%run_scoped3A : memref<!tpu.dma_semaphore, #tpu.memory_space<semaphore_mem>>)
      %dma_wait3A = tpu.memref_slice %arg3[%mul3A_422] : memref<12582912xf32, #tpu.memory_space<hbm>> -> memref<8192xf32, #tpu.memory_space<hbm>>
      %dma_wait3A_628 = tpu.memref_slice %arg3[%mul3A_422] : memref<12582912xf32, #tpu.memory_space<hbm>> -> memref<8192xf32, #tpu.memory_space<hbm>>
      tpu.wait_dma2 semaphore(%run_scoped3A : memref<!tpu.dma_semaphore, #tpu.memory_space<semaphore_mem>>) src(%arg14 : memref<8192xf32, #tpu.memory_space<vmem>>) dst(%dma_wait3A_628 : memref<8192xf32, #tpu.memory_space<hbm>>)
      tpu.yield
    }) : () -> ()
    %mul3A_423 = arith.constant 128 : i32
    %mul3A_424 = arith.muli %add3A_342, %mul3A_423 : i32
    %add3A_425 = arith.constant 32 : i32
    %add3A_426 = arith.addi %mul3A_424, %add3A_425 : i32
    %parallel_loop3A_427 = arith.constant 0 : i32
    %parallel_loop3A_428 = arith.constant 8192 : i32
    %parallel_loop3A_429 = arith.constant 16 : i32
    scf.for %parallel_loop3A_627 = %parallel_loop3A_427 to %parallel_loop3A_428 step %parallel_loop3A_429  : i32 {
      %parallel_loop3A_628 = arith.constant 16384 : i32
      %parallel_loop3A_629 = arith.addi %parallel_loop3A_628, %parallel_loop3A_627 : i32
      %parallel_loop3A_630 = arith.index_cast %parallel_loop3A_629 : i32 to index
      %parallel_loop3A_631 = tpu.vector_load %arg8[%parallel_loop3A_630] {strides = array<i32>} : memref<65536xi32, #tpu.memory_space<vmem>>, vector<16xi32>,
      %parallel_loop3A_632 = arith.constant 0 : i32
      %parallel_loop3A_633 = vector.broadcast %parallel_loop3A_632 : i32 to vector<16xi32>
      %parallel_loop3A_634 = arith.cmpi sge, %parallel_loop3A_631, %parallel_loop3A_633 : vector<16xi32>
      %parallel_loop3A_635 = arith.constant 0 : i32
      %parallel_loop3A_636 = vector.broadcast %parallel_loop3A_635 : i32 to vector<16xi32>
      %parallel_loop3A_637 = arith.select %parallel_loop3A_634, %parallel_loop3A_631, %parallel_loop3A_636 : vector<16xi1>, vector<16xi32>
      %parallel_loop3A_638 = tpu.vector_load_idx %arg5[%parallel_loop3A_637] : memref<1024xf32, #tpu.memory_space<vmem>>[vector<16xi32>], vector<16xf32>,
      %parallel_loop3A_639 = tpu.vector_load_idx %arg6[%parallel_loop3A_637] : memref<1024xf32, #tpu.memory_space<vmem>>[vector<16xi32>], vector<16xf32>,
      %parallel_loop3A_640 = arith.constant 511 : i32
      %parallel_loop3A_641 = arith.andi %parallel_loop3A_627, %parallel_loop3A_640 : i32
      %parallel_loop3A_642 = arith.index_cast %parallel_loop3A_641 : i32 to index
      %parallel_loop3A_643 = tpu.vector_load %arg15[%parallel_loop3A_642] {strides = array<i32>} : memref<512xf32, #tpu.memory_space<vmem>>, vector<16xf32>,
      %parallel_loop3A_644 = arith.constant 9 : i32
      %parallel_loop3A_645 = arith.shrsi %parallel_loop3A_627, %parallel_loop3A_644 : i32
      %parallel_loop3A_646 = arith.addi %add3A_426, %parallel_loop3A_645 : i32
      %parallel_loop3A_647 = arith.sitofp %parallel_loop3A_646 : i32 to f32
      %parallel_loop3A_648 = arith.constant 0.001953125 : f32
      %parallel_loop3A_649 = arith.mulf %parallel_loop3A_647, %parallel_loop3A_648 : f32
      %parallel_loop3A_650 = vector.broadcast %parallel_loop3A_649 : f32 to vector<16xf32>
      %parallel_loop3A_651 = arith.select %parallel_loop3A_634, %broadcast_in_dim3A_31, %broadcast_in_dim3A_33 : vector<16xi1>, vector<16xf32>
      %parallel_loop3A_652 = arith.index_cast %parallel_loop3A_627 : i32 to index
      %parallel_loop3A_653 = tpu.vector_load %arg9[%parallel_loop3A_652] {strides = array<i32>} : memref<8192xf32, #tpu.memory_space<vmem>>, vector<16xf32>,
      tpu.vector_store %arg9[%parallel_loop3A_652], %parallel_loop3A_651 {strides = array<i32>} : memref<8192xf32, #tpu.memory_space<vmem>>, vector<16xf32>,
      %parallel_loop3A_654 = arith.select %parallel_loop3A_634, %parallel_loop3A_638, %parallel_loop3A_643 : vector<16xi1>, vector<16xf32>
      %parallel_loop3A_655 = arith.index_cast %parallel_loop3A_627 : i32 to index
      %parallel_loop3A_656 = tpu.vector_load %arg10[%parallel_loop3A_655] {strides = array<i32>} : memref<8192xf32, #tpu.memory_space<vmem>>, vector<16xf32>,
      tpu.vector_store %arg10[%parallel_loop3A_655], %parallel_loop3A_654 {strides = array<i32>} : memref<8192xf32, #tpu.memory_space<vmem>>, vector<16xf32>,
      %parallel_loop3A_657 = arith.select %parallel_loop3A_634, %parallel_loop3A_639, %parallel_loop3A_650 : vector<16xi1>, vector<16xf32>
      %parallel_loop3A_658 = arith.index_cast %parallel_loop3A_627 : i32 to index
      %parallel_loop3A_659 = tpu.vector_load %arg11[%parallel_loop3A_658] {strides = array<i32>} : memref<8192xf32, #tpu.memory_space<vmem>>, vector<16xf32>,
      tpu.vector_store %arg11[%parallel_loop3A_658], %parallel_loop3A_657 {strides = array<i32>} : memref<8192xf32, #tpu.memory_space<vmem>>, vector<16xf32>,
    } {sc.loop_unroll_factor = 4 : i64, sc.parallel_access}
    %mul3A_430 = arith.constant 3 : i32
    %mul3A_431 = arith.muli %select_n3A, %mul3A_430 : i32
    %add3A_432 = arith.constant 0 : i32
    %add3A_433 = arith.addi %mul3A_431, %add3A_432 : i32
    %mul3A_434 = arith.constant 512 : i32
    %mul3A_435 = arith.muli %add3A_433, %mul3A_434 : i32
    %add3A_436 = arith.addi %mul3A_435, %add3A_426 : i32
    %mul3A_437 = arith.constant 512 : i32
    %mul3A_438 = arith.muli %add3A_436, %mul3A_437 : i32
    "tpu.region"() ({
      %run_scoped3A = tpu.sem_alloc : memref<!tpu.dma_semaphore, #tpu.memory_space<semaphore_mem>>
      %dma_start3A = tpu.memref_slice %arg3[%mul3A_438] : memref<12582912xf32, #tpu.memory_space<hbm>> -> memref<8192xf32, #tpu.memory_space<hbm>>
      %dma_start3A_627 = tpu.memref_slice %arg3[%mul3A_438] : memref<12582912xf32, #tpu.memory_space<hbm>> -> memref<8192xf32, #tpu.memory_space<hbm>>
      tpu.enqueue_dma source(%arg9 : memref<8192xf32, #tpu.memory_space<vmem>>) target(%dma_start3A_627 : memref<8192xf32, #tpu.memory_space<hbm>>) target_semaphore(%run_scoped3A : memref<!tpu.dma_semaphore, #tpu.memory_space<semaphore_mem>>)
      %dma_wait3A = tpu.memref_slice %arg3[%mul3A_438] : memref<12582912xf32, #tpu.memory_space<hbm>> -> memref<8192xf32, #tpu.memory_space<hbm>>
      %dma_wait3A_628 = tpu.memref_slice %arg3[%mul3A_438] : memref<12582912xf32, #tpu.memory_space<hbm>> -> memref<8192xf32, #tpu.memory_space<hbm>>
      tpu.wait_dma2 semaphore(%run_scoped3A : memref<!tpu.dma_semaphore, #tpu.memory_space<semaphore_mem>>) src(%arg9 : memref<8192xf32, #tpu.memory_space<vmem>>) dst(%dma_wait3A_628 : memref<8192xf32, #tpu.memory_space<hbm>>)
      tpu.yield
    }) : () -> ()
    %mul3A_439 = arith.constant 3 : i32
    %mul3A_440 = arith.muli %select_n3A, %mul3A_439 : i32
    %add3A_441 = arith.constant 1 : i32
    %add3A_442 = arith.addi %mul3A_440, %add3A_441 : i32
    %mul3A_443 = arith.constant 512 : i32
    %mul3A_444 = arith.muli %add3A_442, %mul3A_443 : i32
    %add3A_445 = arith.addi %mul3A_444, %add3A_426 : i32
    %mul3A_446 = arith.constant 512 : i32
    %mul3A_447 = arith.muli %add3A_445, %mul3A_446 : i32
    "tpu.region"() ({
      %run_scoped3A = tpu.sem_alloc : memref<!tpu.dma_semaphore, #tpu.memory_space<semaphore_mem>>
      %dma_start3A = tpu.memref_slice %arg3[%mul3A_447] : memref<12582912xf32, #tpu.memory_space<hbm>> -> memref<8192xf32, #tpu.memory_space<hbm>>
      %dma_start3A_627 = tpu.memref_slice %arg3[%mul3A_447] : memref<12582912xf32, #tpu.memory_space<hbm>> -> memref<8192xf32, #tpu.memory_space<hbm>>
      tpu.enqueue_dma source(%arg10 : memref<8192xf32, #tpu.memory_space<vmem>>) target(%dma_start3A_627 : memref<8192xf32, #tpu.memory_space<hbm>>) target_semaphore(%run_scoped3A : memref<!tpu.dma_semaphore, #tpu.memory_space<semaphore_mem>>)
      %dma_wait3A = tpu.memref_slice %arg3[%mul3A_447] : memref<12582912xf32, #tpu.memory_space<hbm>> -> memref<8192xf32, #tpu.memory_space<hbm>>
      %dma_wait3A_628 = tpu.memref_slice %arg3[%mul3A_447] : memref<12582912xf32, #tpu.memory_space<hbm>> -> memref<8192xf32, #tpu.memory_space<hbm>>
      tpu.wait_dma2 semaphore(%run_scoped3A : memref<!tpu.dma_semaphore, #tpu.memory_space<semaphore_mem>>) src(%arg10 : memref<8192xf32, #tpu.memory_space<vmem>>) dst(%dma_wait3A_628 : memref<8192xf32, #tpu.memory_space<hbm>>)
      tpu.yield
    }) : () -> ()
    %mul3A_448 = arith.constant 3 : i32
    %mul3A_449 = arith.muli %select_n3A, %mul3A_448 : i32
    %add3A_450 = arith.constant 2 : i32
    %add3A_451 = arith.addi %mul3A_449, %add3A_450 : i32
    %mul3A_452 = arith.constant 512 : i32
    %mul3A_453 = arith.muli %add3A_451, %mul3A_452 : i32
    %add3A_454 = arith.addi %mul3A_453, %add3A_426 : i32
    %mul3A_455 = arith.constant 512 : i32
    %mul3A_456 = arith.muli %add3A_454, %mul3A_455 : i32
    "tpu.region"() ({
      %run_scoped3A = tpu.sem_alloc : memref<!tpu.dma_semaphore, #tpu.memory_space<semaphore_mem>>
      %dma_start3A = tpu.memref_slice %arg3[%mul3A_456] : memref<12582912xf32, #tpu.memory_space<hbm>> -> memref<8192xf32, #tpu.memory_space<hbm>>
      %dma_start3A_627 = tpu.memref_slice %arg3[%mul3A_456] : memref<12582912xf32, #tpu.memory_space<hbm>> -> memref<8192xf32, #tpu.memory_space<hbm>>
      tpu.enqueue_dma source(%arg11 : memref<8192xf32, #tpu.memory_space<vmem>>) target(%dma_start3A_627 : memref<8192xf32, #tpu.memory_space<hbm>>) target_semaphore(%run_scoped3A : memref<!tpu.dma_semaphore, #tpu.memory_space<semaphore_mem>>)
      %dma_wait3A = tpu.memref_slice %arg3[%mul3A_456] : memref<12582912xf32, #tpu.memory_space<hbm>> -> memref<8192xf32, #tpu.memory_space<hbm>>
      %dma_wait3A_628 = tpu.memref_slice %arg3[%mul3A_456] : memref<12582912xf32, #tpu.memory_space<hbm>> -> memref<8192xf32, #tpu.memory_space<hbm>>
      tpu.wait_dma2 semaphore(%run_scoped3A : memref<!tpu.dma_semaphore, #tpu.memory_space<semaphore_mem>>) src(%arg11 : memref<8192xf32, #tpu.memory_space<vmem>>) dst(%dma_wait3A_628 : memref<8192xf32, #tpu.memory_space<hbm>>)
      tpu.yield
    }) : () -> ()
    %mul3A_457 = arith.constant 128 : i32
    %mul3A_458 = arith.muli %add3A_342, %mul3A_457 : i32
    %add3A_459 = arith.constant 48 : i32
    %add3A_460 = arith.addi %mul3A_458, %add3A_459 : i32
    %parallel_loop3A_461 = arith.constant 0 : i32
    %parallel_loop3A_462 = arith.constant 8192 : i32
    %parallel_loop3A_463 = arith.constant 16 : i32
    scf.for %parallel_loop3A_627 = %parallel_loop3A_461 to %parallel_loop3A_462 step %parallel_loop3A_463  : i32 {
      %parallel_loop3A_628 = arith.constant 24576 : i32
      %parallel_loop3A_629 = arith.addi %parallel_loop3A_628, %parallel_loop3A_627 : i32
      %parallel_loop3A_630 = arith.index_cast %parallel_loop3A_629 : i32 to index
      %parallel_loop3A_631 = tpu.vector_load %arg8[%parallel_loop3A_630] {strides = array<i32>} : memref<65536xi32, #tpu.memory_space<vmem>>, vector<16xi32>,
      %parallel_loop3A_632 = arith.constant 0 : i32
      %parallel_loop3A_633 = vector.broadcast %parallel_loop3A_632 : i32 to vector<16xi32>
      %parallel_loop3A_634 = arith.cmpi sge, %parallel_loop3A_631, %parallel_loop3A_633 : vector<16xi32>
      %parallel_loop3A_635 = arith.constant 0 : i32
      %parallel_loop3A_636 = vector.broadcast %parallel_loop3A_635 : i32 to vector<16xi32>
      %parallel_loop3A_637 = arith.select %parallel_loop3A_634, %parallel_loop3A_631, %parallel_loop3A_636 : vector<16xi1>, vector<16xi32>
      %parallel_loop3A_638 = tpu.vector_load_idx %arg5[%parallel_loop3A_637] : memref<1024xf32, #tpu.memory_space<vmem>>[vector<16xi32>], vector<16xf32>,
      %parallel_loop3A_639 = tpu.vector_load_idx %arg6[%parallel_loop3A_637] : memref<1024xf32, #tpu.memory_space<vmem>>[vector<16xi32>], vector<16xf32>,
      %parallel_loop3A_640 = arith.constant 511 : i32
      %parallel_loop3A_641 = arith.andi %parallel_loop3A_627, %parallel_loop3A_640 : i32
      %parallel_loop3A_642 = arith.index_cast %parallel_loop3A_641 : i32 to index
      %parallel_loop3A_643 = tpu.vector_load %arg15[%parallel_loop3A_642] {strides = array<i32>} : memref<512xf32, #tpu.memory_space<vmem>>, vector<16xf32>,
      %parallel_loop3A_644 = arith.constant 9 : i32
      %parallel_loop3A_645 = arith.shrsi %parallel_loop3A_627, %parallel_loop3A_644 : i32
      %parallel_loop3A_646 = arith.addi %add3A_460, %parallel_loop3A_645 : i32
      %parallel_loop3A_647 = arith.sitofp %parallel_loop3A_646 : i32 to f32
      %parallel_loop3A_648 = arith.constant 0.001953125 : f32
      %parallel_loop3A_649 = arith.mulf %parallel_loop3A_647, %parallel_loop3A_648 : f32
      %parallel_loop3A_650 = vector.broadcast %parallel_loop3A_649 : f32 to vector<16xf32>
      %parallel_loop3A_651 = arith.select %parallel_loop3A_634, %broadcast_in_dim3A_31, %broadcast_in_dim3A_33 : vector<16xi1>, vector<16xf32>
      %parallel_loop3A_652 = arith.index_cast %parallel_loop3A_627 : i32 to index
      %parallel_loop3A_653 = tpu.vector_load %arg12[%parallel_loop3A_652] {strides = array<i32>} : memref<8192xf32, #tpu.memory_space<vmem>>, vector<16xf32>,
      tpu.vector_store %arg12[%parallel_loop3A_652], %parallel_loop3A_651 {strides = array<i32>} : memref<8192xf32, #tpu.memory_space<vmem>>, vector<16xf32>,
      %parallel_loop3A_654 = arith.select %parallel_loop3A_634, %parallel_loop3A_638, %parallel_loop3A_643 : vector<16xi1>, vector<16xf32>
      %parallel_loop3A_655 = arith.index_cast %parallel_loop3A_627 : i32 to index
      %parallel_loop3A_656 = tpu.vector_load %arg13[%parallel_loop3A_655] {strides = array<i32>} : memref<8192xf32, #tpu.memory_space<vmem>>, vector<16xf32>,
      tpu.vector_store %arg13[%parallel_loop3A_655], %parallel_loop3A_654 {strides = array<i32>} : memref<8192xf32, #tpu.memory_space<vmem>>, vector<16xf32>,
      %parallel_loop3A_657 = arith.select %parallel_loop3A_634, %parallel_loop3A_639, %parallel_loop3A_650 : vector<16xi1>, vector<16xf32>
      %parallel_loop3A_658 = arith.index_cast %parallel_loop3A_627 : i32 to index
      %parallel_loop3A_659 = tpu.vector_load %arg14[%parallel_loop3A_658] {strides = array<i32>} : memref<8192xf32, #tpu.memory_space<vmem>>, vector<16xf32>,
      tpu.vector_store %arg14[%parallel_loop3A_658], %parallel_loop3A_657 {strides = array<i32>} : memref<8192xf32, #tpu.memory_space<vmem>>, vector<16xf32>,
    } {sc.loop_unroll_factor = 4 : i64, sc.parallel_access}
    %mul3A_464 = arith.constant 3 : i32
    %mul3A_465 = arith.muli %select_n3A, %mul3A_464 : i32
    %add3A_466 = arith.constant 0 : i32
    %add3A_467 = arith.addi %mul3A_465, %add3A_466 : i32
    %mul3A_468 = arith.constant 512 : i32
    %mul3A_469 = arith.muli %add3A_467, %mul3A_468 : i32
    %add3A_470 = arith.addi %mul3A_469, %add3A_460 : i32
    %mul3A_471 = arith.constant 512 : i32
    %mul3A_472 = arith.muli %add3A_470, %mul3A_471 : i32
    "tpu.region"() ({
      %run_scoped3A = tpu.sem_alloc : memref<!tpu.dma_semaphore, #tpu.memory_space<semaphore_mem>>
      %dma_start3A = tpu.memref_slice %arg3[%mul3A_472] : memref<12582912xf32, #tpu.memory_space<hbm>> -> memref<8192xf32, #tpu.memory_space<hbm>>
      %dma_start3A_627 = tpu.memref_slice %arg3[%mul3A_472] : memref<12582912xf32, #tpu.memory_space<hbm>> -> memref<8192xf32, #tpu.memory_space<hbm>>
      tpu.enqueue_dma source(%arg12 : memref<8192xf32, #tpu.memory_space<vmem>>) target(%dma_start3A_627 : memref<8192xf32, #tpu.memory_space<hbm>>) target_semaphore(%run_scoped3A : memref<!tpu.dma_semaphore, #tpu.memory_space<semaphore_mem>>)
      %dma_wait3A = tpu.memref_slice %arg3[%mul3A_472] : memref<12582912xf32, #tpu.memory_space<hbm>> -> memref<8192xf32, #tpu.memory_space<hbm>>
      %dma_wait3A_628 = tpu.memref_slice %arg3[%mul3A_472] : memref<12582912xf32, #tpu.memory_space<hbm>> -> memref<8192xf32, #tpu.memory_space<hbm>>
      tpu.wait_dma2 semaphore(%run_scoped3A : memref<!tpu.dma_semaphore, #tpu.memory_space<semaphore_mem>>) src(%arg12 : memref<8192xf32, #tpu.memory_space<vmem>>) dst(%dma_wait3A_628 : memref<8192xf32, #tpu.memory_space<hbm>>)
      tpu.yield
    }) : () -> ()
    %mul3A_473 = arith.constant 3 : i32
    %mul3A_474 = arith.muli %select_n3A, %mul3A_473 : i32
    %add3A_475 = arith.constant 1 : i32
    %add3A_476 = arith.addi %mul3A_474, %add3A_475 : i32
    %mul3A_477 = arith.constant 512 : i32
    %mul3A_478 = arith.muli %add3A_476, %mul3A_477 : i32
    %add3A_479 = arith.addi %mul3A_478, %add3A_460 : i32
    %mul3A_480 = arith.constant 512 : i32
    %mul3A_481 = arith.muli %add3A_479, %mul3A_480 : i32
    "tpu.region"() ({
      %run_scoped3A = tpu.sem_alloc : memref<!tpu.dma_semaphore, #tpu.memory_space<semaphore_mem>>
      %dma_start3A = tpu.memref_slice %arg3[%mul3A_481] : memref<12582912xf32, #tpu.memory_space<hbm>> -> memref<8192xf32, #tpu.memory_space<hbm>>
      %dma_start3A_627 = tpu.memref_slice %arg3[%mul3A_481] : memref<12582912xf32, #tpu.memory_space<hbm>> -> memref<8192xf32, #tpu.memory_space<hbm>>
      tpu.enqueue_dma source(%arg13 : memref<8192xf32, #tpu.memory_space<vmem>>) target(%dma_start3A_627 : memref<8192xf32, #tpu.memory_space<hbm>>) target_semaphore(%run_scoped3A : memref<!tpu.dma_semaphore, #tpu.memory_space<semaphore_mem>>)
      %dma_wait3A = tpu.memref_slice %arg3[%mul3A_481] : memref<12582912xf32, #tpu.memory_space<hbm>> -> memref<8192xf32, #tpu.memory_space<hbm>>
      %dma_wait3A_628 = tpu.memref_slice %arg3[%mul3A_481] : memref<12582912xf32, #tpu.memory_space<hbm>> -> memref<8192xf32, #tpu.memory_space<hbm>>
      tpu.wait_dma2 semaphore(%run_scoped3A : memref<!tpu.dma_semaphore, #tpu.memory_space<semaphore_mem>>) src(%arg13 : memref<8192xf32, #tpu.memory_space<vmem>>) dst(%dma_wait3A_628 : memref<8192xf32, #tpu.memory_space<hbm>>)
      tpu.yield
    }) : () -> ()
    %mul3A_482 = arith.constant 3 : i32
    %mul3A_483 = arith.muli %select_n3A, %mul3A_482 : i32
    %add3A_484 = arith.constant 2 : i32
    %add3A_485 = arith.addi %mul3A_483, %add3A_484 : i32
    %mul3A_486 = arith.constant 512 : i32
    %mul3A_487 = arith.muli %add3A_485, %mul3A_486 : i32
    %add3A_488 = arith.addi %mul3A_487, %add3A_460 : i32
    %mul3A_489 = arith.constant 512 : i32
    %mul3A_490 = arith.muli %add3A_488, %mul3A_489 : i32
    "tpu.region"() ({
      %run_scoped3A = tpu.sem_alloc : memref<!tpu.dma_semaphore, #tpu.memory_space<semaphore_mem>>
      %dma_start3A = tpu.memref_slice %arg3[%mul3A_490] : memref<12582912xf32, #tpu.memory_space<hbm>> -> memref<8192xf32, #tpu.memory_space<hbm>>
      %dma_start3A_627 = tpu.memref_slice %arg3[%mul3A_490] : memref<12582912xf32, #tpu.memory_space<hbm>> -> memref<8192xf32, #tpu.memory_space<hbm>>
      tpu.enqueue_dma source(%arg14 : memref<8192xf32, #tpu.memory_space<vmem>>) target(%dma_start3A_627 : memref<8192xf32, #tpu.memory_space<hbm>>) target_semaphore(%run_scoped3A : memref<!tpu.dma_semaphore, #tpu.memory_space<semaphore_mem>>)
      %dma_wait3A = tpu.memref_slice %arg3[%mul3A_490] : memref<12582912xf32, #tpu.memory_space<hbm>> -> memref<8192xf32, #tpu.memory_space<hbm>>
      %dma_wait3A_628 = tpu.memref_slice %arg3[%mul3A_490] : memref<12582912xf32, #tpu.memory_space<hbm>> -> memref<8192xf32, #tpu.memory_space<hbm>>
      tpu.wait_dma2 semaphore(%run_scoped3A : memref<!tpu.dma_semaphore, #tpu.memory_space<semaphore_mem>>) src(%arg14 : memref<8192xf32, #tpu.memory_space<vmem>>) dst(%dma_wait3A_628 : memref<8192xf32, #tpu.memory_space<hbm>>)
      tpu.yield
    }) : () -> ()
    %mul3A_491 = arith.constant 128 : i32
    %mul3A_492 = arith.muli %add3A_342, %mul3A_491 : i32
    %add3A_493 = arith.constant 64 : i32
    %add3A_494 = arith.addi %mul3A_492, %add3A_493 : i32
    %parallel_loop3A_495 = arith.constant 0 : i32
    %parallel_loop3A_496 = arith.constant 8192 : i32
    %parallel_loop3A_497 = arith.constant 16 : i32
    scf.for %parallel_loop3A_627 = %parallel_loop3A_495 to %parallel_loop3A_496 step %parallel_loop3A_497  : i32 {
      %parallel_loop3A_628 = arith.constant 32768 : i32
      %parallel_loop3A_629 = arith.addi %parallel_loop3A_628, %parallel_loop3A_627 : i32
      %parallel_loop3A_630 = arith.index_cast %parallel_loop3A_629 : i32 to index
      %parallel_loop3A_631 = tpu.vector_load %arg8[%parallel_loop3A_630] {strides = array<i32>} : memref<65536xi32, #tpu.memory_space<vmem>>, vector<16xi32>,
      %parallel_loop3A_632 = arith.constant 0 : i32
      %parallel_loop3A_633 = vector.broadcast %parallel_loop3A_632 : i32 to vector<16xi32>
      %parallel_loop3A_634 = arith.cmpi sge, %parallel_loop3A_631, %parallel_loop3A_633 : vector<16xi32>
      %parallel_loop3A_635 = arith.constant 0 : i32
      %parallel_loop3A_636 = vector.broadcast %parallel_loop3A_635 : i32 to vector<16xi32>
      %parallel_loop3A_637 = arith.select %parallel_loop3A_634, %parallel_loop3A_631, %parallel_loop3A_636 : vector<16xi1>, vector<16xi32>
      %parallel_loop3A_638 = tpu.vector_load_idx %arg5[%parallel_loop3A_637] : memref<1024xf32, #tpu.memory_space<vmem>>[vector<16xi32>], vector<16xf32>,
      %parallel_loop3A_639 = tpu.vector_load_idx %arg6[%parallel_loop3A_637] : memref<1024xf32, #tpu.memory_space<vmem>>[vector<16xi32>], vector<16xf32>,
      %parallel_loop3A_640 = arith.constant 511 : i32
      %parallel_loop3A_641 = arith.andi %parallel_loop3A_627, %parallel_loop3A_640 : i32
      %parallel_loop3A_642 = arith.index_cast %parallel_loop3A_641 : i32 to index
      %parallel_loop3A_643 = tpu.vector_load %arg15[%parallel_loop3A_642] {strides = array<i32>} : memref<512xf32, #tpu.memory_space<vmem>>, vector<16xf32>,
      %parallel_loop3A_644 = arith.constant 9 : i32
      %parallel_loop3A_645 = arith.shrsi %parallel_loop3A_627, %parallel_loop3A_644 : i32
      %parallel_loop3A_646 = arith.addi %add3A_494, %parallel_loop3A_645 : i32
      %parallel_loop3A_647 = arith.sitofp %parallel_loop3A_646 : i32 to f32
      %parallel_loop3A_648 = arith.constant 0.001953125 : f32
      %parallel_loop3A_649 = arith.mulf %parallel_loop3A_647, %parallel_loop3A_648 : f32
      %parallel_loop3A_650 = vector.broadcast %parallel_loop3A_649 : f32 to vector<16xf32>
      %parallel_loop3A_651 = arith.select %parallel_loop3A_634, %broadcast_in_dim3A_31, %broadcast_in_dim3A_33 : vector<16xi1>, vector<16xf32>
      %parallel_loop3A_652 = arith.index_cast %parallel_loop3A_627 : i32 to index
      %parallel_loop3A_653 = tpu.vector_load %arg9[%parallel_loop3A_652] {strides = array<i32>} : memref<8192xf32, #tpu.memory_space<vmem>>, vector<16xf32>,
      tpu.vector_store %arg9[%parallel_loop3A_652], %parallel_loop3A_651 {strides = array<i32>} : memref<8192xf32, #tpu.memory_space<vmem>>, vector<16xf32>,
      %parallel_loop3A_654 = arith.select %parallel_loop3A_634, %parallel_loop3A_638, %parallel_loop3A_643 : vector<16xi1>, vector<16xf32>
      %parallel_loop3A_655 = arith.index_cast %parallel_loop3A_627 : i32 to index
      %parallel_loop3A_656 = tpu.vector_load %arg10[%parallel_loop3A_655] {strides = array<i32>} : memref<8192xf32, #tpu.memory_space<vmem>>, vector<16xf32>,
      tpu.vector_store %arg10[%parallel_loop3A_655], %parallel_loop3A_654 {strides = array<i32>} : memref<8192xf32, #tpu.memory_space<vmem>>, vector<16xf32>,
      %parallel_loop3A_657 = arith.select %parallel_loop3A_634, %parallel_loop3A_639, %parallel_loop3A_650 : vector<16xi1>, vector<16xf32>
      %parallel_loop3A_658 = arith.index_cast %parallel_loop3A_627 : i32 to index
      %parallel_loop3A_659 = tpu.vector_load %arg11[%parallel_loop3A_658] {strides = array<i32>} : memref<8192xf32, #tpu.memory_space<vmem>>, vector<16xf32>,
      tpu.vector_store %arg11[%parallel_loop3A_658], %parallel_loop3A_657 {strides = array<i32>} : memref<8192xf32, #tpu.memory_space<vmem>>, vector<16xf32>,
    } {sc.loop_unroll_factor = 4 : i64, sc.parallel_access}
    %mul3A_498 = arith.constant 3 : i32
    %mul3A_499 = arith.muli %select_n3A, %mul3A_498 : i32
    %add3A_500 = arith.constant 0 : i32
    %add3A_501 = arith.addi %mul3A_499, %add3A_500 : i32
    %mul3A_502 = arith.constant 512 : i32
    %mul3A_503 = arith.muli %add3A_501, %mul3A_502 : i32
    %add3A_504 = arith.addi %mul3A_503, %add3A_494 : i32
    %mul3A_505 = arith.constant 512 : i32
    %mul3A_506 = arith.muli %add3A_504, %mul3A_505 : i32
    "tpu.region"() ({
      %run_scoped3A = tpu.sem_alloc : memref<!tpu.dma_semaphore, #tpu.memory_space<semaphore_mem>>
      %dma_start3A = tpu.memref_slice %arg3[%mul3A_506] : memref<12582912xf32, #tpu.memory_space<hbm>> -> memref<8192xf32, #tpu.memory_space<hbm>>
      %dma_start3A_627 = tpu.memref_slice %arg3[%mul3A_506] : memref<12582912xf32, #tpu.memory_space<hbm>> -> memref<8192xf32, #tpu.memory_space<hbm>>
      tpu.enqueue_dma source(%arg9 : memref<8192xf32, #tpu.memory_space<vmem>>) target(%dma_start3A_627 : memref<8192xf32, #tpu.memory_space<hbm>>) target_semaphore(%run_scoped3A : memref<!tpu.dma_semaphore, #tpu.memory_space<semaphore_mem>>)
      %dma_wait3A = tpu.memref_slice %arg3[%mul3A_506] : memref<12582912xf32, #tpu.memory_space<hbm>> -> memref<8192xf32, #tpu.memory_space<hbm>>
      %dma_wait3A_628 = tpu.memref_slice %arg3[%mul3A_506] : memref<12582912xf32, #tpu.memory_space<hbm>> -> memref<8192xf32, #tpu.memory_space<hbm>>
      tpu.wait_dma2 semaphore(%run_scoped3A : memref<!tpu.dma_semaphore, #tpu.memory_space<semaphore_mem>>) src(%arg9 : memref<8192xf32, #tpu.memory_space<vmem>>) dst(%dma_wait3A_628 : memref<8192xf32, #tpu.memory_space<hbm>>)
      tpu.yield
    }) : () -> ()
    %mul3A_507 = arith.constant 3 : i32
    %mul3A_508 = arith.muli %select_n3A, %mul3A_507 : i32
    %add3A_509 = arith.constant 1 : i32
    %add3A_510 = arith.addi %mul3A_508, %add3A_509 : i32
    %mul3A_511 = arith.constant 512 : i32
    %mul3A_512 = arith.muli %add3A_510, %mul3A_511 : i32
    %add3A_513 = arith.addi %mul3A_512, %add3A_494 : i32
    %mul3A_514 = arith.constant 512 : i32
    %mul3A_515 = arith.muli %add3A_513, %mul3A_514 : i32
    "tpu.region"() ({
      %run_scoped3A = tpu.sem_alloc : memref<!tpu.dma_semaphore, #tpu.memory_space<semaphore_mem>>
      %dma_start3A = tpu.memref_slice %arg3[%mul3A_515] : memref<12582912xf32, #tpu.memory_space<hbm>> -> memref<8192xf32, #tpu.memory_space<hbm>>
      %dma_start3A_627 = tpu.memref_slice %arg3[%mul3A_515] : memref<12582912xf32, #tpu.memory_space<hbm>> -> memref<8192xf32, #tpu.memory_space<hbm>>
      tpu.enqueue_dma source(%arg10 : memref<8192xf32, #tpu.memory_space<vmem>>) target(%dma_start3A_627 : memref<8192xf32, #tpu.memory_space<hbm>>) target_semaphore(%run_scoped3A : memref<!tpu.dma_semaphore, #tpu.memory_space<semaphore_mem>>)
      %dma_wait3A = tpu.memref_slice %arg3[%mul3A_515] : memref<12582912xf32, #tpu.memory_space<hbm>> -> memref<8192xf32, #tpu.memory_space<hbm>>
      %dma_wait3A_628 = tpu.memref_slice %arg3[%mul3A_515] : memref<12582912xf32, #tpu.memory_space<hbm>> -> memref<8192xf32, #tpu.memory_space<hbm>>
      tpu.wait_dma2 semaphore(%run_scoped3A : memref<!tpu.dma_semaphore, #tpu.memory_space<semaphore_mem>>) src(%arg10 : memref<8192xf32, #tpu.memory_space<vmem>>) dst(%dma_wait3A_628 : memref<8192xf32, #tpu.memory_space<hbm>>)
      tpu.yield
    }) : () -> ()
    %mul3A_516 = arith.constant 3 : i32
    %mul3A_517 = arith.muli %select_n3A, %mul3A_516 : i32
    %add3A_518 = arith.constant 2 : i32
    %add3A_519 = arith.addi %mul3A_517, %add3A_518 : i32
    %mul3A_520 = arith.constant 512 : i32
    %mul3A_521 = arith.muli %add3A_519, %mul3A_520 : i32
    %add3A_522 = arith.addi %mul3A_521, %add3A_494 : i32
    %mul3A_523 = arith.constant 512 : i32
    %mul3A_524 = arith.muli %add3A_522, %mul3A_523 : i32
    "tpu.region"() ({
      %run_scoped3A = tpu.sem_alloc : memref<!tpu.dma_semaphore, #tpu.memory_space<semaphore_mem>>
      %dma_start3A = tpu.memref_slice %arg3[%mul3A_524] : memref<12582912xf32, #tpu.memory_space<hbm>> -> memref<8192xf32, #tpu.memory_space<hbm>>
      %dma_start3A_627 = tpu.memref_slice %arg3[%mul3A_524] : memref<12582912xf32, #tpu.memory_space<hbm>> -> memref<8192xf32, #tpu.memory_space<hbm>>
      tpu.enqueue_dma source(%arg11 : memref<8192xf32, #tpu.memory_space<vmem>>) target(%dma_start3A_627 : memref<8192xf32, #tpu.memory_space<hbm>>) target_semaphore(%run_scoped3A : memref<!tpu.dma_semaphore, #tpu.memory_space<semaphore_mem>>)
      %dma_wait3A = tpu.memref_slice %arg3[%mul3A_524] : memref<12582912xf32, #tpu.memory_space<hbm>> -> memref<8192xf32, #tpu.memory_space<hbm>>
      %dma_wait3A_628 = tpu.memref_slice %arg3[%mul3A_524] : memref<12582912xf32, #tpu.memory_space<hbm>> -> memref<8192xf32, #tpu.memory_space<hbm>>
      tpu.wait_dma2 semaphore(%run_scoped3A : memref<!tpu.dma_semaphore, #tpu.memory_space<semaphore_mem>>) src(%arg11 : memref<8192xf32, #tpu.memory_space<vmem>>) dst(%dma_wait3A_628 : memref<8192xf32, #tpu.memory_space<hbm>>)
      tpu.yield
    }) : () -> ()
    %mul3A_525 = arith.constant 128 : i32
    %mul3A_526 = arith.muli %add3A_342, %mul3A_525 : i32
    %add3A_527 = arith.constant 80 : i32
    %add3A_528 = arith.addi %mul3A_526, %add3A_527 : i32
    %parallel_loop3A_529 = arith.constant 0 : i32
    %parallel_loop3A_530 = arith.constant 8192 : i32
    %parallel_loop3A_531 = arith.constant 16 : i32
    scf.for %parallel_loop3A_627 = %parallel_loop3A_529 to %parallel_loop3A_530 step %parallel_loop3A_531  : i32 {
      %parallel_loop3A_628 = arith.constant 40960 : i32
      %parallel_loop3A_629 = arith.addi %parallel_loop3A_628, %parallel_loop3A_627 : i32
      %parallel_loop3A_630 = arith.index_cast %parallel_loop3A_629 : i32 to index
      %parallel_loop3A_631 = tpu.vector_load %arg8[%parallel_loop3A_630] {strides = array<i32>} : memref<65536xi32, #tpu.memory_space<vmem>>, vector<16xi32>,
      %parallel_loop3A_632 = arith.constant 0 : i32
      %parallel_loop3A_633 = vector.broadcast %parallel_loop3A_632 : i32 to vector<16xi32>
      %parallel_loop3A_634 = arith.cmpi sge, %parallel_loop3A_631, %parallel_loop3A_633 : vector<16xi32>
      %parallel_loop3A_635 = arith.constant 0 : i32
      %parallel_loop3A_636 = vector.broadcast %parallel_loop3A_635 : i32 to vector<16xi32>
      %parallel_loop3A_637 = arith.select %parallel_loop3A_634, %parallel_loop3A_631, %parallel_loop3A_636 : vector<16xi1>, vector<16xi32>
      %parallel_loop3A_638 = tpu.vector_load_idx %arg5[%parallel_loop3A_637] : memref<1024xf32, #tpu.memory_space<vmem>>[vector<16xi32>], vector<16xf32>,
      %parallel_loop3A_639 = tpu.vector_load_idx %arg6[%parallel_loop3A_637] : memref<1024xf32, #tpu.memory_space<vmem>>[vector<16xi32>], vector<16xf32>,
      %parallel_loop3A_640 = arith.constant 511 : i32
      %parallel_loop3A_641 = arith.andi %parallel_loop3A_627, %parallel_loop3A_640 : i32
      %parallel_loop3A_642 = arith.index_cast %parallel_loop3A_641 : i32 to index
      %parallel_loop3A_643 = tpu.vector_load %arg15[%parallel_loop3A_642] {strides = array<i32>} : memref<512xf32, #tpu.memory_space<vmem>>, vector<16xf32>,
      %parallel_loop3A_644 = arith.constant 9 : i32
      %parallel_loop3A_645 = arith.shrsi %parallel_loop3A_627, %parallel_loop3A_644 : i32
      %parallel_loop3A_646 = arith.addi %add3A_528, %parallel_loop3A_645 : i32
      %parallel_loop3A_647 = arith.sitofp %parallel_loop3A_646 : i32 to f32
      %parallel_loop3A_648 = arith.constant 0.001953125 : f32
      %parallel_loop3A_649 = arith.mulf %parallel_loop3A_647, %parallel_loop3A_648 : f32
      %parallel_loop3A_650 = vector.broadcast %parallel_loop3A_649 : f32 to vector<16xf32>
      %parallel_loop3A_651 = arith.select %parallel_loop3A_634, %broadcast_in_dim3A_31, %broadcast_in_dim3A_33 : vector<16xi1>, vector<16xf32>
      %parallel_loop3A_652 = arith.index_cast %parallel_loop3A_627 : i32 to index
      %parallel_loop3A_653 = tpu.vector_load %arg12[%parallel_loop3A_652] {strides = array<i32>} : memref<8192xf32, #tpu.memory_space<vmem>>, vector<16xf32>,
      tpu.vector_store %arg12[%parallel_loop3A_652], %parallel_loop3A_651 {strides = array<i32>} : memref<8192xf32, #tpu.memory_space<vmem>>, vector<16xf32>,
      %parallel_loop3A_654 = arith.select %parallel_loop3A_634, %parallel_loop3A_638, %parallel_loop3A_643 : vector<16xi1>, vector<16xf32>
      %parallel_loop3A_655 = arith.index_cast %parallel_loop3A_627 : i32 to index
      %parallel_loop3A_656 = tpu.vector_load %arg13[%parallel_loop3A_655] {strides = array<i32>} : memref<8192xf32, #tpu.memory_space<vmem>>, vector<16xf32>,
      tpu.vector_store %arg13[%parallel_loop3A_655], %parallel_loop3A_654 {strides = array<i32>} : memref<8192xf32, #tpu.memory_space<vmem>>, vector<16xf32>,
      %parallel_loop3A_657 = arith.select %parallel_loop3A_634, %parallel_loop3A_639, %parallel_loop3A_650 : vector<16xi1>, vector<16xf32>
      %parallel_loop3A_658 = arith.index_cast %parallel_loop3A_627 : i32 to index
      %parallel_loop3A_659 = tpu.vector_load %arg14[%parallel_loop3A_658] {strides = array<i32>} : memref<8192xf32, #tpu.memory_space<vmem>>, vector<16xf32>,
      tpu.vector_store %arg14[%parallel_loop3A_658], %parallel_loop3A_657 {strides = array<i32>} : memref<8192xf32, #tpu.memory_space<vmem>>, vector<16xf32>,
    } {sc.loop_unroll_factor = 4 : i64, sc.parallel_access}
    %mul3A_532 = arith.constant 3 : i32
    %mul3A_533 = arith.muli %select_n3A, %mul3A_532 : i32
    %add3A_534 = arith.constant 0 : i32
    %add3A_535 = arith.addi %mul3A_533, %add3A_534 : i32
    %mul3A_536 = arith.constant 512 : i32
    %mul3A_537 = arith.muli %add3A_535, %mul3A_536 : i32
    %add3A_538 = arith.addi %mul3A_537, %add3A_528 : i32
    %mul3A_539 = arith.constant 512 : i32
    %mul3A_540 = arith.muli %add3A_538, %mul3A_539 : i32
    "tpu.region"() ({
      %run_scoped3A = tpu.sem_alloc : memref<!tpu.dma_semaphore, #tpu.memory_space<semaphore_mem>>
      %dma_start3A = tpu.memref_slice %arg3[%mul3A_540] : memref<12582912xf32, #tpu.memory_space<hbm>> -> memref<8192xf32, #tpu.memory_space<hbm>>
      %dma_start3A_627 = tpu.memref_slice %arg3[%mul3A_540] : memref<12582912xf32, #tpu.memory_space<hbm>> -> memref<8192xf32, #tpu.memory_space<hbm>>
      tpu.enqueue_dma source(%arg12 : memref<8192xf32, #tpu.memory_space<vmem>>) target(%dma_start3A_627 : memref<8192xf32, #tpu.memory_space<hbm>>) target_semaphore(%run_scoped3A : memref<!tpu.dma_semaphore, #tpu.memory_space<semaphore_mem>>)
      %dma_wait3A = tpu.memref_slice %arg3[%mul3A_540] : memref<12582912xf32, #tpu.memory_space<hbm>> -> memref<8192xf32, #tpu.memory_space<hbm>>
      %dma_wait3A_628 = tpu.memref_slice %arg3[%mul3A_540] : memref<12582912xf32, #tpu.memory_space<hbm>> -> memref<8192xf32, #tpu.memory_space<hbm>>
      tpu.wait_dma2 semaphore(%run_scoped3A : memref<!tpu.dma_semaphore, #tpu.memory_space<semaphore_mem>>) src(%arg12 : memref<8192xf32, #tpu.memory_space<vmem>>) dst(%dma_wait3A_628 : memref<8192xf32, #tpu.memory_space<hbm>>)
      tpu.yield
    }) : () -> ()
    %mul3A_541 = arith.constant 3 : i32
    %mul3A_542 = arith.muli %select_n3A, %mul3A_541 : i32
    %add3A_543 = arith.constant 1 : i32
    %add3A_544 = arith.addi %mul3A_542, %add3A_543 : i32
    %mul3A_545 = arith.constant 512 : i32
    %mul3A_546 = arith.muli %add3A_544, %mul3A_545 : i32
    %add3A_547 = arith.addi %mul3A_546, %add3A_528 : i32
    %mul3A_548 = arith.constant 512 : i32
    %mul3A_549 = arith.muli %add3A_547, %mul3A_548 : i32
    "tpu.region"() ({
      %run_scoped3A = tpu.sem_alloc : memref<!tpu.dma_semaphore, #tpu.memory_space<semaphore_mem>>
      %dma_start3A = tpu.memref_slice %arg3[%mul3A_549] : memref<12582912xf32, #tpu.memory_space<hbm>> -> memref<8192xf32, #tpu.memory_space<hbm>>
      %dma_start3A_627 = tpu.memref_slice %arg3[%mul3A_549] : memref<12582912xf32, #tpu.memory_space<hbm>> -> memref<8192xf32, #tpu.memory_space<hbm>>
      tpu.enqueue_dma source(%arg13 : memref<8192xf32, #tpu.memory_space<vmem>>) target(%dma_start3A_627 : memref<8192xf32, #tpu.memory_space<hbm>>) target_semaphore(%run_scoped3A : memref<!tpu.dma_semaphore, #tpu.memory_space<semaphore_mem>>)
      %dma_wait3A = tpu.memref_slice %arg3[%mul3A_549] : memref<12582912xf32, #tpu.memory_space<hbm>> -> memref<8192xf32, #tpu.memory_space<hbm>>
      %dma_wait3A_628 = tpu.memref_slice %arg3[%mul3A_549] : memref<12582912xf32, #tpu.memory_space<hbm>> -> memref<8192xf32, #tpu.memory_space<hbm>>
      tpu.wait_dma2 semaphore(%run_scoped3A : memref<!tpu.dma_semaphore, #tpu.memory_space<semaphore_mem>>) src(%arg13 : memref<8192xf32, #tpu.memory_space<vmem>>) dst(%dma_wait3A_628 : memref<8192xf32, #tpu.memory_space<hbm>>)
      tpu.yield
    }) : () -> ()
    %mul3A_550 = arith.constant 3 : i32
    %mul3A_551 = arith.muli %select_n3A, %mul3A_550 : i32
    %add3A_552 = arith.constant 2 : i32
    %add3A_553 = arith.addi %mul3A_551, %add3A_552 : i32
    %mul3A_554 = arith.constant 512 : i32
    %mul3A_555 = arith.muli %add3A_553, %mul3A_554 : i32
    %add3A_556 = arith.addi %mul3A_555, %add3A_528 : i32
    %mul3A_557 = arith.constant 512 : i32
    %mul3A_558 = arith.muli %add3A_556, %mul3A_557 : i32
    "tpu.region"() ({
      %run_scoped3A = tpu.sem_alloc : memref<!tpu.dma_semaphore, #tpu.memory_space<semaphore_mem>>
      %dma_start3A = tpu.memref_slice %arg3[%mul3A_558] : memref<12582912xf32, #tpu.memory_space<hbm>> -> memref<8192xf32, #tpu.memory_space<hbm>>
      %dma_start3A_627 = tpu.memref_slice %arg3[%mul3A_558] : memref<12582912xf32, #tpu.memory_space<hbm>> -> memref<8192xf32, #tpu.memory_space<hbm>>
      tpu.enqueue_dma source(%arg14 : memref<8192xf32, #tpu.memory_space<vmem>>) target(%dma_start3A_627 : memref<8192xf32, #tpu.memory_space<hbm>>) target_semaphore(%run_scoped3A : memref<!tpu.dma_semaphore, #tpu.memory_space<semaphore_mem>>)
      %dma_wait3A = tpu.memref_slice %arg3[%mul3A_558] : memref<12582912xf32, #tpu.memory_space<hbm>> -> memref<8192xf32, #tpu.memory_space<hbm>>
      %dma_wait3A_628 = tpu.memref_slice %arg3[%mul3A_558] : memref<12582912xf32, #tpu.memory_space<hbm>> -> memref<8192xf32, #tpu.memory_space<hbm>>
      tpu.wait_dma2 semaphore(%run_scoped3A : memref<!tpu.dma_semaphore, #tpu.memory_space<semaphore_mem>>) src(%arg14 : memref<8192xf32, #tpu.memory_space<vmem>>) dst(%dma_wait3A_628 : memref<8192xf32, #tpu.memory_space<hbm>>)
      tpu.yield
    }) : () -> ()
    %mul3A_559 = arith.constant 128 : i32
    %mul3A_560 = arith.muli %add3A_342, %mul3A_559 : i32
    %add3A_561 = arith.constant 96 : i32
    %add3A_562 = arith.addi %mul3A_560, %add3A_561 : i32
    %parallel_loop3A_563 = arith.constant 0 : i32
    %parallel_loop3A_564 = arith.constant 8192 : i32
    %parallel_loop3A_565 = arith.constant 16 : i32
    scf.for %parallel_loop3A_627 = %parallel_loop3A_563 to %parallel_loop3A_564 step %parallel_loop3A_565  : i32 {
      %parallel_loop3A_628 = arith.constant 49152 : i32
      %parallel_loop3A_629 = arith.addi %parallel_loop3A_628, %parallel_loop3A_627 : i32
      %parallel_loop3A_630 = arith.index_cast %parallel_loop3A_629 : i32 to index
      %parallel_loop3A_631 = tpu.vector_load %arg8[%parallel_loop3A_630] {strides = array<i32>} : memref<65536xi32, #tpu.memory_space<vmem>>, vector<16xi32>,
      %parallel_loop3A_632 = arith.constant 0 : i32
      %parallel_loop3A_633 = vector.broadcast %parallel_loop3A_632 : i32 to vector<16xi32>
      %parallel_loop3A_634 = arith.cmpi sge, %parallel_loop3A_631, %parallel_loop3A_633 : vector<16xi32>
      %parallel_loop3A_635 = arith.constant 0 : i32
      %parallel_loop3A_636 = vector.broadcast %parallel_loop3A_635 : i32 to vector<16xi32>
      %parallel_loop3A_637 = arith.select %parallel_loop3A_634, %parallel_loop3A_631, %parallel_loop3A_636 : vector<16xi1>, vector<16xi32>
      %parallel_loop3A_638 = tpu.vector_load_idx %arg5[%parallel_loop3A_637] : memref<1024xf32, #tpu.memory_space<vmem>>[vector<16xi32>], vector<16xf32>,
      %parallel_loop3A_639 = tpu.vector_load_idx %arg6[%parallel_loop3A_637] : memref<1024xf32, #tpu.memory_space<vmem>>[vector<16xi32>], vector<16xf32>,
      %parallel_loop3A_640 = arith.constant 511 : i32
      %parallel_loop3A_641 = arith.andi %parallel_loop3A_627, %parallel_loop3A_640 : i32
      %parallel_loop3A_642 = arith.index_cast %parallel_loop3A_641 : i32 to index
      %parallel_loop3A_643 = tpu.vector_load %arg15[%parallel_loop3A_642] {strides = array<i32>} : memref<512xf32, #tpu.memory_space<vmem>>, vector<16xf32>,
      %parallel_loop3A_644 = arith.constant 9 : i32
      %parallel_loop3A_645 = arith.shrsi %parallel_loop3A_627, %parallel_loop3A_644 : i32
      %parallel_loop3A_646 = arith.addi %add3A_562, %parallel_loop3A_645 : i32
      %parallel_loop3A_647 = arith.sitofp %parallel_loop3A_646 : i32 to f32
      %parallel_loop3A_648 = arith.constant 0.001953125 : f32
      %parallel_loop3A_649 = arith.mulf %parallel_loop3A_647, %parallel_loop3A_648 : f32
      %parallel_loop3A_650 = vector.broadcast %parallel_loop3A_649 : f32 to vector<16xf32>
      %parallel_loop3A_651 = arith.select %parallel_loop3A_634, %broadcast_in_dim3A_31, %broadcast_in_dim3A_33 : vector<16xi1>, vector<16xf32>
      %parallel_loop3A_652 = arith.index_cast %parallel_loop3A_627 : i32 to index
      %parallel_loop3A_653 = tpu.vector_load %arg9[%parallel_loop3A_652] {strides = array<i32>} : memref<8192xf32, #tpu.memory_space<vmem>>, vector<16xf32>,
      tpu.vector_store %arg9[%parallel_loop3A_652], %parallel_loop3A_651 {strides = array<i32>} : memref<8192xf32, #tpu.memory_space<vmem>>, vector<16xf32>,
      %parallel_loop3A_654 = arith.select %parallel_loop3A_634, %parallel_loop3A_638, %parallel_loop3A_643 : vector<16xi1>, vector<16xf32>
      %parallel_loop3A_655 = arith.index_cast %parallel_loop3A_627 : i32 to index
      %parallel_loop3A_656 = tpu.vector_load %arg10[%parallel_loop3A_655] {strides = array<i32>} : memref<8192xf32, #tpu.memory_space<vmem>>, vector<16xf32>,
      tpu.vector_store %arg10[%parallel_loop3A_655], %parallel_loop3A_654 {strides = array<i32>} : memref<8192xf32, #tpu.memory_space<vmem>>, vector<16xf32>,
      %parallel_loop3A_657 = arith.select %parallel_loop3A_634, %parallel_loop3A_639, %parallel_loop3A_650 : vector<16xi1>, vector<16xf32>
      %parallel_loop3A_658 = arith.index_cast %parallel_loop3A_627 : i32 to index
      %parallel_loop3A_659 = tpu.vector_load %arg11[%parallel_loop3A_658] {strides = array<i32>} : memref<8192xf32, #tpu.memory_space<vmem>>, vector<16xf32>,
      tpu.vector_store %arg11[%parallel_loop3A_658], %parallel_loop3A_657 {strides = array<i32>} : memref<8192xf32, #tpu.memory_space<vmem>>, vector<16xf32>,
    } {sc.loop_unroll_factor = 4 : i64, sc.parallel_access}
    %mul3A_566 = arith.constant 3 : i32
    %mul3A_567 = arith.muli %select_n3A, %mul3A_566 : i32
    %add3A_568 = arith.constant 0 : i32
    %add3A_569 = arith.addi %mul3A_567, %add3A_568 : i32
    %mul3A_570 = arith.constant 512 : i32
    %mul3A_571 = arith.muli %add3A_569, %mul3A_570 : i32
    %add3A_572 = arith.addi %mul3A_571, %add3A_562 : i32
    %mul3A_573 = arith.constant 512 : i32
    %mul3A_574 = arith.muli %add3A_572, %mul3A_573 : i32
    "tpu.region"() ({
      %run_scoped3A = tpu.sem_alloc : memref<!tpu.dma_semaphore, #tpu.memory_space<semaphore_mem>>
      %dma_start3A = tpu.memref_slice %arg3[%mul3A_574] : memref<12582912xf32, #tpu.memory_space<hbm>> -> memref<8192xf32, #tpu.memory_space<hbm>>
      %dma_start3A_627 = tpu.memref_slice %arg3[%mul3A_574] : memref<12582912xf32, #tpu.memory_space<hbm>> -> memref<8192xf32, #tpu.memory_space<hbm>>
      tpu.enqueue_dma source(%arg9 : memref<8192xf32, #tpu.memory_space<vmem>>) target(%dma_start3A_627 : memref<8192xf32, #tpu.memory_space<hbm>>) target_semaphore(%run_scoped3A : memref<!tpu.dma_semaphore, #tpu.memory_space<semaphore_mem>>)
      %dma_wait3A = tpu.memref_slice %arg3[%mul3A_574] : memref<12582912xf32, #tpu.memory_space<hbm>> -> memref<8192xf32, #tpu.memory_space<hbm>>
      %dma_wait3A_628 = tpu.memref_slice %arg3[%mul3A_574] : memref<12582912xf32, #tpu.memory_space<hbm>> -> memref<8192xf32, #tpu.memory_space<hbm>>
      tpu.wait_dma2 semaphore(%run_scoped3A : memref<!tpu.dma_semaphore, #tpu.memory_space<semaphore_mem>>) src(%arg9 : memref<8192xf32, #tpu.memory_space<vmem>>) dst(%dma_wait3A_628 : memref<8192xf32, #tpu.memory_space<hbm>>)
      tpu.yield
    }) : () -> ()
    %mul3A_575 = arith.constant 3 : i32
    %mul3A_576 = arith.muli %select_n3A, %mul3A_575 : i32
    %add3A_577 = arith.constant 1 : i32
    %add3A_578 = arith.addi %mul3A_576, %add3A_577 : i32
    %mul3A_579 = arith.constant 512 : i32
    %mul3A_580 = arith.muli %add3A_578, %mul3A_579 : i32
    %add3A_581 = arith.addi %mul3A_580, %add3A_562 : i32
    %mul3A_582 = arith.constant 512 : i32
    %mul3A_583 = arith.muli %add3A_581, %mul3A_582 : i32
    "tpu.region"() ({
      %run_scoped3A = tpu.sem_alloc : memref<!tpu.dma_semaphore, #tpu.memory_space<semaphore_mem>>
      %dma_start3A = tpu.memref_slice %arg3[%mul3A_583] : memref<12582912xf32, #tpu.memory_space<hbm>> -> memref<8192xf32, #tpu.memory_space<hbm>>
      %dma_start3A_627 = tpu.memref_slice %arg3[%mul3A_583] : memref<12582912xf32, #tpu.memory_space<hbm>> -> memref<8192xf32, #tpu.memory_space<hbm>>
      tpu.enqueue_dma source(%arg10 : memref<8192xf32, #tpu.memory_space<vmem>>) target(%dma_start3A_627 : memref<8192xf32, #tpu.memory_space<hbm>>) target_semaphore(%run_scoped3A : memref<!tpu.dma_semaphore, #tpu.memory_space<semaphore_mem>>)
      %dma_wait3A = tpu.memref_slice %arg3[%mul3A_583] : memref<12582912xf32, #tpu.memory_space<hbm>> -> memref<8192xf32, #tpu.memory_space<hbm>>
      %dma_wait3A_628 = tpu.memref_slice %arg3[%mul3A_583] : memref<12582912xf32, #tpu.memory_space<hbm>> -> memref<8192xf32, #tpu.memory_space<hbm>>
      tpu.wait_dma2 semaphore(%run_scoped3A : memref<!tpu.dma_semaphore, #tpu.memory_space<semaphore_mem>>) src(%arg10 : memref<8192xf32, #tpu.memory_space<vmem>>) dst(%dma_wait3A_628 : memref<8192xf32, #tpu.memory_space<hbm>>)
      tpu.yield
    }) : () -> ()
    %mul3A_584 = arith.constant 3 : i32
    %mul3A_585 = arith.muli %select_n3A, %mul3A_584 : i32
    %add3A_586 = arith.constant 2 : i32
    %add3A_587 = arith.addi %mul3A_585, %add3A_586 : i32
    %mul3A_588 = arith.constant 512 : i32
    %mul3A_589 = arith.muli %add3A_587, %mul3A_588 : i32
    %add3A_590 = arith.addi %mul3A_589, %add3A_562 : i32
    %mul3A_591 = arith.constant 512 : i32
    %mul3A_592 = arith.muli %add3A_590, %mul3A_591 : i32
    "tpu.region"() ({
      %run_scoped3A = tpu.sem_alloc : memref<!tpu.dma_semaphore, #tpu.memory_space<semaphore_mem>>
      %dma_start3A = tpu.memref_slice %arg3[%mul3A_592] : memref<12582912xf32, #tpu.memory_space<hbm>> -> memref<8192xf32, #tpu.memory_space<hbm>>
      %dma_start3A_627 = tpu.memref_slice %arg3[%mul3A_592] : memref<12582912xf32, #tpu.memory_space<hbm>> -> memref<8192xf32, #tpu.memory_space<hbm>>
      tpu.enqueue_dma source(%arg11 : memref<8192xf32, #tpu.memory_space<vmem>>) target(%dma_start3A_627 : memref<8192xf32, #tpu.memory_space<hbm>>) target_semaphore(%run_scoped3A : memref<!tpu.dma_semaphore, #tpu.memory_space<semaphore_mem>>)
      %dma_wait3A = tpu.memref_slice %arg3[%mul3A_592] : memref<12582912xf32, #tpu.memory_space<hbm>> -> memref<8192xf32, #tpu.memory_space<hbm>>
      %dma_wait3A_628 = tpu.memref_slice %arg3[%mul3A_592] : memref<12582912xf32, #tpu.memory_space<hbm>> -> memref<8192xf32, #tpu.memory_space<hbm>>
      tpu.wait_dma2 semaphore(%run_scoped3A : memref<!tpu.dma_semaphore, #tpu.memory_space<semaphore_mem>>) src(%arg11 : memref<8192xf32, #tpu.memory_space<vmem>>) dst(%dma_wait3A_628 : memref<8192xf32, #tpu.memory_space<hbm>>)
      tpu.yield
    }) : () -> ()
    %mul3A_593 = arith.constant 128 : i32
    %mul3A_594 = arith.muli %add3A_342, %mul3A_593 : i32
    %add3A_595 = arith.constant 112 : i32
    %add3A_596 = arith.addi %mul3A_594, %add3A_595 : i32
    %parallel_loop3A_597 = arith.constant 0 : i32
    %parallel_loop3A_598 = arith.constant 8192 : i32
    %parallel_loop3A_599 = arith.constant 16 : i32
    scf.for %parallel_loop3A_627 = %parallel_loop3A_597 to %parallel_loop3A_598 step %parallel_loop3A_599  : i32 {
      %parallel_loop3A_628 = arith.constant 57344 : i32
      %parallel_loop3A_629 = arith.addi %parallel_loop3A_628, %parallel_loop3A_627 : i32
      %parallel_loop3A_630 = arith.index_cast %parallel_loop3A_629 : i32 to index
      %parallel_loop3A_631 = tpu.vector_load %arg8[%parallel_loop3A_630] {strides = array<i32>} : memref<65536xi32, #tpu.memory_space<vmem>>, vector<16xi32>,
      %parallel_loop3A_632 = arith.constant 0 : i32
      %parallel_loop3A_633 = vector.broadcast %parallel_loop3A_632 : i32 to vector<16xi32>
      %parallel_loop3A_634 = arith.cmpi sge, %parallel_loop3A_631, %parallel_loop3A_633 : vector<16xi32>
      %parallel_loop3A_635 = arith.constant 0 : i32
      %parallel_loop3A_636 = vector.broadcast %parallel_loop3A_635 : i32 to vector<16xi32>
      %parallel_loop3A_637 = arith.select %parallel_loop3A_634, %parallel_loop3A_631, %parallel_loop3A_636 : vector<16xi1>, vector<16xi32>
      %parallel_loop3A_638 = tpu.vector_load_idx %arg5[%parallel_loop3A_637] : memref<1024xf32, #tpu.memory_space<vmem>>[vector<16xi32>], vector<16xf32>,
      %parallel_loop3A_639 = tpu.vector_load_idx %arg6[%parallel_loop3A_637] : memref<1024xf32, #tpu.memory_space<vmem>>[vector<16xi32>], vector<16xf32>,
      %parallel_loop3A_640 = arith.constant 511 : i32
      %parallel_loop3A_641 = arith.andi %parallel_loop3A_627, %parallel_loop3A_640 : i32
      %parallel_loop3A_642 = arith.index_cast %parallel_loop3A_641 : i32 to index
      %parallel_loop3A_643 = tpu.vector_load %arg15[%parallel_loop3A_642] {strides = array<i32>} : memref<512xf32, #tpu.memory_space<vmem>>, vector<16xf32>,
      %parallel_loop3A_644 = arith.constant 9 : i32
      %parallel_loop3A_645 = arith.shrsi %parallel_loop3A_627, %parallel_loop3A_644 : i32
      %parallel_loop3A_646 = arith.addi %add3A_596, %parallel_loop3A_645 : i32
      %parallel_loop3A_647 = arith.sitofp %parallel_loop3A_646 : i32 to f32
      %parallel_loop3A_648 = arith.constant 0.001953125 : f32
      %parallel_loop3A_649 = arith.mulf %parallel_loop3A_647, %parallel_loop3A_648 : f32
      %parallel_loop3A_650 = vector.broadcast %parallel_loop3A_649 : f32 to vector<16xf32>
      %parallel_loop3A_651 = arith.select %parallel_loop3A_634, %broadcast_in_dim3A_31, %broadcast_in_dim3A_33 : vector<16xi1>, vector<16xf32>
      %parallel_loop3A_652 = arith.index_cast %parallel_loop3A_627 : i32 to index
      %parallel_loop3A_653 = tpu.vector_load %arg12[%parallel_loop3A_652] {strides = array<i32>} : memref<8192xf32, #tpu.memory_space<vmem>>, vector<16xf32>,
      tpu.vector_store %arg12[%parallel_loop3A_652], %parallel_loop3A_651 {strides = array<i32>} : memref<8192xf32, #tpu.memory_space<vmem>>, vector<16xf32>,
      %parallel_loop3A_654 = arith.select %parallel_loop3A_634, %parallel_loop3A_638, %parallel_loop3A_643 : vector<16xi1>, vector<16xf32>
      %parallel_loop3A_655 = arith.index_cast %parallel_loop3A_627 : i32 to index
      %parallel_loop3A_656 = tpu.vector_load %arg13[%parallel_loop3A_655] {strides = array<i32>} : memref<8192xf32, #tpu.memory_space<vmem>>, vector<16xf32>,
      tpu.vector_store %arg13[%parallel_loop3A_655], %parallel_loop3A_654 {strides = array<i32>} : memref<8192xf32, #tpu.memory_space<vmem>>, vector<16xf32>,
      %parallel_loop3A_657 = arith.select %parallel_loop3A_634, %parallel_loop3A_639, %parallel_loop3A_650 : vector<16xi1>, vector<16xf32>
      %parallel_loop3A_658 = arith.index_cast %parallel_loop3A_627 : i32 to index
      %parallel_loop3A_659 = tpu.vector_load %arg14[%parallel_loop3A_658] {strides = array<i32>} : memref<8192xf32, #tpu.memory_space<vmem>>, vector<16xf32>,
      tpu.vector_store %arg14[%parallel_loop3A_658], %parallel_loop3A_657 {strides = array<i32>} : memref<8192xf32, #tpu.memory_space<vmem>>, vector<16xf32>,
    } {sc.loop_unroll_factor = 4 : i64, sc.parallel_access}
    %mul3A_600 = arith.constant 3 : i32
    %mul3A_601 = arith.muli %select_n3A, %mul3A_600 : i32
    %add3A_602 = arith.constant 0 : i32
    %add3A_603 = arith.addi %mul3A_601, %add3A_602 : i32
    %mul3A_604 = arith.constant 512 : i32
    %mul3A_605 = arith.muli %add3A_603, %mul3A_604 : i32
    %add3A_606 = arith.addi %mul3A_605, %add3A_596 : i32
    %mul3A_607 = arith.constant 512 : i32
    %mul3A_608 = arith.muli %add3A_606, %mul3A_607 : i32
    "tpu.region"() ({
      %run_scoped3A = tpu.sem_alloc : memref<!tpu.dma_semaphore, #tpu.memory_space<semaphore_mem>>
      %dma_start3A = tpu.memref_slice %arg3[%mul3A_608] : memref<12582912xf32, #tpu.memory_space<hbm>> -> memref<8192xf32, #tpu.memory_space<hbm>>
      %dma_start3A_627 = tpu.memref_slice %arg3[%mul3A_608] : memref<12582912xf32, #tpu.memory_space<hbm>> -> memref<8192xf32, #tpu.memory_space<hbm>>
      tpu.enqueue_dma source(%arg12 : memref<8192xf32, #tpu.memory_space<vmem>>) target(%dma_start3A_627 : memref<8192xf32, #tpu.memory_space<hbm>>) target_semaphore(%run_scoped3A : memref<!tpu.dma_semaphore, #tpu.memory_space<semaphore_mem>>)
      %dma_wait3A = tpu.memref_slice %arg3[%mul3A_608] : memref<12582912xf32, #tpu.memory_space<hbm>> -> memref<8192xf32, #tpu.memory_space<hbm>>
      %dma_wait3A_628 = tpu.memref_slice %arg3[%mul3A_608] : memref<12582912xf32, #tpu.memory_space<hbm>> -> memref<8192xf32, #tpu.memory_space<hbm>>
      tpu.wait_dma2 semaphore(%run_scoped3A : memref<!tpu.dma_semaphore, #tpu.memory_space<semaphore_mem>>) src(%arg12 : memref<8192xf32, #tpu.memory_space<vmem>>) dst(%dma_wait3A_628 : memref<8192xf32, #tpu.memory_space<hbm>>)
      tpu.yield
    }) : () -> ()
    %mul3A_609 = arith.constant 3 : i32
    %mul3A_610 = arith.muli %select_n3A, %mul3A_609 : i32
    %add3A_611 = arith.constant 1 : i32
    %add3A_612 = arith.addi %mul3A_610, %add3A_611 : i32
    %mul3A_613 = arith.constant 512 : i32
    %mul3A_614 = arith.muli %add3A_612, %mul3A_613 : i32
    %add3A_615 = arith.addi %mul3A_614, %add3A_596 : i32
    %mul3A_616 = arith.constant 512 : i32
    %mul3A_617 = arith.muli %add3A_615, %mul3A_616 : i32
    "tpu.region"() ({
      %run_scoped3A = tpu.sem_alloc : memref<!tpu.dma_semaphore, #tpu.memory_space<semaphore_mem>>
      %dma_start3A = tpu.memref_slice %arg3[%mul3A_617] : memref<12582912xf32, #tpu.memory_space<hbm>> -> memref<8192xf32, #tpu.memory_space<hbm>>
      %dma_start3A_627 = tpu.memref_slice %arg3[%mul3A_617] : memref<12582912xf32, #tpu.memory_space<hbm>> -> memref<8192xf32, #tpu.memory_space<hbm>>
      tpu.enqueue_dma source(%arg13 : memref<8192xf32, #tpu.memory_space<vmem>>) target(%dma_start3A_627 : memref<8192xf32, #tpu.memory_space<hbm>>) target_semaphore(%run_scoped3A : memref<!tpu.dma_semaphore, #tpu.memory_space<semaphore_mem>>)
      %dma_wait3A = tpu.memref_slice %arg3[%mul3A_617] : memref<12582912xf32, #tpu.memory_space<hbm>> -> memref<8192xf32, #tpu.memory_space<hbm>>
      %dma_wait3A_628 = tpu.memref_slice %arg3[%mul3A_617] : memref<12582912xf32, #tpu.memory_space<hbm>> -> memref<8192xf32, #tpu.memory_space<hbm>>
      tpu.wait_dma2 semaphore(%run_scoped3A : memref<!tpu.dma_semaphore, #tpu.memory_space<semaphore_mem>>) src(%arg13 : memref<8192xf32, #tpu.memory_space<vmem>>) dst(%dma_wait3A_628 : memref<8192xf32, #tpu.memory_space<hbm>>)
      tpu.yield
    }) : () -> ()
    %mul3A_618 = arith.constant 3 : i32
    %mul3A_619 = arith.muli %select_n3A, %mul3A_618 : i32
    %add3A_620 = arith.constant 2 : i32
    %add3A_621 = arith.addi %mul3A_619, %add3A_620 : i32
    %mul3A_622 = arith.constant 512 : i32
    %mul3A_623 = arith.muli %add3A_621, %mul3A_622 : i32
    %add3A_624 = arith.addi %mul3A_623, %add3A_596 : i32
    %mul3A_625 = arith.constant 512 : i32
    %mul3A_626 = arith.muli %add3A_624, %mul3A_625 : i32
    "tpu.region"() ({
      %run_scoped3A = tpu.sem_alloc : memref<!tpu.dma_semaphore, #tpu.memory_space<semaphore_mem>>
      %dma_start3A = tpu.memref_slice %arg3[%mul3A_626] : memref<12582912xf32, #tpu.memory_space<hbm>> -> memref<8192xf32, #tpu.memory_space<hbm>>
      %dma_start3A_627 = tpu.memref_slice %arg3[%mul3A_626] : memref<12582912xf32, #tpu.memory_space<hbm>> -> memref<8192xf32, #tpu.memory_space<hbm>>
      tpu.enqueue_dma source(%arg14 : memref<8192xf32, #tpu.memory_space<vmem>>) target(%dma_start3A_627 : memref<8192xf32, #tpu.memory_space<hbm>>) target_semaphore(%run_scoped3A : memref<!tpu.dma_semaphore, #tpu.memory_space<semaphore_mem>>)
      %dma_wait3A = tpu.memref_slice %arg3[%mul3A_626] : memref<12582912xf32, #tpu.memory_space<hbm>> -> memref<8192xf32, #tpu.memory_space<hbm>>
      %dma_wait3A_628 = tpu.memref_slice %arg3[%mul3A_626] : memref<12582912xf32, #tpu.memory_space<hbm>> -> memref<8192xf32, #tpu.memory_space<hbm>>
      tpu.wait_dma2 semaphore(%run_scoped3A : memref<!tpu.dma_semaphore, #tpu.memory_space<semaphore_mem>>) src(%arg14 : memref<8192xf32, #tpu.memory_space<vmem>>) dst(%dma_wait3A_628 : memref<8192xf32, #tpu.memory_space<hbm>>)
      tpu.yield
    }) : () -> ()
    return
  }
}

</mosaic_0001>

<sc_bundles>
// kernel: kernel.3.cloned.1.call-start
scs
__scs_entry_jumppad:
0x0: {  	(pc) =	sbr.rel $0x88, $3  }
0x1: {  	(tag) =	ssettag $0x0;
	lr =	simm.s32 $0x1  }
0x2: {  	[smem:$0x3FA0] =	sst lr;
	_ =	strace $0xD0000000  }
0x3: {  	_ = 	snop  }
0x4: {  	_ = 	snop  }
0x5: {  	_ = 	snop  }
0x6: {  	_ = 	snop  }
0x7: {  	_ = 	snop  }
__scs_overlays_trampoline_lowered:
0x8: {  	[smem:$0x3FAF] =	sst s0  }
0x9: {  	[smem:$0x3FB0] =	sst s1  }
0xa: {  	[smem:$0x3FB1] =	sst s2  }
0xb: {  	[smem:$0x3FB2] =	sst s3  }
0xc: {  	[smem:$0x3FB3] =	sst s4  }
0xd: {  	[smem:$0x3FB4] =	sst s5  }
0xe: {  	[smem:$0x3FB5] =	sst s6  }
0xf: {  	[smem:$0x3FB6] =	sst s7  }
0x10: {  	[smem:$0x3FB7] =	sst s8  }
0x11: {  	[smem:$0x3FB8] =	sst s9;
	s0 =	simm.s32 @!p0 $0x0  }
0x12: {  	s1 =	sld [smem:$0x3F9E];
	s0 =	simm.s32 @p0 $0x1  }
0x13: {  	[smem:$0x3FB9] =	sst s0;
	s0 =	simm.s32 @!p1 $0x0  }
0x14: {  	s2 =	sld [smem:$0x3F9D];
	s0 =	simm.s32 @p1 $0x1  }
0x15: {  	[smem:$0x3FBA] =	sst s0;
	s0 =	simm.s32 @!p2 $0x0  }
0x16: {  	s3 =	sld [smem:$0x3FDB];
	s0 =	simm.s32 @p2 $0x1  }
0x17: {  	s4 =	simm.s32 $0x1BF5;
	[smem:$0x3FBC] =	sst s0  }
0x18: {  	s0 =	sld [smem:$0x3F9F];
	_ =	swait.ge [sflag:s4], $0x0  }
0x19: {  	s7 =	sld [smem:$0x3FA0]  }
0x1a: {  	s8 =	sadd.s32 $0xFFFFE003, lr  }
0x1b: {  	s9 =	sadd.s32 $0xFFFFFEF7, lr;
	s5 =	simm.s32 $0xFFFFFFFF;
	p2 =	slt.u32 s8, $0xFFFFF086  }
0x1c: {  	p1 =	slt.u32 s9, $0xF7A;
	s5 =	simm.s32 @!p2 $0x0  }
0x1d: {  	s5 =	simm.s32 @p1 $0x1;
	p0 =	seq.s32 s7, s2  }
0x1e: {  	s7 =	smul.u32 @!p0 $0xF7A, s2;
	p2 =	seq.s32 @!p0 s5, $0x0  }
0x1f: {  	s9 =	smul.u32 $0xF7A, s1;
	s8 =	simm.s32 @!p0 $0x1BF5;
	p2 =	por !p2, p0  }
0x20: {  	[sflag:s8] =	ssyncset.s32 @!p0 $0xFFFFF086;
	s6 =	sadd.s32 @!p0 s3, s7;
	s7 =	simm.s32 @!p0 $0x108  }
0x21: {  	s3 =	sadd.s32 s3, s9;
	s6 =	sadd.s32 @!p0 $0x88, s6;
	s7 =	simm.s32 @p2 $0x1082  }
0x22: {  	[simem:s7], [sflag:s8] =	dma.local @!p0 [hbm:s6], $0xF7A  }
0x23: {  	s9 =	sor.u32 $0xD0000000, s2;
	s6 =	simm.s32 $0x108;
	_ =	swait.ge @!p0 [sflag:s8], $0x0  }
0x24: {  	s3 =	sadd.s32 $0x88, s3;
	s6 =	simm.s32 @!p1 $0x1082;
	[sflag:s4] =	ssyncset.s32 $0xFFFFF086  }
0x25: {  	[simem:s6], [sflag:s4] =	dma.local [hbm:s3], $0xF7A  }
0x26: {  	[smem:$0x3FA0] =	sst s1;
	(tag) =	ssettag s2;
	_ =	strace s9  }
0x27: {  	s1 =	sld [smem:$0x3FB0]  }
0x28: {  	s2 =	sld [smem:$0x3FB1]  }
0x29: {  	s4 =	sld [smem:$0x3FB3]  }
0x2a: {  	p0 =	seq.s32 s5, $0x0;
	s5 =	sld [smem:$0x3FB4]  }
0x2b: {  	s6 =	sld [smem:$0x3FB5]  }
0x2c: {  	s7 =	sld [smem:$0x3FB6]  }
0x2d: {  	s3 =	simm.s32 $0x108;
	s8 =	sld [smem:$0x3FB7]  }
0x2e: {  	s3 =	simm.s32 @!p0 $0x1082;
	s9 =	sld [smem:$0x3FB8]  }
0x2f: {  	lr =	sadd.s32 s0, s3;
	s0 =	sld [smem:$0x3FAF]  }
0x30: {  	s3 =	sld [smem:$0x3FB2]  }
0x31: {  	[smem:$0x3FBB] =	sst s10  }
0x32: {  	s10 =	sld [smem:$0x3FB9];
	_ =	sdelay $0x3  }
0x33: {  	p0 =	seq.s32 s10, $0x1;
	s10 =	sld [smem:$0x3FBB];
	_ =	sdelay $0x3  }
0x34: {  	[smem:$0x3FBB] =	sst s10  }
0x35: {  	s10 =	sld [smem:$0x3FBA];
	_ =	sdelay $0x3  }
0x36: {  	p1 =	seq.s32 s10, $0x1;
	s10 =	sld [smem:$0x3FBB];
	_ =	sdelay $0x3  }
0x37: {  	[smem:$0x3FBB] =	sst s10  }
0x38: {  	s10 =	sld [smem:$0x3FBC]  }
0x39: {  	_ = 	snop;
	(pc) =	sbr.ind lr, $3  }
0x3a: {  	_ = 	snop  }
0x3b: {  	_ = 	snop  }
0x3c: {  	p2 =	seq.s32 s10, $0x1;
	s10 =	sld [smem:$0x3FBB]  }
0x3d: {  	_ =	shalt  }
0x3e: {  	_ =	shalt  }
0x3f: {  	_ =	shalt  }
0x40: {  	_ =	shalt  }
0x41: {  	_ =	shalt  }
0x42: {  	_ =	shalt  }
0x43: {  	_ =	shalt  }
0x44: {  	_ =	shalt  }
0x45: {  	_ =	shalt  }
0x46: {  	_ =	shalt  }
0x47: {  	_ =	shalt  }
0x48: {  	_ =	shalt  }
0x49: {  	_ =	shalt  }
0x4a: {  	_ =	shalt  }
0x4b: {  	_ =	shalt  }
0x4c: {  	_ =	shalt  }
0x4d: {  	_ =	shalt  }
0x4e: {  	_ =	shalt  }
0x4f: {  	_ =	shalt  }
0x50: {  	_ =	shalt  }
0x51: {  	_ =	shalt  }
0x52: {  	_ =	shalt  }
0x53: {  	_ =	shalt  }
0x54: {  	_ =	shalt  }
0x55: {  	_ =	shalt  }
0x56: {  	_ =	shalt  }
0x57: {  	_ =	shalt  }
0x58: {  	_ =	shalt  }
0x59: {  	_ =	shalt  }
0x5a: {  	_ =	shalt  }
0x5b: {  	_ =	shalt  }
0x5c: {  	_ =	shalt  }
0x5d: {  	_ =	shalt  }
0x5e: {  	_ =	shalt  }
0x5f: {  	_ =	shalt  }
0x60: {  	_ =	shalt  }
0x61: {  	_ =	shalt  }
0x62: {  	_ =	shalt  }
0x63: {  	_ =	shalt  }
0x64: {  	_ =	shalt  }
0x65: {  	_ =	shalt  }
0x66: {  	_ =	shalt  }
0x67: {  	_ =	shalt  }
0x68: {  	_ =	shalt  }
0x69: {  	_ =	shalt  }
0x6a: {  	_ =	shalt  }
0x6b: {  	_ =	shalt  }
0x6c: {  	_ =	shalt  }
0x6d: {  	_ =	shalt  }
0x6e: {  	_ =	shalt  }
0x6f: {  	_ =	shalt  }
0x70: {  	_ =	shalt  }
0x71: {  	_ =	shalt  }
0x72: {  	_ =	shalt  }
0x73: {  	_ =	shalt  }
0x74: {  	_ =	shalt  }
0x75: {  	_ =	shalt  }
0x76: {  	_ =	shalt  }
0x77: {  	_ =	shalt  }
0x78: {  	_ =	shalt  }
0x79: {  	_ =	shalt  }
0x7a: {  	_ =	shalt  }
0x7b: {  	_ =	shalt  }
0x7c: {  	_ =	shalt  }
0x7d: {  	_ =	shalt  }
0x7e: {  	_ =	shalt  }
0x7f: {  	_ =	shalt  }
0x80: {  	_ =	shalt  }
0x81: {  	_ =	shalt  }
0x82: {  	_ =	shalt  }
0x83: {  	_ =	shalt  }
0x84: {  	_ =	shalt  }
0x85: {  	_ =	shalt  }
0x86: {  	_ =	shalt  }
0x87: {  	_ =	shalt  }
.Lfunc_end0:
.L_simem_size_0:
called_computation_lowered:
.L_overlay_start_0:
0x88: {  	s2 =	sld [smem:$0x3FD9]  }
0x89: {  	s3 =	sld [smem:$0x3FFE];
	_ =	sdelay $0x1  }
0x8a: {  	s1 =	srdreg.scid  }
0x8b: {  	s0 =	sand.u32 $0x1, s1  }
0x8c: {  	s17 =	sshll.u32 s0, $0xA;
	s2 =	sadd.s32 s3, s2  }
0x8d: {  	s2 =	sadd.s32 s2, s17  }
0x8e: {  	[smem:$0x3FC7] =	sst s2  }
0x8f: {  	_ = 	snop  }
0x90: {  	s2 =	sld [smem:$0x3FD0];
	(tm) =	ssettm $0x1  }
0x91: {  	s18 =	sld [smem:$0x3FFB];
	_ =	sdelay $0x3  }
0x92: {  	_ =	strace s18  }
0x93: {  	s3 =	sld [smem:$0x3FFC];
	_ =	sdelay $0x3  }
0x94: {  	_ =	strace s3  }
0x95: {  	s3 =	sld [smem:$0x3FFD];
	_ =	sdelay $0x3  }
0x96: {  	_ =	strace s3  }
0x97: {  	_ =	strace $0x8FFFFFFF  }
0x98: {  	s19 =	sld [smem:$0x3FDB];
	_ =	sdelay $0x1  }
0x99: {  	s4 =	simm.s32 $_scs_section_size  }
0x9a: {  	s5 =	simm.s32 $_size__tile_overlayer_lowered;
	s6 =	simm.s32 $_tile_overlayer_lowered  }
0x9b: {  	s22 =	simm.s32 $0x1BFF;
	s21 =	sshll.u32 s6, $0x1;
	s3 =	sadd.s32 s4, s19  }
0x9c: {  	s7 =	simm.s32 $0x0;
	s20 =	sshll.u32 s5, $0x1;
	s5 =	sadd.s32 s21, s3  }
0x9d: {  	[timem:s7], [sflag:s22] =	dma.local [hbm:s5], s20  }
0x9e: {  	_ =	swait.ge [sflag:s22], s20  }
0x9f: {  	s4 =	ssub.s32 $0x0, s20;
	[sflag:s22] =	ssyncset.done $0x0  }
0xa0: {  	[sflag:s22] =	ssyncadd.s32 s4;
	_ =	sdelay $0x1  }
0xa1: {  	s23 =	simm.s32 $0x1B8B  }
0xa2: {  	_ =	swait.ge [sflag:s23], $0x1  }
0xa3: {  	[sflag:s23] =	ssyncset.done $0x0  }
0xa4: {  	s25 =	simm.s32 $0x1B8E;
	s24 =	sld [smem:$0x3FFE];
	[sflag:s23] =	ssyncadd.s32 $0xFFFFFFFF  }
0xa5: {  	s26 =	simm.s32 $execute0_lowered;
	[smem:$0x3FD2] =	sst s25  }
0xa6: {  	s5 =	sshll.u32 s26, $0x1;
	_ =	strace $0x80000046;
	[dreg:$0x1] =	wrdreg $0xFFFFFFFF  }
0xa7: {  	s28 =	simm.s32 $_size_execute0_lowered;
	s3 =	sadd.s32 s3, s5;
	[dreg:$0x0] =	wrdreg $0x0  }
0xa8: {  	s5 =	sshll.u32 s28, $0x1;
	[dreg:$0x2] =	wrdreg s3  }
0xa9: {  	[dreg:$0x3] =	wrdreg s5  }
0xaa: {  	[dreg:$0x4] =	wrdreg $0xC0  }
0xab: {  	_ =	task [dreg:s7], $0x5FFFF  }
0xac: {  	[dreg:$0x1] =	wrdreg $0xFFFFFFFF  }
0xad: {  	[dreg:$0x0] =	wrdreg $0x60  }
0xae: {  	[dreg:$0x2] =	wrdreg s2  }
0xaf: {  	[dreg:$0x3] =	wrdreg s24  }
0xb0: {  	[dreg:$0x4] =	wrdreg $0x9  }
0xb1: {  	_ =	task.clear_ibuf [dreg:s7], $0x5FFFF;
	_ =	strace $0x90000046  }
0xb2: {  	s29 =	simm.s32 $0x9;
	_ =	strace $0x80000048  }
0xb3: {  	_ =	swait.ge [sflag:s29], $0x1  }
0xb4: {  	[sflag:s29] =	ssyncadd.s32 $0xFFFFFFFF  }
0xb5: {  	_ =	strace $0x90000048  }
0xb6: {  	_ =	sfence  }
0xb7: {  	s30 =	sld [smem:$0x0];
	_ =	sdelay $0x2  }
0xb8: {  	s31 =	sshll.u32 s1, $0xD;
	s1 =	sshrl.u32 s1, $0x2  }
0xb9: {  	s3 =	sand.u32 $0x4000, s31;
	s1 =	sadd.s32 s1, s30  }
0xba: {  	s0 =	sor.u32 s3, s0;
	s1 =	sshll.u32 s1, $0x11  }
0xbb: {  	s0 =	sor.u32 s1, s0  }
0xbc: {  	s0 =	sadd.s32 $0x8F2B, s0  }
0xbd: {  	[sflag:s0] =	ssyncadd.remote.s32 $0x1  }
0xbe: {  	_ =	sfence.sel $0xFFFF  }
0xbf: {  	[dreg:$0x0] =	wrdreg $0xFFFFFFFF;
	(pc) =	sbr.abs _section_cstart, $3  }
0xc0: {  	[dreg:$0x1] =	wrdreg $0xFFFFFFFF  }
0xc1: {  	_ =	task.clear_ibuf [dreg:s7], $0x2FFFF;
	_ =	strace $0x9FFFFFFF  }
0xc2: {  	(tm) =	ssettm $0x7FFFFFFF  }
0xc3: {  	_ =	shalt  }
tec
execute0_lowered:
.L_overlay_start_1:
0x0: {  	(tag) =	ssettag $0x1  }
0x1: {  	s0 =	srdreg.scid  }
0x2: {  	s2 =	stileid.u32;
	s1 =	rddreg [dreg:$0x0];
	s3 =	sand.u32 $0x1, s0  }
0x3: {  	s4 =	rddreg [dreg:$0x1];
	s0 =	sor.u32 s3, s2  }
0x4: {  	s31 =	simm.s32 $0x1000;
	p1 =	seq.s32 s3, $0x1;
	p0 =	seq.s32 s0, $0x0  }
0x5: {  	s6 =	sadd.s32 $0x400, s4;
	s23 =	sshll.u32 s3, $0x8;
	p0 =	por !p0, !p1  }
0x6: {  	s14 =	ssub.s32 $0x2, s3;
	s0 =	simm.s32 $0x1;
	p0 =	por !p0, !p0  }
0x7: {  	s7 =	sshrl.u32 s14, $0x1;
	s9 =	sor.u32 $0x10, s23;
	s0 =	simm.s32 @!p0 $0x0  }
0x8: {  	s24 =	sor.u32 $0x20, s23;
	s13 =	sor.u32 $0x30, s23;
	s0 =	ssub.s32 s2, s0  }
0x9: {  	s30 =	sor.u32 $0x70, s23;
	s7 =	ssub.s32 s14, s7;
	s11 =	smul.u32 $0x600, s0  }
0xa: {  	[dreg:$0xa] =	wrdreg s24;
	s2 =	simm.s32 $0x0;
	s0 =	sshll.u32 s0, $0x8  }
0xb: {  	[smem:$0x7FF] =	sst s2;
	s0 =	sand.u32 $0x1FFFFF00, s0;
	s5 =	sor.u32 s23, s11  }
0xc: {  	s0 =	sadd.s32 s1, s0;
	s12 =	sadd.s32 $0x200, s11;
	s14 =	sadd.s32 $0x400, s11  }
0xd: {  	s19 =	sor.u32 s9, s11;
	s28 =	sor.u32 s24, s11;
	s8 =	sor.u32 s13, s11  }
0xe: {  	s5 =	sshll.u32 s5, $0x6;
	[dreg:$0x4] =	wrdreg s0;
	s17 =	sor.u32 s23, s12  }
0xf: {  	s18 =	sor.u32 s23, s14;
	s4 =	sshll.u32 s19, $0x6;
	s25 =	sor.u32 s9, s12  }
0x10: {  	s26 =	sor.u32 s9, s14;
	s15 =	sand.u32 $0x1FFFC000, s5;
	s0 =	sshll.u32 s17, $0x6  }
0x11: {  	s1 =	sshll.u32 s18, $0x6;
	s21 =	sand.u32 $0x1FFFC400, s4;
	s4 =	sshll.u32 s28, $0x6  }
0x12: {  	s5 =	sor.u32 s24, s14;
	s17 =	sor.u32 $0x40, s23;
	s18 =	sor.u32 s13, s14  }
0x13: {  	s16 =	sadd.s32 s6, s15;
	s0 =	sand.u32 $0x1FFFC000, s0;
	s20 =	sand.u32 $0x1FFFC000, s1  }
0x14: {  	s22 =	sadd.s32 s6, s21;
	s1 =	sshll.u32 s26, $0x6;
	s4 =	sand.u32 $0x1FFFC800, s4  }
0x15: {  	s19 =	sor.u32 s17, s11;
	[dreg:$0x5] =	wrdreg s16;
	s0 =	sadd.s32 s6, s0  }
0x16: {  	[dreg:$0x9] =	wrdreg s22;
	s1 =	sand.u32 $0x1FFFC400, s1;
	s16 =	sor.u32 s13, s12  }
0x17: {  	[dreg:$0x7] =	wrdreg s0;
	s0 =	sadd.s32 s6, s20;
	s29 =	sadd.s32 s6, s1  }
0x18: {  	s1 =	sadd.s32 s6, s4;
	s4 =	sor.u32 s24, s12;
	[dreg:$0x8] =	wrdreg s0  }
0x19: {  	s24 =	sor.u32 s17, s12;
	s0 =	sshll.u32 s25, $0x6;
	[dreg:$0xc] =	wrdreg s29  }
0x1a: {  	[dreg:$0xd] =	wrdreg s1;
	s1 =	sshll.u32 s5, $0x6;
	s0 =	sand.u32 $0x1FFFC400, s0  }
0x1b: {  	s25 =	sor.u32 s17, s14;
	s1 =	sand.u32 $0x1FFFC800, s1;
	s0 =	sadd.s32 s6, s0  }
0x1c: {  	s10 =	sadd.s32 s6, s1;
	s1 =	sshll.u32 s18, $0x6;
	s18 =	sor.u32 s30, s11  }
0x1d: {  	[dreg:$0xb] =	wrdreg s0;
	s0 =	sshll.u32 s4, $0x6;
	s4 =	sshll.u32 s8, $0x6  }
0x1e: {  	[dreg:$0xf] =	wrdreg s10;
	s20 =	sand.u32 $0x1FFFCC00, s1;
	s1 =	sshll.u32 s25, $0x6  }
0x1f: {  	s25 =	sor.u32 $0x60, s23;
	s0 =	sand.u32 $0x1FFFC800, s0;
	s15 =	sand.u32 $0x1FFFCC00, s4  }
0x20: {  	s4 =	sshll.u32 s19, $0x6;
	s1 =	sand.u32 $0x1FFFD000, s1;
	s5 =	sor.u32 s25, s11  }
0x21: {  	s0 =	sadd.s32 s6, s0;
	s21 =	sand.u32 $0x1FFFD000, s4;
	s28 =	sadd.s32 s6, s1  }
0x22: {  	[dreg:$0xe] =	wrdreg s0;
	s0 =	sadd.s32 s6, s15;
	s22 =	sadd.s32 s6, s21  }
0x23: {  	s21 =	sor.u32 $0x50, s23;
	[dreg:$0x10] =	wrdreg s0;
	s0 =	sshll.u32 s16, $0x6  }
0x24: {  	[dreg:$0x15] =	wrdreg s28;
	s15 =	sor.u32 s25, s12;
	s0 =	sand.u32 $0x1FFFCC00, s0  }
0x25: {  	[dreg:$0x13] =	wrdreg s22;
	s26 =	sor.u32 s21, s11;
	s0 =	sadd.s32 s6, s0  }
0x26: {  	s4 =	sshll.u32 s26, $0x6;
	[dreg:$0x11] =	wrdreg s0;
	s0 =	sadd.s32 s6, s20  }
0x27: {  	s4 =	sand.u32 $0x1FFFD400, s4;
	[dreg:$0x12] =	wrdreg s0;
	s0 =	sshll.u32 s24, $0x6  }
0x28: {  	s1 =	sor.u32 s21, s12;
	s29 =	sadd.s32 s6, s4;
	s0 =	sand.u32 $0x1FFFD000, s0  }
0x29: {  	s16 =	sor.u32 s25, s14;
	[dreg:$0x16] =	wrdreg s29;
	s0 =	sadd.s32 s6, s0  }
0x2a: {  	s4 =	sor.u32 s21, s14;
	s24 =	sor.u32 s30, s12;
	[dreg:$0x14] =	wrdreg s0  }
0x2b: {  	s0 =	sshll.u32 s1, $0x6;
	s1 =	sshll.u32 s4, $0x6;
	s4 =	sshll.u32 s5, $0x6  }
0x2c: {  	s0 =	sand.u32 $0x1FFFD400, s0;
	s1 =	sand.u32 $0x1FFFD400, s1;
	s10 =	sand.u32 $0x1FFFD800, s4  }
0x2d: {  	s4 =	sshll.u32 s18, $0x6;
	s0 =	sadd.s32 s6, s0;
	s8 =	sadd.s32 s6, s1  }
0x2e: {  	s1 =	sshll.u32 s16, $0x6;
	s20 =	sand.u32 $0x1FFFDC00, s4;
	[dreg:$0x17] =	wrdreg s0  }
0x2f: {  	[dreg:$0x18] =	wrdreg s8;
	s0 =	sadd.s32 s6, s10;
	s19 =	sand.u32 $0x1FFFD800, s1  }
0x30: {  	s22 =	sadd.s32 s6, s20;
	s1 =	sshllo.u32 s3, $0x1;
	[dreg:$0x19] =	wrdreg s0  }
0x31: {  	s8 =	sor.u32 s30, s14;
	s0 =	sshll.u32 s15, $0x6;
	[dreg:$0x1c] =	wrdreg s22  }
0x32: {  	s4 =	sshll.u32 s1, $0x7;
	s8 =	sshll.u32 s8, $0x6;
	s0 =	sand.u32 $0x1FFFD800, s0  }
0x33: {  	s10 =	sor.u32 s4, s11;
	s8 =	sand.u32 $0x1FFFDC00, s8;
	s29 =	sor.u32 s4, s12  }
0x34: {  	s5 =	sor.u32 s4, s14;
	s0 =	sadd.s32 s6, s0;
	s10 =	sshll.u32 s10, $0x6  }
0x35: {  	s26 =	sadd.s32 s6, s8;
	s8 =	sshll.u32 s5, $0x6;
	[dreg:$0x1a] =	wrdreg s0  }
0x36: {  	s0 =	sadd.s32 s6, s19;
	[dreg:$0x1e] =	wrdreg s26;
	s28 =	sand.u32 $0x1FFFE000, s10  }
0x37: {  	s10 =	sor.u32 $0x10, s4;
	s8 =	sand.u32 $0x1FFFE000, s8;
	[dreg:$0x1b] =	wrdreg s0  }
0x38: {  	s0 =	sshll.u32 s24, $0x6;
	s15 =	sor.u32 s10, s11;
	s19 =	sor.u32 s10, s12  }
0x39: {  	s20 =	sor.u32 s10, s14;
	s0 =	sand.u32 $0x1FFFDC00, s0;
	s15 =	sshll.u32 s15, $0x6  }
0x3a: {  	s0 =	sadd.s32 s6, s0;
	s16 =	sand.u32 $0x1FFFE400, s15;
	s15 =	sor.u32 $0x20, s4  }
0x3b: {  	[dreg:$0x1d] =	wrdreg s0;
	s0 =	sadd.s32 s6, s28;
	s18 =	sadd.s32 s6, s16  }
0x3c: {  	s16 =	sor.u32 s15, s11;
	[dreg:$0x1f] =	wrdreg s0;
	s0 =	sshll.u32 s29, $0x6  }
0x3d: {  	s26 =	sor.u32 s15, s12;
	s16 =	sshll.u32 s16, $0x6;
	s0 =	sand.u32 $0x1FFFE000, s0  }
0x3e: {  	[smem:$0x7E8] =	sst s18;
	s16 =	sand.u32 $0x1FFFE800, s16;
	s0 =	sadd.s32 s6, s0  }
0x3f: {  	s28 =	sor.u32 s15, s14;
	s24 =	sadd.s32 s6, s16;
	[smem:$0x7E6] =	sst s0  }
0x40: {  	s0 =	sadd.s32 s6, s8;
	s8 =	sshll.u32 s20, $0x6;
	[smem:$0x7EB] =	sst s24  }
0x41: {  	s20 =	sor.u32 $0x30, s4;
	[smem:$0x7E7] =	sst s0;
	s0 =	sshll.u32 s19, $0x6  }
0x42: {  	s8 =	sand.u32 $0x1FFFE400, s8;
	s29 =	sor.u32 s20, s11;
	s18 =	sor.u32 s20, s14  }
0x43: {  	s0 =	sand.u32 $0x1FFFE400, s0;
	s22 =	sadd.s32 s6, s8;
	s8 =	sshll.u32 s28, $0x6  }
0x44: {  	s16 =	sshll.u32 s29, $0x6;
	s0 =	sadd.s32 s6, s0;
	[smem:$0x7EA] =	sst s22  }
0x45: {  	s8 =	sand.u32 $0x1FFFE800, s8;
	[smem:$0x7E9] =	sst s0;
	s0 =	sshll.u32 s26, $0x6  }
0x46: {  	s5 =	sadd.s32 s6, s8;
	s8 =	sand.u32 $0x1FFFEC00, s16;
	s16 =	sor.u32 s20, s12  }
0x47: {  	s26 =	sor.u32 $0x40, s4;
	s0 =	sand.u32 $0x1FFFE800, s0;
	[smem:$0x7ED] =	sst s5  }
0x48: {  	s19 =	sor.u32 s26, s11;
	s29 =	sor.u32 s26, s12;
	s0 =	sadd.s32 s6, s0  }
0x49: {  	s5 =	sor.u32 s26, s14;
	[smem:$0x7EC] =	sst s0;
	s0 =	sadd.s32 s6, s8  }
0x4a: {  	s8 =	sshll.u32 s18, $0x6;
	[smem:$0x7EE] =	sst s0;
	s0 =	sshll.u32 s16, $0x6  }
0x4b: {  	s16 =	sshll.u32 s19, $0x6;
	s22 =	sand.u32 $0x1FFFEC00, s8;
	s0 =	sand.u32 $0x1FFFEC00, s0  }
0x4c: {  	s8 =	sshll.u32 s29, $0x6;
	s24 =	sand.u32 $0x1FFFF000, s16;
	s0 =	sadd.s32 s6, s0  }
0x4d: {  	s8 =	sand.u32 $0x1FFFF000, s8;
	s28 =	sadd.s32 s6, s24;
	[smem:$0x7EF] =	sst s0  }
0x4e: {  	s16 =	sshll.u32 s5, $0x6;
	s8 =	sadd.s32 s6, s8;
	[smem:$0x7F1] =	sst s28  }
0x4f: {  	s16 =	sand.u32 $0x1FFFF000, s16;
	s0 =	sadd.s32 s6, s22;
	[smem:$0x7F2] =	sst s8  }
0x50: {  	s16 =	sadd.s32 s6, s16;
	[smem:$0x7F0] =	sst s0;
	s0 =	sor.u32 $0x50, s4  }
0x51: {  	s8 =	sor.u32 $0x60, s4;
	[smem:$0x7F3] =	sst s16;
	s18 =	sor.u32 s0, s11  }
0x52: {  	s22 =	sor.u32 s0, s12;
	s24 =	sor.u32 s0, s14;
	s18 =	sshll.u32 s18, $0x6  }
0x53: {  	s16 =	sshll.u32 s22, $0x6;
	s22 =	sor.u32 s8, s14;
	s18 =	sand.u32 $0x1FFFF400, s18  }
0x54: {  	s16 =	sand.u32 $0x1FFFF400, s16;
	s19 =	sadd.s32 s6, s18;
	s18 =	sshll.u32 s24, $0x6  }
0x55: {  	s28 =	sadd.s32 s6, s16;
	s16 =	sor.u32 $0x70, s4;
	[smem:$0x7F4] =	sst s19  }
0x56: {  	s19 =	sor.u32 s8, s11;
	s18 =	sand.u32 $0x1FFFF400, s18;
	[smem:$0x7F5] =	sst s28  }
0x57: {  	s11 =	sor.u32 s16, s11;
	s14 =	sor.u32 s16, s14;
	s29 =	sadd.s32 s6, s18  }
0x58: {  	s19 =	sshll.u32 s19, $0x6;
	s11 =	sshll.u32 s11, $0x6;
	[smem:$0x7F6] =	sst s29  }
0x59: {  	s5 =	sand.u32 $0x1FFFF800, s19;
	s19 =	sor.u32 s8, s12;
	s11 =	sand.u32 $0x1FFFFC00, s11  }
0x5a: {  	s12 =	sor.u32 s16, s12;
	s18 =	sadd.s32 s6, s5;
	s24 =	sshll.u32 s19, $0x6  }
0x5b: {  	[smem:$0x7F7] =	sst s18;
	s18 =	sshll.u32 s22, $0x6;
	s19 =	sand.u32 $0x1FFFF800, s24  }
0x5c: {  	s22 =	sshll.u32 s14, $0x6;
	s18 =	sand.u32 $0x1FFFF800, s18;
	s28 =	sadd.s32 s6, s19  }
0x5d: {  	s19 =	sshll.u32 s12, $0x6;
	[smem:$0x7F8] =	sst s28;
	s29 =	sadd.s32 s6, s18  }
0x5e: {  	s12 =	sand.u32 $0x1FFFFC00, s22;
	s18 =	sadd.s32 s6, s11;
	[smem:$0x7F9] =	sst s29  }
0x5f: {  	s11 =	sand.u32 $0x1FFFFC00, s19;
	s28 =	sadd.s32 s6, s12;
	[smem:$0x7FA] =	sst s18  }
0x60: {  	s3 =	sshll.u32 s3, $0x11;
	s24 =	sadd.s32 s6, s11;
	[smem:$0x7FC] =	sst s28  }
0x61: {  	v0 =	vlaneseq.u32;
	s1 =	sshll.u32 s1, $0x10;
	s29 =	smax.u32 s7, $0x1;
	[smem:$0x7FB] =	sst s24  }
0x62: {  	v1 =	vmul.u32 $0x2, v0;
	v2 =	vmov s3;
	s3 =	simm.s32 $0x0;
	_ =	strace $0x80000047;
	[smem:$0x7FD] =	sst s29  }
0x63: {  	v6 =	vimm.s32 $0xFFFFFFFF;
	vm0 =	vmmov $0xf;
	v7 =	vimm.f32 $6.330000160e-01;
	s5 =	simm.s32 $0x3080;
	s19 =	simm.s32 $0x1;
	[dreg:$0x3] =	wrdreg s23  }
0x64: {  	v5 =	vmul.u32 $0x8, v0;
	v4 =	vor.u32 $0x1, v1;
	v3 =	vmov s1;
	s6 =	simm.s32 $0x800;
	s7 =	simm.s32 $0xC00;
	[dreg:$0x6] =	wrdreg s9  }
.LBB2_1:
0x65: {  	[smem:$0x7E5] =	sst s3  }
0x66: {  	v8 =	vor.u32 s2, v1;
	s1 =	rddreg [dreg:$0x4]  }
0x67: {  	v9 =	vor.u32 s2, v4;
	[tilespmem:s2], [sflag:$0x1] =	stream.linear.gather [hbm4b:s1+s2], $0x800, $0x38;
	[tilespmem:$0x1F280] =	vst v63  }
0x68: {  	_ =	swait.ge [sflag:s19], $0x800  }
0x69: {  	[sflag:s19] =	ssyncset.done $0x0  }
0x6a: {  	[sflag:s19] =	ssyncadd.s32 $0xFFFFF800  }
0x6b: {  	v8 =	vld.idx.msk [tilespmem:v8+s2+$0x0], $0xffff  }
0x6c: {  	v9 =	vld.idx.msk [tilespmem:v9+s2+$0x0], $0xffff;
	_ =	sdelay $0x3  }
0x6d: {  	v10 =	vmul.f32 $5.120000000e+02, v8  }
0x6e: {  	v11 =	vmul.f32 $5.120000000e+02, v9  }
0x6f: {  	v10 =	vtrunc.f32 v10  }
0x70: {  	v12 =	vmov s2;
	v11 =	vtrunc.f32 v11;
	v10 =	vcvt.f32.s32 v10  }
0x71: {  	v12 =	vshll.u32 v12, $0x3;
	v11 =	vcvt.f32.s32 v11  }
0x72: {  	v12 =	vor.u32 v5, v12;
	v10 =	vshll.u32 v10, $0x9  }
0x73: {  	v15 =	vadd.s32 $0xFFFFFFFF, v11;
	v16 =	vadd.s32 $0x3FE00, v10  }
0x74: {  	v13 =	vor.u32 $0x1, v12;
	[tilespmem:s6+$0x0] =	vst v8;
	v15 =	vand.u32 $0x1FF, v15;
	v8 =	vand.u32 $0x3FE00, v16  }
0x75: {  	v14 =	vor.u32 $0x2, v12;
	[tilespmem:s7+$0x0] =	vst v9;
	v9 =	vor.u32 v15, v8  }
0x76: {  	s18 =	simm.s32 $0x20;
	v16 =	vadd.s32 v11, v8;
	v8 =	vadd.s32 v11, v10;
	v11 =	vor.u32 $0x3, v12  }
0x77: {  	[tilespmem:v12+s31+$0x0] =	vst.idx.msk $0xffff, v9;
	v9 =	vor.u32 s18, v1  }
0x78: {  	v15 =	vor.u32 v10, v15;
	v10 =	vor.u32 s18, v4  }
0x79: {  	s11 =	simm.s32 $0x10;
	s14 =	simm.s32 $0x20;
	[tilespmem:v13+s31+$0x0] =	vst.idx.msk $0xffff, v16  }
0x7a: {  	s12 =	simm.s32 $0x800;
	s3 =	simm.s32 $0xC00;
	s19 =	simm.s32 $0x0;
	[tilespmem:v14+s31+$0x0] =	vst.idx.msk $0xffff, v15  }
.LBB2_2:
0x7b: {  	s1 =	simm.s32 $0x0;
	[tilespmem:v11+s31+$0x0] =	vst.idx.msk $0xffff, v8;
	s12 =	sadd.s32 $0x10, s12;
	s3 =	sadd.s32 $0x10, s3  }
0x7c: {  	p0 =	sne.s32 s14, $0x3F0;
	s22 =	smov.u32 s14;
	s14 =	sadd.s32 $0x10, s14;
	v9 =	vld.idx.msk [tilespmem:v9+s19+$0x0], $0xffff  }
0x7d: {  	v10 =	vld.idx.msk [tilespmem:v10+s19+$0x0], $0xffff;
	s19 =	smov.u32 s1;
	_ =	sdelay $0x4  }
0x7e: {  	v8 =	vmul.f32 $5.120000000e+02, v9  }
0x7f: {  	v11 =	vmul.f32 $5.120000000e+02, v10  }
0x80: {  	v12 =	vmov s11;
	s11 =	smov.u32 s22;
	v8 =	vtrunc.f32 v8  }
0x81: {  	v12 =	vshll.u32 v12, $0x3;
	v8 =	vcvt.f32.s32 v8;
	v11 =	vtrunc.f32 v11  }
0x82: {  	v12 =	vor.u32 v5, v12;
	v13 =	vcvt.f32.s32 v11  }
0x83: {  	v15 =	vor.u32 $0x1, v12;
	v16 =	vor.u32 $0x2, v12;
	v14 =	vshll.u32 v8, $0x9  }
0x84: {  	v11 =	vadd.s32 $0xFFFFFFFF, v13;
	v17 =	vadd.s32 $0x3FE00, v14;
	v8 =	vadd.s32 v13, v14  }
.Ltmp0:
0x85: {  	s18 =	sadd.s32 $0x20, s18;
	v18 =	vand.u32 $0x1FF, v11;
	v17 =	vand.u32 $0x3FE00, v17;
	v11 =	vor.u32 $0x3, v12;
	[tilespmem:s12+$0x0] =	vst v9;
	(pc) =	sbr.rel @p0 .LBB2_2-.Ltmp0, $4  }
0x86: {  	v9 =	vor.u32 s18, v1;
	v19 =	vor.u32 v18, v17;
	v13 =	vadd.s32 v13, v17;
	[tilespmem:s3+$0x0] =	vst v10  }
0x87: {  	v10 =	vor.u32 s18, v4;
	[tilespmem:v12+s31+$0x0] =	vst.idx.msk $0xffff, v19;
	v12 =	vor.u32 v14, v18  }
0x88: {  	[tilespmem:v15+s31+$0x0] =	vst.idx.msk $0xffff, v13  }
0x89: {  	[tilespmem:v16+s31+$0x0] =	vst.idx.msk $0xffff, v12  }
0x8a: {  	_ =	sdelay $0x3  }
0x8b: {  	[tilespmem:v11+s31+$0x0] =	vst.idx.msk $0xffff, v8  }
0x8c: {  	v8 =	vld.idx.msk [tilespmem:v9+s19+$0x0], $0xffff  }
0x8d: {  	v57 =	vld.idx.msk [tilespmem:v10+s19+$0x0], $0xffff;
	_ =	sdelay $0x3  }
0x8e: {  	v58 =	vmul.f32 $5.120000000e+02, v8  }
0x8f: {  	v59 =	vmul.f32 $5.120000000e+02, v57  }
0x90: {  	v12 =	vmov s11;
	v10 =	vtrunc.f32 v58  }
0x91: {  	v12 =	vshll.u32 v12, $0x3;
	v11 =	vtrunc.f32 v59;
	v10 =	vcvt.f32.s32 v10  }
0x92: {  	v12 =	vor.u32 v5, v12;
	v11 =	vcvt.f32.s32 v11  }
0x93: {  	v13 =	vor.u32 $0x1, v12;
	v10 =	vshll.u32 v10, $0x9  }
0x94: {  	s29 =	sadd.s32 $0x10, s12;
	v14 =	vor.u32 $0x2, v12;
	v15 =	vadd.s32 $0xFFFFFFFF, v11;
	v16 =	vadd.s32 $0x3FE00, v10  }
0x95: {  	s3 =	sadd.s32 $0x10, s3;
	v61 =	vor.u32 $0x3, v12;
	[tilespmem:s29+$0x0] =	vst v8;
	v8 =	vand.u32 $0x1FF, v15;
	v60 =	vand.u32 $0x3FE00, v16  }
0x96: {  	v17 =	vor.u32 s1, v0;
	[tilespmem:s3+$0x0] =	vst v57;
	v62 =	vor.u32 v8, v60  }
0x97: {  	v63 =	vcvt.s32.f32 v17;
	v15 =	vadd.s32 v11, v60;
	[tilespmem:v12+s31+$0x0] =	vst.idx.msk $0xffff, v62  }
0x98: {  	v8 =	vor.u32 v10, v8;
	[tilespmem:v13+s31+$0x0] =	vst.idx.msk $0xffff, v15  }
0x99: {  	v10 =	vadd.s32 v11, v10;
	[tilespmem:v14+s31+$0x0] =	vst.idx.msk $0xffff, v8;
	v8 =	vmul.f32 $1.953125000e-03, v63  }
0x9a: {  	s1 =	simm.s32 $0x1F080;
	[tilespmem:v61+s31+$0x0] =	vst.idx.msk $0xffff, v10  }
0x9b: {  	s3 =	simm.s32 $0x10;
	[tilespmem:s1+$0x0] =	vst v8  }
.LBB2_4:
0x9c: {  	v8 =	vor.u32 s3, v0;
	p0 =	sne.s32 s3, $0x1F0;
	s3 =	sadd.s32 $0x10, s3  }
.Ltmp1:
0x9d: {  	v8 =	vcvt.s32.f32 v8;
	(pc) =	sbr.rel @p0 .LBB2_4-.Ltmp1, $4  }
0x9e: {  	_ = 	snop  }
0x9f: {  	v8 =	vmul.f32 $1.953125000e-03, v8  }
0xa0: {  	s1 =	sadd.s32 $0x10, s1  }
0xa1: {  	[tilespmem:s1+$0x0] =	vst v8  }
0xa2: {  	s1 =	simm.s32 $0x0;
	s3 =	simm.s32 $0x200  }
.LBB2_6:
0xa3: {  	p0 =	sne.s32 s3, $0x3FE00;
	[tilespmem:s1+$0x30F0] =	vst v6  }
0xa4: {  	[tilespmem:s1+$0x3080] =	vst v6  }
0xa5: {  	[tilespmem:s1+$0x3090] =	vst v6  }
.Ltmp2:
0xa6: {  	[tilespmem:s1+$0x30A0] =	vst v6;
	(pc) =	sbr.rel @p0 .LBB2_6-.Ltmp2, $4  }
0xa7: {  	[tilespmem:s1+$0x30B0] =	vst v6  }
0xa8: {  	[tilespmem:s1+$0x30C0] =	vst v6  }
0xa9: {  	[tilespmem:s1+$0x30D0] =	vst v6  }
0xaa: {  	[tilespmem:s1+$0x30E0] =	vst v6;
	s1 =	sshra.s32 s3, $0x2;
	s3 =	sadd.s32 $0x200, s3  }
0xab: {  	[tilespmem:s1+$0x30F0] =	vst v6  }
0xac: {  	[tilespmem:s1+$0x3080] =	vst v6  }
0xad: {  	[tilespmem:s1+$0x3090] =	vst v6  }
0xae: {  	[tilespmem:s1+$0x30A0] =	vst v6  }
0xaf: {  	[tilespmem:s1+$0x30B0] =	vst v6  }
0xb0: {  	[tilespmem:s1+$0x30C0] =	vst v6  }
0xb1: {  	[tilespmem:s1+$0x30D0] =	vst v6  }
0xb2: {  	[tilespmem:s1+$0x30E0] =	vst v6;
	s1 =	simm.s32 $0x0;
	s3 =	simm.s32 $0x1008  }
.LBB2_8:
0xb3: {  	v8 =	vld [tilespmem:s3+$0xFFFFFFF8];
	_ =	sdelay $0x4  }
0xb4: {  	v8 =	vsub.s32 v8, v2  }
0xb5: {  	vm1 =	vlt.u32 v8, $0x10000  }
0xb6: {  	vm1 =	vmand vm1, vm0  }
0xb7: {  	v8 =	vnsel vm1, $0x0, v8;
	_ =	sdelay $0x3  }
0xb8: {  	v9 =	vmov s1  }
0xb9: {  	[tilespmem:v8+s5+$0x0] =	vst.idx.msk vm1, v9  }
0xba: {  	v8 =	vld [tilespmem:s3+$0x0];
	_ =	sdelay $0x4  }
0xbb: {  	v8 =	vsub.s32 v8, v2  }
0xbc: {  	vm1 =	vlt.u32 v8, $0x10000  }
0xbd: {  	vm1 =	vmand vm1, vm0  }
0xbe: {  	p0 =	sne.s32 s1, $0x3FE;
	v8 =	vnsel vm1, $0x0, v8  }
.Ltmp3:
0xbf: {  	_ = 	snop;
	(pc) =	sbr.rel @p0 .LBB2_8-.Ltmp3, $4  }
0xc0: {  	_ = 	snop  }
0xc1: {  	s11 =	sadd.s32 $0x1, s1  }
0xc2: {  	v63 =	vmov s11  }
0xc3: {  	s1 =	sadd.s32 $0x2, s1;
	s3 =	sadd.s32 $0x10, s3;
	[tilespmem:v8+s5+$0x0] =	vst.idx.msk vm1, v63  }
0xc4: {  	s1 =	simm.s32 $0x30A0  }
0xc5: {  	v13 =	vld [tilespmem:s1+$0x10];
	_ =	sdelay $0x1  }
0xc6: {  	v15 =	vld [tilespmem:s1+$0x0]  }
0xc7: {  	s3 =	simm.s32 $0x30;
	v17 =	vld [tilespmem:s1+$0xFFFFFFF0]  }
0xc8: {  	s9 =	simm.s32 $0x10;
	s3 =	sand.u32 $0x1F0, s3;
	v16 =	vld [tilespmem:s1+$0xFFFFFFE0]  }
0xc9: {  	s24 =	simm.s32 $0x0;
	s11 =	sand.u32 $0x1D0, s9;
	v14 =	vld [tilespmem:s3+$0x1F080];
	vm1 =	vgt.s32 v13, $0x0  }
0xca: {  	s14 =	simm.s32 $0x70;
	s12 =	sand.u32 $0x1C0, s24;
	v10 =	vld [tilespmem:s11+$0x1F080];
	v8 =	vnsel vm1, $0x0, v13  }
0xcb: {  	s11 =	simm.s32 $0x20;
	s3 =	sand.u32 $0x1F0, s14;
	v12 =	vld [tilespmem:s12+$0x1F080]  }
0xcc: {  	v9 =	vld [tilespmem:s3+$0x1F080];
	s18 =	sand.u32 $0x1E0, s11;
	vm1 =	vgt.s32 v15, $0x0  }
0xcd: {  	v22 =	vld [tilespmem:s18+$0x1F080];
	s18 =	simm.s32 $0x30E0;
	vm2 =	vgt.s32 v16, $0x0;
	v20 =	vnsel vm1, $0x0, v15  }
0xce: {  	v11 =	vld [tilespmem:s18+$0x10];
	v23 =	vnsel vm2, $0x0, v16  }
0xcf: {  	v18 =	vld.idx.msk [tilespmem:v8+s6+$0x0], $0xffff  }
0xd0: {  	s19 =	simm.s32 $0x0;
	vm1 =	vgt.s32 v17, $0x0;
	v19 =	vld.idx.msk [tilespmem:v8+s7+$0x0], $0xffff  }
0xd1: {  	s22 =	sor.u32 s23, s19;
	v21 =	vnsel vm1, $0x0, v17;
	v8 =	vld [tilespmem:s18+$0x0]  }
0xd2: {  	s1 =	scvt.s32.f32 s22;
	vm1 =	vgt.s32 v13, $0xFFFFFFFF;
	v13 =	vld.idx.msk [tilespmem:v20+s6+$0x0], $0xffff  }
0xd3: {  	s14 =	simm.s32 $0x130A0;
	vm3 =	vgt.s32 v15, $0xFFFFFFFF;
	v24 =	vsel vm1, $0x0, v7;
	v63 =	vld.idx.msk [tilespmem:v23+s7+$0x0], $0xffff  }
0xd4: {  	s19 =	smul.f32 $1.953125000e-03, s1;
	v15 =	vsel vm3, $0x0, v7;
	[tilespmem:s14+$0x10] =	vst v24;
	v25 =	vld.idx.msk [tilespmem:v20+s7+$0x0], $0xffff  }
0xd5: {  	s12 =	simm.s32 $0x150A0;
	vm2 =	vgt.s32 v11, $0x0;
	v20 =	vld.idx.msk [tilespmem:v23+s6+$0x0], $0xffff;
	[tilespmem:s14+$0x0] =	vst v15;
	v18 =	vsel vm1, v18, v14  }
0xd6: {  	s11 =	simm.s32 $0x170A0;
	v14 =	vld.idx.msk [tilespmem:v21+s7+$0x0], $0xffff;
	[tilespmem:s12+$0x10] =	vst v18;
	v18 =	vnsel vm1, s19, v19;
	v19 =	vnsel vm2, $0x0, v11  }
0xd7: {  	vm1 =	vgt.s32 v16, $0xFFFFFFFF;
	v15 =	vsel vm3, v13, v22;
	v13 =	vld [tilespmem:s18+$0xFFFFFFE0];
	[tilespmem:s11+$0x10] =	vst v18  }
0xd8: {  	s29 =	simm.s32 $0x0;
	s22 =	simm.s32 $0x50;
	v16 =	vsel vm1, $0x0, v7;
	v18 =	vld.idx.msk [tilespmem:v21+s6+$0x0], $0xffff;
	[tilespmem:s12+$0x0] =	vst v15  }
0xd9: {  	s28 =	simm.s32 $0x150E0;
	s3 =	simm.s32 $0x40;
	s22 =	sand.u32 $0x1D0, s22;
	vm2 =	vgt.s32 v17, $0xFFFFFFFF;
	v17 =	vnsel vm3, s19, v25;
	[tilespmem:s14+$0xFFFFFFE0] =	vst v16;
	v16 =	vld [tilespmem:s18+$0xFFFFFFF0]  }
0xda: {  	s9 =	smov.u32 s23;
	s1 =	sor.u32 s23, s29;
	s23 =	sand.u32 $0x1C0, s3;
	v15 =	vld [tilespmem:s22+$0x1F080];
	v22 =	vsel vm2, $0x0, v7;
	[tilespmem:s11+$0x0] =	vst v17  }
0xdb: {  	s1 =	scvt.s32.f32 s1;
	v21 =	vnsel vm1, s19, v63;
	s22 =	simm.s32 $0x130E0;
	[tilespmem:s14+$0xFFFFFFF0] =	vst v22;
	s14 =	simm.s32 $0x170E0;
	v17 =	vld.idx.msk [tilespmem:v19+s6+$0x0], $0xffff  }
.LBB2_10:
0xdc: {  	s29 =	sadd.s32 $0x70, s3  }
0xdd: {  	s2 =	sadd.s32 $0x60, s24;
	vm3 =	vgt.s32 v8, $0x0;
	v19 =	vld.idx.msk [tilespmem:v19+s7+$0x0], $0xffff;
	v20 =	vsel vm1, v20, v12;
	s24 =	smov.u32 s3;
	s3 =	sadd.s32 $0x40, s3  }
0xde: {  	v24 =	vsel vm2, v18, v10;
	s5 =	sshrl.u32 s3, $0x9;
	s29 =	sand.u32 $0x1F0, s29;
	v12 =	vld [tilespmem:s23+$0x1F080];
	s23 =	sand.u32 $0x1C0, s3;
	vm1 =	vgt.s32 v16, $0x0;
	v22 =	vnsel vm3, $0x0, v8;
	[tilespmem:s12+$0xFFFFFFE0] =	vst v20;
	v23 =	vmovc v16  }
0xdf: {  	v14 =	vnsel vm2, s19, v14;
	p0 =	slt.u32 s3, $0x1FC0;
	s2 =	sand.u32 $0x1E0, s2;
	s5 =	sor.u32 s9, s5;
	v16 =	vld [tilespmem:s29+$0x1F080];
	vm3 =	vgt.s32 v13, $0x0;
	v18 =	vnsel vm1, $0x0, v23;
	[tilespmem:s11+$0xFFFFFFE0] =	vst v21  }
0xe0: {  	s18 =	sadd.s32 $0x40, s18;
	vm1 =	vgt.s32 v11, $0xFFFFFFFF;
	s5 =	scvt.s32.f32 s5;
	v20 =	vnsel vm3, $0x0, v13;
	v21 =	vld [tilespmem:s2+$0x1F080];
	[tilespmem:s12+$0xFFFFFFF0] =	vst v24;
	v10 =	vmov v15;
	s12 =	smov.u32 s28  }
0xe1: {  	s19 =	smul.f32 $1.953125000e-03, s1;
	v15 =	vsel vm1, $0x0, v7;
	v11 =	vld [tilespmem:s18+$0x10];
	[tilespmem:s11+$0xFFFFFFF0] =	vst v14;
	s11 =	smov.u32 s14  }
0xe2: {  	v25 =	vsel vm1, v17, v9;
	v24 =	vld [tilespmem:s18+$0x0];
	[tilespmem:s22+$0x10] =	vst v15;
	s1 =	smov.u32 s5  }
0xe3: {  	v14 =	vnsel vm1, s19, v19;
	v15 =	vld.idx.msk [tilespmem:v22+s6+$0x0], $0xffff;
	[tilespmem:s28+$0x10] =	vst v25  }
0xe4: {  	v17 =	vld.idx.msk [tilespmem:v22+s7+$0x0], $0xffff;
	[tilespmem:s14+$0x10] =	vst v14;
	v9 =	vmov v16  }
0xe5: {  	v14 =	vld.idx.msk [tilespmem:v18+s7+$0x0], $0xffff  }
0xe6: {  	vm1 =	vgt.s32 v13, $0xFFFFFFFF;
	vm2 =	vgt.s32 v11, $0x0;
	v22 =	vld.idx.msk [tilespmem:v20+s7+$0x0], $0xffff  }
0xe7: {  	vm3 =	vgt.s32 v8, $0xFFFFFFFF;
	v13 =	vsel vm1, $0x0, v7;
	v19 =	vnsel vm2, $0x0, v11;
	v20 =	vld.idx.msk [tilespmem:v20+s6+$0x0], $0xffff;
	v8 =	vmovc v24  }
.Ltmp4:
0xe8: {  	[tilespmem:s22+$0xFFFFFFE0] =	vst v13;
	v18 =	vld.idx.msk [tilespmem:v18+s6+$0x0], $0xffff;
	v13 =	vsel vm3, $0x0, v7;
	(pc) =	sbr.rel @p0 .LBB2_10-.Ltmp4, $4  }
0xe9: {  	s2 =	sadd.s32 $0x50, s24;
	v15 =	vsel vm3, v15, v21;
	v16 =	vld [tilespmem:s18+$0xFFFFFFF0];
	[tilespmem:s22+$0x0] =	vst v13  }
0xea: {  	s2 =	sand.u32 $0x1D0, s2;
	vm2 =	vgt.s32 v23, $0xFFFFFFFF;
	v17 =	vnsel vm3, s19, v17;
	v13 =	vld [tilespmem:s18+$0xFFFFFFE0];
	[tilespmem:s28+$0x0] =	vst v15  }
0xeb: {  	v23 =	vsel vm2, $0x0, v7;
	v15 =	vld [tilespmem:s2+$0x1F080];
	[tilespmem:s14+$0x0] =	vst v17  }
0xec: {  	s28 =	sadd.s32 $0x40, s28;
	v21 =	vnsel vm1, s19, v22;
	s14 =	sadd.s32 $0x40, s14;
	v17 =	vld.idx.msk [tilespmem:v19+s6+$0x0], $0xffff;
	[tilespmem:s22+$0xFFFFFFF0] =	vst v23;
	s22 =	sadd.s32 $0x40, s22  }
0xed: {  	_ = 	snop  }
0xee: {  	vm3 =	vgt.s32 v8, $0x0  }
0xef: {  	v22 =	vnsel vm3, $0x0, v8  }
0xf0: {  	v12 =	vsel vm1, v20, v12  }
0xf1: {  	s2 =	sadd.s32 $0x60, s24;
	v19 =	vld.idx.msk [tilespmem:v19+s7+$0x0], $0xffff;
	v10 =	vsel vm2, v18, v10;
	[tilespmem:s12+$0xFFFFFFE0] =	vst v12;
	vm1 =	vgt.s32 v13, $0x0  }
0xf2: {  	s2 =	sand.u32 $0x1E0, s2;
	[tilespmem:s12+$0xFFFFFFF0] =	vst v10;
	v12 =	vnsel vm1, $0x0, v13  }
0xf3: {  	v14 =	vnsel vm2, s19, v14;
	vm2 =	vgt.s32 v11, $0xFFFFFFFF;
	[tilespmem:s11+$0xFFFFFFE0] =	vst v21;
	v18 =	vld [tilespmem:s2+$0x1F080];
	vm1 =	vgt.s32 v16, $0x0  }
0xf4: {  	s1 =	smul.f32 $1.953125000e-03, s1;
	v11 =	vsel vm2, $0x0, v7;
	[tilespmem:s11+$0xFFFFFFF0] =	vst v14;
	v10 =	vnsel vm1, $0x0, v16;
	v14 =	vld.idx.msk [tilespmem:v22+s6+$0x0], $0xffff  }
0xf5: {  	[tilespmem:s22+$0x10] =	vst v11;
	v9 =	vsel vm2, v17, v9;
	v11 =	vld.idx.msk [tilespmem:v22+s7+$0x0], $0xffff  }
0xf6: {  	v20 =	vld [tilespmem:s23+$0x1F080];
	[tilespmem:s28+$0x10] =	vst v9;
	v9 =	vnsel vm2, s1, v19;
	vm2 =	vgt.s32 v8, $0xFFFFFFFF  }
0xf7: {  	vm1 =	vgt.s32 v13, $0xFFFFFFFF;
	[tilespmem:s14+$0x10] =	vst v9;
	v8 =	vsel vm2, $0x0, v7;
	v9 =	vld.idx.msk [tilespmem:v12+s6+$0x0], $0xffff  }
0xf8: {  	[tilespmem:s22+$0x0] =	vst v8;
	v13 =	vld.idx.msk [tilespmem:v12+s7+$0x0], $0xffff;
	v12 =	vsel vm1, $0x0, v7  }
0xf9: {  	[tilespmem:s22+$0xFFFFFFE0] =	vst v12;
	v12 =	vld.idx.msk [tilespmem:v10+s6+$0x0], $0xffff;
	v8 =	vsel vm2, v14, v18  }
0xfa: {  	vm3 =	vgt.s32 v16, $0xFFFFFFFF;
	v10 =	vld.idx.msk [tilespmem:v10+s7+$0x0], $0xffff;
	[tilespmem:s28+$0x0] =	vst v8;
	v8 =	vnsel vm2, s1, v11  }
0xfb: {  	v11 =	vsel vm3, $0x0, v7;
	[tilespmem:s14+$0x0] =	vst v8  }
0xfc: {  	[tilespmem:s22+$0xFFFFFFF0] =	vst v11;
	v8 =	vsel vm1, v9, v20  }
0xfd: {  	v9 =	vnsel vm1, s1, v13;
	[tilespmem:s28+$0xFFFFFFE0] =	vst v8  }
0xfe: {  	v8 =	vsel vm3, v12, v15;
	[tilespmem:s14+$0xFFFFFFE0] =	vst v9  }
0xff: {  	v9 =	vnsel vm3, s1, v10;
	[tilespmem:s28+$0xFFFFFFF0] =	vst v8  }
0x100: {  	s3 =	simm.s32 $0x13080;
	[tilespmem:s14+$0xFFFFFFF0] =	vst v9  }
0x101: {  	s19 =	simm.s32 $0x1;
	s14 =	simm.s32 $0x0;
	s18 =	rddreg [dreg:$0x5]  }
0x102: {  	[hbm4b:s18+s14] =	stream.linear.scatter [tilespmem:s3], [sflag:$0x1], $0x2000, $0x38;
	[tilespmem:$0x1F280] =	vst v63  }
0x103: {  	_ =	swait.ge [sflag:s19], $0x2000  }
0x104: {  	[sflag:s19] =	ssyncset.done $0x0  }
0x105: {  	s5 =	simm.s32 $0x15080;
	s22 =	rddreg [dreg:$0x7];
	[sflag:s19] =	ssyncadd.s32 $0xFFFFE000  }
0x106: {  	[hbm4b:s22+s14] =	stream.linear.scatter [tilespmem:s5], [sflag:$0x1], $0x2000, $0x38;
	[tilespmem:$0x1F280] =	vst v63  }
0x107: {  	_ =	swait.ge [sflag:s19], $0x2000  }
0x108: {  	[sflag:s19] =	ssyncset.done $0x0  }
0x109: {  	s24 =	simm.s32 $0x17080;
	s23 =	rddreg [dreg:$0x8];
	[sflag:s19] =	ssyncadd.s32 $0xFFFFE000  }
0x10a: {  	[hbm4b:s23+s14] =	stream.linear.scatter [tilespmem:s24], [sflag:$0x1], $0x2000, $0x38;
	[tilespmem:$0x1F280] =	vst v63  }
0x10b: {  	_ =	swait.ge [sflag:s19], $0x2000  }
0x10c: {  	s24 =	simm.s32 $0x0;
	[sflag:s19] =	ssyncset.done $0x0  }
0x10d: {  	s3 =	sand.u32 $0x1FC0, s24;
	[sflag:s19] =	ssyncadd.s32 $0xFFFFE000  }
0x10e: {  	v10 =	vld [tilespmem:s3+$0x5080]  }
0x10f: {  	s5 =	simm.s32 $0x50B0  }
0x110: {  	v11 =	vld [tilespmem:s5+$0x0]  }
0x111: {  	v14 =	vld [tilespmem:s5+$0xFFFFFFE0]  }
0x112: {  	s11 =	simm.s32 $0x10;
	s9 =	sand.u32 $0x1C0, s24;
	v13 =	vld [tilespmem:s5+$0xFFFFFFF0]  }
0x113: {  	s12 =	sand.u32 $0x1D0, s11;
	s14 =	simm.s32 $0x20;
	v16 =	vld [tilespmem:s9+$0x1F080];
	vm1 =	vgt.s32 v10, $0x0  }
0x114: {  	s28 =	simm.s32 $0x40;
	s18 =	sand.u32 $0x1E0, s14;
	v17 =	vld [tilespmem:s12+$0x1F080];
	v8 =	vnsel vm1, $0x0, v10  }
0x115: {  	s22 =	simm.s32 $0x30;
	s19 =	sand.u32 $0x1FC0, s28;
	v19 =	vld [tilespmem:s18+$0x1F080]  }
0x116: {  	s1 =	sand.u32 $0x1F0, s22;
	v9 =	vld [tilespmem:s19+$0x5080];
	vm2 =	vgt.s32 v14, $0x0  }
0x117: {  	v63 =	vld [tilespmem:s1+$0x1F080];
	s18 =	simm.s32 $0x50F0;
	vm1 =	vgt.s32 v11, $0x0;
	v62 =	vnsel vm2, $0x0, v14  }
0x118: {  	vm3 =	vgt.s32 v11, $0xFFFFFFFF;
	v18 =	vnsel vm1, $0x0, v11;
	v11 =	vld [tilespmem:s18+$0xFFFFFFF0]  }
0x119: {  	s23 =	simm.s32 $0x0;
	s9 =	rddreg [dreg:$0x6];
	vm1 =	vgt.s32 v13, $0x0;
	v12 =	vld.idx.msk [tilespmem:v8+s6+$0x0], $0xffff  }
0x11a: {  	s2 =	sor.u32 s9, s23;
	v20 =	vnsel vm1, $0x0, v13;
	v15 =	vld.idx.msk [tilespmem:v8+s7+$0x0], $0xffff  }
0x11b: {  	s1 =	scvt.s32.f32 s2;
	v8 =	vld [tilespmem:s18+$0x0]  }
0x11c: {  	vm1 =	vgt.s32 v10, $0xFFFFFFFF;
	v21 =	vld.idx.msk [tilespmem:v62+s6+$0x0], $0xffff  }
0x11d: {  	s11 =	simm.s32 $0x190A0;
	s14 =	smul.f32 $1.953125000e-03, s1;
	vm2 =	vgt.s32 v9, $0x0;
	v10 =	vsel vm1, $0x0, v7;
	v23 =	vld.idx.msk [tilespmem:v18+s6+$0x0], $0xffff  }
0x11e: {  	s1 =	simm.s32 $0x1B0A0;
	[tilespmem:s11+$0xFFFFFFE0] =	vst v10;
	v18 =	vld.idx.msk [tilespmem:v18+s7+$0x0], $0xffff;
	v10 =	vsel vm1, v12, v16;
	v16 =	vnsel vm2, $0x0, v9  }
0x11f: {  	s22 =	simm.s32 $0x1D0A0;
	v24 =	vld.idx.msk [tilespmem:v20+s6+$0x0], $0xffff;
	[tilespmem:s1+$0xFFFFFFE0] =	vst v10;
	v10 =	vnsel vm1, s14, v15  }
0x120: {  	v12 =	vld.idx.msk [tilespmem:v62+s7+$0x0], $0xffff;
	vm1 =	vgt.s32 v13, $0xFFFFFFFF;
	[tilespmem:s22+$0xFFFFFFE0] =	vst v10;
	v10 =	vsel vm3, $0x0, v7  }
0x121: {  	v15 =	vld.idx.msk [tilespmem:v20+s7+$0x0], $0xffff;
	v13 =	vsel vm1, $0x0, v7;
	[tilespmem:s11+$0x10] =	vst v10  }
0x122: {  	vm2 =	vgt.s32 v14, $0xFFFFFFFF;
	[tilespmem:s11+$0x0] =	vst v13;
	v13 =	vsel vm3, v23, v63;
	v10 =	vld [tilespmem:s18+$0xFFFFFFE0]  }
0x123: {  	s3 =	simm.s32 $0x0;
	s5 =	sand.u32 $0x1C0, s28;
	s19 =	simm.s32 $0x50;
	v14 =	vsel vm2, $0x0, v7;
	[tilespmem:s1+$0x10] =	vst v13;
	v13 =	vld.idx.msk [tilespmem:v16+s6+$0x0], $0xffff  }
0x124: {  	s12 =	simm.s32 $0x1D0E0;
	s29 =	sand.u32 $0x1D0, s19;
	s2 =	sor.u32 s9, s3;
	[tilespmem:s11+$0xFFFFFFF0] =	vst v14;
	v19 =	vsel vm1, v24, v19;
	v14 =	vld.idx.msk [tilespmem:v16+s7+$0x0], $0xffff  }
0x125: {  	s19 =	simm.s32 $0x1B0E0;
	s3 =	simm.s32 $0x60;
	s23 =	scvt.s32.f32 s2;
	vm4 =	vgt.s32 v8, $0x0;
	v17 =	vsel vm2, v21, v17;
	v18 =	vnsel vm3, s14, v18;
	[tilespmem:s1+$0x0] =	vst v19;
	v16 =	vld [tilespmem:s5+$0x1F080]  }
.LBB2_12:
0x126: {  	s2 =	sand.u32 $0x1E0, s3  }
0x127: {  	v19 =	vld [tilespmem:s29+$0x1F080];
	vm3 =	vgt.s32 v11, $0x0;
	v20 =	vnsel vm4, $0x0, v8;
	v12 =	vnsel vm2, s14, v12;
	[tilespmem:s22+$0x10] =	vst v18;
	s11 =	sadd.s32 $0x40, s11;
	s3 =	smov.u32 s28;
	s28 =	sadd.s32 $0x40, s28  }
0x128: {  	v15 =	vnsel vm1, s14, v15;
	s5 =	sand.u32 $0x1FC0, s28;
	s29 =	sshrl.u32 s28, $0x9;
	vm2 =	vgt.s32 v10, $0x0;
	v18 =	vnsel vm3, $0x0, v11;
	v21 =	vld [tilespmem:s2+$0x1F080];
	s2 =	sadd.s32 $0x70, s24;
	[tilespmem:s1+$0xFFFFFFF0] =	vst v17  }
0x129: {  	vm1 =	vgt.s32 v9, $0xFFFFFFFF;
	s14 =	smul.f32 $1.953125000e-03, s23;
	s1 =	sor.u32 s9, s29;
	v9 =	vld [tilespmem:s5+$0x5080];
	v17 =	vnsel vm2, $0x0, v10;
	s2 =	sand.u32 $0x1F0, s2;
	[tilespmem:s22+$0x0] =	vst v15  }
0x12a: {  	s18 =	sadd.s32 $0x40, s18;
	p0 =	slt.u32 s28, $0x1FC0;
	v15 =	vsel vm1, $0x0, v7;
	s23 =	scvt.s32.f32 s1;
	v22 =	vld [tilespmem:s2+$0x1F080];
	[tilespmem:s22+$0xFFFFFFF0] =	vst v12  }
0x12b: {  	s24 =	smov.u32 s3;
	s22 =	smov.u32 s12;
	s1 =	smov.u32 s19;
	v23 =	vld [tilespmem:s18+$0x0];
	[tilespmem:s11+$0xFFFFFFE0] =	vst v15;
	v12 =	vsel vm1, v13, v16;
	v13 =	vnsel vm1, s14, v14  }
0x12c: {  	[tilespmem:s19+$0xFFFFFFE0] =	vst v12;
	v14 =	vld.idx.msk [tilespmem:v20+s6+$0x0], $0xffff  }
0x12d: {  	[tilespmem:s12+$0xFFFFFFE0] =	vst v13;
	v20 =	vld.idx.msk [tilespmem:v20+s7+$0x0], $0xffff  }
0x12e: {  	vm1 =	vgt.s32 v9, $0x0;
	v16 =	vld.idx.msk [tilespmem:v18+s6+$0x0], $0xffff  }
0x12f: {  	vm3 =	vgt.s32 v8, $0xFFFFFFFF;
	v24 =	vnsel vm1, $0x0, v9;
	v12 =	vld.idx.msk [tilespmem:v17+s7+$0x0], $0xffff  }
0x130: {  	vm1 =	vgt.s32 v11, $0xFFFFFFFF;
	v11 =	vsel vm3, $0x0, v7;
	v17 =	vld.idx.msk [tilespmem:v17+s6+$0x0], $0xffff;
	v8 =	vmov v23  }
0x131: {  	v13 =	vsel vm1, $0x0, v7;
	v15 =	vld.idx.msk [tilespmem:v18+s7+$0x0], $0xffff;
	[tilespmem:s11+$0x10] =	vst v11  }
.Ltmp5:
0x132: {  	vm2 =	vgt.s32 v10, $0xFFFFFFFF;
	v11 =	vld [tilespmem:s18+$0xFFFFFFF0];
	[tilespmem:s11+$0x0] =	vst v13;
	v13 =	vsel vm3, v14, v22;
	(pc) =	sbr.rel @p0 .LBB2_12-.Ltmp5, $4  }
0x133: {  	v14 =	vsel vm2, $0x0, v7;
	v10 =	vld [tilespmem:s18+$0xFFFFFFE0];
	[tilespmem:s19+$0x10] =	vst v13  }
0x134: {  	v16 =	vsel vm1, v16, v21;
	v13 =	vld.idx.msk [tilespmem:v24+s6+$0x0], $0xffff;
	[tilespmem:s11+$0xFFFFFFF0] =	vst v14  }
0x135: {  	s3 =	sadd.s32 $0x50, s24;
	s2 =	sand.u32 $0x1C0, s28;
	s12 =	sadd.s32 $0x40, s12;
	v14 =	vld.idx.msk [tilespmem:v24+s7+$0x0], $0xffff;
	[tilespmem:s19+$0x0] =	vst v16  }
0x136: {  	s29 =	sand.u32 $0x1D0, s3;
	s3 =	sadd.s32 $0x60, s24;
	vm4 =	vgt.s32 v8, $0x0;
	v18 =	vnsel vm3, s14, v20;
	v17 =	vsel vm2, v17, v19;
	s19 =	sadd.s32 $0x40, s19;
	v16 =	vld [tilespmem:s2+$0x1F080]  }
0x137: {  	v19 =	vnsel vm4, $0x0, v8;
	vm3 =	vgt.s32 v11, $0x0  }
0x138: {  	[tilespmem:s22+$0x10] =	vst v18;
	v18 =	vnsel vm3, $0x0, v11  }
0x139: {  	v20 =	vld [tilespmem:s29+$0x1F080];
	s2 =	sand.u32 $0x1E0, s3;
	s5 =	sadd.s32 $0x70, s24;
	[tilespmem:s1+$0xFFFFFFF0] =	vst v17;
	v15 =	vnsel vm1, s14, v15;
	vm12 =	vgt.s32 v10, $0x0  }
0x13a: {  	v12 =	vnsel vm2, s14, v12;
	vm1 =	vgt.s32 v9, $0xFFFFFFFF;
	v21 =	vld [tilespmem:s2+$0x1F080];
	s9 =	sand.u32 $0x1F0, s5;
	[tilespmem:s22+$0x0] =	vst v15;
	v17 =	vnsel vm12, $0x0, v10  }
0x13b: {  	s14 =	sadd.s32 $0x40, s11;
	s18 =	smul.f32 $1.953125000e-03, s23;
	v15 =	vsel vm1, $0x0, v7;
	[tilespmem:s22+$0xFFFFFFF0] =	vst v12;
	v9 =	vld [tilespmem:s9+$0x1F080]  }
0x13c: {  	[tilespmem:s14+$0xFFFFFFE0] =	vst v15;
	v13 =	vsel vm1, v13, v16;
	v12 =	vld.idx.msk [tilespmem:v19+s6+$0x0], $0xffff  }
0x13d: {  	v14 =	vnsel vm1, s18, v14;
	vm1 =	vgt.s32 v8, $0xFFFFFFFF;
	[tilespmem:s19+$0xFFFFFFE0] =	vst v13;
	v13 =	vld.idx.msk [tilespmem:v18+s6+$0x0], $0xffff  }
0x13e: {  	vm2 =	vgt.s32 v11, $0xFFFFFFFF;
	v15 =	vld.idx.msk [tilespmem:v19+s7+$0x0], $0xffff;
	v11 =	vsel vm1, $0x0, v7;
	[tilespmem:s12+$0xFFFFFFE0] =	vst v14  }
0x13f: {  	vm3 =	vgt.s32 v10, $0xFFFFFFFF;
	v16 =	vsel vm2, $0x0, v7;
	[tilespmem:s14+$0x10] =	vst v11;
	v8 =	vld.idx.msk [tilespmem:v17+s6+$0x0], $0xffff  }
0x140: {  	v14 =	vld.idx.msk [tilespmem:v18+s7+$0x0], $0xffff;
	[tilespmem:s14+$0x0] =	vst v16;
	v11 =	vsel vm3, $0x0, v7  }
0x141: {  	v10 =	vld.idx.msk [tilespmem:v17+s7+$0x0], $0xffff;
	[tilespmem:s14+$0xFFFFFFF0] =	vst v11;
	v9 =	vsel vm1, v12, v9  }
0x142: {  	[tilespmem:s19+$0x10] =	vst v9;
	v9 =	vsel vm2, v13, v21  }
0x143: {  	[tilespmem:s19+$0x0] =	vst v9;
	v9 =	vnsel vm1, s18, v15  }
0x144: {  	v8 =	vsel vm3, v8, v20;
	[tilespmem:s12+$0x10] =	vst v9  }
0x145: {  	[tilespmem:s19+$0xFFFFFFF0] =	vst v8;
	v8 =	vnsel vm2, s18, v14  }
0x146: {  	v9 =	vnsel vm3, s18, v10;
	[tilespmem:s12+$0x0] =	vst v8  }
0x147: {  	s23 =	simm.s32 $0x0;
	[tilespmem:s12+$0xFFFFFFF0] =	vst v9  }
0x148: {  	s29 =	simm.s32 $0x19080;
	s22 =	simm.s32 $0x1;
	s24 =	rddreg [dreg:$0x9]  }
0x149: {  	[hbm4b:s24+s23] =	stream.linear.scatter [tilespmem:s29], [sflag:$0x1], $0x2000, $0x38;
	[tilespmem:$0x1F280] =	vst v63  }
0x14a: {  	_ =	swait.ge [sflag:s22], $0x2000  }
0x14b: {  	[sflag:s22] =	ssyncset.done $0x0  }
0x14c: {  	s5 =	simm.s32 $0x1B080;
	s3 =	rddreg [dreg:$0xb];
	[sflag:s22] =	ssyncadd.s32 $0xFFFFE000  }
0x14d: {  	[hbm4b:s3+s23] =	stream.linear.scatter [tilespmem:s5], [sflag:$0x1], $0x2000, $0x38;
	[tilespmem:$0x1F280] =	vst v63  }
0x14e: {  	_ =	swait.ge [sflag:s22], $0x2000  }
0x14f: {  	[sflag:s22] =	ssyncset.done $0x0  }
0x150: {  	s11 =	simm.s32 $0x1D080;
	s9 =	rddreg [dreg:$0xc];
	[sflag:s22] =	ssyncadd.s32 $0xFFFFE000  }
0x151: {  	[hbm4b:s9+s23] =	stream.linear.scatter [tilespmem:s11], [sflag:$0x1], $0x2000, $0x38;
	[tilespmem:$0x1F280] =	vst v63  }
0x152: {  	_ =	swait.ge [sflag:s22], $0x2000  }
0x153: {  	[sflag:s22] =	ssyncset.done $0x0  }
0x154: {  	s28 =	simm.s32 $0x0;
	s12 =	simm.s32 $0x0;
	[sflag:s22] =	ssyncadd.s32 $0xFFFFE000  }
0x155: {  	s14 =	sand.u32 $0x1FC0, s12;
	v10 =	vld [tilespmem:s28+$0x7090]  }
0x156: {  	v9 =	vld [tilespmem:s14+$0x7080];
	_ =	sdelay $0x1  }
0x157: {  	v13 =	vld [tilespmem:s28+$0x70A0]  }
0x158: {  	s18 =	simm.s32 $0x20  }
0x159: {  	s2 =	sand.u32 $0x1E0, s18;
	v14 =	vld [tilespmem:s28+$0x70B0];
	vm1 =	vgt.s32 v10, $0x0  }
0x15a: {  	s19 =	simm.s32 $0x10;
	s1 =	sand.u32 $0x1C0, s12;
	v16 =	vld [tilespmem:s2+$0x1F080];
	vm2 =	vgt.s32 v9, $0x0;
	v15 =	vnsel vm1, $0x0, v10  }
0x15b: {  	s24 =	simm.s32 $0x30;
	s23 =	sand.u32 $0x1D0, s19;
	v17 =	vld [tilespmem:s1+$0x1F080];
	v8 =	vnsel vm2, $0x0, v9  }
0x15c: {  	s29 =	sand.u32 $0x1F0, s24;
	v18 =	vld [tilespmem:s23+$0x1F080];
	vm1 =	vgt.s32 v13, $0x0  }
0x15d: {  	s24 =	simm.s32 $0x40;
	v21 =	vld [tilespmem:s29+$0x1F080];
	v11 =	vnsel vm1, $0x0, v13  }
0x15e: {  	v12 =	vld [tilespmem:s24+$0x70A0]  }
0x15f: {  	s19 =	rddreg [dreg:$0xa];
	s2 =	simm.s32 $0x0;
	v19 =	vld.idx.msk [tilespmem:v15+s6+$0x0], $0xffff  }
0x160: {  	s1 =	sor.u32 s19, s2;
	v22 =	vld.idx.msk [tilespmem:v8+s7+$0x0], $0xffff  }
0x161: {  	s1 =	scvt.s32.f32 s1;
	vm1 =	vgt.s32 v14, $0x0;
	v20 =	vld.idx.msk [tilespmem:v8+s6+$0x0], $0xffff  }
0x162: {  	v25 =	vnsel vm1, $0x0, v14;
	v23 =	vld.idx.msk [tilespmem:v11+s6+$0x0], $0xffff  }
0x163: {  	s11 =	simm.s32 $0x40;
	s1 =	smul.f32 $1.953125000e-03, s1;
	v8 =	vld [tilespmem:s24+$0x7090]  }
0x164: {  	s3 =	sand.u32 $0x1FC0, s11;
	vm1 =	vgt.s32 v9, $0xFFFFFFFF;
	v24 =	vld.idx.msk [tilespmem:v11+s7+$0x0], $0xffff  }
0x165: {  	v11 =	vld [tilespmem:s3+$0x7080];
	v22 =	vnsel vm1, s1, v22  }
0x166: {  	vm13 =	vgt.s32 v14, $0xFFFFFFFF;
	vm2 =	vgt.s32 v13, $0xFFFFFFFF;
	[tilespmem:s28+$0x17080] =	vst v22;
	v22 =	vld.idx.msk [tilespmem:v15+s7+$0x0], $0xffff  }
0x167: {  	vm3 =	vgt.s32 v10, $0xFFFFFFFF;
	v14 =	vsel vm13, $0x0, v7;
	v10 =	vsel vm2, v23, v16;
	v16 =	vld.idx.msk [tilespmem:v25+s6+$0x0], $0xffff  }
0x168: {  	vm15 =	vgt.s32 v12, $0x0;
	v17 =	vsel vm1, v20, v17;
	v23 =	vld.idx.msk [tilespmem:v25+s7+$0x0], $0xffff;
	[tilespmem:s28+$0x130B0] =	vst v14  }
0x169: {  	s9 =	sand.u32 $0x1C0, s11;
	s14 =	simm.s32 $0x70;
	v9 =	vld [tilespmem:s24+$0x70B0];
	vm5 =	vgt.s32 v8, $0x0;
	v20 =	vnsel vm15, $0x0, v12;
	[tilespmem:s28+$0x15080] =	vst v17  }
0x16a: {  	s5 =	simm.s32 $0x60;
	s18 =	sand.u32 $0x1F0, s14;
	v13 =	vnsel vm2, s1, v24;
	vm14 =	vgt.s32 v11, $0x0;
	v14 =	vld [tilespmem:s9+$0x1F080];
	[tilespmem:s28+$0x150A0] =	vst v10;
	v10 =	vnsel vm5, $0x0, v8  }
0x16b: {  	s2 =	sand.u32 $0x1E0, s5;
	s5 =	simm.s32 $0x50;
	v15 =	vsel vm3, v19, v18;
	v18 =	vld [tilespmem:s18+$0x1F080];
	[tilespmem:s28+$0x170A0] =	vst v13;
	v63 =	vnsel vm14, $0x0, v11  }
0x16c: {  	s12 =	sand.u32 $0x1D0, s5;
	v17 =	vsel vm3, $0x0, v7;
	v13 =	vld [tilespmem:s2+$0x1F080];
	[tilespmem:s28+$0x15090] =	vst v15  }
0x16d: {  	v15 =	vld [tilespmem:s12+$0x1F080];
	[tilespmem:s28+$0x13090] =	vst v17;
	v17 =	vnsel vm3, s1, v22  }
0x16e: {  	v16 =	vsel vm13, v16, v21;
	v21 =	vld.idx.msk [tilespmem:v20+s6+$0x0], $0xffff;
	[tilespmem:s28+$0x17090] =	vst v17  }
0x16f: {  	s23 =	simm.s32 $0x0;
	v19 =	vld.idx.msk [tilespmem:v10+s6+$0x0], $0xffff;
	[tilespmem:s28+$0x150B0] =	vst v16;
	v16 =	vnsel vm13, s1, v23  }
0x170: {  	s29 =	sor.u32 s19, s23;
	v17 =	vld.idx.msk [tilespmem:v63+s6+$0x0], $0xffff;
	v23 =	vsel vm2, $0x0, v7;
	[tilespmem:s28+$0x170B0] =	vst v16  }
0x171: {  	s3 =	simm.s32 $0x200;
	v22 =	vld.idx.msk [tilespmem:v63+s7+$0x0], $0xffff;
	s1 =	scvt.s32.f32 s29;
	vm2 =	vgt.s32 v9, $0x0;
	v16 =	vsel vm1, $0x0, v7;
	[tilespmem:s28+$0x130A0] =	vst v23  }
.LBB2_14:
0x172: {  	s2 =	sshra.s32 s3, $0x2;
	v20 =	vld.idx.msk [tilespmem:v20+s7+$0x0], $0xffff;
	[tilespmem:s28+$0x13080] =	vst v16;
	v23 =	vmov v18;
	s5 =	smov.u32 s11;
	s11 =	sadd.s32 $0x40, s11  }
0x173: {  	vm1 =	vgt.s32 v8, $0xFFFFFFFF;
	v18 =	vnsel vm2, $0x0, v9;
	s12 =	sand.u32 $0x1FC0, s11;
	s14 =	sshrl.u32 s11, $0x9;
	p0 =	slt.u32 s11, $0x1FC0;
	v8 =	vld [tilespmem:s2+$0x7090]  }
0x174: {  	s28 =	smov.u32 s24;
	v15 =	vsel vm1, v19, v15;
	v24 =	vld [tilespmem:s12+$0x7080];
	s14 =	sor.u32 s19, s14;
	s12 =	smul.f32 $1.953125000e-03, s1  }
0x175: {  	vm2 =	vgt.s32 v11, $0xFFFFFFFF;
	s24 =	smov.u32 s2;
	s1 =	scvt.s32.f32 s14;
	v19 =	vld [tilespmem:s2+$0x70A0]  }
0x176: {  	vm3 =	vgt.s32 v12, $0xFFFFFFFF;
	v17 =	vsel vm2, v17, v14;
	v25 =	vld [tilespmem:s24+$0x70B0];
	v11 =	vnsel vm2, s12, v22  }
0x177: {  	v16 =	vsel vm2, $0x0, v7;
	v26 =	vsel vm3, $0x0, v7;
	[tilespmem:s28+$0x17080] =	vst v11;
	v22 =	vld.idx.msk [tilespmem:v10+s7+$0x0], $0xffff;
	v10 =	vsel vm3, v21, v13  }
0x178: {  	s2 =	sadd.s32 $0x60, s5;
	v14 =	vnsel vm3, s12, v20;
	vm3 =	vgt.s32 v9, $0xFFFFFFFF;
	vm2 =	vgt.s32 v8, $0x0;
	[tilespmem:s28+$0x150A0] =	vst v10;
	v21 =	vld.idx.msk [tilespmem:v18+s6+$0x0], $0xffff  }
0x179: {  	s2 =	sand.u32 $0x1E0, s2;
	vm4 =	vgt.s32 v24, $0x0;
	v10 =	vnsel vm2, $0x0, v8;
	[tilespmem:s28+$0x170A0] =	vst v14;
	v27 =	vld.idx.msk [tilespmem:v18+s7+$0x0], $0xffff;
	v18 =	vsel vm3, $0x0, v7;
	v11 =	vmovc v24  }
0x17a: {  	s18 =	sadd.s32 $0x50, s5;
	s14 =	sand.u32 $0x1C0, s11;
	v24 =	vnsel vm4, $0x0, v11;
	vm4 =	vgt.s32 v19, $0x0;
	v13 =	vld [tilespmem:s2+$0x1F080];
	[tilespmem:s28+$0x130B0] =	vst v18;
	v12 =	vmov v19  }
0x17b: {  	s5 =	sadd.s32 $0x70, s5;
	s2 =	sand.u32 $0x1D0, s18;
	v14 =	vld [tilespmem:s14+$0x1F080];
	vm2 =	vgt.s32 v25, $0x0;
	[tilespmem:s28+$0x15090] =	vst v15;
	v9 =	vmov v25  }
0x17c: {  	v20 =	vnsel vm4, $0x0, v12;
	v15 =	vld [tilespmem:s2+$0x1F080];
	s2 =	sand.u32 $0x1F0, s5;
	[tilespmem:s28+$0x15080] =	vst v17;
	v17 =	vsel vm1, $0x0, v7  }
.Ltmp6:
0x17d: {  	v18 =	vld [tilespmem:s2+$0x1F080];
	[tilespmem:s28+$0x13090] =	vst v17;
	v17 =	vnsel vm1, s12, v22;
	(pc) =	sbr.rel @p0 .LBB2_14-.Ltmp6, $4  }
0x17e: {  	v21 =	vsel vm3, v21, v23;
	v19 =	vld.idx.msk [tilespmem:v10+s6+$0x0], $0xffff;
	[tilespmem:s28+$0x17090] =	vst v17  }
0x17f: {  	v17 =	vld.idx.msk [tilespmem:v24+s6+$0x0], $0xffff;
	[tilespmem:s28+$0x150B0] =	vst v21;
	v21 =	vnsel vm3, s12, v27  }
0x180: {  	v22 =	vld.idx.msk [tilespmem:v24+s7+$0x0], $0xffff;
	[tilespmem:s28+$0x170B0] =	vst v21  }
0x181: {  	s3 =	sadd.s32 $0x100, s3;
	v21 =	vld.idx.msk [tilespmem:v20+s6+$0x0], $0xffff;
	[tilespmem:s28+$0x130A0] =	vst v26  }
0x182: {  	_ =	sdelay $0x3  }
0x183: {  	v20 =	vld.idx.msk [tilespmem:v20+s7+$0x0], $0xffff;
	v23 =	vnsel vm2, $0x0, v9  }
0x184: {  	s1 =	smul.f32 $1.953125000e-03, s1;
	v10 =	vld.idx.msk [tilespmem:v10+s7+$0x0], $0xffff;
	vm4 =	vgt.s32 v8, $0xFFFFFFFF  }
0x185: {  	vm1 =	vgt.s32 v11, $0xFFFFFFFF;
	[tilespmem:s28+$0x13080] =	vst v16;
	vm2 =	vgt.s32 v12, $0xFFFFFFFF;
	v12 =	vsel vm4, v19, v15  }
0x186: {  	[tilespmem:s24+$0x15090] =	vst v12;
	v11 =	vnsel vm1, s1, v22  }
0x187: {  	[tilespmem:s24+$0x17080] =	vst v11;
	v11 =	vsel vm2, v21, v13  }
0x188: {  	vm3 =	vgt.s32 v9, $0xFFFFFFFF;
	[tilespmem:s24+$0x150A0] =	vst v11;
	v11 =	vnsel vm2, s1, v20;
	v9 =	vld.idx.msk [tilespmem:v23+s6+$0x0], $0xffff  }
0x189: {  	v8 =	vld.idx.msk [tilespmem:v23+s7+$0x0], $0xffff;
	v10 =	vnsel vm4, s1, v10;
	[tilespmem:s24+$0x170A0] =	vst v11  }
0x18a: {  	v11 =	vsel vm3, $0x0, v7;
	[tilespmem:s24+$0x17090] =	vst v10  }
0x18b: {  	[tilespmem:s24+$0x130B0] =	vst v11;
	v11 =	vsel vm1, v17, v14  }
0x18c: {  	[tilespmem:s24+$0x15080] =	vst v11;
	v11 =	vsel vm4, $0x0, v7  }
0x18d: {  	[tilespmem:s24+$0x13090] =	vst v11;
	v9 =	vsel vm3, v9, v18  }
0x18e: {  	v8 =	vnsel vm3, s1, v8;
	[tilespmem:s24+$0x150B0] =	vst v9  }
0x18f: {  	v9 =	vsel vm2, $0x0, v7;
	[tilespmem:s24+$0x170B0] =	vst v8  }
0x190: {  	v8 =	vsel vm1, $0x0, v7;
	[tilespmem:s24+$0x130A0] =	vst v9  }
0x191: {  	[tilespmem:s24+$0x13080] =	vst v8  }
0x192: {  	s9 =	simm.s32 $0x0;
	s19 =	simm.s32 $0x13080;
	s2 =	rddreg [dreg:$0xd]  }
0x193: {  	[hbm4b:s2+s9] =	stream.linear.scatter [tilespmem:s19], [sflag:$0x1], $0x2000, $0x38;
	[tilespmem:$0x1F280] =	vst v63  }
0x194: {  	_ =	swait.ge [sflag:s22], $0x2000  }
0x195: {  	[sflag:s22] =	ssyncset.done $0x0  }
0x196: {  	s23 =	simm.s32 $0x15080;
	s11 =	rddreg [dreg:$0xe];
	[sflag:s22] =	ssyncadd.s32 $0xFFFFE000  }
0x197: {  	[hbm4b:s11+s9] =	stream.linear.scatter [tilespmem:s23], [sflag:$0x1], $0x2000, $0x38;
	[tilespmem:$0x1F280] =	vst v63  }
0x198: {  	_ =	swait.ge [sflag:s22], $0x2000  }
0x199: {  	[sflag:s22] =	ssyncset.done $0x0  }
0x19a: {  	s3 =	simm.s32 $0x17080;
	s12 =	rddreg [dreg:$0xf];
	[sflag:s22] =	ssyncadd.s32 $0xFFFFE000  }
0x19b: {  	[hbm4b:s12+s9] =	stream.linear.scatter [tilespmem:s3], [sflag:$0x1], $0x2000, $0x38;
	[tilespmem:$0x1F280] =	vst v63  }
0x19c: {  	_ =	swait.ge [sflag:s22], $0x2000  }
0x19d: {  	[sflag:s22] =	ssyncset.done $0x0  }
0x19e: {  	s14 =	simm.s32 $0x0;
	s28 =	simm.s32 $0x0;
	[sflag:s22] =	ssyncadd.s32 $0xFFFFE000  }
0x19f: {  	s18 =	sand.u32 $0x1FC0, s14;
	v10 =	vld [tilespmem:s28+$0x9090]  }
0x1a0: {  	v9 =	vld [tilespmem:s18+$0x9080];
	_ =	sdelay $0x1  }
0x1a1: {  	v13 =	vld [tilespmem:s28+$0x90A0]  }
0x1a2: {  	s24 =	simm.s32 $0x20  }
0x1a3: {  	s2 =	sand.u32 $0x1E0, s24;
	v14 =	vld [tilespmem:s28+$0x90B0];
	vm1 =	vgt.s32 v10, $0x0  }
0x1a4: {  	s29 =	simm.s32 $0x10;
	s1 =	sand.u32 $0x1C0, s14;
	v16 =	vld [tilespmem:s2+$0x1F080];
	vm2 =	vgt.s32 v9, $0x0;
	v15 =	vnsel vm1, $0x0, v10  }
0x1a5: {  	s5 =	sand.u32 $0x1D0, s29;
	s9 =	simm.s32 $0x30;
	v17 =	vld [tilespmem:s1+$0x1F080];
	v8 =	vnsel vm2, $0x0, v9  }
0x1a6: {  	s11 =	sand.u32 $0x1F0, s9;
	v18 =	vld [tilespmem:s5+$0x1F080];
	vm1 =	vgt.s32 v13, $0x0  }
0x1a7: {  	s24 =	simm.s32 $0x40;
	v21 =	vld [tilespmem:s11+$0x1F080];
	v11 =	vnsel vm1, $0x0, v13  }
0x1a8: {  	v12 =	vld [tilespmem:s24+$0x90A0]  }
0x1a9: {  	s12 =	simm.s32 $0x0;
	v19 =	vld.idx.msk [tilespmem:v15+s6+$0x0], $0xffff  }
0x1aa: {  	s1 =	sor.u32 s13, s12;
	v22 =	vld.idx.msk [tilespmem:v8+s7+$0x0], $0xffff  }
0x1ab: {  	s1 =	scvt.s32.f32 s1;
	vm1 =	vgt.s32 v14, $0x0;
	v20 =	vld.idx.msk [tilespmem:v8+s6+$0x0], $0xffff  }
0x1ac: {  	v25 =	vnsel vm1, $0x0, v14;
	v23 =	vld.idx.msk [tilespmem:v11+s6+$0x0], $0xffff  }
0x1ad: {  	s11 =	simm.s32 $0x40;
	s1 =	smul.f32 $1.953125000e-03, s1;
	v8 =	vld [tilespmem:s24+$0x9090]  }
0x1ae: {  	s14 =	sand.u32 $0x1FC0, s11;
	vm1 =	vgt.s32 v9, $0xFFFFFFFF;
	v24 =	vld.idx.msk [tilespmem:v11+s7+$0x0], $0xffff  }
0x1af: {  	v11 =	vld [tilespmem:s14+$0x9080];
	v22 =	vnsel vm1, s1, v22  }
0x1b0: {  	vm13 =	vgt.s32 v14, $0xFFFFFFFF;
	vm2 =	vgt.s32 v13, $0xFFFFFFFF;
	[tilespmem:s28+$0x1D080] =	vst v22;
	v22 =	vld.idx.msk [tilespmem:v15+s7+$0x0], $0xffff  }
0x1b1: {  	vm3 =	vgt.s32 v10, $0xFFFFFFFF;
	v14 =	vsel vm13, $0x0, v7;
	v10 =	vsel vm2, v23, v16;
	v16 =	vld.idx.msk [tilespmem:v25+s6+$0x0], $0xffff  }
0x1b2: {  	vm15 =	vgt.s32 v12, $0x0;
	v17 =	vsel vm1, v20, v17;
	v23 =	vld.idx.msk [tilespmem:v25+s7+$0x0], $0xffff;
	[tilespmem:s28+$0x190B0] =	vst v14  }
0x1b3: {  	s12 =	simm.s32 $0x70;
	s29 =	sand.u32 $0x1C0, s11;
	v9 =	vld [tilespmem:s24+$0x90B0];
	vm5 =	vgt.s32 v8, $0x0;
	v20 =	vnsel vm15, $0x0, v12;
	[tilespmem:s28+$0x1B080] =	vst v17  }
0x1b4: {  	s18 =	simm.s32 $0x60;
	s14 =	sand.u32 $0x1F0, s12;
	v13 =	vnsel vm2, s1, v24;
	vm14 =	vgt.s32 v11, $0x0;
	v14 =	vld [tilespmem:s29+$0x1F080];
	[tilespmem:s28+$0x1B0A0] =	vst v10;
	v10 =	vnsel vm5, $0x0, v8  }
0x1b5: {  	s5 =	simm.s32 $0x50;
	s2 =	sand.u32 $0x1E0, s18;
	v15 =	vsel vm3, v19, v18;
	v18 =	vld [tilespmem:s14+$0x1F080];
	[tilespmem:s28+$0x1D0A0] =	vst v13;
	v63 =	vnsel vm14, $0x0, v11  }
0x1b6: {  	s9 =	sand.u32 $0x1D0, s5;
	v17 =	vsel vm3, $0x0, v7;
	v13 =	vld [tilespmem:s2+$0x1F080];
	[tilespmem:s28+$0x1B090] =	vst v15  }
0x1b7: {  	v15 =	vld [tilespmem:s9+$0x1F080];
	[tilespmem:s28+$0x19090] =	vst v17;
	v17 =	vnsel vm3, s1, v22  }
0x1b8: {  	v16 =	vsel vm13, v16, v21;
	v21 =	vld.idx.msk [tilespmem:v20+s6+$0x0], $0xffff;
	[tilespmem:s28+$0x1D090] =	vst v17  }
0x1b9: {  	s18 =	simm.s32 $0x0;
	v19 =	vld.idx.msk [tilespmem:v10+s6+$0x0], $0xffff;
	[tilespmem:s28+$0x1B0B0] =	vst v16;
	v16 =	vnsel vm13, s1, v23  }
0x1ba: {  	s29 =	sor.u32 s13, s18;
	v17 =	vld.idx.msk [tilespmem:v63+s6+$0x0], $0xffff;
	v23 =	vsel vm2, $0x0, v7;
	[tilespmem:s28+$0x1D0B0] =	vst v16  }
0x1bb: {  	s3 =	simm.s32 $0x200;
	v22 =	vld.idx.msk [tilespmem:v63+s7+$0x0], $0xffff;
	s1 =	scvt.s32.f32 s29;
	vm2 =	vgt.s32 v9, $0x0;
	v16 =	vsel vm1, $0x0, v7;
	[tilespmem:s28+$0x190A0] =	vst v23  }
.LBB2_16:
0x1bc: {  	s2 =	sshra.s32 s3, $0x2;
	v20 =	vld.idx.msk [tilespmem:v20+s7+$0x0], $0xffff;
	[tilespmem:s28+$0x19080] =	vst v16;
	v23 =	vmov v18;
	s5 =	smov.u32 s11;
	s11 =	sadd.s32 $0x40, s11  }
0x1bd: {  	vm1 =	vgt.s32 v8, $0xFFFFFFFF;
	v18 =	vnsel vm2, $0x0, v9;
	s12 =	sand.u32 $0x1FC0, s11;
	s14 =	sshrl.u32 s11, $0x9;
	p0 =	slt.u32 s11, $0x1FC0;
	v8 =	vld [tilespmem:s2+$0x9090]  }
0x1be: {  	s28 =	smov.u32 s24;
	v15 =	vsel vm1, v19, v15;
	v24 =	vld [tilespmem:s12+$0x9080];
	s14 =	sor.u32 s13, s14;
	s12 =	smul.f32 $1.953125000e-03, s1  }
0x1bf: {  	vm2 =	vgt.s32 v11, $0xFFFFFFFF;
	s24 =	smov.u32 s2;
	s1 =	scvt.s32.f32 s14;
	v19 =	vld [tilespmem:s2+$0x90A0]  }
0x1c0: {  	vm3 =	vgt.s32 v12, $0xFFFFFFFF;
	v17 =	vsel vm2, v17, v14;
	v25 =	vld [tilespmem:s24+$0x90B0];
	v11 =	vnsel vm2, s12, v22  }
0x1c1: {  	v16 =	vsel vm2, $0x0, v7;
	v26 =	vsel vm3, $0x0, v7;
	[tilespmem:s28+$0x1D080] =	vst v11;
	v22 =	vld.idx.msk [tilespmem:v10+s7+$0x0], $0xffff;
	v10 =	vsel vm3, v21, v13  }
0x1c2: {  	s2 =	sadd.s32 $0x60, s5;
	v14 =	vnsel vm3, s12, v20;
	vm3 =	vgt.s32 v9, $0xFFFFFFFF;
	vm2 =	vgt.s32 v8, $0x0;
	[tilespmem:s28+$0x1B0A0] =	vst v10;
	v21 =	vld.idx.msk [tilespmem:v18+s6+$0x0], $0xffff  }
0x1c3: {  	s2 =	sand.u32 $0x1E0, s2;
	vm4 =	vgt.s32 v24, $0x0;
	v10 =	vnsel vm2, $0x0, v8;
	[tilespmem:s28+$0x1D0A0] =	vst v14;
	v27 =	vld.idx.msk [tilespmem:v18+s7+$0x0], $0xffff;
	v18 =	vsel vm3, $0x0, v7;
	v11 =	vmovc v24  }
0x1c4: {  	s18 =	sadd.s32 $0x50, s5;
	s14 =	sand.u32 $0x1C0, s11;
	v24 =	vnsel vm4, $0x0, v11;
	vm4 =	vgt.s32 v19, $0x0;
	v13 =	vld [tilespmem:s2+$0x1F080];
	[tilespmem:s28+$0x190B0] =	vst v18;
	v12 =	vmov v19  }
0x1c5: {  	s5 =	sadd.s32 $0x70, s5;
	s2 =	sand.u32 $0x1D0, s18;
	v14 =	vld [tilespmem:s14+$0x1F080];
	vm2 =	vgt.s32 v25, $0x0;
	[tilespmem:s28+$0x1B090] =	vst v15;
	v9 =	vmov v25  }
0x1c6: {  	v20 =	vnsel vm4, $0x0, v12;
	v15 =	vld [tilespmem:s2+$0x1F080];
	s2 =	sand.u32 $0x1F0, s5;
	[tilespmem:s28+$0x1B080] =	vst v17;
	v17 =	vsel vm1, $0x0, v7  }
.Ltmp7:
0x1c7: {  	v18 =	vld [tilespmem:s2+$0x1F080];
	[tilespmem:s28+$0x19090] =	vst v17;
	v17 =	vnsel vm1, s12, v22;
	(pc) =	sbr.rel @p0 .LBB2_16-.Ltmp7, $4  }
0x1c8: {  	v21 =	vsel vm3, v21, v23;
	v19 =	vld.idx.msk [tilespmem:v10+s6+$0x0], $0xffff;
	[tilespmem:s28+$0x1D090] =	vst v17  }
0x1c9: {  	v17 =	vld.idx.msk [tilespmem:v24+s6+$0x0], $0xffff;
	[tilespmem:s28+$0x1B0B0] =	vst v21;
	v21 =	vnsel vm3, s12, v27  }
0x1ca: {  	v22 =	vld.idx.msk [tilespmem:v24+s7+$0x0], $0xffff;
	[tilespmem:s28+$0x1D0B0] =	vst v21  }
0x1cb: {  	s3 =	sadd.s32 $0x100, s3;
	v21 =	vld.idx.msk [tilespmem:v20+s6+$0x0], $0xffff;
	[tilespmem:s28+$0x190A0] =	vst v26  }
0x1cc: {  	_ =	sdelay $0x3  }
0x1cd: {  	v20 =	vld.idx.msk [tilespmem:v20+s7+$0x0], $0xffff;
	v23 =	vnsel vm2, $0x0, v9  }
0x1ce: {  	s1 =	smul.f32 $1.953125000e-03, s1;
	v10 =	vld.idx.msk [tilespmem:v10+s7+$0x0], $0xffff;
	vm4 =	vgt.s32 v8, $0xFFFFFFFF  }
0x1cf: {  	vm1 =	vgt.s32 v11, $0xFFFFFFFF;
	[tilespmem:s28+$0x19080] =	vst v16;
	vm2 =	vgt.s32 v12, $0xFFFFFFFF;
	v12 =	vsel vm4, v19, v15  }
0x1d0: {  	[tilespmem:s24+$0x1B090] =	vst v12;
	v11 =	vnsel vm1, s1, v22  }
0x1d1: {  	[tilespmem:s24+$0x1D080] =	vst v11;
	v11 =	vsel vm2, v21, v13  }
0x1d2: {  	vm3 =	vgt.s32 v9, $0xFFFFFFFF;
	[tilespmem:s24+$0x1B0A0] =	vst v11;
	v11 =	vnsel vm2, s1, v20;
	v9 =	vld.idx.msk [tilespmem:v23+s6+$0x0], $0xffff  }
0x1d3: {  	v8 =	vld.idx.msk [tilespmem:v23+s7+$0x0], $0xffff;
	v10 =	vnsel vm4, s1, v10;
	[tilespmem:s24+$0x1D0A0] =	vst v11  }
0x1d4: {  	v11 =	vsel vm3, $0x0, v7;
	[tilespmem:s24+$0x1D090] =	vst v10  }
0x1d5: {  	[tilespmem:s24+$0x190B0] =	vst v11;
	v11 =	vsel vm1, v17, v14  }
0x1d6: {  	[tilespmem:s24+$0x1B080] =	vst v11;
	v11 =	vsel vm4, $0x0, v7  }
0x1d7: {  	[tilespmem:s24+$0x19090] =	vst v11;
	v9 =	vsel vm3, v9, v18  }
0x1d8: {  	v8 =	vnsel vm3, s1, v8;
	[tilespmem:s24+$0x1B0B0] =	vst v9  }
0x1d9: {  	v9 =	vsel vm2, $0x0, v7;
	[tilespmem:s24+$0x1D0B0] =	vst v8  }
0x1da: {  	v8 =	vsel vm1, $0x0, v7;
	[tilespmem:s24+$0x190A0] =	vst v9  }
0x1db: {  	[tilespmem:s24+$0x19080] =	vst v8  }
0x1dc: {  	s29 =	simm.s32 $0x0;
	s3 =	simm.s32 $0x19080;
	s2 =	rddreg [dreg:$0x10]  }
0x1dd: {  	[hbm4b:s2+s29] =	stream.linear.scatter [tilespmem:s3], [sflag:$0x1], $0x2000, $0x38;
	[tilespmem:$0x1F280] =	vst v63  }
0x1de: {  	_ =	swait.ge [sflag:s22], $0x2000  }
0x1df: {  	[sflag:s22] =	ssyncset.done $0x0  }
0x1e0: {  	s9 =	simm.s32 $0x1B080;
	s5 =	rddreg [dreg:$0x11];
	[sflag:s22] =	ssyncadd.s32 $0xFFFFE000  }
0x1e1: {  	[hbm4b:s5+s29] =	stream.linear.scatter [tilespmem:s9], [sflag:$0x1], $0x2000, $0x38;
	[tilespmem:$0x1F280] =	vst v63  }
0x1e2: {  	_ =	swait.ge [sflag:s22], $0x2000  }
0x1e3: {  	[sflag:s22] =	ssyncset.done $0x0  }
0x1e4: {  	s12 =	simm.s32 $0x1D080;
	s11 =	rddreg [dreg:$0x12];
	[sflag:s22] =	ssyncadd.s32 $0xFFFFE000  }
0x1e5: {  	[hbm4b:s11+s29] =	stream.linear.scatter [tilespmem:s12], [sflag:$0x1], $0x2000, $0x38;
	[tilespmem:$0x1F280] =	vst v63  }
0x1e6: {  	_ =	swait.ge [sflag:s22], $0x2000  }
0x1e7: {  	[sflag:s22] =	ssyncset.done $0x0  }
0x1e8: {  	s14 =	simm.s32 $0x0;
	s28 =	simm.s32 $0x0;
	[sflag:s22] =	ssyncadd.s32 $0xFFFFE000  }
0x1e9: {  	s18 =	sand.u32 $0x1FC0, s14;
	v10 =	vld [tilespmem:s28+$0xB090]  }
0x1ea: {  	v9 =	vld [tilespmem:s18+$0xB080];
	_ =	sdelay $0x1  }
0x1eb: {  	v13 =	vld [tilespmem:s28+$0xB0A0]  }
0x1ec: {  	s24 =	simm.s32 $0x20  }
0x1ed: {  	s2 =	sand.u32 $0x1E0, s24;
	v14 =	vld [tilespmem:s28+$0xB0B0];
	vm1 =	vgt.s32 v10, $0x0  }
0x1ee: {  	s1 =	sand.u32 $0x1C0, s14;
	s29 =	simm.s32 $0x10;
	v16 =	vld [tilespmem:s2+$0x1F080];
	vm2 =	vgt.s32 v9, $0x0;
	v15 =	vnsel vm1, $0x0, v10  }
0x1ef: {  	s9 =	simm.s32 $0x30;
	s5 =	sand.u32 $0x1D0, s29;
	v17 =	vld [tilespmem:s1+$0x1F080];
	v8 =	vnsel vm2, $0x0, v9  }
0x1f0: {  	s11 =	sand.u32 $0x1F0, s9;
	v18 =	vld [tilespmem:s5+$0x1F080];
	vm1 =	vgt.s32 v13, $0x0  }
0x1f1: {  	s24 =	simm.s32 $0x40;
	v21 =	vld [tilespmem:s11+$0x1F080];
	v11 =	vnsel vm1, $0x0, v13  }
0x1f2: {  	v12 =	vld [tilespmem:s24+$0xB0A0]  }
0x1f3: {  	s12 =	simm.s32 $0x0;
	v19 =	vld.idx.msk [tilespmem:v15+s6+$0x0], $0xffff  }
0x1f4: {  	s1 =	sor.u32 s17, s12;
	v22 =	vld.idx.msk [tilespmem:v8+s7+$0x0], $0xffff  }
0x1f5: {  	s1 =	scvt.s32.f32 s1;
	vm1 =	vgt.s32 v14, $0x0;
	v20 =	vld.idx.msk [tilespmem:v8+s6+$0x0], $0xffff  }
0x1f6: {  	v25 =	vnsel vm1, $0x0, v14;
	v23 =	vld.idx.msk [tilespmem:v11+s6+$0x0], $0xffff  }
0x1f7: {  	s11 =	simm.s32 $0x40;
	s1 =	smul.f32 $1.953125000e-03, s1;
	v8 =	vld [tilespmem:s24+$0xB090]  }
0x1f8: {  	s14 =	sand.u32 $0x1FC0, s11;
	vm1 =	vgt.s32 v9, $0xFFFFFFFF;
	v24 =	vld.idx.msk [tilespmem:v11+s7+$0x0], $0xffff  }
0x1f9: {  	v11 =	vld [tilespmem:s14+$0xB080];
	v22 =	vnsel vm1, s1, v22  }
0x1fa: {  	vm13 =	vgt.s32 v14, $0xFFFFFFFF;
	vm2 =	vgt.s32 v13, $0xFFFFFFFF;
	[tilespmem:s28+$0x17080] =	vst v22;
	v22 =	vld.idx.msk [tilespmem:v15+s7+$0x0], $0xffff  }
0x1fb: {  	vm3 =	vgt.s32 v10, $0xFFFFFFFF;
	v14 =	vsel vm13, $0x0, v7;
	v10 =	vsel vm2, v23, v16;
	v16 =	vld.idx.msk [tilespmem:v25+s6+$0x0], $0xffff  }
0x1fc: {  	vm15 =	vgt.s32 v12, $0x0;
	v17 =	vsel vm1, v20, v17;
	v23 =	vld.idx.msk [tilespmem:v25+s7+$0x0], $0xffff;
	[tilespmem:s28+$0x130B0] =	vst v14  }
0x1fd: {  	s12 =	simm.s32 $0x70;
	s29 =	sand.u32 $0x1C0, s11;
	v9 =	vld [tilespmem:s24+$0xB0B0];
	vm5 =	vgt.s32 v8, $0x0;
	v20 =	vnsel vm15, $0x0, v12;
	[tilespmem:s28+$0x15080] =	vst v17  }
0x1fe: {  	s18 =	simm.s32 $0x60;
	s14 =	sand.u32 $0x1F0, s12;
	v13 =	vnsel vm2, s1, v24;
	vm14 =	vgt.s32 v11, $0x0;
	v14 =	vld [tilespmem:s29+$0x1F080];
	[tilespmem:s28+$0x150A0] =	vst v10;
	v10 =	vnsel vm5, $0x0, v8  }
0x1ff: {  	s5 =	simm.s32 $0x50;
	s2 =	sand.u32 $0x1E0, s18;
	v15 =	vsel vm3, v19, v18;
	v18 =	vld [tilespmem:s14+$0x1F080];
	[tilespmem:s28+$0x170A0] =	vst v13;
	v63 =	vnsel vm14, $0x0, v11  }
0x200: {  	s9 =	sand.u32 $0x1D0, s5;
	v17 =	vsel vm3, $0x0, v7;
	v13 =	vld [tilespmem:s2+$0x1F080];
	[tilespmem:s28+$0x15090] =	vst v15  }
0x201: {  	v15 =	vld [tilespmem:s9+$0x1F080];
	[tilespmem:s28+$0x13090] =	vst v17;
	v17 =	vnsel vm3, s1, v22  }
0x202: {  	v16 =	vsel vm13, v16, v21;
	v21 =	vld.idx.msk [tilespmem:v20+s6+$0x0], $0xffff;
	[tilespmem:s28+$0x17090] =	vst v17  }
0x203: {  	s18 =	simm.s32 $0x0;
	v19 =	vld.idx.msk [tilespmem:v10+s6+$0x0], $0xffff;
	[tilespmem:s28+$0x150B0] =	vst v16;
	v16 =	vnsel vm13, s1, v23  }
0x204: {  	s29 =	sor.u32 s17, s18;
	v17 =	vld.idx.msk [tilespmem:v63+s6+$0x0], $0xffff;
	v23 =	vsel vm2, $0x0, v7;
	[tilespmem:s28+$0x170B0] =	vst v16  }
0x205: {  	s3 =	simm.s32 $0x200;
	v22 =	vld.idx.msk [tilespmem:v63+s7+$0x0], $0xffff;
	s1 =	scvt.s32.f32 s29;
	vm2 =	vgt.s32 v9, $0x0;
	v16 =	vsel vm1, $0x0, v7;
	[tilespmem:s28+$0x130A0] =	vst v23  }
.LBB2_18:
0x206: {  	s2 =	sshra.s32 s3, $0x2;
	v20 =	vld.idx.msk [tilespmem:v20+s7+$0x0], $0xffff;
	[tilespmem:s28+$0x13080] =	vst v16;
	v23 =	vmov v18;
	s5 =	smov.u32 s11;
	s11 =	sadd.s32 $0x40, s11  }
0x207: {  	vm1 =	vgt.s32 v8, $0xFFFFFFFF;
	v18 =	vnsel vm2, $0x0, v9;
	s12 =	sand.u32 $0x1FC0, s11;
	s14 =	sshrl.u32 s11, $0x9;
	p0 =	slt.u32 s11, $0x1FC0;
	v8 =	vld [tilespmem:s2+$0xB090]  }
0x208: {  	s28 =	smov.u32 s24;
	v15 =	vsel vm1, v19, v15;
	v24 =	vld [tilespmem:s12+$0xB080];
	s14 =	sor.u32 s17, s14;
	s12 =	smul.f32 $1.953125000e-03, s1  }
0x209: {  	vm2 =	vgt.s32 v11, $0xFFFFFFFF;
	s24 =	smov.u32 s2;
	s1 =	scvt.s32.f32 s14;
	v19 =	vld [tilespmem:s2+$0xB0A0]  }
0x20a: {  	vm3 =	vgt.s32 v12, $0xFFFFFFFF;
	v17 =	vsel vm2, v17, v14;
	v25 =	vld [tilespmem:s24+$0xB0B0];
	v11 =	vnsel vm2, s12, v22  }
0x20b: {  	v16 =	vsel vm2, $0x0, v7;
	v26 =	vsel vm3, $0x0, v7;
	[tilespmem:s28+$0x17080] =	vst v11;
	v22 =	vld.idx.msk [tilespmem:v10+s7+$0x0], $0xffff;
	v10 =	vsel vm3, v21, v13  }
0x20c: {  	s2 =	sadd.s32 $0x60, s5;
	v14 =	vnsel vm3, s12, v20;
	vm3 =	vgt.s32 v9, $0xFFFFFFFF;
	vm2 =	vgt.s32 v8, $0x0;
	[tilespmem:s28+$0x150A0] =	vst v10;
	v21 =	vld.idx.msk [tilespmem:v18+s6+$0x0], $0xffff  }
0x20d: {  	s2 =	sand.u32 $0x1E0, s2;
	vm4 =	vgt.s32 v24, $0x0;
	v10 =	vnsel vm2, $0x0, v8;
	[tilespmem:s28+$0x170A0] =	vst v14;
	v27 =	vld.idx.msk [tilespmem:v18+s7+$0x0], $0xffff;
	v18 =	vsel vm3, $0x0, v7;
	v11 =	vmovc v24  }
0x20e: {  	s18 =	sadd.s32 $0x50, s5;
	s14 =	sand.u32 $0x1C0, s11;
	v24 =	vnsel vm4, $0x0, v11;
	vm4 =	vgt.s32 v19, $0x0;
	v13 =	vld [tilespmem:s2+$0x1F080];
	[tilespmem:s28+$0x130B0] =	vst v18;
	v12 =	vmov v19  }
0x20f: {  	s5 =	sadd.s32 $0x70, s5;
	s2 =	sand.u32 $0x1D0, s18;
	v14 =	vld [tilespmem:s14+$0x1F080];
	vm2 =	vgt.s32 v25, $0x0;
	[tilespmem:s28+$0x15090] =	vst v15;
	v9 =	vmov v25  }
0x210: {  	v20 =	vnsel vm4, $0x0, v12;
	v15 =	vld [tilespmem:s2+$0x1F080];
	s2 =	sand.u32 $0x1F0, s5;
	[tilespmem:s28+$0x15080] =	vst v17;
	v17 =	vsel vm1, $0x0, v7  }
.Ltmp8:
0x211: {  	v18 =	vld [tilespmem:s2+$0x1F080];
	[tilespmem:s28+$0x13090] =	vst v17;
	v17 =	vnsel vm1, s12, v22;
	(pc) =	sbr.rel @p0 .LBB2_18-.Ltmp8, $4  }
0x212: {  	v21 =	vsel vm3, v21, v23;
	v19 =	vld.idx.msk [tilespmem:v10+s6+$0x0], $0xffff;
	[tilespmem:s28+$0x17090] =	vst v17  }
0x213: {  	v17 =	vld.idx.msk [tilespmem:v24+s6+$0x0], $0xffff;
	[tilespmem:s28+$0x150B0] =	vst v21;
	v21 =	vnsel vm3, s12, v27  }
0x214: {  	v22 =	vld.idx.msk [tilespmem:v24+s7+$0x0], $0xffff;
	[tilespmem:s28+$0x170B0] =	vst v21  }
0x215: {  	s3 =	sadd.s32 $0x100, s3;
	v21 =	vld.idx.msk [tilespmem:v20+s6+$0x0], $0xffff;
	[tilespmem:s28+$0x130A0] =	vst v26  }
0x216: {  	_ =	sdelay $0x3  }
0x217: {  	v20 =	vld.idx.msk [tilespmem:v20+s7+$0x0], $0xffff;
	v23 =	vnsel vm2, $0x0, v9  }
0x218: {  	s1 =	smul.f32 $1.953125000e-03, s1;
	v10 =	vld.idx.msk [tilespmem:v10+s7+$0x0], $0xffff;
	vm4 =	vgt.s32 v8, $0xFFFFFFFF  }
0x219: {  	vm1 =	vgt.s32 v11, $0xFFFFFFFF;
	[tilespmem:s28+$0x13080] =	vst v16;
	vm2 =	vgt.s32 v12, $0xFFFFFFFF;
	v12 =	vsel vm4, v19, v15  }
0x21a: {  	[tilespmem:s24+$0x15090] =	vst v12;
	v11 =	vnsel vm1, s1, v22  }
0x21b: {  	[tilespmem:s24+$0x17080] =	vst v11;
	v11 =	vsel vm2, v21, v13  }
0x21c: {  	vm3 =	vgt.s32 v9, $0xFFFFFFFF;
	[tilespmem:s24+$0x150A0] =	vst v11;
	v11 =	vnsel vm2, s1, v20;
	v9 =	vld.idx.msk [tilespmem:v23+s6+$0x0], $0xffff  }
0x21d: {  	v8 =	vld.idx.msk [tilespmem:v23+s7+$0x0], $0xffff;
	v10 =	vnsel vm4, s1, v10;
	[tilespmem:s24+$0x170A0] =	vst v11  }
0x21e: {  	v11 =	vsel vm3, $0x0, v7;
	[tilespmem:s24+$0x17090] =	vst v10  }
0x21f: {  	[tilespmem:s24+$0x130B0] =	vst v11;
	v11 =	vsel vm1, v17, v14  }
0x220: {  	[tilespmem:s24+$0x15080] =	vst v11;
	v11 =	vsel vm4, $0x0, v7  }
0x221: {  	[tilespmem:s24+$0x13090] =	vst v11;
	v9 =	vsel vm3, v9, v18  }
0x222: {  	v8 =	vnsel vm3, s1, v8;
	[tilespmem:s24+$0x150B0] =	vst v9  }
0x223: {  	v9 =	vsel vm2, $0x0, v7;
	[tilespmem:s24+$0x170B0] =	vst v8  }
0x224: {  	v8 =	vsel vm1, $0x0, v7;
	[tilespmem:s24+$0x130A0] =	vst v9  }
0x225: {  	[tilespmem:s24+$0x13080] =	vst v8  }
0x226: {  	s9 =	simm.s32 $0x0;
	s2 =	rddreg [dreg:$0x13]  }
0x227: {  	[hbm4b:s2+s9] =	stream.linear.scatter [tilespmem:s19], [sflag:$0x1], $0x2000, $0x38;
	[tilespmem:$0x1F280] =	vst v63  }
0x228: {  	_ =	swait.ge [sflag:s22], $0x2000  }
0x229: {  	[sflag:s22] =	ssyncset.done $0x0  }
0x22a: {  	s11 =	rddreg [dreg:$0x14];
	[sflag:s22] =	ssyncadd.s32 $0xFFFFE000  }
0x22b: {  	[hbm4b:s11+s9] =	stream.linear.scatter [tilespmem:s23], [sflag:$0x1], $0x2000, $0x38;
	[tilespmem:$0x1F280] =	vst v63  }
0x22c: {  	_ =	swait.ge [sflag:s22], $0x2000  }
0x22d: {  	[sflag:s22] =	ssyncset.done $0x0  }
0x22e: {  	s3 =	simm.s32 $0x17080;
	s12 =	rddreg [dreg:$0x15];
	[sflag:s22] =	ssyncadd.s32 $0xFFFFE000  }
0x22f: {  	[hbm4b:s12+s9] =	stream.linear.scatter [tilespmem:s3], [sflag:$0x1], $0x2000, $0x38;
	[tilespmem:$0x1F280] =	vst v63  }
0x230: {  	_ =	swait.ge [sflag:s22], $0x2000  }
0x231: {  	[sflag:s22] =	ssyncset.done $0x0  }
0x232: {  	s14 =	simm.s32 $0x0;
	s28 =	simm.s32 $0x0;
	[sflag:s22] =	ssyncadd.s32 $0xFFFFE000  }
0x233: {  	s18 =	sand.u32 $0x1FC0, s14;
	v10 =	vld [tilespmem:s28+$0xD090]  }
0x234: {  	v9 =	vld [tilespmem:s18+$0xD080];
	_ =	sdelay $0x1  }
0x235: {  	v13 =	vld [tilespmem:s28+$0xD0A0]  }
0x236: {  	s24 =	simm.s32 $0x20  }
0x237: {  	s2 =	sand.u32 $0x1E0, s24;
	v14 =	vld [tilespmem:s28+$0xD0B0];
	vm1 =	vgt.s32 v10, $0x0  }
0x238: {  	s29 =	simm.s32 $0x10;
	s1 =	sand.u32 $0x1C0, s14;
	v16 =	vld [tilespmem:s2+$0x1F080];
	vm2 =	vgt.s32 v9, $0x0;
	v15 =	vnsel vm1, $0x0, v10  }
0x239: {  	s5 =	sand.u32 $0x1D0, s29;
	s9 =	simm.s32 $0x30;
	v17 =	vld [tilespmem:s1+$0x1F080];
	v8 =	vnsel vm2, $0x0, v9  }
0x23a: {  	s11 =	sand.u32 $0x1F0, s9;
	v18 =	vld [tilespmem:s5+$0x1F080];
	vm1 =	vgt.s32 v13, $0x0  }
0x23b: {  	s24 =	simm.s32 $0x40;
	v21 =	vld [tilespmem:s11+$0x1F080];
	v11 =	vnsel vm1, $0x0, v13  }
0x23c: {  	v12 =	vld [tilespmem:s24+$0xD0A0]  }
0x23d: {  	s12 =	simm.s32 $0x0;
	v19 =	vld.idx.msk [tilespmem:v15+s6+$0x0], $0xffff  }
0x23e: {  	s1 =	sor.u32 s21, s12;
	v22 =	vld.idx.msk [tilespmem:v8+s7+$0x0], $0xffff  }
0x23f: {  	s1 =	scvt.s32.f32 s1;
	vm1 =	vgt.s32 v14, $0x0;
	v20 =	vld.idx.msk [tilespmem:v8+s6+$0x0], $0xffff  }
0x240: {  	v25 =	vnsel vm1, $0x0, v14;
	v23 =	vld.idx.msk [tilespmem:v11+s6+$0x0], $0xffff  }
0x241: {  	s11 =	simm.s32 $0x40;
	s1 =	smul.f32 $1.953125000e-03, s1;
	v8 =	vld [tilespmem:s24+$0xD090]  }
0x242: {  	s14 =	sand.u32 $0x1FC0, s11;
	vm1 =	vgt.s32 v9, $0xFFFFFFFF;
	v24 =	vld.idx.msk [tilespmem:v11+s7+$0x0], $0xffff  }
0x243: {  	v11 =	vld [tilespmem:s14+$0xD080];
	v22 =	vnsel vm1, s1, v22  }
0x244: {  	vm13 =	vgt.s32 v14, $0xFFFFFFFF;
	vm2 =	vgt.s32 v13, $0xFFFFFFFF;
	[tilespmem:s28+$0x1D080] =	vst v22;
	v22 =	vld.idx.msk [tilespmem:v15+s7+$0x0], $0xffff  }
0x245: {  	vm3 =	vgt.s32 v10, $0xFFFFFFFF;
	v14 =	vsel vm13, $0x0, v7;
	v10 =	vsel vm2, v23, v16;
	v16 =	vld.idx.msk [tilespmem:v25+s6+$0x0], $0xffff  }
0x246: {  	vm15 =	vgt.s32 v12, $0x0;
	v17 =	vsel vm1, v20, v17;
	v23 =	vld.idx.msk [tilespmem:v25+s7+$0x0], $0xffff;
	[tilespmem:s28+$0x190B0] =	vst v14  }
0x247: {  	s12 =	simm.s32 $0x70;
	s29 =	sand.u32 $0x1C0, s11;
	v9 =	vld [tilespmem:s24+$0xD0B0];
	vm5 =	vgt.s32 v8, $0x0;
	v20 =	vnsel vm15, $0x0, v12;
	[tilespmem:s28+$0x1B080] =	vst v17  }
0x248: {  	s18 =	simm.s32 $0x60;
	s14 =	sand.u32 $0x1F0, s12;
	v13 =	vnsel vm2, s1, v24;
	vm14 =	vgt.s32 v11, $0x0;
	v14 =	vld [tilespmem:s29+$0x1F080];
	[tilespmem:s28+$0x1B0A0] =	vst v10;
	v10 =	vnsel vm5, $0x0, v8  }
0x249: {  	s5 =	simm.s32 $0x50;
	s2 =	sand.u32 $0x1E0, s18;
	v15 =	vsel vm3, v19, v18;
	v18 =	vld [tilespmem:s14+$0x1F080];
	[tilespmem:s28+$0x1D0A0] =	vst v13;
	v63 =	vnsel vm14, $0x0, v11  }
0x24a: {  	s9 =	sand.u32 $0x1D0, s5;
	v17 =	vsel vm3, $0x0, v7;
	v13 =	vld [tilespmem:s2+$0x1F080];
	[tilespmem:s28+$0x1B090] =	vst v15  }
0x24b: {  	v15 =	vld [tilespmem:s9+$0x1F080];
	[tilespmem:s28+$0x19090] =	vst v17;
	v17 =	vnsel vm3, s1, v22  }
0x24c: {  	v16 =	vsel vm13, v16, v21;
	v21 =	vld.idx.msk [tilespmem:v20+s6+$0x0], $0xffff;
	[tilespmem:s28+$0x1D090] =	vst v17  }
0x24d: {  	s18 =	simm.s32 $0x0;
	v19 =	vld.idx.msk [tilespmem:v10+s6+$0x0], $0xffff;
	[tilespmem:s28+$0x1B0B0] =	vst v16;
	v16 =	vnsel vm13, s1, v23  }
0x24e: {  	s29 =	sor.u32 s21, s18;
	v17 =	vld.idx.msk [tilespmem:v63+s6+$0x0], $0xffff;
	v23 =	vsel vm2, $0x0, v7;
	[tilespmem:s28+$0x1D0B0] =	vst v16  }
0x24f: {  	s3 =	simm.s32 $0x200;
	v22 =	vld.idx.msk [tilespmem:v63+s7+$0x0], $0xffff;
	s1 =	scvt.s32.f32 s29;
	vm2 =	vgt.s32 v9, $0x0;
	v16 =	vsel vm1, $0x0, v7;
	[tilespmem:s28+$0x190A0] =	vst v23  }
.LBB2_20:
0x250: {  	s2 =	sshra.s32 s3, $0x2;
	v20 =	vld.idx.msk [tilespmem:v20+s7+$0x0], $0xffff;
	[tilespmem:s28+$0x19080] =	vst v16;
	v23 =	vmov v18;
	s5 =	smov.u32 s11;
	s11 =	sadd.s32 $0x40, s11  }
0x251: {  	vm1 =	vgt.s32 v8, $0xFFFFFFFF;
	v18 =	vnsel vm2, $0x0, v9;
	s12 =	sand.u32 $0x1FC0, s11;
	s14 =	sshrl.u32 s11, $0x9;
	p0 =	slt.u32 s11, $0x1FC0;
	v8 =	vld [tilespmem:s2+$0xD090]  }
0x252: {  	s28 =	smov.u32 s24;
	v15 =	vsel vm1, v19, v15;
	v24 =	vld [tilespmem:s12+$0xD080];
	s14 =	sor.u32 s21, s14;
	s12 =	smul.f32 $1.953125000e-03, s1  }
0x253: {  	vm2 =	vgt.s32 v11, $0xFFFFFFFF;
	s24 =	smov.u32 s2;
	s1 =	scvt.s32.f32 s14;
	v19 =	vld [tilespmem:s2+$0xD0A0]  }
0x254: {  	vm3 =	vgt.s32 v12, $0xFFFFFFFF;
	v17 =	vsel vm2, v17, v14;
	v25 =	vld [tilespmem:s24+$0xD0B0];
	v11 =	vnsel vm2, s12, v22  }
0x255: {  	v16 =	vsel vm2, $0x0, v7;
	v26 =	vsel vm3, $0x0, v7;
	[tilespmem:s28+$0x1D080] =	vst v11;
	v22 =	vld.idx.msk [tilespmem:v10+s7+$0x0], $0xffff;
	v10 =	vsel vm3, v21, v13  }
0x256: {  	s2 =	sadd.s32 $0x60, s5;
	v14 =	vnsel vm3, s12, v20;
	vm3 =	vgt.s32 v9, $0xFFFFFFFF;
	vm2 =	vgt.s32 v8, $0x0;
	[tilespmem:s28+$0x1B0A0] =	vst v10;
	v21 =	vld.idx.msk [tilespmem:v18+s6+$0x0], $0xffff  }
0x257: {  	s2 =	sand.u32 $0x1E0, s2;
	vm4 =	vgt.s32 v24, $0x0;
	v10 =	vnsel vm2, $0x0, v8;
	[tilespmem:s28+$0x1D0A0] =	vst v14;
	v27 =	vld.idx.msk [tilespmem:v18+s7+$0x0], $0xffff;
	v18 =	vsel vm3, $0x0, v7;
	v11 =	vmovc v24  }
0x258: {  	s18 =	sadd.s32 $0x50, s5;
	s14 =	sand.u32 $0x1C0, s11;
	v24 =	vnsel vm4, $0x0, v11;
	vm4 =	vgt.s32 v19, $0x0;
	v13 =	vld [tilespmem:s2+$0x1F080];
	[tilespmem:s28+$0x190B0] =	vst v18;
	v12 =	vmov v19  }
0x259: {  	s5 =	sadd.s32 $0x70, s5;
	s2 =	sand.u32 $0x1D0, s18;
	v14 =	vld [tilespmem:s14+$0x1F080];
	vm2 =	vgt.s32 v25, $0x0;
	[tilespmem:s28+$0x1B090] =	vst v15;
	v9 =	vmov v25  }
0x25a: {  	v20 =	vnsel vm4, $0x0, v12;
	v15 =	vld [tilespmem:s2+$0x1F080];
	s2 =	sand.u32 $0x1F0, s5;
	[tilespmem:s28+$0x1B080] =	vst v17;
	v17 =	vsel vm1, $0x0, v7  }
.Ltmp9:
0x25b: {  	v18 =	vld [tilespmem:s2+$0x1F080];
	[tilespmem:s28+$0x19090] =	vst v17;
	v17 =	vnsel vm1, s12, v22;
	(pc) =	sbr.rel @p0 .LBB2_20-.Ltmp9, $4  }
0x25c: {  	v21 =	vsel vm3, v21, v23;
	v19 =	vld.idx.msk [tilespmem:v10+s6+$0x0], $0xffff;
	[tilespmem:s28+$0x1D090] =	vst v17  }
0x25d: {  	v17 =	vld.idx.msk [tilespmem:v24+s6+$0x0], $0xffff;
	[tilespmem:s28+$0x1B0B0] =	vst v21;
	v21 =	vnsel vm3, s12, v27  }
0x25e: {  	v22 =	vld.idx.msk [tilespmem:v24+s7+$0x0], $0xffff;
	[tilespmem:s28+$0x1D0B0] =	vst v21  }
0x25f: {  	s3 =	sadd.s32 $0x100, s3;
	v21 =	vld.idx.msk [tilespmem:v20+s6+$0x0], $0xffff;
	[tilespmem:s28+$0x190A0] =	vst v26  }
0x260: {  	_ =	sdelay $0x3  }
0x261: {  	v20 =	vld.idx.msk [tilespmem:v20+s7+$0x0], $0xffff;
	v23 =	vnsel vm2, $0x0, v9  }
0x262: {  	s1 =	smul.f32 $1.953125000e-03, s1;
	v10 =	vld.idx.msk [tilespmem:v10+s7+$0x0], $0xffff;
	vm4 =	vgt.s32 v8, $0xFFFFFFFF  }
0x263: {  	vm1 =	vgt.s32 v11, $0xFFFFFFFF;
	[tilespmem:s28+$0x19080] =	vst v16;
	vm2 =	vgt.s32 v12, $0xFFFFFFFF;
	v12 =	vsel vm4, v19, v15  }
0x264: {  	[tilespmem:s24+$0x1B090] =	vst v12;
	v11 =	vnsel vm1, s1, v22  }
0x265: {  	[tilespmem:s24+$0x1D080] =	vst v11;
	v11 =	vsel vm2, v21, v13  }
0x266: {  	vm3 =	vgt.s32 v9, $0xFFFFFFFF;
	[tilespmem:s24+$0x1B0A0] =	vst v11;
	v11 =	vnsel vm2, s1, v20;
	v9 =	vld.idx.msk [tilespmem:v23+s6+$0x0], $0xffff  }
0x267: {  	v8 =	vld.idx.msk [tilespmem:v23+s7+$0x0], $0xffff;
	v10 =	vnsel vm4, s1, v10;
	[tilespmem:s24+$0x1D0A0] =	vst v11  }
0x268: {  	v11 =	vsel vm3, $0x0, v7;
	[tilespmem:s24+$0x1D090] =	vst v10  }
0x269: {  	[tilespmem:s24+$0x190B0] =	vst v11;
	v11 =	vsel vm1, v17, v14  }
0x26a: {  	[tilespmem:s24+$0x1B080] =	vst v11;
	v11 =	vsel vm4, $0x0, v7  }
0x26b: {  	[tilespmem:s24+$0x19090] =	vst v11;
	v9 =	vsel vm3, v9, v18  }
0x26c: {  	v8 =	vnsel vm3, s1, v8;
	[tilespmem:s24+$0x1B0B0] =	vst v9  }
0x26d: {  	v9 =	vsel vm2, $0x0, v7;
	[tilespmem:s24+$0x1D0B0] =	vst v8  }
0x26e: {  	v8 =	vsel vm1, $0x0, v7;
	[tilespmem:s24+$0x190A0] =	vst v9  }
0x26f: {  	[tilespmem:s24+$0x19080] =	vst v8  }
0x270: {  	s29 =	simm.s32 $0x0;
	s3 =	simm.s32 $0x19080;
	s2 =	rddreg [dreg:$0x16]  }
0x271: {  	[hbm4b:s2+s29] =	stream.linear.scatter [tilespmem:s3], [sflag:$0x1], $0x2000, $0x38;
	[tilespmem:$0x1F280] =	vst v63  }
0x272: {  	_ =	swait.ge [sflag:s22], $0x2000  }
0x273: {  	[sflag:s22] =	ssyncset.done $0x0  }
0x274: {  	s9 =	simm.s32 $0x1B080;
	s5 =	rddreg [dreg:$0x17];
	[sflag:s22] =	ssyncadd.s32 $0xFFFFE000  }
0x275: {  	[hbm4b:s5+s29] =	stream.linear.scatter [tilespmem:s9], [sflag:$0x1], $0x2000, $0x38;
	[tilespmem:$0x1F280] =	vst v63  }
0x276: {  	_ =	swait.ge [sflag:s22], $0x2000  }
0x277: {  	[sflag:s22] =	ssyncset.done $0x0  }
0x278: {  	s12 =	simm.s32 $0x1D080;
	s11 =	rddreg [dreg:$0x18];
	[sflag:s22] =	ssyncadd.s32 $0xFFFFE000  }
0x279: {  	[hbm4b:s11+s29] =	stream.linear.scatter [tilespmem:s12], [sflag:$0x1], $0x2000, $0x38;
	[tilespmem:$0x1F280] =	vst v63  }
0x27a: {  	_ =	swait.ge [sflag:s22], $0x2000  }
0x27b: {  	[sflag:s22] =	ssyncset.done $0x0  }
0x27c: {  	s14 =	simm.s32 $0x0;
	s28 =	simm.s32 $0x0;
	[sflag:s22] =	ssyncadd.s32 $0xFFFFE000  }
0x27d: {  	s18 =	sand.u32 $0x1FC0, s14;
	v10 =	vld [tilespmem:s28+$0xF090]  }
0x27e: {  	v9 =	vld [tilespmem:s18+$0xF080];
	_ =	sdelay $0x1  }
0x27f: {  	v13 =	vld [tilespmem:s28+$0xF0A0]  }
0x280: {  	s24 =	simm.s32 $0x20  }
0x281: {  	s2 =	sand.u32 $0x1E0, s24;
	v14 =	vld [tilespmem:s28+$0xF0B0];
	vm1 =	vgt.s32 v10, $0x0  }
0x282: {  	s1 =	sand.u32 $0x1C0, s14;
	s29 =	simm.s32 $0x10;
	v16 =	vld [tilespmem:s2+$0x1F080];
	vm2 =	vgt.s32 v9, $0x0;
	v15 =	vnsel vm1, $0x0, v10  }
0x283: {  	s9 =	simm.s32 $0x30;
	s5 =	sand.u32 $0x1D0, s29;
	v17 =	vld [tilespmem:s1+$0x1F080];
	v8 =	vnsel vm2, $0x0, v9  }
0x284: {  	s11 =	sand.u32 $0x1F0, s9;
	v18 =	vld [tilespmem:s5+$0x1F080];
	vm1 =	vgt.s32 v13, $0x0  }
0x285: {  	s24 =	simm.s32 $0x40;
	v21 =	vld [tilespmem:s11+$0x1F080];
	v11 =	vnsel vm1, $0x0, v13  }
0x286: {  	v12 =	vld [tilespmem:s24+$0xF0A0]  }
0x287: {  	s12 =	simm.s32 $0x0;
	v19 =	vld.idx.msk [tilespmem:v15+s6+$0x0], $0xffff  }
0x288: {  	s1 =	sor.u32 s25, s12;
	v22 =	vld.idx.msk [tilespmem:v8+s7+$0x0], $0xffff  }
0x289: {  	s1 =	scvt.s32.f32 s1;
	vm1 =	vgt.s32 v14, $0x0;
	v20 =	vld.idx.msk [tilespmem:v8+s6+$0x0], $0xffff  }
0x28a: {  	v25 =	vnsel vm1, $0x0, v14;
	v23 =	vld.idx.msk [tilespmem:v11+s6+$0x0], $0xffff  }
0x28b: {  	s11 =	simm.s32 $0x40;
	s1 =	smul.f32 $1.953125000e-03, s1;
	v8 =	vld [tilespmem:s24+$0xF090]  }
0x28c: {  	s14 =	sand.u32 $0x1FC0, s11;
	vm1 =	vgt.s32 v9, $0xFFFFFFFF;
	v24 =	vld.idx.msk [tilespmem:v11+s7+$0x0], $0xffff  }
0x28d: {  	v11 =	vld [tilespmem:s14+$0xF080];
	v22 =	vnsel vm1, s1, v22  }
0x28e: {  	vm13 =	vgt.s32 v14, $0xFFFFFFFF;
	vm2 =	vgt.s32 v13, $0xFFFFFFFF;
	[tilespmem:s28+$0x17080] =	vst v22;
	v22 =	vld.idx.msk [tilespmem:v15+s7+$0x0], $0xffff  }
0x28f: {  	vm3 =	vgt.s32 v10, $0xFFFFFFFF;
	v14 =	vsel vm13, $0x0, v7;
	v10 =	vsel vm2, v23, v16;
	v16 =	vld.idx.msk [tilespmem:v25+s6+$0x0], $0xffff  }
0x290: {  	vm15 =	vgt.s32 v12, $0x0;
	v17 =	vsel vm1, v20, v17;
	v23 =	vld.idx.msk [tilespmem:v25+s7+$0x0], $0xffff;
	[tilespmem:s28+$0x130B0] =	vst v14  }
0x291: {  	s12 =	simm.s32 $0x70;
	s29 =	sand.u32 $0x1C0, s11;
	v9 =	vld [tilespmem:s24+$0xF0B0];
	vm5 =	vgt.s32 v8, $0x0;
	v20 =	vnsel vm15, $0x0, v12;
	[tilespmem:s28+$0x15080] =	vst v17  }
0x292: {  	s18 =	simm.s32 $0x60;
	s14 =	sand.u32 $0x1F0, s12;
	v13 =	vnsel vm2, s1, v24;
	vm14 =	vgt.s32 v11, $0x0;
	v14 =	vld [tilespmem:s29+$0x1F080];
	[tilespmem:s28+$0x150A0] =	vst v10;
	v10 =	vnsel vm5, $0x0, v8  }
0x293: {  	s5 =	simm.s32 $0x50;
	s2 =	sand.u32 $0x1E0, s18;
	v15 =	vsel vm3, v19, v18;
	v18 =	vld [tilespmem:s14+$0x1F080];
	[tilespmem:s28+$0x170A0] =	vst v13;
	v63 =	vnsel vm14, $0x0, v11  }
0x294: {  	s9 =	sand.u32 $0x1D0, s5;
	v17 =	vsel vm3, $0x0, v7;
	v13 =	vld [tilespmem:s2+$0x1F080];
	[tilespmem:s28+$0x15090] =	vst v15  }
0x295: {  	v15 =	vld [tilespmem:s9+$0x1F080];
	[tilespmem:s28+$0x13090] =	vst v17;
	v17 =	vnsel vm3, s1, v22  }
0x296: {  	v16 =	vsel vm13, v16, v21;
	v21 =	vld.idx.msk [tilespmem:v20+s6+$0x0], $0xffff;
	[tilespmem:s28+$0x17090] =	vst v17  }
0x297: {  	s18 =	simm.s32 $0x0;
	v19 =	vld.idx.msk [tilespmem:v10+s6+$0x0], $0xffff;
	[tilespmem:s28+$0x150B0] =	vst v16;
	v16 =	vnsel vm13, s1, v23  }
0x298: {  	s29 =	sor.u32 s25, s18;
	v17 =	vld.idx.msk [tilespmem:v63+s6+$0x0], $0xffff;
	v23 =	vsel vm2, $0x0, v7;
	[tilespmem:s28+$0x170B0] =	vst v16  }
0x299: {  	s3 =	simm.s32 $0x200;
	v22 =	vld.idx.msk [tilespmem:v63+s7+$0x0], $0xffff;
	s1 =	scvt.s32.f32 s29;
	vm2 =	vgt.s32 v9, $0x0;
	v16 =	vsel vm1, $0x0, v7;
	[tilespmem:s28+$0x130A0] =	vst v23  }
.LBB2_22:
0x29a: {  	s2 =	sshra.s32 s3, $0x2;
	v20 =	vld.idx.msk [tilespmem:v20+s7+$0x0], $0xffff;
	[tilespmem:s28+$0x13080] =	vst v16;
	v23 =	vmov v18;
	s5 =	smov.u32 s11;
	s11 =	sadd.s32 $0x40, s11  }
0x29b: {  	vm1 =	vgt.s32 v8, $0xFFFFFFFF;
	v18 =	vnsel vm2, $0x0, v9;
	s12 =	sand.u32 $0x1FC0, s11;
	s14 =	sshrl.u32 s11, $0x9;
	p0 =	slt.u32 s11, $0x1FC0;
	v8 =	vld [tilespmem:s2+$0xF090]  }
0x29c: {  	s28 =	smov.u32 s24;
	v15 =	vsel vm1, v19, v15;
	v24 =	vld [tilespmem:s12+$0xF080];
	s14 =	sor.u32 s25, s14;
	s12 =	smul.f32 $1.953125000e-03, s1  }
0x29d: {  	vm2 =	vgt.s32 v11, $0xFFFFFFFF;
	s24 =	smov.u32 s2;
	s1 =	scvt.s32.f32 s14;
	v19 =	vld [tilespmem:s2+$0xF0A0]  }
0x29e: {  	vm3 =	vgt.s32 v12, $0xFFFFFFFF;
	v17 =	vsel vm2, v17, v14;
	v25 =	vld [tilespmem:s24+$0xF0B0];
	v11 =	vnsel vm2, s12, v22  }
0x29f: {  	v16 =	vsel vm2, $0x0, v7;
	v26 =	vsel vm3, $0x0, v7;
	[tilespmem:s28+$0x17080] =	vst v11;
	v22 =	vld.idx.msk [tilespmem:v10+s7+$0x0], $0xffff;
	v10 =	vsel vm3, v21, v13  }
0x2a0: {  	s2 =	sadd.s32 $0x60, s5;
	v14 =	vnsel vm3, s12, v20;
	vm3 =	vgt.s32 v9, $0xFFFFFFFF;
	vm2 =	vgt.s32 v8, $0x0;
	[tilespmem:s28+$0x150A0] =	vst v10;
	v21 =	vld.idx.msk [tilespmem:v18+s6+$0x0], $0xffff  }
0x2a1: {  	s2 =	sand.u32 $0x1E0, s2;
	vm4 =	vgt.s32 v24, $0x0;
	v10 =	vnsel vm2, $0x0, v8;
	[tilespmem:s28+$0x170A0] =	vst v14;
	v27 =	vld.idx.msk [tilespmem:v18+s7+$0x0], $0xffff;
	v18 =	vsel vm3, $0x0, v7;
	v11 =	vmovc v24  }
0x2a2: {  	s18 =	sadd.s32 $0x50, s5;
	s14 =	sand.u32 $0x1C0, s11;
	v24 =	vnsel vm4, $0x0, v11;
	vm4 =	vgt.s32 v19, $0x0;
	v13 =	vld [tilespmem:s2+$0x1F080];
	[tilespmem:s28+$0x130B0] =	vst v18;
	v12 =	vmov v19  }
0x2a3: {  	s5 =	sadd.s32 $0x70, s5;
	s2 =	sand.u32 $0x1D0, s18;
	v14 =	vld [tilespmem:s14+$0x1F080];
	vm2 =	vgt.s32 v25, $0x0;
	[tilespmem:s28+$0x15090] =	vst v15;
	v9 =	vmov v25  }
0x2a4: {  	v20 =	vnsel vm4, $0x0, v12;
	v15 =	vld [tilespmem:s2+$0x1F080];
	s2 =	sand.u32 $0x1F0, s5;
	[tilespmem:s28+$0x15080] =	vst v17;
	v17 =	vsel vm1, $0x0, v7  }
.Ltmp10:
0x2a5: {  	v18 =	vld [tilespmem:s2+$0x1F080];
	[tilespmem:s28+$0x13090] =	vst v17;
	v17 =	vnsel vm1, s12, v22;
	(pc) =	sbr.rel @p0 .LBB2_22-.Ltmp10, $4  }
0x2a6: {  	v21 =	vsel vm3, v21, v23;
	v19 =	vld.idx.msk [tilespmem:v10+s6+$0x0], $0xffff;
	[tilespmem:s28+$0x17090] =	vst v17  }
0x2a7: {  	v17 =	vld.idx.msk [tilespmem:v24+s6+$0x0], $0xffff;
	[tilespmem:s28+$0x150B0] =	vst v21;
	v21 =	vnsel vm3, s12, v27  }
0x2a8: {  	v22 =	vld.idx.msk [tilespmem:v24+s7+$0x0], $0xffff;
	[tilespmem:s28+$0x170B0] =	vst v21  }
0x2a9: {  	s3 =	sadd.s32 $0x100, s3;
	v21 =	vld.idx.msk [tilespmem:v20+s6+$0x0], $0xffff;
	[tilespmem:s28+$0x130A0] =	vst v26  }
0x2aa: {  	_ =	sdelay $0x3  }
0x2ab: {  	v20 =	vld.idx.msk [tilespmem:v20+s7+$0x0], $0xffff;
	v23 =	vnsel vm2, $0x0, v9  }
0x2ac: {  	s1 =	smul.f32 $1.953125000e-03, s1;
	v10 =	vld.idx.msk [tilespmem:v10+s7+$0x0], $0xffff;
	vm4 =	vgt.s32 v8, $0xFFFFFFFF  }
0x2ad: {  	vm1 =	vgt.s32 v11, $0xFFFFFFFF;
	[tilespmem:s28+$0x13080] =	vst v16;
	vm2 =	vgt.s32 v12, $0xFFFFFFFF;
	v12 =	vsel vm4, v19, v15  }
0x2ae: {  	[tilespmem:s24+$0x15090] =	vst v12;
	v11 =	vnsel vm1, s1, v22  }
0x2af: {  	[tilespmem:s24+$0x17080] =	vst v11;
	v11 =	vsel vm2, v21, v13  }
0x2b0: {  	vm3 =	vgt.s32 v9, $0xFFFFFFFF;
	[tilespmem:s24+$0x150A0] =	vst v11;
	v11 =	vnsel vm2, s1, v20;
	v9 =	vld.idx.msk [tilespmem:v23+s6+$0x0], $0xffff  }
0x2b1: {  	v8 =	vld.idx.msk [tilespmem:v23+s7+$0x0], $0xffff;
	v10 =	vnsel vm4, s1, v10;
	[tilespmem:s24+$0x170A0] =	vst v11  }
0x2b2: {  	v11 =	vsel vm3, $0x0, v7;
	[tilespmem:s24+$0x17090] =	vst v10  }
0x2b3: {  	[tilespmem:s24+$0x130B0] =	vst v11;
	v11 =	vsel vm1, v17, v14  }
0x2b4: {  	[tilespmem:s24+$0x15080] =	vst v11;
	v11 =	vsel vm4, $0x0, v7  }
0x2b5: {  	[tilespmem:s24+$0x13090] =	vst v11;
	v9 =	vsel vm3, v9, v18  }
0x2b6: {  	v8 =	vnsel vm3, s1, v8;
	[tilespmem:s24+$0x150B0] =	vst v9  }
0x2b7: {  	v9 =	vsel vm2, $0x0, v7;
	[tilespmem:s24+$0x170B0] =	vst v8  }
0x2b8: {  	v8 =	vsel vm1, $0x0, v7;
	[tilespmem:s24+$0x130A0] =	vst v9  }
0x2b9: {  	[tilespmem:s24+$0x13080] =	vst v8  }
0x2ba: {  	s9 =	simm.s32 $0x0;
	s2 =	rddreg [dreg:$0x19]  }
0x2bb: {  	[hbm4b:s2+s9] =	stream.linear.scatter [tilespmem:s19], [sflag:$0x1], $0x2000, $0x38;
	[tilespmem:$0x1F280] =	vst v63  }
0x2bc: {  	_ =	swait.ge [sflag:s22], $0x2000  }
0x2bd: {  	[sflag:s22] =	ssyncset.done $0x0  }
0x2be: {  	s11 =	rddreg [dreg:$0x1a];
	[sflag:s22] =	ssyncadd.s32 $0xFFFFE000  }
0x2bf: {  	[hbm4b:s11+s9] =	stream.linear.scatter [tilespmem:s23], [sflag:$0x1], $0x2000, $0x38;
	[tilespmem:$0x1F280] =	vst v63  }
0x2c0: {  	_ =	swait.ge [sflag:s22], $0x2000  }
0x2c1: {  	[sflag:s22] =	ssyncset.done $0x0  }
0x2c2: {  	s3 =	simm.s32 $0x17080;
	s12 =	rddreg [dreg:$0x1b];
	[sflag:s22] =	ssyncadd.s32 $0xFFFFE000  }
0x2c3: {  	[hbm4b:s12+s9] =	stream.linear.scatter [tilespmem:s3], [sflag:$0x1], $0x2000, $0x38;
	[tilespmem:$0x1F280] =	vst v63  }
0x2c4: {  	_ =	swait.ge [sflag:s22], $0x2000  }
0x2c5: {  	[sflag:s22] =	ssyncset.done $0x0  }
0x2c6: {  	s14 =	simm.s32 $0x0;
	s28 =	simm.s32 $0x0;
	[sflag:s22] =	ssyncadd.s32 $0xFFFFE000  }
0x2c7: {  	s18 =	sand.u32 $0x1FC0, s14;
	v10 =	vld [tilespmem:s28+$0x11090]  }
0x2c8: {  	v9 =	vld [tilespmem:s18+$0x11080];
	_ =	sdelay $0x1  }
0x2c9: {  	v13 =	vld [tilespmem:s28+$0x110A0]  }
0x2ca: {  	s19 =	simm.s32 $0x20  }
0x2cb: {  	s2 =	sand.u32 $0x1E0, s19;
	v14 =	vld [tilespmem:s28+$0x110B0];
	vm1 =	vgt.s32 v10, $0x0  }
0x2cc: {  	s1 =	sand.u32 $0x1C0, s14;
	s23 =	simm.s32 $0x10;
	v16 =	vld [tilespmem:s2+$0x1F080];
	vm2 =	vgt.s32 v9, $0x0;
	v15 =	vnsel vm1, $0x0, v10  }
0x2cd: {  	s29 =	simm.s32 $0x30;
	s24 =	sand.u32 $0x1D0, s23;
	v17 =	vld [tilespmem:s1+$0x1F080];
	v8 =	vnsel vm2, $0x0, v9  }
0x2ce: {  	v18 =	vld [tilespmem:s24+$0x1F080];
	s2 =	sand.u32 $0x1F0, s29;
	vm1 =	vgt.s32 v13, $0x0  }
0x2cf: {  	s24 =	simm.s32 $0x40;
	v21 =	vld [tilespmem:s2+$0x1F080];
	v11 =	vnsel vm1, $0x0, v13  }
0x2d0: {  	v12 =	vld [tilespmem:s24+$0x110A0]  }
0x2d1: {  	s3 =	simm.s32 $0x0;
	v19 =	vld.idx.msk [tilespmem:v15+s6+$0x0], $0xffff  }
0x2d2: {  	s1 =	sor.u32 s30, s3;
	v22 =	vld.idx.msk [tilespmem:v8+s7+$0x0], $0xffff  }
0x2d3: {  	s1 =	scvt.s32.f32 s1;
	vm1 =	vgt.s32 v14, $0x0;
	v20 =	vld.idx.msk [tilespmem:v8+s6+$0x0], $0xffff  }
0x2d4: {  	v25 =	vnsel vm1, $0x0, v14;
	v23 =	vld.idx.msk [tilespmem:v11+s6+$0x0], $0xffff  }
0x2d5: {  	s11 =	simm.s32 $0x40;
	s1 =	smul.f32 $1.953125000e-03, s1;
	v8 =	vld [tilespmem:s24+$0x11090]  }
0x2d6: {  	s5 =	sand.u32 $0x1FC0, s11;
	vm1 =	vgt.s32 v9, $0xFFFFFFFF;
	v24 =	vld.idx.msk [tilespmem:v11+s7+$0x0], $0xffff  }
0x2d7: {  	v11 =	vld [tilespmem:s5+$0x11080];
	v22 =	vnsel vm1, s1, v22  }
0x2d8: {  	vm13 =	vgt.s32 v14, $0xFFFFFFFF;
	vm2 =	vgt.s32 v13, $0xFFFFFFFF;
	[tilespmem:s28+$0x1D080] =	vst v22;
	v22 =	vld.idx.msk [tilespmem:v15+s7+$0x0], $0xffff  }
0x2d9: {  	vm3 =	vgt.s32 v10, $0xFFFFFFFF;
	v14 =	vsel vm13, $0x0, v7;
	v10 =	vsel vm2, v23, v16;
	v16 =	vld.idx.msk [tilespmem:v25+s6+$0x0], $0xffff  }
0x2da: {  	vm15 =	vgt.s32 v12, $0x0;
	v17 =	vsel vm1, v20, v17;
	v23 =	vld.idx.msk [tilespmem:v25+s7+$0x0], $0xffff;
	[tilespmem:s28+$0x190B0] =	vst v14  }
0x2db: {  	s12 =	sand.u32 $0x1C0, s11;
	s18 =	simm.s32 $0x70;
	v9 =	vld [tilespmem:s24+$0x110B0];
	vm5 =	vgt.s32 v8, $0x0;
	v20 =	vnsel vm15, $0x0, v12;
	[tilespmem:s28+$0x1B080] =	vst v17  }
0x2dc: {  	s9 =	simm.s32 $0x60;
	s19 =	sand.u32 $0x1F0, s18;
	v13 =	vnsel vm2, s1, v24;
	vm14 =	vgt.s32 v11, $0x0;
	v14 =	vld [tilespmem:s12+$0x1F080];
	[tilespmem:s28+$0x1B0A0] =	vst v10;
	v10 =	vnsel vm5, $0x0, v8  }
0x2dd: {  	s2 =	sand.u32 $0x1E0, s9;
	s5 =	simm.s32 $0x50;
	v15 =	vsel vm3, v19, v18;
	v18 =	vld [tilespmem:s19+$0x1F080];
	[tilespmem:s28+$0x1D0A0] =	vst v13;
	v63 =	vnsel vm14, $0x0, v11  }
0x2de: {  	s14 =	sand.u32 $0x1D0, s5;
	v17 =	vsel vm3, $0x0, v7;
	v13 =	vld [tilespmem:s2+$0x1F080];
	[tilespmem:s28+$0x1B090] =	vst v15  }
0x2df: {  	v15 =	vld [tilespmem:s14+$0x1F080];
	[tilespmem:s28+$0x19090] =	vst v17;
	v17 =	vnsel vm3, s1, v22  }
0x2e0: {  	v16 =	vsel vm13, v16, v21;
	v21 =	vld.idx.msk [tilespmem:v20+s6+$0x0], $0xffff;
	[tilespmem:s28+$0x1D090] =	vst v17  }
0x2e1: {  	s23 =	simm.s32 $0x0;
	v19 =	vld.idx.msk [tilespmem:v10+s6+$0x0], $0xffff;
	[tilespmem:s28+$0x1B0B0] =	vst v16;
	v16 =	vnsel vm13, s1, v23  }
0x2e2: {  	s29 =	sor.u32 s30, s23;
	v17 =	vld.idx.msk [tilespmem:v63+s6+$0x0], $0xffff;
	v23 =	vsel vm2, $0x0, v7;
	[tilespmem:s28+$0x1D0B0] =	vst v16  }
0x2e3: {  	s3 =	simm.s32 $0x200;
	v22 =	vld.idx.msk [tilespmem:v63+s7+$0x0], $0xffff;
	s1 =	scvt.s32.f32 s29;
	vm2 =	vgt.s32 v9, $0x0;
	v16 =	vsel vm1, $0x0, v7;
	[tilespmem:s28+$0x190A0] =	vst v23  }
.LBB2_24:
0x2e4: {  	s2 =	sshra.s32 s3, $0x2;
	v20 =	vld.idx.msk [tilespmem:v20+s7+$0x0], $0xffff;
	[tilespmem:s28+$0x19080] =	vst v16;
	v23 =	vmov v18;
	s5 =	smov.u32 s11;
	s11 =	sadd.s32 $0x40, s11  }
0x2e5: {  	vm1 =	vgt.s32 v8, $0xFFFFFFFF;
	v18 =	vnsel vm2, $0x0, v9;
	s12 =	sand.u32 $0x1FC0, s11;
	s14 =	sshrl.u32 s11, $0x9;
	p0 =	slt.u32 s11, $0x1FC0;
	v8 =	vld [tilespmem:s2+$0x11090]  }
0x2e6: {  	s28 =	smov.u32 s24;
	v15 =	vsel vm1, v19, v15;
	v24 =	vld [tilespmem:s12+$0x11080];
	s14 =	sor.u32 s30, s14;
	s12 =	smul.f32 $1.953125000e-03, s1  }
0x2e7: {  	vm2 =	vgt.s32 v11, $0xFFFFFFFF;
	s24 =	smov.u32 s2;
	s1 =	scvt.s32.f32 s14;
	v19 =	vld [tilespmem:s2+$0x110A0]  }
0x2e8: {  	vm3 =	vgt.s32 v12, $0xFFFFFFFF;
	v17 =	vsel vm2, v17, v14;
	v25 =	vld [tilespmem:s24+$0x110B0];
	v11 =	vnsel vm2, s12, v22  }
0x2e9: {  	v16 =	vsel vm2, $0x0, v7;
	v26 =	vsel vm3, $0x0, v7;
	[tilespmem:s28+$0x1D080] =	vst v11;
	v22 =	vld.idx.msk [tilespmem:v10+s7+$0x0], $0xffff;
	v10 =	vsel vm3, v21, v13  }
0x2ea: {  	s2 =	sadd.s32 $0x60, s5;
	v14 =	vnsel vm3, s12, v20;
	vm3 =	vgt.s32 v9, $0xFFFFFFFF;
	vm2 =	vgt.s32 v8, $0x0;
	[tilespmem:s28+$0x1B0A0] =	vst v10;
	v21 =	vld.idx.msk [tilespmem:v18+s6+$0x0], $0xffff  }
0x2eb: {  	s2 =	sand.u32 $0x1E0, s2;
	vm4 =	vgt.s32 v24, $0x0;
	v10 =	vnsel vm2, $0x0, v8;
	[tilespmem:s28+$0x1D0A0] =	vst v14;
	v27 =	vld.idx.msk [tilespmem:v18+s7+$0x0], $0xffff;
	v18 =	vsel vm3, $0x0, v7;
	v11 =	vmovc v24  }
0x2ec: {  	s18 =	sadd.s32 $0x50, s5;
	s14 =	sand.u32 $0x1C0, s11;
	v24 =	vnsel vm4, $0x0, v11;
	vm4 =	vgt.s32 v19, $0x0;
	v13 =	vld [tilespmem:s2+$0x1F080];
	[tilespmem:s28+$0x190B0] =	vst v18;
	v12 =	vmov v19  }
0x2ed: {  	s5 =	sadd.s32 $0x70, s5;
	s2 =	sand.u32 $0x1D0, s18;
	v14 =	vld [tilespmem:s14+$0x1F080];
	vm2 =	vgt.s32 v25, $0x0;
	[tilespmem:s28+$0x1B090] =	vst v15;
	v9 =	vmov v25  }
0x2ee: {  	v20 =	vnsel vm4, $0x0, v12;
	v15 =	vld [tilespmem:s2+$0x1F080];
	s2 =	sand.u32 $0x1F0, s5;
	[tilespmem:s28+$0x1B080] =	vst v17;
	v17 =	vsel vm1, $0x0, v7  }
.Ltmp11:
0x2ef: {  	v18 =	vld [tilespmem:s2+$0x1F080];
	[tilespmem:s28+$0x19090] =	vst v17;
	v17 =	vnsel vm1, s12, v22;
	(pc) =	sbr.rel @p0 .LBB2_24-.Ltmp11, $4  }
0x2f0: {  	v21 =	vsel vm3, v21, v23;
	v19 =	vld.idx.msk [tilespmem:v10+s6+$0x0], $0xffff;
	[tilespmem:s28+$0x1D090] =	vst v17  }
0x2f1: {  	v17 =	vld.idx.msk [tilespmem:v24+s6+$0x0], $0xffff;
	[tilespmem:s28+$0x1B0B0] =	vst v21;
	v21 =	vnsel vm3, s12, v27  }
0x2f2: {  	v22 =	vld.idx.msk [tilespmem:v24+s7+$0x0], $0xffff;
	[tilespmem:s28+$0x1D0B0] =	vst v21  }
0x2f3: {  	s3 =	sadd.s32 $0x100, s3;
	v21 =	vld.idx.msk [tilespmem:v20+s6+$0x0], $0xffff;
	[tilespmem:s28+$0x190A0] =	vst v26  }
0x2f4: {  	_ =	sdelay $0x1  }
0x2f5: {  	v23 =	vnsel vm2, $0x0, v9;
	vm4 =	vgt.s32 v8, $0xFFFFFFFF  }
0x2f6: {  	[tilespmem:s28+$0x19080] =	vst v16;
	v60 =	vsel vm4, v19, v15  }
0x2f7: {  	vm2 =	vgt.s32 v12, $0xFFFFFFFF;
	v10 =	vld.idx.msk [tilespmem:v10+s7+$0x0], $0xffff;
	v62 =	vsel vm4, $0x0, v7;
	[tilespmem:s24+$0x1B090] =	vst v60  }
0x2f8: {  	v20 =	vld.idx.msk [tilespmem:v20+s7+$0x0], $0xffff;
	s1 =	smul.f32 $1.953125000e-03, s1;
	vm1 =	vgt.s32 v11, $0xFFFFFFFF;
	v63 =	vsel vm2, $0x0, v7;
	[tilespmem:s24+$0x19090] =	vst v62  }
0x2f9: {  	v61 =	vsel vm1, v17, v14;
	[tilespmem:s24+$0x190A0] =	vst v63  }
0x2fa: {  	v11 =	vnsel vm1, s1, v22;
	[tilespmem:s24+$0x1B080] =	vst v61;
	v58 =	vld.idx.msk [tilespmem:v23+s6+$0x0], $0xffff  }
0x2fb: {  	vm3 =	vgt.s32 v9, $0xFFFFFFFF;
	[tilespmem:s24+$0x1D080] =	vst v11;
	v56 =	vsel vm2, v21, v13;
	v8 =	vld.idx.msk [tilespmem:v23+s7+$0x0], $0xffff  }
0x2fc: {  	v59 =	vsel vm3, $0x0, v7;
	[tilespmem:s24+$0x1B0A0] =	vst v56  }
0x2fd: {  	v57 =	vnsel vm2, s1, v20;
	[tilespmem:s24+$0x190B0] =	vst v59  }
0x2fe: {  	v10 =	vnsel vm4, s1, v10;
	[tilespmem:s24+$0x1D0A0] =	vst v57  }
0x2ff: {  	[tilespmem:s24+$0x1D090] =	vst v10;
	v9 =	vsel vm3, v58, v18  }
0x300: {  	v8 =	vnsel vm3, s1, v8;
	[tilespmem:s24+$0x1B0B0] =	vst v9  }
0x301: {  	[tilespmem:s24+$0x1D0B0] =	vst v8;
	v8 =	vsel vm1, $0x0, v7  }
0x302: {  	[tilespmem:s24+$0x19080] =	vst v8  }
0x303: {  	s3 =	simm.s32 $0x19080;
	s1 =	simm.s32 $0x0;
	s2 =	rddreg [dreg:$0x1c]  }
0x304: {  	[hbm4b:s2+s1] =	stream.linear.scatter [tilespmem:s3], [sflag:$0x1], $0x2000, $0x38;
	[tilespmem:$0x1F280] =	vst v63  }
0x305: {  	_ =	swait.ge [sflag:s22], $0x2000  }
0x306: {  	[sflag:s22] =	ssyncset.done $0x0  }
0x307: {  	s24 =	simm.s32 $0x1B080;
	s23 =	rddreg [dreg:$0x1d];
	[sflag:s22] =	ssyncadd.s32 $0xFFFFE000  }
0x308: {  	[hbm4b:s23+s1] =	stream.linear.scatter [tilespmem:s24], [sflag:$0x1], $0x2000, $0x38;
	[tilespmem:$0x1F280] =	vst v63  }
0x309: {  	_ =	swait.ge [sflag:s22], $0x2000  }
0x30a: {  	[sflag:s22] =	ssyncset.done $0x0  }
0x30b: {  	s29 =	simm.s32 $0x1D080;
	s28 =	rddreg [dreg:$0x1e];
	[sflag:s22] =	ssyncadd.s32 $0xFFFFE000  }
0x30c: {  	[hbm4b:s28+s1] =	stream.linear.scatter [tilespmem:s29], [sflag:$0x1], $0x2000, $0x38;
	[tilespmem:$0x1F280] =	vst v63  }
0x30d: {  	_ =	swait.ge [sflag:s22], $0x2000  }
0x30e: {  	[sflag:s22] =	ssyncset.done $0x0  }
0x30f: {  	s11 =	simm.s32 $0x200;
	s3 =	simm.s32 $0x0;
	[sflag:s22] =	ssyncadd.s32 $0xFFFFE000  }
.LBB2_26:
0x310: {  	p0 =	sne.s32 s11, $0x3FE00;
	[tilespmem:s3+$0x30F0] =	vst v6  }
0x311: {  	[tilespmem:s3+$0x3080] =	vst v6  }
0x312: {  	[tilespmem:s3+$0x3090] =	vst v6  }
.Ltmp12:
0x313: {  	[tilespmem:s3+$0x30A0] =	vst v6;
	(pc) =	sbr.rel @p0 .LBB2_26-.Ltmp12, $4  }
0x314: {  	[tilespmem:s3+$0x30B0] =	vst v6  }
0x315: {  	[tilespmem:s3+$0x30C0] =	vst v6  }
0x316: {  	[tilespmem:s3+$0x30D0] =	vst v6  }
0x317: {  	[tilespmem:s3+$0x30E0] =	vst v6;
	s3 =	sshra.s32 s11, $0x2;
	s11 =	sadd.s32 $0x200, s11  }
0x318: {  	[tilespmem:s3+$0x30F0] =	vst v6  }
0x319: {  	[tilespmem:s3+$0x3080] =	vst v6  }
0x31a: {  	[tilespmem:s3+$0x3090] =	vst v6  }
0x31b: {  	[tilespmem:s3+$0x30A0] =	vst v6  }
0x31c: {  	[tilespmem:s3+$0x30B0] =	vst v6  }
0x31d: {  	[tilespmem:s3+$0x30C0] =	vst v6  }
0x31e: {  	[tilespmem:s3+$0x30D0] =	vst v6  }
0x31f: {  	[tilespmem:s3+$0x30E0] =	vst v6;
	s3 =	simm.s32 $0x1008;
	s5 =	simm.s32 $0x3080  }
.LBB2_28:
0x320: {  	v8 =	vld [tilespmem:s3+$0xFFFFFFF8];
	_ =	sdelay $0x4  }
0x321: {  	v8 =	vsub.s32 v8, v3  }
0x322: {  	vm1 =	vlt.u32 v8, $0x10000  }
0x323: {  	vm1 =	vmand vm1, vm0  }
0x324: {  	v8 =	vnsel vm1, $0x0, v8;
	_ =	sdelay $0x3  }
0x325: {  	v9 =	vmov s1  }
0x326: {  	[tilespmem:v8+s5+$0x0] =	vst.idx.msk vm1, v9  }
0x327: {  	v8 =	vld [tilespmem:s3+$0x0];
	_ =	sdelay $0x4  }
0x328: {  	v8 =	vsub.s32 v8, v3  }
0x329: {  	vm1 =	vlt.u32 v8, $0x10000  }
0x32a: {  	vm1 =	vmand vm1, vm0  }
0x32b: {  	p0 =	sne.s32 s1, $0x3FE;
	v8 =	vnsel vm1, $0x0, v8  }
.Ltmp13:
0x32c: {  	_ = 	snop;
	(pc) =	sbr.rel @p0 .LBB2_28-.Ltmp13, $4  }
0x32d: {  	_ = 	snop  }
0x32e: {  	s2 =	sadd.s32 $0x1, s1  }
0x32f: {  	v63 =	vmov s2  }
0x330: {  	s1 =	sadd.s32 $0x2, s1;
	s3 =	sadd.s32 $0x10, s3;
	[tilespmem:v8+s5+$0x0] =	vst.idx.msk vm1, v63  }
0x331: {  	s1 =	simm.s32 $0x30A0  }
0x332: {  	v13 =	vld [tilespmem:s1+$0x10];
	_ =	sdelay $0x1  }
0x333: {  	v15 =	vld [tilespmem:s1+$0x0]  }
0x334: {  	v17 =	vld [tilespmem:s1+$0xFFFFFFF0]  }
0x335: {  	s2 =	simm.s32 $0x30;
	s18 =	simm.s32 $0x30E0;
	v16 =	vld [tilespmem:s1+$0xFFFFFFE0]  }
0x336: {  	s3 =	simm.s32 $0x10;
	s2 =	sand.u32 $0x1F0, s2;
	v11 =	vld [tilespmem:s18+$0x10];
	vm1 =	vgt.s32 v13, $0x0  }
0x337: {  	s24 =	simm.s32 $0x0;
	s5 =	sand.u32 $0x1D0, s3;
	v14 =	vld [tilespmem:s2+$0x1F080];
	v8 =	vnsel vm1, $0x0, v13  }
0x338: {  	s11 =	simm.s32 $0x70;
	s9 =	sand.u32 $0x1C0, s24;
	v10 =	vld [tilespmem:s5+$0x1F080]  }
0x339: {  	s3 =	simm.s32 $0x20;
	s2 =	sand.u32 $0x1F0, s11;
	v12 =	vld [tilespmem:s9+$0x1F080];
	vm1 =	vgt.s32 v15, $0x0  }
0x33a: {  	s12 =	sand.u32 $0x1E0, s3;
	v9 =	vld [tilespmem:s2+$0x1F080];
	vm2 =	vgt.s32 v16, $0x0;
	v20 =	vnsel vm1, $0x0, v15  }
0x33b: {  	v22 =	vld [tilespmem:s12+$0x1F080];
	v23 =	vnsel vm2, $0x0, v16  }
0x33c: {  	v18 =	vld.idx.msk [tilespmem:v8+s6+$0x0], $0xffff  }
0x33d: {  	s14 =	simm.s32 $0x0;
	vm1 =	vgt.s32 v17, $0x0;
	v19 =	vld.idx.msk [tilespmem:v8+s7+$0x0], $0xffff  }
0x33e: {  	s19 =	sor.u32 s4, s14;
	v21 =	vnsel vm1, $0x0, v17;
	v8 =	vld [tilespmem:s18+$0x0]  }
0x33f: {  	s1 =	scvt.s32.f32 s19;
	vm1 =	vgt.s32 v13, $0xFFFFFFFF;
	v13 =	vld.idx.msk [tilespmem:v20+s6+$0x0], $0xffff  }
0x340: {  	s22 =	simm.s32 $0x130A0;
	vm3 =	vgt.s32 v15, $0xFFFFFFFF;
	v24 =	vsel vm1, $0x0, v7;
	v63 =	vld.idx.msk [tilespmem:v23+s7+$0x0], $0xffff  }
0x341: {  	s19 =	smul.f32 $1.953125000e-03, s1;
	v15 =	vsel vm3, $0x0, v7;
	[tilespmem:s22+$0x10] =	vst v24;
	v25 =	vld.idx.msk [tilespmem:v20+s7+$0x0], $0xffff  }
0x342: {  	s12 =	simm.s32 $0x150A0;
	vm2 =	vgt.s32 v11, $0x0;
	v20 =	vld.idx.msk [tilespmem:v23+s6+$0x0], $0xffff;
	[tilespmem:s22+$0x0] =	vst v15;
	v18 =	vsel vm1, v18, v14  }
0x343: {  	s11 =	simm.s32 $0x170A0;
	v14 =	vld.idx.msk [tilespmem:v21+s7+$0x0], $0xffff;
	[tilespmem:s12+$0x10] =	vst v18;
	v18 =	vnsel vm1, s19, v19;
	v19 =	vnsel vm2, $0x0, v11  }
0x344: {  	vm1 =	vgt.s32 v16, $0xFFFFFFFF;
	v15 =	vsel vm3, v13, v22;
	v13 =	vld [tilespmem:s18+$0xFFFFFFE0];
	[tilespmem:s11+$0x10] =	vst v18  }
0x345: {  	s5 =	simm.s32 $0x50;
	v16 =	vsel vm1, $0x0, v7;
	v18 =	vld.idx.msk [tilespmem:v21+s6+$0x0], $0xffff;
	[tilespmem:s12+$0x0] =	vst v15  }
0x346: {  	s29 =	simm.s32 $0x0;
	s28 =	simm.s32 $0x170E0;
	s5 =	sand.u32 $0x1D0, s5;
	vm2 =	vgt.s32 v17, $0xFFFFFFFF;
	v17 =	vnsel vm3, s19, v25;
	[tilespmem:s22+$0xFFFFFFE0] =	vst v16;
	v16 =	vld [tilespmem:s18+$0xFFFFFFF0]  }
0x347: {  	s14 =	simm.s32 $0x150E0;
	s3 =	simm.s32 $0x40;
	s1 =	sor.u32 s4, s29;
	v15 =	vld [tilespmem:s5+$0x1F080];
	v22 =	vsel vm2, $0x0, v7;
	[tilespmem:s11+$0x0] =	vst v17  }
0x348: {  	s23 =	sand.u32 $0x1C0, s3;
	s1 =	scvt.s32.f32 s1;
	v21 =	vnsel vm1, s19, v63;
	[tilespmem:s22+$0xFFFFFFF0] =	vst v22;
	s22 =	simm.s32 $0x130E0;
	v17 =	vld.idx.msk [tilespmem:v19+s6+$0x0], $0xffff  }
.LBB2_30:
0x349: {  	s2 =	sadd.s32 $0x70, s3  }
0x34a: {  	s5 =	sadd.s32 $0x60, s24;
	vm3 =	vgt.s32 v8, $0x0;
	v19 =	vld.idx.msk [tilespmem:v19+s7+$0x0], $0xffff;
	v20 =	vsel vm1, v20, v12;
	s24 =	smov.u32 s3;
	s3 =	sadd.s32 $0x40, s3  }
0x34b: {  	v24 =	vsel vm2, v18, v10;
	s29 =	sshrl.u32 s3, $0x9;
	s2 =	sand.u32 $0x1F0, s2;
	v12 =	vld [tilespmem:s23+$0x1F080];
	s23 =	sand.u32 $0x1C0, s3;
	vm1 =	vgt.s32 v16, $0x0;
	v22 =	vnsel vm3, $0x0, v8;
	[tilespmem:s12+$0xFFFFFFE0] =	vst v20;
	v23 =	vmovc v16  }
0x34c: {  	v14 =	vnsel vm2, s19, v14;
	p0 =	slt.u32 s3, $0x1FC0;
	s29 =	sor.u32 s4, s29;
	v16 =	vld [tilespmem:s2+$0x1F080];
	vm3 =	vgt.s32 v13, $0x0;
	v18 =	vnsel vm1, $0x0, v23;
	s2 =	sand.u32 $0x1E0, s5;
	[tilespmem:s11+$0xFFFFFFE0] =	vst v21  }
0x34d: {  	s18 =	sadd.s32 $0x40, s18;
	vm1 =	vgt.s32 v11, $0xFFFFFFFF;
	s5 =	scvt.s32.f32 s29;
	v20 =	vnsel vm3, $0x0, v13;
	v21 =	vld [tilespmem:s2+$0x1F080];
	[tilespmem:s12+$0xFFFFFFF0] =	vst v24;
	v10 =	vmov v15;
	s12 =	smov.u32 s14  }
0x34e: {  	s19 =	smul.f32 $1.953125000e-03, s1;
	v15 =	vsel vm1, $0x0, v7;
	v11 =	vld [tilespmem:s18+$0x10];
	[tilespmem:s11+$0xFFFFFFF0] =	vst v14;
	s11 =	smov.u32 s28  }
0x34f: {  	v25 =	vsel vm1, v17, v9;
	v24 =	vld [tilespmem:s18+$0x0];
	[tilespmem:s22+$0x10] =	vst v15;
	s1 =	smov.u32 s5  }
0x350: {  	v14 =	vnsel vm1, s19, v19;
	v15 =	vld.idx.msk [tilespmem:v22+s6+$0x0], $0xffff;
	[tilespmem:s14+$0x10] =	vst v25  }
0x351: {  	v17 =	vld.idx.msk [tilespmem:v22+s7+$0x0], $0xffff;
	[tilespmem:s28+$0x10] =	vst v14;
	v9 =	vmov v16  }
0x352: {  	v14 =	vld.idx.msk [tilespmem:v18+s7+$0x0], $0xffff  }
0x353: {  	vm1 =	vgt.s32 v13, $0xFFFFFFFF;
	vm2 =	vgt.s32 v11, $0x0;
	v22 =	vld.idx.msk [tilespmem:v20+s7+$0x0], $0xffff  }
0x354: {  	vm3 =	vgt.s32 v8, $0xFFFFFFFF;
	v13 =	vsel vm1, $0x0, v7;
	v19 =	vnsel vm2, $0x0, v11;
	v20 =	vld.idx.msk [tilespmem:v20+s6+$0x0], $0xffff;
	v8 =	vmovc v24  }
.Ltmp14:
0x355: {  	[tilespmem:s22+$0xFFFFFFE0] =	vst v13;
	v18 =	vld.idx.msk [tilespmem:v18+s6+$0x0], $0xffff;
	v13 =	vsel vm3, $0x0, v7;
	(pc) =	sbr.rel @p0 .LBB2_30-.Ltmp14, $4  }
0x356: {  	s2 =	sadd.s32 $0x50, s24;
	v15 =	vsel vm3, v15, v21;
	v16 =	vld [tilespmem:s18+$0xFFFFFFF0];
	[tilespmem:s22+$0x0] =	vst v13  }
0x357: {  	s2 =	sand.u32 $0x1D0, s2;
	vm2 =	vgt.s32 v23, $0xFFFFFFFF;
	v17 =	vnsel vm3, s19, v17;
	v13 =	vld [tilespmem:s18+$0xFFFFFFE0];
	[tilespmem:s14+$0x0] =	vst v15  }
0x358: {  	v23 =	vsel vm2, $0x0, v7;
	v15 =	vld [tilespmem:s2+$0x1F080];
	[tilespmem:s28+$0x0] =	vst v17  }
0x359: {  	s14 =	sadd.s32 $0x40, s14;
	v21 =	vnsel vm1, s19, v22;
	s28 =	sadd.s32 $0x40, s28;
	v17 =	vld.idx.msk [tilespmem:v19+s6+$0x0], $0xffff;
	[tilespmem:s22+$0xFFFFFFF0] =	vst v23;
	s22 =	sadd.s32 $0x40, s22  }
0x35a: {  	_ = 	snop  }
0x35b: {  	vm3 =	vgt.s32 v8, $0x0  }
0x35c: {  	v22 =	vnsel vm3, $0x0, v8  }
0x35d: {  	v12 =	vsel vm1, v20, v12  }
0x35e: {  	s2 =	sadd.s32 $0x60, s24;
	v19 =	vld.idx.msk [tilespmem:v19+s7+$0x0], $0xffff;
	v10 =	vsel vm2, v18, v10;
	[tilespmem:s12+$0xFFFFFFE0] =	vst v12;
	vm1 =	vgt.s32 v13, $0x0  }
0x35f: {  	s2 =	sand.u32 $0x1E0, s2;
	[tilespmem:s12+$0xFFFFFFF0] =	vst v10;
	v12 =	vnsel vm1, $0x0, v13  }
0x360: {  	v14 =	vnsel vm2, s19, v14;
	vm2 =	vgt.s32 v11, $0xFFFFFFFF;
	[tilespmem:s11+$0xFFFFFFE0] =	vst v21;
	v18 =	vld [tilespmem:s2+$0x1F080];
	vm1 =	vgt.s32 v16, $0x0  }
0x361: {  	s1 =	smul.f32 $1.953125000e-03, s1;
	v11 =	vsel vm2, $0x0, v7;
	[tilespmem:s11+$0xFFFFFFF0] =	vst v14;
	v10 =	vnsel vm1, $0x0, v16;
	v14 =	vld.idx.msk [tilespmem:v22+s6+$0x0], $0xffff  }
0x362: {  	[tilespmem:s22+$0x10] =	vst v11;
	v9 =	vsel vm2, v17, v9;
	v11 =	vld.idx.msk [tilespmem:v22+s7+$0x0], $0xffff  }
0x363: {  	v20 =	vld [tilespmem:s23+$0x1F080];
	[tilespmem:s14+$0x10] =	vst v9;
	v9 =	vnsel vm2, s1, v19;
	vm2 =	vgt.s32 v8, $0xFFFFFFFF  }
0x364: {  	vm1 =	vgt.s32 v13, $0xFFFFFFFF;
	[tilespmem:s28+$0x10] =	vst v9;
	v8 =	vsel vm2, $0x0, v7;
	v9 =	vld.idx.msk [tilespmem:v12+s6+$0x0], $0xffff  }
0x365: {  	[tilespmem:s22+$0x0] =	vst v8;
	v13 =	vld.idx.msk [tilespmem:v12+s7+$0x0], $0xffff;
	v12 =	vsel vm1, $0x0, v7  }
0x366: {  	[tilespmem:s22+$0xFFFFFFE0] =	vst v12;
	v12 =	vld.idx.msk [tilespmem:v10+s6+$0x0], $0xffff;
	v8 =	vsel vm2, v14, v18  }
0x367: {  	vm3 =	vgt.s32 v16, $0xFFFFFFFF;
	v10 =	vld.idx.msk [tilespmem:v10+s7+$0x0], $0xffff;
	[tilespmem:s14+$0x0] =	vst v8;
	v8 =	vnsel vm2, s1, v11  }
0x368: {  	v11 =	vsel vm3, $0x0, v7;
	[tilespmem:s28+$0x0] =	vst v8  }
0x369: {  	[tilespmem:s22+$0xFFFFFFF0] =	vst v11;
	v8 =	vsel vm1, v9, v20  }
0x36a: {  	v9 =	vnsel vm1, s1, v13;
	[tilespmem:s14+$0xFFFFFFE0] =	vst v8  }
0x36b: {  	v8 =	vsel vm3, v12, v15;
	[tilespmem:s28+$0xFFFFFFE0] =	vst v9  }
0x36c: {  	v9 =	vnsel vm3, s1, v10;
	[tilespmem:s14+$0xFFFFFFF0] =	vst v8  }
0x36d: {  	s3 =	simm.s32 $0x13080;
	[tilespmem:s28+$0xFFFFFFF0] =	vst v9  }
0x36e: {  	s19 =	simm.s32 $0x1;
	s14 =	simm.s32 $0x0;
	s18 =	rddreg [dreg:$0x1f]  }
0x36f: {  	[hbm4b:s18+s14] =	stream.linear.scatter [tilespmem:s3], [sflag:$0x1], $0x2000, $0x38;
	[tilespmem:$0x1F280] =	vst v63  }
0x370: {  	_ =	swait.ge [sflag:s19], $0x2000  }
0x371: {  	s22 =	sld [smem:$0x7E6]  }
0x372: {  	[sflag:s19] =	ssyncset.done $0x0  }
0x373: {  	s5 =	simm.s32 $0x15080;
	[sflag:s19] =	ssyncadd.s32 $0xFFFFE000  }
0x374: {  	[hbm4b:s22+s14] =	stream.linear.scatter [tilespmem:s5], [sflag:$0x1], $0x2000, $0x38;
	[tilespmem:$0x1F280] =	vst v63  }
0x375: {  	_ =	swait.ge [sflag:s19], $0x2000  }
0x376: {  	s23 =	sld [smem:$0x7E7]  }
0x377: {  	[sflag:s19] =	ssyncset.done $0x0  }
0x378: {  	s24 =	simm.s32 $0x17080;
	[sflag:s19] =	ssyncadd.s32 $0xFFFFE000  }
0x379: {  	[hbm4b:s23+s14] =	stream.linear.scatter [tilespmem:s24], [sflag:$0x1], $0x2000, $0x38;
	[tilespmem:$0x1F280] =	vst v63  }
0x37a: {  	_ =	swait.ge [sflag:s19], $0x2000  }
0x37b: {  	s24 =	simm.s32 $0x0;
	[sflag:s19] =	ssyncset.done $0x0  }
0x37c: {  	s3 =	sand.u32 $0x1FC0, s24;
	[sflag:s19] =	ssyncadd.s32 $0xFFFFE000  }
0x37d: {  	v10 =	vld [tilespmem:s3+$0x5080]  }
0x37e: {  	s5 =	simm.s32 $0x50B0  }
0x37f: {  	v11 =	vld [tilespmem:s5+$0x0]  }
0x380: {  	v14 =	vld [tilespmem:s5+$0xFFFFFFE0]  }
0x381: {  	s11 =	simm.s32 $0x10;
	s9 =	sand.u32 $0x1C0, s24;
	v13 =	vld [tilespmem:s5+$0xFFFFFFF0]  }
0x382: {  	s12 =	sand.u32 $0x1D0, s11;
	s14 =	simm.s32 $0x20;
	v16 =	vld [tilespmem:s9+$0x1F080];
	vm1 =	vgt.s32 v10, $0x0  }
0x383: {  	s28 =	simm.s32 $0x40;
	s18 =	sand.u32 $0x1E0, s14;
	v17 =	vld [tilespmem:s12+$0x1F080];
	v8 =	vnsel vm1, $0x0, v10  }
0x384: {  	s22 =	simm.s32 $0x30;
	s19 =	sand.u32 $0x1FC0, s28;
	v19 =	vld [tilespmem:s18+$0x1F080]  }
0x385: {  	s1 =	sand.u32 $0x1F0, s22;
	v9 =	vld [tilespmem:s19+$0x5080];
	vm2 =	vgt.s32 v14, $0x0  }
0x386: {  	v63 =	vld [tilespmem:s1+$0x1F080];
	s18 =	simm.s32 $0x50F0;
	vm1 =	vgt.s32 v11, $0x0;
	v62 =	vnsel vm2, $0x0, v14  }
0x387: {  	vm3 =	vgt.s32 v11, $0xFFFFFFFF;
	v18 =	vnsel vm1, $0x0, v11;
	v11 =	vld [tilespmem:s18+$0xFFFFFFF0]  }
0x388: {  	s23 =	simm.s32 $0x0;
	vm1 =	vgt.s32 v13, $0x0;
	v12 =	vld.idx.msk [tilespmem:v8+s6+$0x0], $0xffff  }
0x389: {  	s3 =	sor.u32 s10, s23;
	v20 =	vnsel vm1, $0x0, v13;
	v15 =	vld.idx.msk [tilespmem:v8+s7+$0x0], $0xffff  }
0x38a: {  	s1 =	scvt.s32.f32 s3;
	v8 =	vld [tilespmem:s18+$0x0]  }
0x38b: {  	vm1 =	vgt.s32 v10, $0xFFFFFFFF;
	v21 =	vld.idx.msk [tilespmem:v62+s6+$0x0], $0xffff  }
0x38c: {  	s11 =	simm.s32 $0x190A0;
	s14 =	smul.f32 $1.953125000e-03, s1;
	vm2 =	vgt.s32 v9, $0x0;
	v10 =	vsel vm1, $0x0, v7;
	v23 =	vld.idx.msk [tilespmem:v18+s6+$0x0], $0xffff  }
0x38d: {  	s1 =	simm.s32 $0x1B0A0;
	[tilespmem:s11+$0xFFFFFFE0] =	vst v10;
	v18 =	vld.idx.msk [tilespmem:v18+s7+$0x0], $0xffff;
	v10 =	vsel vm1, v12, v16;
	v16 =	vnsel vm2, $0x0, v9  }
0x38e: {  	s22 =	simm.s32 $0x1D0A0;
	v24 =	vld.idx.msk [tilespmem:v20+s6+$0x0], $0xffff;
	[tilespmem:s1+$0xFFFFFFE0] =	vst v10;
	v10 =	vnsel vm1, s14, v15  }
0x38f: {  	v12 =	vld.idx.msk [tilespmem:v62+s7+$0x0], $0xffff;
	vm1 =	vgt.s32 v13, $0xFFFFFFFF;
	[tilespmem:s22+$0xFFFFFFE0] =	vst v10;
	v10 =	vsel vm3, $0x0, v7  }
0x390: {  	v15 =	vld.idx.msk [tilespmem:v20+s7+$0x0], $0xffff;
	v13 =	vsel vm1, $0x0, v7;
	[tilespmem:s11+$0x10] =	vst v10  }
0x391: {  	vm2 =	vgt.s32 v14, $0xFFFFFFFF;
	[tilespmem:s11+$0x0] =	vst v13;
	v13 =	vsel vm3, v23, v63;
	v10 =	vld [tilespmem:s18+$0xFFFFFFE0]  }
0x392: {  	s5 =	simm.s32 $0x0;
	s9 =	sand.u32 $0x1C0, s28;
	s19 =	simm.s32 $0x50;
	v14 =	vsel vm2, $0x0, v7;
	[tilespmem:s1+$0x10] =	vst v13;
	v13 =	vld.idx.msk [tilespmem:v16+s6+$0x0], $0xffff  }
0x393: {  	s12 =	simm.s32 $0x1D0E0;
	s2 =	sor.u32 s10, s5;
	s29 =	sand.u32 $0x1D0, s19;
	[tilespmem:s11+$0xFFFFFFF0] =	vst v14;
	v19 =	vsel vm1, v24, v19;
	v14 =	vld.idx.msk [tilespmem:v16+s7+$0x0], $0xffff  }
0x394: {  	s3 =	simm.s32 $0x60;
	s19 =	simm.s32 $0x1B0E0;
	s23 =	scvt.s32.f32 s2;
	vm4 =	vgt.s32 v8, $0x0;
	v17 =	vsel vm2, v21, v17;
	v18 =	vnsel vm3, s14, v18;
	[tilespmem:s1+$0x0] =	vst v19;
	v16 =	vld [tilespmem:s9+$0x1F080]  }
.LBB2_32:
0x395: {  	s2 =	sand.u32 $0x1E0, s3  }
0x396: {  	v19 =	vld [tilespmem:s29+$0x1F080];
	vm3 =	vgt.s32 v11, $0x0;
	v20 =	vnsel vm4, $0x0, v8;
	v12 =	vnsel vm2, s14, v12;
	[tilespmem:s22+$0x10] =	vst v18;
	s11 =	sadd.s32 $0x40, s11;
	s3 =	smov.u32 s28;
	s28 =	sadd.s32 $0x40, s28  }
0x397: {  	v15 =	vnsel vm1, s14, v15;
	s5 =	sand.u32 $0x1FC0, s28;
	s29 =	sshrl.u32 s28, $0x9;
	vm2 =	vgt.s32 v10, $0x0;
	v18 =	vnsel vm3, $0x0, v11;
	v21 =	vld [tilespmem:s2+$0x1F080];
	s2 =	sadd.s32 $0x70, s24;
	[tilespmem:s1+$0xFFFFFFF0] =	vst v17  }
0x398: {  	vm1 =	vgt.s32 v9, $0xFFFFFFFF;
	s14 =	smul.f32 $1.953125000e-03, s23;
	s1 =	sor.u32 s10, s29;
	v9 =	vld [tilespmem:s5+$0x5080];
	v17 =	vnsel vm2, $0x0, v10;
	s2 =	sand.u32 $0x1F0, s2;
	[tilespmem:s22+$0x0] =	vst v15  }
0x399: {  	s18 =	sadd.s32 $0x40, s18;
	p0 =	slt.u32 s28, $0x1FC0;
	v15 =	vsel vm1, $0x0, v7;
	s23 =	scvt.s32.f32 s1;
	v22 =	vld [tilespmem:s2+$0x1F080];
	[tilespmem:s22+$0xFFFFFFF0] =	vst v12  }
0x39a: {  	s24 =	smov.u32 s3;
	s22 =	smov.u32 s12;
	s1 =	smov.u32 s19;
	v23 =	vld [tilespmem:s18+$0x0];
	[tilespmem:s11+$0xFFFFFFE0] =	vst v15;
	v12 =	vsel vm1, v13, v16;
	v13 =	vnsel vm1, s14, v14  }
0x39b: {  	[tilespmem:s19+$0xFFFFFFE0] =	vst v12;
	v14 =	vld.idx.msk [tilespmem:v20+s6+$0x0], $0xffff  }
0x39c: {  	[tilespmem:s12+$0xFFFFFFE0] =	vst v13;
	v20 =	vld.idx.msk [tilespmem:v20+s7+$0x0], $0xffff  }
0x39d: {  	vm1 =	vgt.s32 v9, $0x0;
	v16 =	vld.idx.msk [tilespmem:v18+s6+$0x0], $0xffff  }
0x39e: {  	vm3 =	vgt.s32 v8, $0xFFFFFFFF;
	v24 =	vnsel vm1, $0x0, v9;
	v12 =	vld.idx.msk [tilespmem:v17+s7+$0x0], $0xffff  }
0x39f: {  	vm1 =	vgt.s32 v11, $0xFFFFFFFF;
	v11 =	vsel vm3, $0x0, v7;
	v17 =	vld.idx.msk [tilespmem:v17+s6+$0x0], $0xffff;
	v8 =	vmov v23  }
0x3a0: {  	v13 =	vsel vm1, $0x0, v7;
	v15 =	vld.idx.msk [tilespmem:v18+s7+$0x0], $0xffff;
	[tilespmem:s11+$0x10] =	vst v11  }
.Ltmp15:
0x3a1: {  	vm2 =	vgt.s32 v10, $0xFFFFFFFF;
	v11 =	vld [tilespmem:s18+$0xFFFFFFF0];
	[tilespmem:s11+$0x0] =	vst v13;
	v13 =	vsel vm3, v14, v22;
	(pc) =	sbr.rel @p0 .LBB2_32-.Ltmp15, $4  }
0x3a2: {  	v14 =	vsel vm2, $0x0, v7;
	v10 =	vld [tilespmem:s18+$0xFFFFFFE0];
	[tilespmem:s19+$0x10] =	vst v13  }
0x3a3: {  	v16 =	vsel vm1, v16, v21;
	v13 =	vld.idx.msk [tilespmem:v24+s6+$0x0], $0xffff;
	[tilespmem:s11+$0xFFFFFFF0] =	vst v14  }
0x3a4: {  	s3 =	sadd.s32 $0x50, s24;
	s2 =	sand.u32 $0x1C0, s28;
	s12 =	sadd.s32 $0x40, s12;
	v14 =	vld.idx.msk [tilespmem:v24+s7+$0x0], $0xffff;
	[tilespmem:s19+$0x0] =	vst v16  }
0x3a5: {  	s29 =	sand.u32 $0x1D0, s3;
	s3 =	sadd.s32 $0x60, s24;
	vm4 =	vgt.s32 v8, $0x0;
	v18 =	vnsel vm3, s14, v20;
	v17 =	vsel vm2, v17, v19;
	s19 =	sadd.s32 $0x40, s19;
	v16 =	vld [tilespmem:s2+$0x1F080]  }
0x3a6: {  	v19 =	vnsel vm4, $0x0, v8;
	vm3 =	vgt.s32 v11, $0x0  }
0x3a7: {  	[tilespmem:s22+$0x10] =	vst v18;
	v18 =	vnsel vm3, $0x0, v11  }
0x3a8: {  	v20 =	vld [tilespmem:s29+$0x1F080];
	s2 =	sand.u32 $0x1E0, s3;
	s5 =	sadd.s32 $0x70, s24;
	[tilespmem:s1+$0xFFFFFFF0] =	vst v17;
	v15 =	vnsel vm1, s14, v15;
	vm12 =	vgt.s32 v10, $0x0  }
0x3a9: {  	v12 =	vnsel vm2, s14, v12;
	vm1 =	vgt.s32 v9, $0xFFFFFFFF;
	v21 =	vld [tilespmem:s2+$0x1F080];
	s9 =	sand.u32 $0x1F0, s5;
	[tilespmem:s22+$0x0] =	vst v15;
	v17 =	vnsel vm12, $0x0, v10  }
0x3aa: {  	s14 =	sadd.s32 $0x40, s11;
	s18 =	smul.f32 $1.953125000e-03, s23;
	v15 =	vsel vm1, $0x0, v7;
	[tilespmem:s22+$0xFFFFFFF0] =	vst v12;
	v9 =	vld [tilespmem:s9+$0x1F080]  }
0x3ab: {  	[tilespmem:s14+$0xFFFFFFE0] =	vst v15;
	v13 =	vsel vm1, v13, v16;
	v12 =	vld.idx.msk [tilespmem:v19+s6+$0x0], $0xffff  }
0x3ac: {  	v14 =	vnsel vm1, s18, v14;
	vm1 =	vgt.s32 v8, $0xFFFFFFFF;
	[tilespmem:s19+$0xFFFFFFE0] =	vst v13;
	v13 =	vld.idx.msk [tilespmem:v18+s6+$0x0], $0xffff  }
0x3ad: {  	vm2 =	vgt.s32 v11, $0xFFFFFFFF;
	v15 =	vld.idx.msk [tilespmem:v19+s7+$0x0], $0xffff;
	v11 =	vsel vm1, $0x0, v7;
	[tilespmem:s12+$0xFFFFFFE0] =	vst v14  }
0x3ae: {  	vm3 =	vgt.s32 v10, $0xFFFFFFFF;
	v16 =	vsel vm2, $0x0, v7;
	[tilespmem:s14+$0x10] =	vst v11;
	v8 =	vld.idx.msk [tilespmem:v17+s6+$0x0], $0xffff  }
0x3af: {  	v14 =	vld.idx.msk [tilespmem:v18+s7+$0x0], $0xffff;
	[tilespmem:s14+$0x0] =	vst v16;
	v11 =	vsel vm3, $0x0, v7  }
0x3b0: {  	v10 =	vld.idx.msk [tilespmem:v17+s7+$0x0], $0xffff;
	[tilespmem:s14+$0xFFFFFFF0] =	vst v11;
	v9 =	vsel vm1, v12, v9  }
0x3b1: {  	[tilespmem:s19+$0x10] =	vst v9;
	v9 =	vsel vm2, v13, v21  }
0x3b2: {  	[tilespmem:s19+$0x0] =	vst v9;
	v9 =	vnsel vm1, s18, v15  }
0x3b3: {  	v8 =	vsel vm3, v8, v20;
	[tilespmem:s12+$0x10] =	vst v9  }
0x3b4: {  	[tilespmem:s19+$0xFFFFFFF0] =	vst v8;
	v8 =	vnsel vm2, s18, v14  }
0x3b5: {  	v9 =	vnsel vm3, s18, v10;
	[tilespmem:s12+$0x0] =	vst v8  }
0x3b6: {  	[tilespmem:s12+$0xFFFFFFF0] =	vst v9  }
0x3b7: {  	s24 =	sld [smem:$0x7E8];
	_ =	sdelay $0x1  }
0x3b8: {  	s23 =	simm.s32 $0x0;
	s29 =	simm.s32 $0x19080;
	s19 =	simm.s32 $0x1  }
0x3b9: {  	[hbm4b:s24+s23] =	stream.linear.scatter [tilespmem:s29], [sflag:$0x1], $0x2000, $0x38;
	[tilespmem:$0x1F280] =	vst v63  }
0x3ba: {  	_ =	swait.ge [sflag:s19], $0x2000  }
0x3bb: {  	s5 =	sld [smem:$0x7E9]  }
0x3bc: {  	[sflag:s19] =	ssyncset.done $0x0  }
0x3bd: {  	s9 =	simm.s32 $0x1B080;
	[sflag:s19] =	ssyncadd.s32 $0xFFFFE000  }
0x3be: {  	[hbm4b:s5+s23] =	stream.linear.scatter [tilespmem:s9], [sflag:$0x1], $0x2000, $0x38;
	[tilespmem:$0x1F280] =	vst v63  }
0x3bf: {  	_ =	swait.ge [sflag:s19], $0x2000  }
0x3c0: {  	s11 =	sld [smem:$0x7EA]  }
0x3c1: {  	[sflag:s19] =	ssyncset.done $0x0  }
0x3c2: {  	s12 =	simm.s32 $0x1D080;
	[sflag:s19] =	ssyncadd.s32 $0xFFFFE000  }
0x3c3: {  	[hbm4b:s11+s23] =	stream.linear.scatter [tilespmem:s12], [sflag:$0x1], $0x2000, $0x38;
	[tilespmem:$0x1F280] =	vst v63  }
0x3c4: {  	_ =	swait.ge [sflag:s19], $0x2000  }
0x3c5: {  	[sflag:s19] =	ssyncset.done $0x0  }
0x3c6: {  	s28 =	simm.s32 $0x0;
	s14 =	simm.s32 $0x0;
	[sflag:s19] =	ssyncadd.s32 $0xFFFFE000  }
0x3c7: {  	s18 =	sand.u32 $0x1FC0, s14;
	v10 =	vld [tilespmem:s28+$0x7090]  }
0x3c8: {  	v9 =	vld [tilespmem:s18+$0x7080];
	_ =	sdelay $0x1  }
0x3c9: {  	v13 =	vld [tilespmem:s28+$0x70A0]  }
0x3ca: {  	s22 =	simm.s32 $0x20  }
0x3cb: {  	s2 =	sand.u32 $0x1E0, s22;
	v14 =	vld [tilespmem:s28+$0x70B0];
	vm1 =	vgt.s32 v10, $0x0  }
0x3cc: {  	s1 =	sand.u32 $0x1C0, s14;
	s23 =	simm.s32 $0x10;
	v16 =	vld [tilespmem:s2+$0x1F080];
	vm2 =	vgt.s32 v9, $0x0;
	v15 =	vnsel vm1, $0x0, v10  }
0x3cd: {  	s29 =	simm.s32 $0x30;
	s24 =	sand.u32 $0x1D0, s23;
	v17 =	vld [tilespmem:s1+$0x1F080];
	v8 =	vnsel vm2, $0x0, v9  }
0x3ce: {  	v18 =	vld [tilespmem:s24+$0x1F080];
	s2 =	sand.u32 $0x1F0, s29;
	vm1 =	vgt.s32 v13, $0x0  }
0x3cf: {  	s24 =	simm.s32 $0x40;
	v21 =	vld [tilespmem:s2+$0x1F080];
	v11 =	vnsel vm1, $0x0, v13  }
0x3d0: {  	v12 =	vld [tilespmem:s24+$0x70A0]  }
0x3d1: {  	s3 =	simm.s32 $0x0;
	v19 =	vld.idx.msk [tilespmem:v15+s6+$0x0], $0xffff  }
0x3d2: {  	s1 =	sor.u32 s15, s3;
	v22 =	vld.idx.msk [tilespmem:v8+s7+$0x0], $0xffff  }
0x3d3: {  	s1 =	scvt.s32.f32 s1;
	vm1 =	vgt.s32 v14, $0x0;
	v20 =	vld.idx.msk [tilespmem:v8+s6+$0x0], $0xffff  }
0x3d4: {  	v25 =	vnsel vm1, $0x0, v14;
	v23 =	vld.idx.msk [tilespmem:v11+s6+$0x0], $0xffff  }
0x3d5: {  	s11 =	simm.s32 $0x40;
	s1 =	smul.f32 $1.953125000e-03, s1;
	v8 =	vld [tilespmem:s24+$0x7090]  }
0x3d6: {  	s5 =	sand.u32 $0x1FC0, s11;
	vm1 =	vgt.s32 v9, $0xFFFFFFFF;
	v24 =	vld.idx.msk [tilespmem:v11+s7+$0x0], $0xffff  }
0x3d7: {  	v11 =	vld [tilespmem:s5+$0x7080];
	v22 =	vnsel vm1, s1, v22  }
0x3d8: {  	vm13 =	vgt.s32 v14, $0xFFFFFFFF;
	vm2 =	vgt.s32 v13, $0xFFFFFFFF;
	[tilespmem:s28+$0x17080] =	vst v22;
	v22 =	vld.idx.msk [tilespmem:v15+s7+$0x0], $0xffff  }
0x3d9: {  	vm3 =	vgt.s32 v10, $0xFFFFFFFF;
	v14 =	vsel vm13, $0x0, v7;
	v10 =	vsel vm2, v23, v16;
	v16 =	vld.idx.msk [tilespmem:v25+s6+$0x0], $0xffff  }
0x3da: {  	vm15 =	vgt.s32 v12, $0x0;
	v17 =	vsel vm1, v20, v17;
	v23 =	vld.idx.msk [tilespmem:v25+s7+$0x0], $0xffff;
	[tilespmem:s28+$0x130B0] =	vst v14  }
0x3db: {  	s12 =	sand.u32 $0x1C0, s11;
	s18 =	simm.s32 $0x70;
	v9 =	vld [tilespmem:s24+$0x70B0];
	vm5 =	vgt.s32 v8, $0x0;
	v20 =	vnsel vm15, $0x0, v12;
	[tilespmem:s28+$0x15080] =	vst v17  }
0x3dc: {  	s9 =	simm.s32 $0x60;
	s22 =	sand.u32 $0x1F0, s18;
	v13 =	vnsel vm2, s1, v24;
	vm14 =	vgt.s32 v11, $0x0;
	v14 =	vld [tilespmem:s12+$0x1F080];
	[tilespmem:s28+$0x150A0] =	vst v10;
	v10 =	vnsel vm5, $0x0, v8  }
0x3dd: {  	s2 =	sand.u32 $0x1E0, s9;
	s5 =	simm.s32 $0x50;
	v15 =	vsel vm3, v19, v18;
	v18 =	vld [tilespmem:s22+$0x1F080];
	[tilespmem:s28+$0x170A0] =	vst v13;
	v63 =	vnsel vm14, $0x0, v11  }
0x3de: {  	s14 =	sand.u32 $0x1D0, s5;
	v17 =	vsel vm3, $0x0, v7;
	v13 =	vld [tilespmem:s2+$0x1F080];
	[tilespmem:s28+$0x15090] =	vst v15  }
0x3df: {  	v15 =	vld [tilespmem:s14+$0x1F080];
	[tilespmem:s28+$0x13090] =	vst v17;
	v17 =	vnsel vm3, s1, v22  }
0x3e0: {  	v16 =	vsel vm13, v16, v21;
	v21 =	vld.idx.msk [tilespmem:v20+s6+$0x0], $0xffff;
	[tilespmem:s28+$0x17090] =	vst v17  }
0x3e1: {  	s23 =	simm.s32 $0x0;
	v19 =	vld.idx.msk [tilespmem:v10+s6+$0x0], $0xffff;
	[tilespmem:s28+$0x150B0] =	vst v16;
	v16 =	vnsel vm13, s1, v23  }
0x3e2: {  	s29 =	sor.u32 s15, s23;
	v17 =	vld.idx.msk [tilespmem:v63+s6+$0x0], $0xffff;
	v23 =	vsel vm2, $0x0, v7;
	[tilespmem:s28+$0x170B0] =	vst v16  }
0x3e3: {  	s3 =	simm.s32 $0x200;
	v22 =	vld.idx.msk [tilespmem:v63+s7+$0x0], $0xffff;
	s1 =	scvt.s32.f32 s29;
	vm2 =	vgt.s32 v9, $0x0;
	v16 =	vsel vm1, $0x0, v7;
	[tilespmem:s28+$0x130A0] =	vst v23  }
.LBB2_34:
0x3e4: {  	s2 =	sshra.s32 s3, $0x2;
	v20 =	vld.idx.msk [tilespmem:v20+s7+$0x0], $0xffff;
	[tilespmem:s28+$0x13080] =	vst v16;
	v23 =	vmov v18;
	s5 =	smov.u32 s11;
	s11 =	sadd.s32 $0x40, s11  }
0x3e5: {  	vm1 =	vgt.s32 v8, $0xFFFFFFFF;
	v18 =	vnsel vm2, $0x0, v9;
	s12 =	sand.u32 $0x1FC0, s11;
	s14 =	sshrl.u32 s11, $0x9;
	p0 =	slt.u32 s11, $0x1FC0;
	v8 =	vld [tilespmem:s2+$0x7090]  }
0x3e6: {  	s28 =	smov.u32 s24;
	v15 =	vsel vm1, v19, v15;
	v24 =	vld [tilespmem:s12+$0x7080];
	s14 =	sor.u32 s15, s14;
	s12 =	smul.f32 $1.953125000e-03, s1  }
0x3e7: {  	vm2 =	vgt.s32 v11, $0xFFFFFFFF;
	s24 =	smov.u32 s2;
	s1 =	scvt.s32.f32 s14;
	v19 =	vld [tilespmem:s2+$0x70A0]  }
0x3e8: {  	vm3 =	vgt.s32 v12, $0xFFFFFFFF;
	v17 =	vsel vm2, v17, v14;
	v25 =	vld [tilespmem:s24+$0x70B0];
	v11 =	vnsel vm2, s12, v22  }
0x3e9: {  	v16 =	vsel vm2, $0x0, v7;
	v26 =	vsel vm3, $0x0, v7;
	[tilespmem:s28+$0x17080] =	vst v11;
	v22 =	vld.idx.msk [tilespmem:v10+s7+$0x0], $0xffff;
	v10 =	vsel vm3, v21, v13  }
0x3ea: {  	s2 =	sadd.s32 $0x60, s5;
	v14 =	vnsel vm3, s12, v20;
	vm3 =	vgt.s32 v9, $0xFFFFFFFF;
	vm2 =	vgt.s32 v8, $0x0;
	[tilespmem:s28+$0x150A0] =	vst v10;
	v21 =	vld.idx.msk [tilespmem:v18+s6+$0x0], $0xffff  }
0x3eb: {  	s2 =	sand.u32 $0x1E0, s2;
	vm4 =	vgt.s32 v24, $0x0;
	v10 =	vnsel vm2, $0x0, v8;
	[tilespmem:s28+$0x170A0] =	vst v14;
	v27 =	vld.idx.msk [tilespmem:v18+s7+$0x0], $0xffff;
	v18 =	vsel vm3, $0x0, v7;
	v11 =	vmovc v24  }
0x3ec: {  	s18 =	sadd.s32 $0x50, s5;
	s14 =	sand.u32 $0x1C0, s11;
	v24 =	vnsel vm4, $0x0, v11;
	vm4 =	vgt.s32 v19, $0x0;
	v13 =	vld [tilespmem:s2+$0x1F080];
	[tilespmem:s28+$0x130B0] =	vst v18;
	v12 =	vmov v19  }
0x3ed: {  	s5 =	sadd.s32 $0x70, s5;
	s2 =	sand.u32 $0x1D0, s18;
	v14 =	vld [tilespmem:s14+$0x1F080];
	vm2 =	vgt.s32 v25, $0x0;
	[tilespmem:s28+$0x15090] =	vst v15;
	v9 =	vmov v25  }
0x3ee: {  	v20 =	vnsel vm4, $0x0, v12;
	v15 =	vld [tilespmem:s2+$0x1F080];
	s2 =	sand.u32 $0x1F0, s5;
	[tilespmem:s28+$0x15080] =	vst v17;
	v17 =	vsel vm1, $0x0, v7  }
.Ltmp16:
0x3ef: {  	v18 =	vld [tilespmem:s2+$0x1F080];
	[tilespmem:s28+$0x13090] =	vst v17;
	v17 =	vnsel vm1, s12, v22;
	(pc) =	sbr.rel @p0 .LBB2_34-.Ltmp16, $4  }
0x3f0: {  	v21 =	vsel vm3, v21, v23;
	v19 =	vld.idx.msk [tilespmem:v10+s6+$0x0], $0xffff;
	[tilespmem:s28+$0x17090] =	vst v17  }
0x3f1: {  	v17 =	vld.idx.msk [tilespmem:v24+s6+$0x0], $0xffff;
	[tilespmem:s28+$0x150B0] =	vst v21;
	v21 =	vnsel vm3, s12, v27  }
0x3f2: {  	v22 =	vld.idx.msk [tilespmem:v24+s7+$0x0], $0xffff;
	[tilespmem:s28+$0x170B0] =	vst v21  }
0x3f3: {  	s3 =	sadd.s32 $0x100, s3;
	v21 =	vld.idx.msk [tilespmem:v20+s6+$0x0], $0xffff;
	[tilespmem:s28+$0x130A0] =	vst v26  }
0x3f4: {  	_ =	sdelay $0x3  }
0x3f5: {  	v20 =	vld.idx.msk [tilespmem:v20+s7+$0x0], $0xffff;
	v23 =	vnsel vm2, $0x0, v9  }
0x3f6: {  	s1 =	smul.f32 $1.953125000e-03, s1;
	v10 =	vld.idx.msk [tilespmem:v10+s7+$0x0], $0xffff;
	vm4 =	vgt.s32 v8, $0xFFFFFFFF  }
0x3f7: {  	vm1 =	vgt.s32 v11, $0xFFFFFFFF;
	[tilespmem:s28+$0x13080] =	vst v16;
	vm2 =	vgt.s32 v12, $0xFFFFFFFF;
	v12 =	vsel vm4, v19, v15  }
0x3f8: {  	[tilespmem:s24+$0x15090] =	vst v12;
	v11 =	vnsel vm1, s1, v22  }
0x3f9: {  	[tilespmem:s24+$0x17080] =	vst v11;
	v11 =	vsel vm2, v21, v13  }
0x3fa: {  	vm3 =	vgt.s32 v9, $0xFFFFFFFF;
	[tilespmem:s24+$0x150A0] =	vst v11;
	v11 =	vnsel vm2, s1, v20;
	v9 =	vld.idx.msk [tilespmem:v23+s6+$0x0], $0xffff  }
0x3fb: {  	v8 =	vld.idx.msk [tilespmem:v23+s7+$0x0], $0xffff;
	v10 =	vnsel vm4, s1, v10;
	[tilespmem:s24+$0x170A0] =	vst v11  }
0x3fc: {  	v11 =	vsel vm3, $0x0, v7;
	[tilespmem:s24+$0x17090] =	vst v10  }
0x3fd: {  	[tilespmem:s24+$0x130B0] =	vst v11;
	v11 =	vsel vm1, v17, v14  }
0x3fe: {  	[tilespmem:s24+$0x15080] =	vst v11;
	v11 =	vsel vm4, $0x0, v7  }
0x3ff: {  	[tilespmem:s24+$0x13090] =	vst v11;
	v9 =	vsel vm3, v9, v18  }
0x400: {  	v8 =	vnsel vm3, s1, v8;
	[tilespmem:s24+$0x150B0] =	vst v9  }
0x401: {  	v9 =	vsel vm2, $0x0, v7;
	[tilespmem:s24+$0x170B0] =	vst v8  }
0x402: {  	v8 =	vsel vm1, $0x0, v7;
	[tilespmem:s24+$0x130A0] =	vst v9  }
0x403: {  	[tilespmem:s24+$0x13080] =	vst v8  }
0x404: {  	s2 =	sld [smem:$0x7EB];
	_ =	sdelay $0x1  }
0x405: {  	s9 =	simm.s32 $0x0;
	s22 =	simm.s32 $0x13080  }
0x406: {  	[hbm4b:s2+s9] =	stream.linear.scatter [tilespmem:s22], [sflag:$0x1], $0x2000, $0x38;
	[tilespmem:$0x1F280] =	vst v63  }
0x407: {  	_ =	swait.ge [sflag:s19], $0x2000  }
0x408: {  	s11 =	sld [smem:$0x7EC]  }
0x409: {  	[sflag:s19] =	ssyncset.done $0x0  }
0x40a: {  	s29 =	simm.s32 $0x15080;
	[sflag:s19] =	ssyncadd.s32 $0xFFFFE000  }
0x40b: {  	[hbm4b:s11+s9] =	stream.linear.scatter [tilespmem:s29], [sflag:$0x1], $0x2000, $0x38;
	[tilespmem:$0x1F280] =	vst v63  }
0x40c: {  	_ =	swait.ge [sflag:s19], $0x2000  }
0x40d: {  	s12 =	sld [smem:$0x7ED]  }
0x40e: {  	[sflag:s19] =	ssyncset.done $0x0  }
0x40f: {  	s3 =	simm.s32 $0x17080;
	[sflag:s19] =	ssyncadd.s32 $0xFFFFE000  }
0x410: {  	[hbm4b:s12+s9] =	stream.linear.scatter [tilespmem:s3], [sflag:$0x1], $0x2000, $0x38;
	[tilespmem:$0x1F280] =	vst v63  }
0x411: {  	_ =	swait.ge [sflag:s19], $0x2000  }
0x412: {  	[sflag:s19] =	ssyncset.done $0x0  }
0x413: {  	s14 =	simm.s32 $0x0;
	s28 =	simm.s32 $0x0;
	[sflag:s19] =	ssyncadd.s32 $0xFFFFE000  }
0x414: {  	s18 =	sand.u32 $0x1FC0, s14;
	v10 =	vld [tilespmem:s28+$0x9090]  }
0x415: {  	v9 =	vld [tilespmem:s18+$0x9080];
	_ =	sdelay $0x1  }
0x416: {  	v13 =	vld [tilespmem:s28+$0x90A0]  }
0x417: {  	s23 =	simm.s32 $0x20  }
0x418: {  	s2 =	sand.u32 $0x1E0, s23;
	v14 =	vld [tilespmem:s28+$0x90B0];
	vm1 =	vgt.s32 v10, $0x0  }
0x419: {  	s1 =	sand.u32 $0x1C0, s14;
	s24 =	simm.s32 $0x10;
	v16 =	vld [tilespmem:s2+$0x1F080];
	vm2 =	vgt.s32 v9, $0x0;
	v15 =	vnsel vm1, $0x0, v10  }
0x41a: {  	s5 =	sand.u32 $0x1D0, s24;
	s9 =	simm.s32 $0x30;
	v17 =	vld [tilespmem:s1+$0x1F080];
	v8 =	vnsel vm2, $0x0, v9  }
0x41b: {  	s11 =	sand.u32 $0x1F0, s9;
	v18 =	vld [tilespmem:s5+$0x1F080];
	vm1 =	vgt.s32 v13, $0x0  }
0x41c: {  	s24 =	simm.s32 $0x40;
	v21 =	vld [tilespmem:s11+$0x1F080];
	v11 =	vnsel vm1, $0x0, v13  }
0x41d: {  	v12 =	vld [tilespmem:s24+$0x90A0]  }
0x41e: {  	s12 =	simm.s32 $0x0;
	v19 =	vld.idx.msk [tilespmem:v15+s6+$0x0], $0xffff  }
0x41f: {  	s1 =	sor.u32 s20, s12;
	v22 =	vld.idx.msk [tilespmem:v8+s7+$0x0], $0xffff  }
0x420: {  	s1 =	scvt.s32.f32 s1;
	vm1 =	vgt.s32 v14, $0x0;
	v20 =	vld.idx.msk [tilespmem:v8+s6+$0x0], $0xffff  }
0x421: {  	v25 =	vnsel vm1, $0x0, v14;
	v23 =	vld.idx.msk [tilespmem:v11+s6+$0x0], $0xffff  }
0x422: {  	s11 =	simm.s32 $0x40;
	s1 =	smul.f32 $1.953125000e-03, s1;
	v8 =	vld [tilespmem:s24+$0x9090]  }
0x423: {  	s14 =	sand.u32 $0x1FC0, s11;
	vm1 =	vgt.s32 v9, $0xFFFFFFFF;
	v24 =	vld.idx.msk [tilespmem:v11+s7+$0x0], $0xffff  }
0x424: {  	v11 =	vld [tilespmem:s14+$0x9080];
	v22 =	vnsel vm1, s1, v22  }
0x425: {  	vm13 =	vgt.s32 v14, $0xFFFFFFFF;
	vm2 =	vgt.s32 v13, $0xFFFFFFFF;
	[tilespmem:s28+$0x1D080] =	vst v22;
	v22 =	vld.idx.msk [tilespmem:v15+s7+$0x0], $0xffff  }
0x426: {  	vm3 =	vgt.s32 v10, $0xFFFFFFFF;
	v14 =	vsel vm13, $0x0, v7;
	v10 =	vsel vm2, v23, v16;
	v16 =	vld.idx.msk [tilespmem:v25+s6+$0x0], $0xffff  }
0x427: {  	v17 =	vsel vm1, v20, v17;
	v23 =	vld.idx.msk [tilespmem:v25+s7+$0x0], $0xffff;
	[tilespmem:s28+$0x190B0] =	vst v14  }
0x428: {  	vm15 =	vgt.s32 v12, $0x0;
	[tilespmem:s28+$0x1B080] =	vst v17  }
0x429: {  	s12 =	simm.s32 $0x70;
	s23 =	sand.u32 $0x1C0, s11;
	v9 =	vld [tilespmem:s24+$0x90B0];
	vm5 =	vgt.s32 v8, $0x0;
	v20 =	vnsel vm15, $0x0, v12;
	v13 =	vnsel vm2, s1, v24;
	[tilespmem:s28+$0x1B0A0] =	vst v10  }
0x42a: {  	s18 =	simm.s32 $0x60;
	s14 =	sand.u32 $0x1F0, s12;
	vm14 =	vgt.s32 v11, $0x0;
	v15 =	vsel vm3, v19, v18;
	v14 =	vld [tilespmem:s23+$0x1F080];
	v10 =	vnsel vm5, $0x0, v8;
	[tilespmem:s28+$0x1D0A0] =	vst v13  }
0x42b: {  	s5 =	simm.s32 $0x50;
	s2 =	sand.u32 $0x1E0, s18;
	v17 =	vsel vm3, $0x0, v7;
	v18 =	vld [tilespmem:s14+$0x1F080];
	v63 =	vnsel vm14, $0x0, v11;
	[tilespmem:s28+$0x1B090] =	vst v15  }
0x42c: {  	s9 =	sand.u32 $0x1D0, s5;
	v13 =	vld [tilespmem:s2+$0x1F080];
	[tilespmem:s28+$0x19090] =	vst v17;
	v17 =	vnsel vm3, s1, v22  }
0x42d: {  	v15 =	vld [tilespmem:s9+$0x1F080];
	v16 =	vsel vm13, v16, v21;
	[tilespmem:s28+$0x1D090] =	vst v17  }
0x42e: {  	v21 =	vld.idx.msk [tilespmem:v20+s6+$0x0], $0xffff;
	[tilespmem:s28+$0x1B0B0] =	vst v16;
	v16 =	vnsel vm13, s1, v23  }
0x42f: {  	s18 =	simm.s32 $0x0;
	v19 =	vld.idx.msk [tilespmem:v10+s6+$0x0], $0xffff;
	v23 =	vsel vm2, $0x0, v7;
	[tilespmem:s28+$0x1D0B0] =	vst v16  }
0x430: {  	s23 =	sor.u32 s20, s18;
	v17 =	vld.idx.msk [tilespmem:v63+s6+$0x0], $0xffff;
	[tilespmem:s28+$0x190A0] =	vst v23  }
0x431: {  	s3 =	simm.s32 $0x200;
	v22 =	vld.idx.msk [tilespmem:v63+s7+$0x0], $0xffff;
	s1 =	scvt.s32.f32 s23;
	vm2 =	vgt.s32 v9, $0x0;
	v16 =	vsel vm1, $0x0, v7;
	s23 =	rddreg [dreg:$0x3]  }
.LBB2_36:
0x432: {  	s2 =	sshra.s32 s3, $0x2;
	v20 =	vld.idx.msk [tilespmem:v20+s7+$0x0], $0xffff;
	[tilespmem:s28+$0x19080] =	vst v16;
	v23 =	vmov v18;
	s5 =	smov.u32 s11;
	s11 =	sadd.s32 $0x40, s11  }
0x433: {  	vm1 =	vgt.s32 v8, $0xFFFFFFFF;
	v18 =	vnsel vm2, $0x0, v9;
	s12 =	sand.u32 $0x1FC0, s11;
	s14 =	sshrl.u32 s11, $0x9;
	p0 =	slt.u32 s11, $0x1FC0;
	v8 =	vld [tilespmem:s2+$0x9090]  }
0x434: {  	s28 =	smov.u32 s24;
	v15 =	vsel vm1, v19, v15;
	v24 =	vld [tilespmem:s12+$0x9080];
	s14 =	sor.u32 s20, s14;
	s12 =	smul.f32 $1.953125000e-03, s1  }
0x435: {  	vm2 =	vgt.s32 v11, $0xFFFFFFFF;
	s24 =	smov.u32 s2;
	s1 =	scvt.s32.f32 s14;
	v19 =	vld [tilespmem:s2+$0x90A0]  }
0x436: {  	vm3 =	vgt.s32 v12, $0xFFFFFFFF;
	v17 =	vsel vm2, v17, v14;
	v25 =	vld [tilespmem:s24+$0x90B0];
	v11 =	vnsel vm2, s12, v22  }
0x437: {  	v16 =	vsel vm2, $0x0, v7;
	v26 =	vsel vm3, $0x0, v7;
	[tilespmem:s28+$0x1D080] =	vst v11;
	v22 =	vld.idx.msk [tilespmem:v10+s7+$0x0], $0xffff;
	v10 =	vsel vm3, v21, v13  }
0x438: {  	s2 =	sadd.s32 $0x60, s5;
	v14 =	vnsel vm3, s12, v20;
	vm3 =	vgt.s32 v9, $0xFFFFFFFF;
	vm2 =	vgt.s32 v8, $0x0;
	[tilespmem:s28+$0x1B0A0] =	vst v10;
	v21 =	vld.idx.msk [tilespmem:v18+s6+$0x0], $0xffff  }
0x439: {  	s2 =	sand.u32 $0x1E0, s2;
	vm4 =	vgt.s32 v24, $0x0;
	v10 =	vnsel vm2, $0x0, v8;
	[tilespmem:s28+$0x1D0A0] =	vst v14;
	v27 =	vld.idx.msk [tilespmem:v18+s7+$0x0], $0xffff;
	v18 =	vsel vm3, $0x0, v7;
	v11 =	vmovc v24  }
0x43a: {  	s18 =	sadd.s32 $0x50, s5;
	s14 =	sand.u32 $0x1C0, s11;
	v24 =	vnsel vm4, $0x0, v11;
	vm4 =	vgt.s32 v19, $0x0;
	v13 =	vld [tilespmem:s2+$0x1F080];
	[tilespmem:s28+$0x190B0] =	vst v18;
	v12 =	vmov v19  }
0x43b: {  	s5 =	sadd.s32 $0x70, s5;
	s2 =	sand.u32 $0x1D0, s18;
	v14 =	vld [tilespmem:s14+$0x1F080];
	vm2 =	vgt.s32 v25, $0x0;
	[tilespmem:s28+$0x1B090] =	vst v15;
	v9 =	vmov v25  }
0x43c: {  	v20 =	vnsel vm4, $0x0, v12;
	v15 =	vld [tilespmem:s2+$0x1F080];
	s2 =	sand.u32 $0x1F0, s5;
	[tilespmem:s28+$0x1B080] =	vst v17;
	v17 =	vsel vm1, $0x0, v7  }
.Ltmp17:
0x43d: {  	v18 =	vld [tilespmem:s2+$0x1F080];
	[tilespmem:s28+$0x19090] =	vst v17;
	v17 =	vnsel vm1, s12, v22;
	(pc) =	sbr.rel @p0 .LBB2_36-.Ltmp17, $4  }
0x43e: {  	v21 =	vsel vm3, v21, v23;
	v19 =	vld.idx.msk [tilespmem:v10+s6+$0x0], $0xffff;
	[tilespmem:s28+$0x1D090] =	vst v17  }
0x43f: {  	v17 =	vld.idx.msk [tilespmem:v24+s6+$0x0], $0xffff;
	[tilespmem:s28+$0x1B0B0] =	vst v21;
	v21 =	vnsel vm3, s12, v27  }
0x440: {  	v22 =	vld.idx.msk [tilespmem:v24+s7+$0x0], $0xffff;
	[tilespmem:s28+$0x1D0B0] =	vst v21  }
0x441: {  	s3 =	sadd.s32 $0x100, s3;
	v21 =	vld.idx.msk [tilespmem:v20+s6+$0x0], $0xffff;
	[tilespmem:s28+$0x190A0] =	vst v26  }
0x442: {  	_ =	sdelay $0x3  }
0x443: {  	v20 =	vld.idx.msk [tilespmem:v20+s7+$0x0], $0xffff;
	v23 =	vnsel vm2, $0x0, v9  }
0x444: {  	s1 =	smul.f32 $1.953125000e-03, s1;
	v10 =	vld.idx.msk [tilespmem:v10+s7+$0x0], $0xffff;
	vm4 =	vgt.s32 v8, $0xFFFFFFFF  }
0x445: {  	vm1 =	vgt.s32 v11, $0xFFFFFFFF;
	[tilespmem:s28+$0x19080] =	vst v16;
	vm2 =	vgt.s32 v12, $0xFFFFFFFF;
	v12 =	vsel vm4, v19, v15  }
0x446: {  	[tilespmem:s24+$0x1B090] =	vst v12;
	v11 =	vnsel vm1, s1, v22  }
0x447: {  	[tilespmem:s24+$0x1D080] =	vst v11;
	v11 =	vsel vm2, v21, v13  }
0x448: {  	vm3 =	vgt.s32 v9, $0xFFFFFFFF;
	[tilespmem:s24+$0x1B0A0] =	vst v11;
	v11 =	vnsel vm2, s1, v20;
	v9 =	vld.idx.msk [tilespmem:v23+s6+$0x0], $0xffff  }
0x449: {  	v8 =	vld.idx.msk [tilespmem:v23+s7+$0x0], $0xffff;
	v10 =	vnsel vm4, s1, v10;
	[tilespmem:s24+$0x1D0A0] =	vst v11  }
0x44a: {  	v11 =	vsel vm3, $0x0, v7;
	[tilespmem:s24+$0x1D090] =	vst v10  }
0x44b: {  	[tilespmem:s24+$0x190B0] =	vst v11;
	v11 =	vsel vm1, v17, v14  }
0x44c: {  	[tilespmem:s24+$0x1B080] =	vst v11;
	v11 =	vsel vm4, $0x0, v7  }
0x44d: {  	[tilespmem:s24+$0x19090] =	vst v11;
	v9 =	vsel vm3, v9, v18  }
0x44e: {  	v8 =	vnsel vm3, s1, v8;
	[tilespmem:s24+$0x1B0B0] =	vst v9  }
0x44f: {  	v9 =	vsel vm2, $0x0, v7;
	[tilespmem:s24+$0x1D0B0] =	vst v8  }
0x450: {  	v8 =	vsel vm1, $0x0, v7;
	[tilespmem:s24+$0x190A0] =	vst v9  }
0x451: {  	[tilespmem:s24+$0x19080] =	vst v8  }
0x452: {  	s2 =	sld [smem:$0x7EE];
	_ =	sdelay $0x1  }
0x453: {  	s3 =	simm.s32 $0x19080;
	s24 =	simm.s32 $0x0  }
0x454: {  	[hbm4b:s2+s24] =	stream.linear.scatter [tilespmem:s3], [sflag:$0x1], $0x2000, $0x38;
	[tilespmem:$0x1F280] =	vst v63  }
0x455: {  	_ =	swait.ge [sflag:s19], $0x2000  }
0x456: {  	s3 =	sld [smem:$0x7EF]  }
0x457: {  	[sflag:s19] =	ssyncset.done $0x0  }
0x458: {  	s5 =	simm.s32 $0x1B080;
	[sflag:s19] =	ssyncadd.s32 $0xFFFFE000  }
0x459: {  	[hbm4b:s3+s24] =	stream.linear.scatter [tilespmem:s5], [sflag:$0x1], $0x2000, $0x38;
	[tilespmem:$0x1F280] =	vst v63  }
0x45a: {  	_ =	swait.ge [sflag:s19], $0x2000  }
0x45b: {  	s9 =	sld [smem:$0x7F0]  }
0x45c: {  	[sflag:s19] =	ssyncset.done $0x0  }
0x45d: {  	s11 =	simm.s32 $0x1D080;
	[sflag:s19] =	ssyncadd.s32 $0xFFFFE000  }
0x45e: {  	[hbm4b:s9+s24] =	stream.linear.scatter [tilespmem:s11], [sflag:$0x1], $0x2000, $0x38;
	[tilespmem:$0x1F280] =	vst v63  }
0x45f: {  	_ =	swait.ge [sflag:s19], $0x2000  }
0x460: {  	[sflag:s19] =	ssyncset.done $0x0  }
0x461: {  	s12 =	simm.s32 $0x0;
	s28 =	simm.s32 $0x0;
	[sflag:s19] =	ssyncadd.s32 $0xFFFFE000  }
0x462: {  	s14 =	sand.u32 $0x1FC0, s12;
	v10 =	vld [tilespmem:s28+$0xB090]  }
0x463: {  	v9 =	vld [tilespmem:s14+$0xB080];
	_ =	sdelay $0x1  }
0x464: {  	v13 =	vld [tilespmem:s28+$0xB0A0]  }
0x465: {  	s18 =	simm.s32 $0x20  }
0x466: {  	s2 =	sand.u32 $0x1E0, s18;
	v14 =	vld [tilespmem:s28+$0xB0B0];
	vm1 =	vgt.s32 v10, $0x0  }
0x467: {  	s1 =	sand.u32 $0x1C0, s12;
	s24 =	simm.s32 $0x10;
	v16 =	vld [tilespmem:s2+$0x1F080];
	vm2 =	vgt.s32 v9, $0x0;
	v15 =	vnsel vm1, $0x0, v10  }
0x468: {  	s5 =	simm.s32 $0x30;
	s3 =	sand.u32 $0x1D0, s24;
	v17 =	vld [tilespmem:s1+$0x1F080];
	v8 =	vnsel vm2, $0x0, v9  }
0x469: {  	s9 =	sand.u32 $0x1F0, s5;
	v18 =	vld [tilespmem:s3+$0x1F080];
	vm1 =	vgt.s32 v13, $0x0  }
0x46a: {  	s24 =	simm.s32 $0x40;
	v21 =	vld [tilespmem:s9+$0x1F080];
	v11 =	vnsel vm1, $0x0, v13  }
0x46b: {  	v12 =	vld [tilespmem:s24+$0xB0A0]  }
0x46c: {  	s11 =	simm.s32 $0x0;
	v19 =	vld.idx.msk [tilespmem:v15+s6+$0x0], $0xffff  }
0x46d: {  	s1 =	sor.u32 s26, s11;
	v22 =	vld.idx.msk [tilespmem:v8+s7+$0x0], $0xffff  }
0x46e: {  	s1 =	scvt.s32.f32 s1;
	vm1 =	vgt.s32 v14, $0x0;
	v20 =	vld.idx.msk [tilespmem:v8+s6+$0x0], $0xffff  }
0x46f: {  	v25 =	vnsel vm1, $0x0, v14;
	v23 =	vld.idx.msk [tilespmem:v11+s6+$0x0], $0xffff  }
0x470: {  	s11 =	simm.s32 $0x40;
	s1 =	smul.f32 $1.953125000e-03, s1;
	v8 =	vld [tilespmem:s24+$0xB090]  }
0x471: {  	s12 =	sand.u32 $0x1FC0, s11;
	vm1 =	vgt.s32 v9, $0xFFFFFFFF;
	v24 =	vld.idx.msk [tilespmem:v11+s7+$0x0], $0xffff  }
0x472: {  	v11 =	vld [tilespmem:s12+$0xB080];
	v22 =	vnsel vm1, s1, v22  }
0x473: {  	vm13 =	vgt.s32 v14, $0xFFFFFFFF;
	vm2 =	vgt.s32 v13, $0xFFFFFFFF;
	[tilespmem:s28+$0x17080] =	vst v22;
	v22 =	vld.idx.msk [tilespmem:v15+s7+$0x0], $0xffff  }
0x474: {  	vm3 =	vgt.s32 v10, $0xFFFFFFFF;
	v14 =	vsel vm13, $0x0, v7;
	v10 =	vsel vm2, v23, v16;
	v16 =	vld.idx.msk [tilespmem:v25+s6+$0x0], $0xffff  }
0x475: {  	vm15 =	vgt.s32 v12, $0x0;
	v17 =	vsel vm1, v20, v17;
	v23 =	vld.idx.msk [tilespmem:v25+s7+$0x0], $0xffff;
	[tilespmem:s28+$0x130B0] =	vst v14  }
0x476: {  	s9 =	simm.s32 $0x70;
	s18 =	sand.u32 $0x1C0, s11;
	v9 =	vld [tilespmem:s24+$0xB0B0];
	vm5 =	vgt.s32 v8, $0x0;
	v20 =	vnsel vm15, $0x0, v12;
	[tilespmem:s28+$0x15080] =	vst v17  }
0x477: {  	s14 =	simm.s32 $0x60;
	s12 =	sand.u32 $0x1F0, s9;
	v13 =	vnsel vm2, s1, v24;
	vm14 =	vgt.s32 v11, $0x0;
	v14 =	vld [tilespmem:s18+$0x1F080];
	[tilespmem:s28+$0x150A0] =	vst v10;
	v10 =	vnsel vm5, $0x0, v8  }
0x478: {  	s5 =	simm.s32 $0x50;
	s2 =	sand.u32 $0x1E0, s14;
	v15 =	vsel vm3, v19, v18;
	v18 =	vld [tilespmem:s12+$0x1F080];
	[tilespmem:s28+$0x170A0] =	vst v13;
	v63 =	vnsel vm14, $0x0, v11  }
0x479: {  	s5 =	sand.u32 $0x1D0, s5;
	v17 =	vsel vm3, $0x0, v7;
	v13 =	vld [tilespmem:s2+$0x1F080];
	[tilespmem:s28+$0x15090] =	vst v15  }
0x47a: {  	v15 =	vld [tilespmem:s5+$0x1F080];
	[tilespmem:s28+$0x13090] =	vst v17;
	v17 =	vnsel vm3, s1, v22  }
0x47b: {  	v16 =	vsel vm13, v16, v21;
	v21 =	vld.idx.msk [tilespmem:v20+s6+$0x0], $0xffff;
	[tilespmem:s28+$0x17090] =	vst v17  }
0x47c: {  	s14 =	simm.s32 $0x0;
	v19 =	vld.idx.msk [tilespmem:v10+s6+$0x0], $0xffff;
	[tilespmem:s28+$0x150B0] =	vst v16;
	v16 =	vnsel vm13, s1, v23  }
0x47d: {  	s18 =	sor.u32 s26, s14;
	v17 =	vld.idx.msk [tilespmem:v63+s6+$0x0], $0xffff;
	v23 =	vsel vm2, $0x0, v7;
	[tilespmem:s28+$0x170B0] =	vst v16  }
0x47e: {  	s3 =	simm.s32 $0x200;
	v22 =	vld.idx.msk [tilespmem:v63+s7+$0x0], $0xffff;
	s1 =	scvt.s32.f32 s18;
	vm2 =	vgt.s32 v9, $0x0;
	v16 =	vsel vm1, $0x0, v7;
	[tilespmem:s28+$0x130A0] =	vst v23  }
.LBB2_38:
0x47f: {  	s2 =	sshra.s32 s3, $0x2;
	v20 =	vld.idx.msk [tilespmem:v20+s7+$0x0], $0xffff;
	[tilespmem:s28+$0x13080] =	vst v16;
	v23 =	vmov v18;
	s5 =	smov.u32 s11;
	s11 =	sadd.s32 $0x40, s11  }
0x480: {  	vm1 =	vgt.s32 v8, $0xFFFFFFFF;
	v18 =	vnsel vm2, $0x0, v9;
	s12 =	sand.u32 $0x1FC0, s11;
	s14 =	sshrl.u32 s11, $0x9;
	p0 =	slt.u32 s11, $0x1FC0;
	v8 =	vld [tilespmem:s2+$0xB090]  }
0x481: {  	s28 =	smov.u32 s24;
	v15 =	vsel vm1, v19, v15;
	v24 =	vld [tilespmem:s12+$0xB080];
	s14 =	sor.u32 s26, s14;
	s12 =	smul.f32 $1.953125000e-03, s1  }
0x482: {  	vm2 =	vgt.s32 v11, $0xFFFFFFFF;
	s24 =	smov.u32 s2;
	s1 =	scvt.s32.f32 s14;
	v19 =	vld [tilespmem:s2+$0xB0A0]  }
0x483: {  	vm3 =	vgt.s32 v12, $0xFFFFFFFF;
	v17 =	vsel vm2, v17, v14;
	v25 =	vld [tilespmem:s24+$0xB0B0];
	v11 =	vnsel vm2, s12, v22  }
0x484: {  	v16 =	vsel vm2, $0x0, v7;
	v26 =	vsel vm3, $0x0, v7;
	[tilespmem:s28+$0x17080] =	vst v11;
	v22 =	vld.idx.msk [tilespmem:v10+s7+$0x0], $0xffff;
	v10 =	vsel vm3, v21, v13  }
0x485: {  	s2 =	sadd.s32 $0x60, s5;
	v14 =	vnsel vm3, s12, v20;
	vm3 =	vgt.s32 v9, $0xFFFFFFFF;
	vm2 =	vgt.s32 v8, $0x0;
	[tilespmem:s28+$0x150A0] =	vst v10;
	v21 =	vld.idx.msk [tilespmem:v18+s6+$0x0], $0xffff  }
0x486: {  	s2 =	sand.u32 $0x1E0, s2;
	vm4 =	vgt.s32 v24, $0x0;
	v10 =	vnsel vm2, $0x0, v8;
	[tilespmem:s28+$0x170A0] =	vst v14;
	v27 =	vld.idx.msk [tilespmem:v18+s7+$0x0], $0xffff;
	v18 =	vsel vm3, $0x0, v7;
	v11 =	vmovc v24  }
0x487: {  	s18 =	sadd.s32 $0x50, s5;
	s14 =	sand.u32 $0x1C0, s11;
	v24 =	vnsel vm4, $0x0, v11;
	vm4 =	vgt.s32 v19, $0x0;
	v13 =	vld [tilespmem:s2+$0x1F080];
	[tilespmem:s28+$0x130B0] =	vst v18;
	v12 =	vmov v19  }
0x488: {  	s5 =	sadd.s32 $0x70, s5;
	s2 =	sand.u32 $0x1D0, s18;
	v14 =	vld [tilespmem:s14+$0x1F080];
	vm2 =	vgt.s32 v25, $0x0;
	[tilespmem:s28+$0x15090] =	vst v15;
	v9 =	vmov v25  }
0x489: {  	v20 =	vnsel vm4, $0x0, v12;
	v15 =	vld [tilespmem:s2+$0x1F080];
	s2 =	sand.u32 $0x1F0, s5;
	[tilespmem:s28+$0x15080] =	vst v17;
	v17 =	vsel vm1, $0x0, v7  }
.Ltmp18:
0x48a: {  	v18 =	vld [tilespmem:s2+$0x1F080];
	[tilespmem:s28+$0x13090] =	vst v17;
	v17 =	vnsel vm1, s12, v22;
	(pc) =	sbr.rel @p0 .LBB2_38-.Ltmp18, $4  }
0x48b: {  	v21 =	vsel vm3, v21, v23;
	v19 =	vld.idx.msk [tilespmem:v10+s6+$0x0], $0xffff;
	[tilespmem:s28+$0x17090] =	vst v17  }
0x48c: {  	v17 =	vld.idx.msk [tilespmem:v24+s6+$0x0], $0xffff;
	[tilespmem:s28+$0x150B0] =	vst v21;
	v21 =	vnsel vm3, s12, v27  }
0x48d: {  	v22 =	vld.idx.msk [tilespmem:v24+s7+$0x0], $0xffff;
	[tilespmem:s28+$0x170B0] =	vst v21  }
0x48e: {  	s3 =	sadd.s32 $0x100, s3;
	v21 =	vld.idx.msk [tilespmem:v20+s6+$0x0], $0xffff;
	[tilespmem:s28+$0x130A0] =	vst v26  }
0x48f: {  	_ =	sdelay $0x3  }
0x490: {  	v20 =	vld.idx.msk [tilespmem:v20+s7+$0x0], $0xffff;
	v23 =	vnsel vm2, $0x0, v9  }
0x491: {  	s1 =	smul.f32 $1.953125000e-03, s1;
	v10 =	vld.idx.msk [tilespmem:v10+s7+$0x0], $0xffff;
	vm4 =	vgt.s32 v8, $0xFFFFFFFF  }
0x492: {  	vm1 =	vgt.s32 v11, $0xFFFFFFFF;
	[tilespmem:s28+$0x13080] =	vst v16;
	vm2 =	vgt.s32 v12, $0xFFFFFFFF;
	v12 =	vsel vm4, v19, v15  }
0x493: {  	[tilespmem:s24+$0x15090] =	vst v12;
	v11 =	vnsel vm1, s1, v22  }
0x494: {  	[tilespmem:s24+$0x17080] =	vst v11;
	v11 =	vsel vm2, v21, v13  }
0x495: {  	vm3 =	vgt.s32 v9, $0xFFFFFFFF;
	[tilespmem:s24+$0x150A0] =	vst v11;
	v11 =	vnsel vm2, s1, v20;
	v9 =	vld.idx.msk [tilespmem:v23+s6+$0x0], $0xffff  }
0x496: {  	v8 =	vld.idx.msk [tilespmem:v23+s7+$0x0], $0xffff;
	v10 =	vnsel vm4, s1, v10;
	[tilespmem:s24+$0x170A0] =	vst v11  }
0x497: {  	v11 =	vsel vm3, $0x0, v7;
	[tilespmem:s24+$0x17090] =	vst v10  }
0x498: {  	[tilespmem:s24+$0x130B0] =	vst v11;
	v11 =	vsel vm1, v17, v14  }
0x499: {  	[tilespmem:s24+$0x15080] =	vst v11;
	v11 =	vsel vm4, $0x0, v7  }
0x49a: {  	[tilespmem:s24+$0x13090] =	vst v11;
	v9 =	vsel vm3, v9, v18  }
0x49b: {  	v8 =	vnsel vm3, s1, v8;
	[tilespmem:s24+$0x150B0] =	vst v9  }
0x49c: {  	v9 =	vsel vm2, $0x0, v7;
	[tilespmem:s24+$0x170B0] =	vst v8  }
0x49d: {  	v8 =	vsel vm1, $0x0, v7;
	[tilespmem:s24+$0x130A0] =	vst v9  }
0x49e: {  	[tilespmem:s24+$0x13080] =	vst v8  }
0x49f: {  	s2 =	sld [smem:$0x7F1];
	_ =	sdelay $0x1  }
0x4a0: {  	s5 =	simm.s32 $0x0  }
0x4a1: {  	[hbm4b:s2+s5] =	stream.linear.scatter [tilespmem:s22], [sflag:$0x1], $0x2000, $0x38;
	[tilespmem:$0x1F280] =	vst v63  }
0x4a2: {  	_ =	swait.ge [sflag:s19], $0x2000  }
0x4a3: {  	s9 =	sld [smem:$0x7F2]  }
0x4a4: {  	[sflag:s19] =	ssyncset.done $0x0  }
0x4a5: {  	[sflag:s19] =	ssyncadd.s32 $0xFFFFE000  }
0x4a6: {  	[hbm4b:s9+s5] =	stream.linear.scatter [tilespmem:s29], [sflag:$0x1], $0x2000, $0x38;
	[tilespmem:$0x1F280] =	vst v63  }
0x4a7: {  	_ =	swait.ge [sflag:s19], $0x2000  }
0x4a8: {  	s11 =	sld [smem:$0x7F3]  }
0x4a9: {  	[sflag:s19] =	ssyncset.done $0x0  }
0x4aa: {  	s3 =	simm.s32 $0x17080;
	[sflag:s19] =	ssyncadd.s32 $0xFFFFE000  }
0x4ab: {  	[hbm4b:s11+s5] =	stream.linear.scatter [tilespmem:s3], [sflag:$0x1], $0x2000, $0x38;
	[tilespmem:$0x1F280] =	vst v63  }
0x4ac: {  	_ =	swait.ge [sflag:s19], $0x2000  }
0x4ad: {  	[sflag:s19] =	ssyncset.done $0x0  }
0x4ae: {  	s12 =	simm.s32 $0x0;
	s28 =	simm.s32 $0x0;
	[sflag:s19] =	ssyncadd.s32 $0xFFFFE000  }
0x4af: {  	s14 =	sand.u32 $0x1FC0, s12;
	v10 =	vld [tilespmem:s28+$0xD090]  }
0x4b0: {  	v9 =	vld [tilespmem:s14+$0xD080];
	_ =	sdelay $0x1  }
0x4b1: {  	v13 =	vld [tilespmem:s28+$0xD0A0]  }
0x4b2: {  	s18 =	simm.s32 $0x20  }
0x4b3: {  	s2 =	sand.u32 $0x1E0, s18;
	v14 =	vld [tilespmem:s28+$0xD0B0];
	vm1 =	vgt.s32 v10, $0x0  }
0x4b4: {  	s1 =	sand.u32 $0x1C0, s12;
	s24 =	simm.s32 $0x10;
	v16 =	vld [tilespmem:s2+$0x1F080];
	vm2 =	vgt.s32 v9, $0x0;
	v15 =	vnsel vm1, $0x0, v10  }
0x4b5: {  	s3 =	sand.u32 $0x1D0, s24;
	s5 =	simm.s32 $0x30;
	v17 =	vld [tilespmem:s1+$0x1F080];
	v8 =	vnsel vm2, $0x0, v9  }
0x4b6: {  	s9 =	sand.u32 $0x1F0, s5;
	v18 =	vld [tilespmem:s3+$0x1F080];
	vm1 =	vgt.s32 v13, $0x0  }
0x4b7: {  	s24 =	simm.s32 $0x40;
	v21 =	vld [tilespmem:s9+$0x1F080];
	v11 =	vnsel vm1, $0x0, v13  }
0x4b8: {  	v12 =	vld [tilespmem:s24+$0xD0A0]  }
0x4b9: {  	s11 =	simm.s32 $0x0;
	v19 =	vld.idx.msk [tilespmem:v15+s6+$0x0], $0xffff  }
0x4ba: {  	s1 =	sor.u32 s0, s11;
	v22 =	vld.idx.msk [tilespmem:v8+s7+$0x0], $0xffff  }
0x4bb: {  	s1 =	scvt.s32.f32 s1;
	vm1 =	vgt.s32 v14, $0x0;
	v20 =	vld.idx.msk [tilespmem:v8+s6+$0x0], $0xffff  }
0x4bc: {  	v25 =	vnsel vm1, $0x0, v14;
	v23 =	vld.idx.msk [tilespmem:v11+s6+$0x0], $0xffff  }
0x4bd: {  	s11 =	simm.s32 $0x40;
	s1 =	smul.f32 $1.953125000e-03, s1;
	v8 =	vld [tilespmem:s24+$0xD090]  }
0x4be: {  	s12 =	sand.u32 $0x1FC0, s11;
	vm1 =	vgt.s32 v9, $0xFFFFFFFF;
	v24 =	vld.idx.msk [tilespmem:v11+s7+$0x0], $0xffff  }
0x4bf: {  	v11 =	vld [tilespmem:s12+$0xD080];
	v22 =	vnsel vm1, s1, v22  }
0x4c0: {  	vm13 =	vgt.s32 v14, $0xFFFFFFFF;
	vm2 =	vgt.s32 v13, $0xFFFFFFFF;
	[tilespmem:s28+$0x1D080] =	vst v22;
	v22 =	vld.idx.msk [tilespmem:v15+s7+$0x0], $0xffff  }
0x4c1: {  	vm3 =	vgt.s32 v10, $0xFFFFFFFF;
	v14 =	vsel vm13, $0x0, v7;
	v10 =	vsel vm2, v23, v16;
	v16 =	vld.idx.msk [tilespmem:v25+s6+$0x0], $0xffff  }
0x4c2: {  	vm15 =	vgt.s32 v12, $0x0;
	v17 =	vsel vm1, v20, v17;
	v23 =	vld.idx.msk [tilespmem:v25+s7+$0x0], $0xffff;
	[tilespmem:s28+$0x190B0] =	vst v14  }
0x4c3: {  	s9 =	simm.s32 $0x70;
	s18 =	sand.u32 $0x1C0, s11;
	v9 =	vld [tilespmem:s24+$0xD0B0];
	vm5 =	vgt.s32 v8, $0x0;
	v20 =	vnsel vm15, $0x0, v12;
	[tilespmem:s28+$0x1B080] =	vst v17  }
0x4c4: {  	s14 =	simm.s32 $0x60;
	s12 =	sand.u32 $0x1F0, s9;
	v13 =	vnsel vm2, s1, v24;
	vm14 =	vgt.s32 v11, $0x0;
	v14 =	vld [tilespmem:s18+$0x1F080];
	[tilespmem:s28+$0x1B0A0] =	vst v10;
	v10 =	vnsel vm5, $0x0, v8  }
0x4c5: {  	s5 =	simm.s32 $0x50;
	s2 =	sand.u32 $0x1E0, s14;
	v15 =	vsel vm3, v19, v18;
	v18 =	vld [tilespmem:s12+$0x1F080];
	[tilespmem:s28+$0x1D0A0] =	vst v13;
	v63 =	vnsel vm14, $0x0, v11  }
0x4c6: {  	s5 =	sand.u32 $0x1D0, s5;
	v17 =	vsel vm3, $0x0, v7;
	v13 =	vld [tilespmem:s2+$0x1F080];
	[tilespmem:s28+$0x1B090] =	vst v15  }
0x4c7: {  	v15 =	vld [tilespmem:s5+$0x1F080];
	[tilespmem:s28+$0x19090] =	vst v17;
	v17 =	vnsel vm3, s1, v22  }
0x4c8: {  	v16 =	vsel vm13, v16, v21;
	v21 =	vld.idx.msk [tilespmem:v20+s6+$0x0], $0xffff;
	[tilespmem:s28+$0x1D090] =	vst v17  }
0x4c9: {  	s14 =	simm.s32 $0x0;
	v19 =	vld.idx.msk [tilespmem:v10+s6+$0x0], $0xffff;
	[tilespmem:s28+$0x1B0B0] =	vst v16;
	v16 =	vnsel vm13, s1, v23  }
0x4ca: {  	s18 =	sor.u32 s0, s14;
	v17 =	vld.idx.msk [tilespmem:v63+s6+$0x0], $0xffff;
	v23 =	vsel vm2, $0x0, v7;
	[tilespmem:s28+$0x1D0B0] =	vst v16  }
0x4cb: {  	s3 =	simm.s32 $0x200;
	v22 =	vld.idx.msk [tilespmem:v63+s7+$0x0], $0xffff;
	s1 =	scvt.s32.f32 s18;
	vm2 =	vgt.s32 v9, $0x0;
	v16 =	vsel vm1, $0x0, v7;
	[tilespmem:s28+$0x190A0] =	vst v23  }
.LBB2_40:
0x4cc: {  	s2 =	sshra.s32 s3, $0x2;
	v20 =	vld.idx.msk [tilespmem:v20+s7+$0x0], $0xffff;
	[tilespmem:s28+$0x19080] =	vst v16;
	v23 =	vmov v18;
	s5 =	smov.u32 s11;
	s11 =	sadd.s32 $0x40, s11  }
0x4cd: {  	vm1 =	vgt.s32 v8, $0xFFFFFFFF;
	v18 =	vnsel vm2, $0x0, v9;
	s12 =	sand.u32 $0x1FC0, s11;
	s14 =	sshrl.u32 s11, $0x9;
	p0 =	slt.u32 s11, $0x1FC0;
	v8 =	vld [tilespmem:s2+$0xD090]  }
0x4ce: {  	s28 =	smov.u32 s24;
	v15 =	vsel vm1, v19, v15;
	v24 =	vld [tilespmem:s12+$0xD080];
	s14 =	sor.u32 s0, s14;
	s12 =	smul.f32 $1.953125000e-03, s1  }
0x4cf: {  	vm2 =	vgt.s32 v11, $0xFFFFFFFF;
	s24 =	smov.u32 s2;
	s1 =	scvt.s32.f32 s14;
	v19 =	vld [tilespmem:s2+$0xD0A0]  }
0x4d0: {  	vm3 =	vgt.s32 v12, $0xFFFFFFFF;
	v17 =	vsel vm2, v17, v14;
	v25 =	vld [tilespmem:s24+$0xD0B0];
	v11 =	vnsel vm2, s12, v22  }
0x4d1: {  	v16 =	vsel vm2, $0x0, v7;
	v26 =	vsel vm3, $0x0, v7;
	[tilespmem:s28+$0x1D080] =	vst v11;
	v22 =	vld.idx.msk [tilespmem:v10+s7+$0x0], $0xffff;
	v10 =	vsel vm3, v21, v13  }
0x4d2: {  	s2 =	sadd.s32 $0x60, s5;
	v14 =	vnsel vm3, s12, v20;
	vm3 =	vgt.s32 v9, $0xFFFFFFFF;
	vm2 =	vgt.s32 v8, $0x0;
	[tilespmem:s28+$0x1B0A0] =	vst v10;
	v21 =	vld.idx.msk [tilespmem:v18+s6+$0x0], $0xffff  }
0x4d3: {  	s2 =	sand.u32 $0x1E0, s2;
	vm4 =	vgt.s32 v24, $0x0;
	v10 =	vnsel vm2, $0x0, v8;
	[tilespmem:s28+$0x1D0A0] =	vst v14;
	v27 =	vld.idx.msk [tilespmem:v18+s7+$0x0], $0xffff;
	v18 =	vsel vm3, $0x0, v7;
	v11 =	vmovc v24  }
0x4d4: {  	s18 =	sadd.s32 $0x50, s5;
	s14 =	sand.u32 $0x1C0, s11;
	v24 =	vnsel vm4, $0x0, v11;
	vm4 =	vgt.s32 v19, $0x0;
	v13 =	vld [tilespmem:s2+$0x1F080];
	[tilespmem:s28+$0x190B0] =	vst v18;
	v12 =	vmov v19  }
0x4d5: {  	s5 =	sadd.s32 $0x70, s5;
	s2 =	sand.u32 $0x1D0, s18;
	v14 =	vld [tilespmem:s14+$0x1F080];
	vm2 =	vgt.s32 v25, $0x0;
	[tilespmem:s28+$0x1B090] =	vst v15;
	v9 =	vmov v25  }
0x4d6: {  	v20 =	vnsel vm4, $0x0, v12;
	v15 =	vld [tilespmem:s2+$0x1F080];
	s2 =	sand.u32 $0x1F0, s5;
	[tilespmem:s28+$0x1B080] =	vst v17;
	v17 =	vsel vm1, $0x0, v7  }
.Ltmp19:
0x4d7: {  	v18 =	vld [tilespmem:s2+$0x1F080];
	[tilespmem:s28+$0x19090] =	vst v17;
	v17 =	vnsel vm1, s12, v22;
	(pc) =	sbr.rel @p0 .LBB2_40-.Ltmp19, $4  }
0x4d8: {  	v21 =	vsel vm3, v21, v23;
	v19 =	vld.idx.msk [tilespmem:v10+s6+$0x0], $0xffff;
	[tilespmem:s28+$0x1D090] =	vst v17  }
0x4d9: {  	v17 =	vld.idx.msk [tilespmem:v24+s6+$0x0], $0xffff;
	[tilespmem:s28+$0x1B0B0] =	vst v21;
	v21 =	vnsel vm3, s12, v27  }
0x4da: {  	v22 =	vld.idx.msk [tilespmem:v24+s7+$0x0], $0xffff;
	[tilespmem:s28+$0x1D0B0] =	vst v21  }
0x4db: {  	s3 =	sadd.s32 $0x100, s3;
	v21 =	vld.idx.msk [tilespmem:v20+s6+$0x0], $0xffff;
	[tilespmem:s28+$0x190A0] =	vst v26  }
0x4dc: {  	_ =	sdelay $0x3  }
0x4dd: {  	v20 =	vld.idx.msk [tilespmem:v20+s7+$0x0], $0xffff;
	v23 =	vnsel vm2, $0x0, v9  }
0x4de: {  	s1 =	smul.f32 $1.953125000e-03, s1;
	v10 =	vld.idx.msk [tilespmem:v10+s7+$0x0], $0xffff;
	vm4 =	vgt.s32 v8, $0xFFFFFFFF  }
0x4df: {  	vm1 =	vgt.s32 v11, $0xFFFFFFFF;
	[tilespmem:s28+$0x19080] =	vst v16;
	vm2 =	vgt.s32 v12, $0xFFFFFFFF;
	v12 =	vsel vm4, v19, v15  }
0x4e0: {  	[tilespmem:s24+$0x1B090] =	vst v12;
	v11 =	vnsel vm1, s1, v22  }
0x4e1: {  	[tilespmem:s24+$0x1D080] =	vst v11;
	v11 =	vsel vm2, v21, v13  }
0x4e2: {  	vm3 =	vgt.s32 v9, $0xFFFFFFFF;
	[tilespmem:s24+$0x1B0A0] =	vst v11;
	v11 =	vnsel vm2, s1, v20;
	v9 =	vld.idx.msk [tilespmem:v23+s6+$0x0], $0xffff  }
0x4e3: {  	v8 =	vld.idx.msk [tilespmem:v23+s7+$0x0], $0xffff;
	v10 =	vnsel vm4, s1, v10;
	[tilespmem:s24+$0x1D0A0] =	vst v11  }
0x4e4: {  	v11 =	vsel vm3, $0x0, v7;
	[tilespmem:s24+$0x1D090] =	vst v10  }
0x4e5: {  	[tilespmem:s24+$0x190B0] =	vst v11;
	v11 =	vsel vm1, v17, v14  }
0x4e6: {  	[tilespmem:s24+$0x1B080] =	vst v11;
	v11 =	vsel vm4, $0x0, v7  }
0x4e7: {  	[tilespmem:s24+$0x19090] =	vst v11;
	v9 =	vsel vm3, v9, v18  }
0x4e8: {  	v8 =	vnsel vm3, s1, v8;
	[tilespmem:s24+$0x1B0B0] =	vst v9  }
0x4e9: {  	v9 =	vsel vm2, $0x0, v7;
	[tilespmem:s24+$0x1D0B0] =	vst v8  }
0x4ea: {  	v8 =	vsel vm1, $0x0, v7;
	[tilespmem:s24+$0x190A0] =	vst v9  }
0x4eb: {  	[tilespmem:s24+$0x19080] =	vst v8  }
0x4ec: {  	s2 =	sld [smem:$0x7F4];
	_ =	sdelay $0x1  }
0x4ed: {  	s3 =	simm.s32 $0x19080;
	s24 =	simm.s32 $0x0  }
0x4ee: {  	[hbm4b:s2+s24] =	stream.linear.scatter [tilespmem:s3], [sflag:$0x1], $0x2000, $0x38;
	[tilespmem:$0x1F280] =	vst v63  }
0x4ef: {  	_ =	swait.ge [sflag:s19], $0x2000  }
0x4f0: {  	s3 =	sld [smem:$0x7F5]  }
0x4f1: {  	[sflag:s19] =	ssyncset.done $0x0  }
0x4f2: {  	s5 =	simm.s32 $0x1B080;
	[sflag:s19] =	ssyncadd.s32 $0xFFFFE000  }
0x4f3: {  	[hbm4b:s3+s24] =	stream.linear.scatter [tilespmem:s5], [sflag:$0x1], $0x2000, $0x38;
	[tilespmem:$0x1F280] =	vst v63  }
0x4f4: {  	_ =	swait.ge [sflag:s19], $0x2000  }
0x4f5: {  	s9 =	sld [smem:$0x7F6]  }
0x4f6: {  	[sflag:s19] =	ssyncset.done $0x0  }
0x4f7: {  	s11 =	simm.s32 $0x1D080;
	[sflag:s19] =	ssyncadd.s32 $0xFFFFE000  }
0x4f8: {  	[hbm4b:s9+s24] =	stream.linear.scatter [tilespmem:s11], [sflag:$0x1], $0x2000, $0x38;
	[tilespmem:$0x1F280] =	vst v63  }
0x4f9: {  	_ =	swait.ge [sflag:s19], $0x2000  }
0x4fa: {  	[sflag:s19] =	ssyncset.done $0x0  }
0x4fb: {  	s12 =	simm.s32 $0x0;
	s28 =	simm.s32 $0x0;
	[sflag:s19] =	ssyncadd.s32 $0xFFFFE000  }
0x4fc: {  	s14 =	sand.u32 $0x1FC0, s12;
	v10 =	vld [tilespmem:s28+$0xF090]  }
0x4fd: {  	v9 =	vld [tilespmem:s14+$0xF080];
	_ =	sdelay $0x1  }
0x4fe: {  	v13 =	vld [tilespmem:s28+$0xF0A0]  }
0x4ff: {  	s18 =	simm.s32 $0x20  }
0x500: {  	s2 =	sand.u32 $0x1E0, s18;
	v14 =	vld [tilespmem:s28+$0xF0B0];
	vm1 =	vgt.s32 v10, $0x0  }
0x501: {  	s1 =	sand.u32 $0x1C0, s12;
	s24 =	simm.s32 $0x10;
	v16 =	vld [tilespmem:s2+$0x1F080];
	vm2 =	vgt.s32 v9, $0x0;
	v15 =	vnsel vm1, $0x0, v10  }
0x502: {  	s5 =	simm.s32 $0x30;
	s3 =	sand.u32 $0x1D0, s24;
	v17 =	vld [tilespmem:s1+$0x1F080];
	v8 =	vnsel vm2, $0x0, v9  }
0x503: {  	s9 =	sand.u32 $0x1F0, s5;
	v18 =	vld [tilespmem:s3+$0x1F080];
	vm1 =	vgt.s32 v13, $0x0  }
0x504: {  	s24 =	simm.s32 $0x40;
	v21 =	vld [tilespmem:s9+$0x1F080];
	v11 =	vnsel vm1, $0x0, v13  }
0x505: {  	v12 =	vld [tilespmem:s24+$0xF0A0]  }
0x506: {  	s11 =	simm.s32 $0x0;
	v19 =	vld.idx.msk [tilespmem:v15+s6+$0x0], $0xffff  }
0x507: {  	s1 =	sor.u32 s8, s11;
	v22 =	vld.idx.msk [tilespmem:v8+s7+$0x0], $0xffff  }
0x508: {  	s1 =	scvt.s32.f32 s1;
	vm1 =	vgt.s32 v14, $0x0;
	v20 =	vld.idx.msk [tilespmem:v8+s6+$0x0], $0xffff  }
0x509: {  	v25 =	vnsel vm1, $0x0, v14;
	v23 =	vld.idx.msk [tilespmem:v11+s6+$0x0], $0xffff  }
0x50a: {  	s11 =	simm.s32 $0x40;
	s1 =	smul.f32 $1.953125000e-03, s1;
	v8 =	vld [tilespmem:s24+$0xF090]  }
0x50b: {  	s12 =	sand.u32 $0x1FC0, s11;
	vm1 =	vgt.s32 v9, $0xFFFFFFFF;
	v24 =	vld.idx.msk [tilespmem:v11+s7+$0x0], $0xffff  }
0x50c: {  	v11 =	vld [tilespmem:s12+$0xF080];
	v22 =	vnsel vm1, s1, v22  }
0x50d: {  	vm13 =	vgt.s32 v14, $0xFFFFFFFF;
	vm2 =	vgt.s32 v13, $0xFFFFFFFF;
	[tilespmem:s28+$0x17080] =	vst v22;
	v22 =	vld.idx.msk [tilespmem:v15+s7+$0x0], $0xffff  }
0x50e: {  	vm3 =	vgt.s32 v10, $0xFFFFFFFF;
	v14 =	vsel vm13, $0x0, v7;
	v10 =	vsel vm2, v23, v16;
	v16 =	vld.idx.msk [tilespmem:v25+s6+$0x0], $0xffff  }
0x50f: {  	vm15 =	vgt.s32 v12, $0x0;
	v17 =	vsel vm1, v20, v17;
	v23 =	vld.idx.msk [tilespmem:v25+s7+$0x0], $0xffff;
	[tilespmem:s28+$0x130B0] =	vst v14  }
0x510: {  	s9 =	simm.s32 $0x70;
	s18 =	sand.u32 $0x1C0, s11;
	v9 =	vld [tilespmem:s24+$0xF0B0];
	vm5 =	vgt.s32 v8, $0x0;
	v20 =	vnsel vm15, $0x0, v12;
	[tilespmem:s28+$0x15080] =	vst v17  }
0x511: {  	s14 =	simm.s32 $0x60;
	s12 =	sand.u32 $0x1F0, s9;
	v13 =	vnsel vm2, s1, v24;
	vm14 =	vgt.s32 v11, $0x0;
	v14 =	vld [tilespmem:s18+$0x1F080];
	[tilespmem:s28+$0x150A0] =	vst v10;
	v10 =	vnsel vm5, $0x0, v8  }
0x512: {  	s5 =	simm.s32 $0x50;
	s2 =	sand.u32 $0x1E0, s14;
	v15 =	vsel vm3, v19, v18;
	v18 =	vld [tilespmem:s12+$0x1F080];
	[tilespmem:s28+$0x170A0] =	vst v13;
	v63 =	vnsel vm14, $0x0, v11  }
0x513: {  	s5 =	sand.u32 $0x1D0, s5;
	v17 =	vsel vm3, $0x0, v7;
	v13 =	vld [tilespmem:s2+$0x1F080];
	[tilespmem:s28+$0x15090] =	vst v15  }
0x514: {  	v15 =	vld [tilespmem:s5+$0x1F080];
	[tilespmem:s28+$0x13090] =	vst v17;
	v17 =	vnsel vm3, s1, v22  }
0x515: {  	v16 =	vsel vm13, v16, v21;
	v21 =	vld.idx.msk [tilespmem:v20+s6+$0x0], $0xffff;
	[tilespmem:s28+$0x17090] =	vst v17  }
0x516: {  	s14 =	simm.s32 $0x0;
	v19 =	vld.idx.msk [tilespmem:v10+s6+$0x0], $0xffff;
	[tilespmem:s28+$0x150B0] =	vst v16;
	v16 =	vnsel vm13, s1, v23  }
0x517: {  	s18 =	sor.u32 s8, s14;
	v17 =	vld.idx.msk [tilespmem:v63+s6+$0x0], $0xffff;
	v23 =	vsel vm2, $0x0, v7;
	[tilespmem:s28+$0x170B0] =	vst v16  }
0x518: {  	s3 =	simm.s32 $0x200;
	v22 =	vld.idx.msk [tilespmem:v63+s7+$0x0], $0xffff;
	s1 =	scvt.s32.f32 s18;
	vm2 =	vgt.s32 v9, $0x0;
	v16 =	vsel vm1, $0x0, v7;
	[tilespmem:s28+$0x130A0] =	vst v23  }
.LBB2_42:
0x519: {  	s2 =	sshra.s32 s3, $0x2;
	v20 =	vld.idx.msk [tilespmem:v20+s7+$0x0], $0xffff;
	[tilespmem:s28+$0x13080] =	vst v16;
	v23 =	vmov v18;
	s5 =	smov.u32 s11;
	s11 =	sadd.s32 $0x40, s11  }
0x51a: {  	vm1 =	vgt.s32 v8, $0xFFFFFFFF;
	v18 =	vnsel vm2, $0x0, v9;
	s12 =	sand.u32 $0x1FC0, s11;
	s14 =	sshrl.u32 s11, $0x9;
	p0 =	slt.u32 s11, $0x1FC0;
	v8 =	vld [tilespmem:s2+$0xF090]  }
0x51b: {  	s28 =	smov.u32 s24;
	v15 =	vsel vm1, v19, v15;
	v24 =	vld [tilespmem:s12+$0xF080];
	s14 =	sor.u32 s8, s14;
	s12 =	smul.f32 $1.953125000e-03, s1  }
0x51c: {  	vm2 =	vgt.s32 v11, $0xFFFFFFFF;
	s24 =	smov.u32 s2;
	s1 =	scvt.s32.f32 s14;
	v19 =	vld [tilespmem:s2+$0xF0A0]  }
0x51d: {  	vm3 =	vgt.s32 v12, $0xFFFFFFFF;
	v17 =	vsel vm2, v17, v14;
	v25 =	vld [tilespmem:s24+$0xF0B0];
	v11 =	vnsel vm2, s12, v22  }
0x51e: {  	v16 =	vsel vm2, $0x0, v7;
	v26 =	vsel vm3, $0x0, v7;
	[tilespmem:s28+$0x17080] =	vst v11;
	v22 =	vld.idx.msk [tilespmem:v10+s7+$0x0], $0xffff;
	v10 =	vsel vm3, v21, v13  }
0x51f: {  	s2 =	sadd.s32 $0x60, s5;
	v14 =	vnsel vm3, s12, v20;
	vm3 =	vgt.s32 v9, $0xFFFFFFFF;
	vm2 =	vgt.s32 v8, $0x0;
	[tilespmem:s28+$0x150A0] =	vst v10;
	v21 =	vld.idx.msk [tilespmem:v18+s6+$0x0], $0xffff  }
0x520: {  	s2 =	sand.u32 $0x1E0, s2;
	vm4 =	vgt.s32 v24, $0x0;
	v10 =	vnsel vm2, $0x0, v8;
	[tilespmem:s28+$0x170A0] =	vst v14;
	v27 =	vld.idx.msk [tilespmem:v18+s7+$0x0], $0xffff;
	v18 =	vsel vm3, $0x0, v7;
	v11 =	vmovc v24  }
0x521: {  	s18 =	sadd.s32 $0x50, s5;
	s14 =	sand.u32 $0x1C0, s11;
	v24 =	vnsel vm4, $0x0, v11;
	vm4 =	vgt.s32 v19, $0x0;
	v13 =	vld [tilespmem:s2+$0x1F080];
	[tilespmem:s28+$0x130B0] =	vst v18;
	v12 =	vmov v19  }
0x522: {  	s5 =	sadd.s32 $0x70, s5;
	s2 =	sand.u32 $0x1D0, s18;
	v14 =	vld [tilespmem:s14+$0x1F080];
	vm2 =	vgt.s32 v25, $0x0;
	[tilespmem:s28+$0x15090] =	vst v15;
	v9 =	vmov v25  }
0x523: {  	v20 =	vnsel vm4, $0x0, v12;
	v15 =	vld [tilespmem:s2+$0x1F080];
	s2 =	sand.u32 $0x1F0, s5;
	[tilespmem:s28+$0x15080] =	vst v17;
	v17 =	vsel vm1, $0x0, v7  }
.Ltmp20:
0x524: {  	v18 =	vld [tilespmem:s2+$0x1F080];
	[tilespmem:s28+$0x13090] =	vst v17;
	v17 =	vnsel vm1, s12, v22;
	(pc) =	sbr.rel @p0 .LBB2_42-.Ltmp20, $4  }
0x525: {  	v21 =	vsel vm3, v21, v23;
	v19 =	vld.idx.msk [tilespmem:v10+s6+$0x0], $0xffff;
	[tilespmem:s28+$0x17090] =	vst v17  }
0x526: {  	v17 =	vld.idx.msk [tilespmem:v24+s6+$0x0], $0xffff;
	[tilespmem:s28+$0x150B0] =	vst v21;
	v21 =	vnsel vm3, s12, v27  }
0x527: {  	v22 =	vld.idx.msk [tilespmem:v24+s7+$0x0], $0xffff;
	[tilespmem:s28+$0x170B0] =	vst v21  }
0x528: {  	s3 =	sadd.s32 $0x100, s3;
	v21 =	vld.idx.msk [tilespmem:v20+s6+$0x0], $0xffff;
	[tilespmem:s28+$0x130A0] =	vst v26  }
0x529: {  	_ =	sdelay $0x3  }
0x52a: {  	v20 =	vld.idx.msk [tilespmem:v20+s7+$0x0], $0xffff;
	v23 =	vnsel vm2, $0x0, v9  }
0x52b: {  	s1 =	smul.f32 $1.953125000e-03, s1;
	v10 =	vld.idx.msk [tilespmem:v10+s7+$0x0], $0xffff;
	vm4 =	vgt.s32 v8, $0xFFFFFFFF  }
0x52c: {  	vm1 =	vgt.s32 v11, $0xFFFFFFFF;
	[tilespmem:s28+$0x13080] =	vst v16;
	vm2 =	vgt.s32 v12, $0xFFFFFFFF;
	v12 =	vsel vm4, v19, v15  }
0x52d: {  	[tilespmem:s24+$0x15090] =	vst v12;
	v11 =	vnsel vm1, s1, v22  }
0x52e: {  	[tilespmem:s24+$0x17080] =	vst v11;
	v11 =	vsel vm2, v21, v13  }
0x52f: {  	vm3 =	vgt.s32 v9, $0xFFFFFFFF;
	[tilespmem:s24+$0x150A0] =	vst v11;
	v11 =	vnsel vm2, s1, v20;
	v9 =	vld.idx.msk [tilespmem:v23+s6+$0x0], $0xffff  }
0x530: {  	v8 =	vld.idx.msk [tilespmem:v23+s7+$0x0], $0xffff;
	v10 =	vnsel vm4, s1, v10;
	[tilespmem:s24+$0x170A0] =	vst v11  }
0x531: {  	v11 =	vsel vm3, $0x0, v7;
	[tilespmem:s24+$0x17090] =	vst v10  }
0x532: {  	[tilespmem:s24+$0x130B0] =	vst v11;
	v11 =	vsel vm1, v17, v14  }
0x533: {  	[tilespmem:s24+$0x15080] =	vst v11;
	v11 =	vsel vm4, $0x0, v7  }
0x534: {  	[tilespmem:s24+$0x13090] =	vst v11;
	v9 =	vsel vm3, v9, v18  }
0x535: {  	v8 =	vnsel vm3, s1, v8;
	[tilespmem:s24+$0x150B0] =	vst v9  }
0x536: {  	v9 =	vsel vm2, $0x0, v7;
	[tilespmem:s24+$0x170B0] =	vst v8  }
0x537: {  	v8 =	vsel vm1, $0x0, v7;
	[tilespmem:s24+$0x130A0] =	vst v9  }
0x538: {  	[tilespmem:s24+$0x13080] =	vst v8  }
0x539: {  	s2 =	sld [smem:$0x7F7];
	_ =	sdelay $0x1  }
0x53a: {  	s24 =	simm.s32 $0x0  }
0x53b: {  	[hbm4b:s2+s24] =	stream.linear.scatter [tilespmem:s22], [sflag:$0x1], $0x2000, $0x38;
	[tilespmem:$0x1F280] =	vst v63  }
0x53c: {  	_ =	swait.ge [sflag:s19], $0x2000  }
0x53d: {  	s5 =	sld [smem:$0x7F8]  }
0x53e: {  	[sflag:s19] =	ssyncset.done $0x0  }
0x53f: {  	[sflag:s19] =	ssyncadd.s32 $0xFFFFE000  }
0x540: {  	[hbm4b:s5+s24] =	stream.linear.scatter [tilespmem:s29], [sflag:$0x1], $0x2000, $0x38;
	[tilespmem:$0x1F280] =	vst v63  }
0x541: {  	_ =	swait.ge [sflag:s19], $0x2000  }
0x542: {  	s9 =	sld [smem:$0x7F9]  }
0x543: {  	[sflag:s19] =	ssyncset.done $0x0  }
0x544: {  	s3 =	simm.s32 $0x17080;
	[sflag:s19] =	ssyncadd.s32 $0xFFFFE000  }
0x545: {  	[hbm4b:s9+s24] =	stream.linear.scatter [tilespmem:s3], [sflag:$0x1], $0x2000, $0x38;
	[tilespmem:$0x1F280] =	vst v63  }
0x546: {  	_ =	swait.ge [sflag:s19], $0x2000  }
0x547: {  	[sflag:s19] =	ssyncset.done $0x0  }
0x548: {  	s11 =	simm.s32 $0x0;
	s28 =	simm.s32 $0x0;
	[sflag:s19] =	ssyncadd.s32 $0xFFFFE000  }
0x549: {  	s12 =	sand.u32 $0x1FC0, s11;
	v10 =	vld [tilespmem:s28+$0x11090]  }
0x54a: {  	v9 =	vld [tilespmem:s12+$0x11080];
	_ =	sdelay $0x1  }
0x54b: {  	v13 =	vld [tilespmem:s28+$0x110A0]  }
0x54c: {  	s14 =	simm.s32 $0x20  }
0x54d: {  	s2 =	sand.u32 $0x1E0, s14;
	v14 =	vld [tilespmem:s28+$0x110B0];
	vm1 =	vgt.s32 v10, $0x0  }
0x54e: {  	s18 =	simm.s32 $0x10;
	s1 =	sand.u32 $0x1C0, s11;
	v16 =	vld [tilespmem:s2+$0x1F080];
	vm2 =	vgt.s32 v9, $0x0;
	v15 =	vnsel vm1, $0x0, v10  }
0x54f: {  	s22 =	sand.u32 $0x1D0, s18;
	s24 =	simm.s32 $0x30;
	v17 =	vld [tilespmem:s1+$0x1F080];
	v8 =	vnsel vm2, $0x0, v9  }
0x550: {  	s29 =	sand.u32 $0x1F0, s24;
	v18 =	vld [tilespmem:s22+$0x1F080];
	vm1 =	vgt.s32 v13, $0x0  }
0x551: {  	s24 =	simm.s32 $0x40;
	v21 =	vld [tilespmem:s29+$0x1F080];
	v11 =	vnsel vm1, $0x0, v13  }
0x552: {  	v12 =	vld [tilespmem:s24+$0x110A0]  }
0x553: {  	s2 =	simm.s32 $0x0;
	v19 =	vld.idx.msk [tilespmem:v15+s6+$0x0], $0xffff  }
0x554: {  	s1 =	sor.u32 s16, s2;
	v22 =	vld.idx.msk [tilespmem:v8+s7+$0x0], $0xffff  }
0x555: {  	s1 =	scvt.s32.f32 s1;
	vm1 =	vgt.s32 v14, $0x0;
	v20 =	vld.idx.msk [tilespmem:v8+s6+$0x0], $0xffff  }
0x556: {  	v25 =	vnsel vm1, $0x0, v14;
	v23 =	vld.idx.msk [tilespmem:v11+s6+$0x0], $0xffff  }
0x557: {  	s11 =	simm.s32 $0x40;
	s1 =	smul.f32 $1.953125000e-03, s1;
	v8 =	vld [tilespmem:s24+$0x11090]  }
0x558: {  	s3 =	sand.u32 $0x1FC0, s11;
	vm1 =	vgt.s32 v9, $0xFFFFFFFF;
	v24 =	vld.idx.msk [tilespmem:v11+s7+$0x0], $0xffff  }
0x559: {  	v11 =	vld [tilespmem:s3+$0x11080];
	v22 =	vnsel vm1, s1, v22  }
0x55a: {  	vm13 =	vgt.s32 v14, $0xFFFFFFFF;
	vm2 =	vgt.s32 v13, $0xFFFFFFFF;
	[tilespmem:s28+$0x1D080] =	vst v22;
	v22 =	vld.idx.msk [tilespmem:v15+s7+$0x0], $0xffff  }
0x55b: {  	vm3 =	vgt.s32 v10, $0xFFFFFFFF;
	v14 =	vsel vm13, $0x0, v7;
	v10 =	vsel vm2, v23, v16;
	v16 =	vld.idx.msk [tilespmem:v25+s6+$0x0], $0xffff  }
0x55c: {  	vm15 =	vgt.s32 v12, $0x0;
	v17 =	vsel vm1, v20, v17;
	v23 =	vld.idx.msk [tilespmem:v25+s7+$0x0], $0xffff;
	[tilespmem:s28+$0x190B0] =	vst v14  }
0x55d: {  	s14 =	simm.s32 $0x70;
	s9 =	sand.u32 $0x1C0, s11;
	v9 =	vld [tilespmem:s24+$0x110B0];
	vm5 =	vgt.s32 v8, $0x0;
	v20 =	vnsel vm15, $0x0, v12;
	[tilespmem:s28+$0x1B080] =	vst v17  }
0x55e: {  	s18 =	sand.u32 $0x1F0, s14;
	s5 =	simm.s32 $0x60;
	v13 =	vnsel vm2, s1, v24;
	vm14 =	vgt.s32 v11, $0x0;
	v14 =	vld [tilespmem:s9+$0x1F080];
	[tilespmem:s28+$0x1B0A0] =	vst v10;
	v10 =	vnsel vm5, $0x0, v8  }
0x55f: {  	s2 =	sand.u32 $0x1E0, s5;
	s5 =	simm.s32 $0x50;
	v15 =	vsel vm3, v19, v18;
	v18 =	vld [tilespmem:s18+$0x1F080];
	[tilespmem:s28+$0x1D0A0] =	vst v13;
	v63 =	vnsel vm14, $0x0, v11  }
0x560: {  	s12 =	sand.u32 $0x1D0, s5;
	v17 =	vsel vm3, $0x0, v7;
	v13 =	vld [tilespmem:s2+$0x1F080];
	[tilespmem:s28+$0x1B090] =	vst v15  }
0x561: {  	v15 =	vld [tilespmem:s12+$0x1F080];
	[tilespmem:s28+$0x19090] =	vst v17;
	v17 =	vnsel vm3, s1, v22  }
0x562: {  	v16 =	vsel vm13, v16, v21;
	v21 =	vld.idx.msk [tilespmem:v20+s6+$0x0], $0xffff;
	[tilespmem:s28+$0x1D090] =	vst v17  }
0x563: {  	s22 =	simm.s32 $0x0;
	v19 =	vld.idx.msk [tilespmem:v10+s6+$0x0], $0xffff;
	[tilespmem:s28+$0x1B0B0] =	vst v16;
	v16 =	vnsel vm13, s1, v23  }
0x564: {  	s29 =	sor.u32 s16, s22;
	v17 =	vld.idx.msk [tilespmem:v63+s6+$0x0], $0xffff;
	v23 =	vsel vm2, $0x0, v7;
	[tilespmem:s28+$0x1D0B0] =	vst v16  }
0x565: {  	s3 =	simm.s32 $0x200;
	v22 =	vld.idx.msk [tilespmem:v63+s7+$0x0], $0xffff;
	s1 =	scvt.s32.f32 s29;
	vm2 =	vgt.s32 v9, $0x0;
	v16 =	vsel vm1, $0x0, v7;
	[tilespmem:s28+$0x190A0] =	vst v23  }
.LBB2_44:
0x566: {  	s2 =	sshra.s32 s3, $0x2;
	v20 =	vld.idx.msk [tilespmem:v20+s7+$0x0], $0xffff;
	[tilespmem:s28+$0x19080] =	vst v16;
	v23 =	vmov v18;
	s5 =	smov.u32 s11;
	s11 =	sadd.s32 $0x40, s11  }
0x567: {  	vm1 =	vgt.s32 v8, $0xFFFFFFFF;
	v18 =	vnsel vm2, $0x0, v9;
	s12 =	sand.u32 $0x1FC0, s11;
	s14 =	sshrl.u32 s11, $0x9;
	p0 =	slt.u32 s11, $0x1FC0;
	v8 =	vld [tilespmem:s2+$0x11090]  }
0x568: {  	s28 =	smov.u32 s24;
	v15 =	vsel vm1, v19, v15;
	v24 =	vld [tilespmem:s12+$0x11080];
	s14 =	sor.u32 s16, s14;
	s12 =	smul.f32 $1.953125000e-03, s1  }
0x569: {  	vm2 =	vgt.s32 v11, $0xFFFFFFFF;
	s24 =	smov.u32 s2;
	s1 =	scvt.s32.f32 s14;
	v19 =	vld [tilespmem:s2+$0x110A0]  }
0x56a: {  	vm3 =	vgt.s32 v12, $0xFFFFFFFF;
	v17 =	vsel vm2, v17, v14;
	v25 =	vld [tilespmem:s24+$0x110B0];
	v11 =	vnsel vm2, s12, v22  }
0x56b: {  	v16 =	vsel vm2, $0x0, v7;
	v26 =	vsel vm3, $0x0, v7;
	[tilespmem:s28+$0x1D080] =	vst v11;
	v22 =	vld.idx.msk [tilespmem:v10+s7+$0x0], $0xffff;
	v10 =	vsel vm3, v21, v13  }
0x56c: {  	s2 =	sadd.s32 $0x60, s5;
	v14 =	vnsel vm3, s12, v20;
	vm3 =	vgt.s32 v9, $0xFFFFFFFF;
	vm2 =	vgt.s32 v8, $0x0;
	[tilespmem:s28+$0x1B0A0] =	vst v10;
	v21 =	vld.idx.msk [tilespmem:v18+s6+$0x0], $0xffff  }
0x56d: {  	s2 =	sand.u32 $0x1E0, s2;
	vm4 =	vgt.s32 v24, $0x0;
	v10 =	vnsel vm2, $0x0, v8;
	[tilespmem:s28+$0x1D0A0] =	vst v14;
	v27 =	vld.idx.msk [tilespmem:v18+s7+$0x0], $0xffff;
	v18 =	vsel vm3, $0x0, v7;
	v11 =	vmovc v24  }
0x56e: {  	s18 =	sadd.s32 $0x50, s5;
	s14 =	sand.u32 $0x1C0, s11;
	v24 =	vnsel vm4, $0x0, v11;
	vm4 =	vgt.s32 v19, $0x0;
	v13 =	vld [tilespmem:s2+$0x1F080];
	[tilespmem:s28+$0x190B0] =	vst v18;
	v12 =	vmov v19  }
0x56f: {  	s5 =	sadd.s32 $0x70, s5;
	s2 =	sand.u32 $0x1D0, s18;
	v14 =	vld [tilespmem:s14+$0x1F080];
	vm2 =	vgt.s32 v25, $0x0;
	[tilespmem:s28+$0x1B090] =	vst v15;
	v9 =	vmov v25  }
0x570: {  	v20 =	vnsel vm4, $0x0, v12;
	v15 =	vld [tilespmem:s2+$0x1F080];
	s2 =	sand.u32 $0x1F0, s5;
	[tilespmem:s28+$0x1B080] =	vst v17;
	v17 =	vsel vm1, $0x0, v7  }
.Ltmp21:
0x571: {  	v18 =	vld [tilespmem:s2+$0x1F080];
	[tilespmem:s28+$0x19090] =	vst v17;
	v17 =	vnsel vm1, s12, v22;
	(pc) =	sbr.rel @p0 .LBB2_44-.Ltmp21, $4  }
0x572: {  	v21 =	vsel vm3, v21, v23;
	v19 =	vld.idx.msk [tilespmem:v10+s6+$0x0], $0xffff;
	[tilespmem:s28+$0x1D090] =	vst v17  }
0x573: {  	v17 =	vld.idx.msk [tilespmem:v24+s6+$0x0], $0xffff;
	[tilespmem:s28+$0x1B0B0] =	vst v21;
	v21 =	vnsel vm3, s12, v27  }
0x574: {  	v22 =	vld.idx.msk [tilespmem:v24+s7+$0x0], $0xffff;
	[tilespmem:s28+$0x1D0B0] =	vst v21  }
0x575: {  	s3 =	sadd.s32 $0x100, s3;
	v21 =	vld.idx.msk [tilespmem:v20+s6+$0x0], $0xffff;
	[tilespmem:s28+$0x190A0] =	vst v26  }
0x576: {  	_ =	sdelay $0x1  }
0x577: {  	v23 =	vnsel vm2, $0x0, v9;
	vm4 =	vgt.s32 v8, $0xFFFFFFFF  }
0x578: {  	[tilespmem:s28+$0x19080] =	vst v16;
	v60 =	vsel vm4, v19, v15  }
0x579: {  	vm2 =	vgt.s32 v12, $0xFFFFFFFF;
	v10 =	vld.idx.msk [tilespmem:v10+s7+$0x0], $0xffff;
	v62 =	vsel vm4, $0x0, v7;
	[tilespmem:s24+$0x1B090] =	vst v60  }
0x57a: {  	v20 =	vld.idx.msk [tilespmem:v20+s7+$0x0], $0xffff;
	s1 =	smul.f32 $1.953125000e-03, s1;
	vm1 =	vgt.s32 v11, $0xFFFFFFFF;
	v63 =	vsel vm2, $0x0, v7;
	[tilespmem:s24+$0x19090] =	vst v62  }
0x57b: {  	v61 =	vsel vm1, v17, v14;
	[tilespmem:s24+$0x190A0] =	vst v63  }
0x57c: {  	v11 =	vnsel vm1, s1, v22;
	[tilespmem:s24+$0x1B080] =	vst v61;
	v58 =	vld.idx.msk [tilespmem:v23+s6+$0x0], $0xffff  }
0x57d: {  	vm3 =	vgt.s32 v9, $0xFFFFFFFF;
	[tilespmem:s24+$0x1D080] =	vst v11;
	v56 =	vsel vm2, v21, v13;
	v8 =	vld.idx.msk [tilespmem:v23+s7+$0x0], $0xffff  }
0x57e: {  	v59 =	vsel vm3, $0x0, v7;
	[tilespmem:s24+$0x1B0A0] =	vst v56  }
0x57f: {  	v57 =	vnsel vm2, s1, v20;
	[tilespmem:s24+$0x190B0] =	vst v59  }
0x580: {  	v10 =	vnsel vm4, s1, v10;
	[tilespmem:s24+$0x1D0A0] =	vst v57  }
0x581: {  	[tilespmem:s24+$0x1D090] =	vst v10;
	v9 =	vsel vm3, v58, v18  }
0x582: {  	v8 =	vnsel vm3, s1, v8;
	[tilespmem:s24+$0x1B0B0] =	vst v9  }
0x583: {  	[tilespmem:s24+$0x1D0B0] =	vst v8;
	v8 =	vsel vm1, $0x0, v7  }
0x584: {  	[tilespmem:s24+$0x19080] =	vst v8  }
0x585: {  	s12 =	sld [smem:$0x7FA];
	_ =	sdelay $0x1  }
0x586: {  	s2 =	simm.s32 $0x0;
	s3 =	simm.s32 $0x19080  }
0x587: {  	[hbm4b:s12+s2] =	stream.linear.scatter [tilespmem:s3], [sflag:$0x1], $0x2000, $0x38;
	[tilespmem:$0x1F280] =	vst v63  }
0x588: {  	_ =	swait.ge [sflag:s19], $0x2000  }
0x589: {  	s14 =	sld [smem:$0x7FB]  }
0x58a: {  	[sflag:s19] =	ssyncset.done $0x0  }
0x58b: {  	s18 =	simm.s32 $0x1B080;
	[sflag:s19] =	ssyncadd.s32 $0xFFFFE000  }
0x58c: {  	[hbm4b:s14+s2] =	stream.linear.scatter [tilespmem:s18], [sflag:$0x1], $0x2000, $0x38;
	[tilespmem:$0x1F280] =	vst v63  }
0x58d: {  	_ =	swait.ge [sflag:s19], $0x2000  }
0x58e: {  	s22 =	sld [smem:$0x7FC]  }
0x58f: {  	[sflag:s19] =	ssyncset.done $0x0  }
0x590: {  	s24 =	simm.s32 $0x1D080;
	[sflag:s19] =	ssyncadd.s32 $0xFFFFE000  }
0x591: {  	[hbm4b:s22+s2] =	stream.linear.scatter [tilespmem:s24], [sflag:$0x1], $0x2000, $0x38;
	[tilespmem:$0x1F280] =	vst v63  }
0x592: {  	_ =	swait.ge [sflag:s19], $0x2000  }
0x593: {  	s28 =	sld [smem:$0x7E5]  }
0x594: {  	s29 =	sld [smem:$0x7FD];
	_ =	sdelay $0x1  }
0x595: {  	s3 =	sadd.s32 $0x1, s28  }
0x596: {  	p0 =	sne.s32 s3, s29  }
.Ltmp22:
0x597: {  	_ = 	snop;
	(pc) =	sbr.rel @p0 .LBB2_1-.Ltmp22, $3  }
0x598: {  	_ =	sdelay $0x1  }
0x599: {  	[sflag:s19] =	ssyncset.done $0x0  }
0x59a: {  	s5 =	simm.s32 $0x3080;
	[sflag:s19] =	ssyncadd.s32 $0xFFFFE000  }
0x59b: {  	_ =	sfence.sel $0x180000  }
0x59c: {  	[bflag:$0x0] =	sbarrier.arrive $0xFFFF  }
0x59d: {  	_ =	strace $0x90000047  }
0x59e: {  	s0 =	stileid.u32;
	[bflag:$0x2] =	sbarrier.arrive $0xFFFF  }
0x59f: {  	p0 =	sne.s32 s0, $0x0;
	s0 =	rddreg [dreg:$0x2]  }
0x5a0: {  	s0 =	sadd.s32 @!p0 $0x100000, s0  }
0x5a1: {  	[sflag:s0] =	ssyncadd.tile.s32 @!p0 $0x1;
	_ =	shalt  }
.Lfunc_end2:
_tile_overlayer_lowered:
.L_overlay_start_2:
0x5a2: {  	(tag) =	ssettag $0x2  }
0x5a3: {  	s0 =	rddreg [dreg:$0x0];
	s2 =	stileid.u32  }
0x5a4: {  	s1 =	rddreg [dreg:$0x1];
	p0 =	sne.s32 s2, $0x0  }
0x5a5: {  	s3 =	rddreg [dreg:$0x2];
	[bflag:$0x3] =	sbarrier.arrive $0xFFFF;
	s2 =	simm.s32 @!p0 $0x1C01  }
0x5a6: {  	[timem:s3], [sflag:s2] =	dma.local @!p0 [hbm:s0], s1  }
0x5a7: {  	s0 =	simm.s32 @!p0 $0x1  }
0x5a8: {  	_ =	swait.ge @!p0 [sflag:s0], s1  }
0x5a9: {  	s1 =	ssub.s32 @!p0 $0x0, s1;
	[sflag:s0] =	ssyncset.done @!p0 $0x0  }
0x5aa: {  	[sflag:s0] =	ssyncadd.s32 @!p0 s1  }
0x5ab: {  	[bflag:$0x3] =	sbarrier.arrive $0xFFFF  }
0x5ac: {  	_ =	shalt  }

</sc_bundles>
